<compile_context>
chip_gen: v7x
topology: tpu7x:2x2x1
jax: 0.10.2.dev20260603
libtpu: 0.0.44.dev20260713+nightly
codegen_flags: <defaults>
</compile_context>

<pallas_src>
import functools

import jax
import jax.numpy as jnp
from jax import lax
from jax.experimental import pallas as pl
from jax.experimental.pallas import tpu as pltpu
from jax.experimental.pallas import tpu_sc as plsc

N = 16384
D = 2048

_NC = 2
_NS = 16
_NW = _NC * _NS
_RW = N // _NW
_CH = 8
_NCHUNK = _RW // _CH


def _row_sum_to_lanes(acc, r):
    lane_c = lax.iota(jnp.int32, 16)
    dnums = lax.GatherDimensionNumbers(
        offset_dims=(), collapsed_slice_dims=(0,), start_index_map=(0,))
    for kk in (8, 4, 2, 1):
        idx = jnp.bitwise_xor(lane_c, kk)
        shuf = lax.gather(
            acc, idx[:, None], dnums, (1,),
            indices_are_sorted=False, unique_indices=False,
            mode=lax.GatherScatterMode.PROMISE_IN_BOUNDS)
        acc = acc + shuf
    return lane_c == r, acc


def _sc_body(t_hbm, nl_hbm, m2l_hbm, xp_hbm, x_hbm, out_hbm,
             t_v, nl_v, m2l_v, xp_v, x_v, out_v, sem0, sem1):
    wid = lax.axis_index("s") * _NC + lax.axis_index("c")
    base = wid * _RW
    pltpu.sync_copy(t_hbm.at[pl.ds(base, _RW)], t_v)
    pltpu.sync_copy(nl_hbm, nl_v)
    pltpu.sync_copy(m2l_hbm, m2l_v)
    neg_logs = nl_v[...]
    m2logs = m2l_v[...]
    sems = (sem0, sem1)
    last = _NCHUNK - 1

    def start(c, b):
        row = base + jnp.minimum(c, last) * _CH
        pltpu.async_copy(xp_hbm.at[pl.ds(row, _CH)], xp_v.at[b], sems[b])
        pltpu.async_copy(x_hbm.at[pl.ds(row, _CH)], x_v.at[b], sems[b])

    def drain(b):
        pltpu.make_async_copy(
            xp_hbm.at[pl.ds(base, _CH)], xp_v.at[b], sems[b]).wait()
        pltpu.make_async_copy(
            x_hbm.at[pl.ds(base, _CH)], x_v.at[b], sems[b]).wait()

    start(0, 0)
    start(1, 1)

    def super_body(g, carry):
        res = jnp.zeros((16,), jnp.float32)
        for b in range(2):
            c = 2 * g + b
            drain(b)
            for r in range(_CH):
                def kstep(k, acc):
                    for u in range(8):
                        off = k * 128 + u * 16
                        dv = (xp_v[b, r, pl.ds(off, 16)]
                              - x_v[b, r, pl.ds(off, 16)])
                        acc = acc + dv * dv
                    return acc
                acc = lax.fori_loop(0, D // 128, kstep,
                                    jnp.zeros((16,), jnp.float32))
                is_r, tot = _row_sum_to_lanes(acc, r + _CH * b)
                res = jnp.where(is_r, tot, res)
            start(c + 2, b)
        t16 = t_v[pl.ds(g * 16, 16)]
        scale = neg_logs * jnp.exp(m2logs * t16)
        out_v[pl.ds(g * 16, 16)] = scale * res
        return carry

    lax.fori_loop(0, _NCHUNK // 2, super_body, jnp.int32(0))
    drain(0)
    drain(1)
    pltpu.sync_copy(out_v, out_hbm.at[pl.ds(base, _RW)])


def _sc_loss(t_flat, neg_logs, m2logs, x_pred, x):
    mesh = plsc.VectorSubcoreMesh(core_axis_name="c", subcore_axis_name="s")
    run = functools.partial(
        pl.kernel,
        mesh=mesh,
        out_type=jax.ShapeDtypeStruct((N,), jnp.float32),
        scratch_types=[
            pltpu.VMEM((_RW,), jnp.float32),
            pltpu.VMEM((16,), jnp.float32),
            pltpu.VMEM((16,), jnp.float32),
            pltpu.VMEM((2, _CH, D), jnp.float32),
            pltpu.VMEM((2, _CH, D), jnp.float32),
            pltpu.VMEM((_RW,), jnp.float32),
            pltpu.SemaphoreType.DMA,
            pltpu.SemaphoreType.DMA,
        ],
    )(_sc_body)
    return run(t_flat, neg_logs, m2logs, x_pred, x)


def kernel(t, sigma1, x_pred, x):
    logs = jnp.log(sigma1[0])
    neg_logs = jnp.full((16,), -logs, jnp.float32)
    m2logs = jnp.full((16,), -2.0 * logs, jnp.float32)
    return _sc_loss(t.reshape(-1), neg_logs, m2logs, x_pred, x)

# --- scband reference (transcript-rebuilt; emitter-appended) ---
"""Pipeline reference for scband-bfnbase-73117523247635 (READ-ONLY COPY).

The authoritative reference and input builder live on the scoring server;
editing this copy changes nothing except your own understanding.
"""

import jax, jax.numpy as jnp
import numpy as np

N = 16384
D = 2048

def setup_inputs(seed: int = 0) -> dict:
    key = jax.random.key(seed)
    k1, k2, k3, k4 = jax.random.split(key, 4)
    t = jax.random.uniform(k1, (N, 1), dtype=jnp.float32)
    sigma1 = jax.random.uniform(k2, (1,), dtype=jnp.float32) * 0.9 + 0.01
    x_pred = jax.random.normal(k3, (N, D), dtype=jnp.float32)
    x = jax.random.normal(k4, (N, D), dtype=jnp.float32)
    return {"t": t, "sigma1": sigma1, "x_pred": x_pred, "x": x}

def reference(t, sigma1, x_pred, x):
    # Faithful translation of BFNBase.ctime4continuous_loss (segment_ids=None):
    # loss = sigma1^(-2*t) * sum_d (x_pred - x)^2 ; return -log(sigma1) * loss
    diff = (x_pred - x).reshape(x.shape[0], -1)
    per_row = jnp.sum(jnp.abs(diff) ** 2, axis=1)
    loss = jnp.power(sigma1, -2.0 * t.reshape(-1)) * per_row
    return -jnp.log(sigma1) * loss

if __name__ == "__main__":
    import jax
    _d = setup_inputs()
    print(jax.jit(kernel)(*tuple(_d.values())))

</pallas_src>

<mosaic_0001>
#map = affine_map<(d0, d1) -> (0)>
#map1 = affine_map<(d0, d1) -> (0, 0)>
module attributes {stable_mosaic.version = 14 : i64} {
  func.func @_sc_body(%arg0: i32, %arg1: i32, %arg2: memref<16384xf32, #tpu.memory_space<hbm>>, %arg3: memref<16xf32, #tpu.memory_space<hbm>>, %arg4: memref<16xf32, #tpu.memory_space<hbm>>, %arg5: memref<16384x2048xf32, #tpu.memory_space<hbm>>, %arg6: memref<16384x2048xf32, #tpu.memory_space<hbm>>, %arg7: memref<16384xf32, #tpu.memory_space<hbm>>, %arg8: memref<512xf32, #tpu.memory_space<vmem>>, %arg9: memref<16xf32, #tpu.memory_space<vmem>>, %arg10: memref<16xf32, #tpu.memory_space<vmem>>, %arg11: memref<2x8x2048xf32, #tpu.memory_space<vmem>>, %arg12: memref<2x8x2048xf32, #tpu.memory_space<vmem>>, %arg13: memref<512xf32, #tpu.memory_space<vmem>>, %arg14: memref<!tpu.dma_semaphore, #tpu.memory_space<semaphore_mem>>, %arg15: memref<!tpu.dma_semaphore, #tpu.memory_space<semaphore_mem>>) attributes {dimension_semantics = [#tpu.dimension_semantics<core_parallel>, #tpu.dimension_semantics<subcore_parallel>], iteration_bounds = array<i64: 2, 16>, scalar_prefetch = 0 : i64, scratch_operands = 8 : i64, tpu.core_type = #tpu.core_type<sc_vector_subcore>, window_params = [{transform_indices = #map}, {transform_indices = #map}, {transform_indices = #map}, {transform_indices = #map1}, {transform_indices = #map1}, {transform_indices = #map}]} {
    %mul3A = arith.constant 2 : i32
    %mul3A_0 = arith.muli %arg1, %mul3A : i32
    %add3A = arith.addi %mul3A_0, %arg0 : i32
    %mul3A_1 = arith.constant 512 : i32
    %mul3A_2 = arith.muli %add3A, %mul3A_1 : i32
    "tpu.region"() ({
      %run_scoped3A = tpu.sem_alloc : memref<!tpu.dma_semaphore, #tpu.memory_space<semaphore_mem>>
      %dma_start3A_126 = tpu.memref_slice %arg2[%mul3A_2] : memref<16384xf32, #tpu.memory_space<hbm>> -> memref<512xf32, #tpu.memory_space<hbm>>
      %dma_start3A_127 = tpu.memref_slice %arg2[%mul3A_2] : memref<16384xf32, #tpu.memory_space<hbm>> -> memref<512xf32, #tpu.memory_space<hbm>>
      tpu.enqueue_dma source(%dma_start3A_127 : memref<512xf32, #tpu.memory_space<hbm>>) target(%arg8 : memref<512xf32, #tpu.memory_space<vmem>>) target_semaphore(%run_scoped3A : memref<!tpu.dma_semaphore, #tpu.memory_space<semaphore_mem>>)
      %dma_wait3A_128 = tpu.memref_slice %arg2[%mul3A_2] : memref<16384xf32, #tpu.memory_space<hbm>> -> memref<512xf32, #tpu.memory_space<hbm>>
      %dma_wait3A_129 = tpu.memref_slice %arg2[%mul3A_2] : memref<16384xf32, #tpu.memory_space<hbm>> -> memref<512xf32, #tpu.memory_space<hbm>>
      tpu.wait_dma2 semaphore(%run_scoped3A : memref<!tpu.dma_semaphore, #tpu.memory_space<semaphore_mem>>) src(%dma_wait3A_129 : memref<512xf32, #tpu.memory_space<hbm>>) dst(%arg8 : memref<512xf32, #tpu.memory_space<vmem>>)
      tpu.yield
    }) : () -> ()
    "tpu.region"() ({
      %run_scoped3A = tpu.sem_alloc : memref<!tpu.dma_semaphore, #tpu.memory_space<semaphore_mem>>
      tpu.enqueue_dma source(%arg3 : memref<16xf32, #tpu.memory_space<hbm>>) target(%arg9 : memref<16xf32, #tpu.memory_space<vmem>>) target_semaphore(%run_scoped3A : memref<!tpu.dma_semaphore, #tpu.memory_space<semaphore_mem>>)
      tpu.wait_dma2 semaphore(%run_scoped3A : memref<!tpu.dma_semaphore, #tpu.memory_space<semaphore_mem>>) src(%arg3 : memref<16xf32, #tpu.memory_space<hbm>>) dst(%arg9 : memref<16xf32, #tpu.memory_space<vmem>>)
      tpu.yield
    }) : () -> ()
    "tpu.region"() ({
      %run_scoped3A = tpu.sem_alloc : memref<!tpu.dma_semaphore, #tpu.memory_space<semaphore_mem>>
      tpu.enqueue_dma source(%arg4 : memref<16xf32, #tpu.memory_space<hbm>>) target(%arg10 : memref<16xf32, #tpu.memory_space<vmem>>) target_semaphore(%run_scoped3A : memref<!tpu.dma_semaphore, #tpu.memory_space<semaphore_mem>>)
      tpu.wait_dma2 semaphore(%run_scoped3A : memref<!tpu.dma_semaphore, #tpu.memory_space<semaphore_mem>>) src(%arg4 : memref<16xf32, #tpu.memory_space<hbm>>) dst(%arg10 : memref<16xf32, #tpu.memory_space<vmem>>)
      tpu.yield
    }) : () -> ()
    %get3A = arith.constant 0 : index
    %get3A_3 = tpu.vector_load %arg9[%get3A] {strides = array<i32>} : memref<16xf32, #tpu.memory_space<vmem>>, vector<16xf32>,
    %get3A_4 = vector.shape_cast %get3A_3 : vector<16xf32> to vector<16xf32>
    %get3A_5 = arith.constant 0 : index
    %get3A_6 = tpu.vector_load %arg10[%get3A_5] {strides = array<i32>} : memref<16xf32, #tpu.memory_space<vmem>>, vector<16xf32>,
    %get3A_7 = vector.shape_cast %get3A_6 : vector<16xf32> to vector<16xf32>
    %min3A = arith.constant 0 : i32
    %min3A_8 = arith.constant 63 : i32
    %min3A_9 = arith.minsi %min3A, %min3A_8 : i32
    %mul3A_10 = arith.constant 8 : i32
    %mul3A_11 = arith.muli %min3A_9, %mul3A_10 : i32
    %add3A_12 = arith.addi %mul3A_2, %mul3A_11 : i32
    %dma_start3A = arith.constant 0 : i32
    %dma_start3A_13 = arith.constant 0 : i32
    %dma_start3A_14 = arith.constant 0 : i32
    %dma_start3A_15 = tpu.memref_slice %arg11[%dma_start3A, %dma_start3A_13, %dma_start3A_14] : memref<2x8x2048xf32, #tpu.memory_space<vmem>> -> memref<1x8x2048xf32, #tpu.memory_space<vmem>>
    %dma_start3A_16 = tpu.memref_squeeze %dma_start3A_15 : memref<1x8x2048xf32, #tpu.memory_space<vmem>> -> memref<8x2048xf32, #tpu.memory_space<vmem>>
    %dma_start3A_17 = arith.constant 0 : i32
    %dma_start3A_18 = tpu.memref_slice %arg5[%add3A_12, %dma_start3A_17] : memref<16384x2048xf32, #tpu.memory_space<hbm>> -> memref<8x2048xf32, #tpu.memory_space<hbm>>
    %dma_start3A_19 = arith.constant 0 : i32
    %dma_start3A_20 = arith.constant 0 : i32
    %dma_start3A_21 = tpu.memref_slice %arg11[%dma_start3A, %dma_start3A_19, %dma_start3A_20] : memref<2x8x2048xf32, #tpu.memory_space<vmem>> -> memref<1x8x2048xf32, #tpu.memory_space<vmem>>
    %dma_start3A_22 = tpu.memref_squeeze %dma_start3A_21 : memref<1x8x2048xf32, #tpu.memory_space<vmem>> -> memref<8x2048xf32, #tpu.memory_space<vmem>>
    %dma_start3A_23 = arith.constant 0 : i32
    %dma_start3A_24 = tpu.memref_slice %arg5[%add3A_12, %dma_start3A_23] : memref<16384x2048xf32, #tpu.memory_space<hbm>> -> memref<8x2048xf32, #tpu.memory_space<hbm>>
    tpu.enqueue_dma source(%dma_start3A_24 : memref<8x2048xf32, #tpu.memory_space<hbm>>) target(%dma_start3A_22 : memref<8x2048xf32, #tpu.memory_space<vmem>>) target_semaphore(%arg14 : memref<!tpu.dma_semaphore, #tpu.memory_space<semaphore_mem>>)
    %dma_start3A_25 = arith.constant 0 : i32
    %dma_start3A_26 = arith.constant 0 : i32
    %dma_start3A_27 = arith.constant 0 : i32
    %dma_start3A_28 = tpu.memref_slice %arg12[%dma_start3A_25, %dma_start3A_26, %dma_start3A_27] : memref<2x8x2048xf32, #tpu.memory_space<vmem>> -> memref<1x8x2048xf32, #tpu.memory_space<vmem>>
    %dma_start3A_29 = tpu.memref_squeeze %dma_start3A_28 : memref<1x8x2048xf32, #tpu.memory_space<vmem>> -> memref<8x2048xf32, #tpu.memory_space<vmem>>
    %dma_start3A_30 = arith.constant 0 : i32
    %dma_start3A_31 = tpu.memref_slice %arg6[%add3A_12, %dma_start3A_30] : memref<16384x2048xf32, #tpu.memory_space<hbm>> -> memref<8x2048xf32, #tpu.memory_space<hbm>>
    %dma_start3A_32 = arith.constant 0 : i32
    %dma_start3A_33 = arith.constant 0 : i32
    %dma_start3A_34 = tpu.memref_slice %arg12[%dma_start3A_25, %dma_start3A_32, %dma_start3A_33] : memref<2x8x2048xf32, #tpu.memory_space<vmem>> -> memref<1x8x2048xf32, #tpu.memory_space<vmem>>
    %dma_start3A_35 = tpu.memref_squeeze %dma_start3A_34 : memref<1x8x2048xf32, #tpu.memory_space<vmem>> -> memref<8x2048xf32, #tpu.memory_space<vmem>>
    %dma_start3A_36 = arith.constant 0 : i32
    %dma_start3A_37 = tpu.memref_slice %arg6[%add3A_12, %dma_start3A_36] : memref<16384x2048xf32, #tpu.memory_space<hbm>> -> memref<8x2048xf32, #tpu.memory_space<hbm>>
    tpu.enqueue_dma source(%dma_start3A_37 : memref<8x2048xf32, #tpu.memory_space<hbm>>) target(%dma_start3A_35 : memref<8x2048xf32, #tpu.memory_space<vmem>>) target_semaphore(%arg14 : memref<!tpu.dma_semaphore, #tpu.memory_space<semaphore_mem>>)
    %min3A_38 = arith.constant 1 : i32
    %min3A_39 = arith.constant 63 : i32
    %min3A_40 = arith.minsi %min3A_38, %min3A_39 : i32
    %mul3A_41 = arith.constant 8 : i32
    %mul3A_42 = arith.muli %min3A_40, %mul3A_41 : i32
    %add3A_43 = arith.addi %mul3A_2, %mul3A_42 : i32
    %dma_start3A_44 = arith.constant 1 : i32
    %dma_start3A_45 = arith.constant 0 : i32
    %dma_start3A_46 = arith.constant 0 : i32
    %dma_start3A_47 = tpu.memref_slice %arg11[%dma_start3A_44, %dma_start3A_45, %dma_start3A_46] : memref<2x8x2048xf32, #tpu.memory_space<vmem>> -> memref<1x8x2048xf32, #tpu.memory_space<vmem>>
    %dma_start3A_48 = tpu.memref_squeeze %dma_start3A_47 : memref<1x8x2048xf32, #tpu.memory_space<vmem>> -> memref<8x2048xf32, #tpu.memory_space<vmem>>
    %dma_start3A_49 = arith.constant 0 : i32
    %dma_start3A_50 = tpu.memref_slice %arg5[%add3A_43, %dma_start3A_49] : memref<16384x2048xf32, #tpu.memory_space<hbm>> -> memref<8x2048xf32, #tpu.memory_space<hbm>>
    %dma_start3A_51 = arith.constant 0 : i32
    %dma_start3A_52 = arith.constant 0 : i32
    %dma_start3A_53 = tpu.memref_slice %arg11[%dma_start3A_44, %dma_start3A_51, %dma_start3A_52] : memref<2x8x2048xf32, #tpu.memory_space<vmem>> -> memref<1x8x2048xf32, #tpu.memory_space<vmem>>
    %dma_start3A_54 = tpu.memref_squeeze %dma_start3A_53 : memref<1x8x2048xf32, #tpu.memory_space<vmem>> -> memref<8x2048xf32, #tpu.memory_space<vmem>>
    %dma_start3A_55 = arith.constant 0 : i32
    %dma_start3A_56 = tpu.memref_slice %arg5[%add3A_43, %dma_start3A_55] : memref<16384x2048xf32, #tpu.memory_space<hbm>> -> memref<8x2048xf32, #tpu.memory_space<hbm>>
    tpu.enqueue_dma source(%dma_start3A_56 : memref<8x2048xf32, #tpu.memory_space<hbm>>) target(%dma_start3A_54 : memref<8x2048xf32, #tpu.memory_space<vmem>>) target_semaphore(%arg15 : memref<!tpu.dma_semaphore, #tpu.memory_space<semaphore_mem>>)
    %dma_start3A_57 = arith.constant 1 : i32
    %dma_start3A_58 = arith.constant 0 : i32
    %dma_start3A_59 = arith.constant 0 : i32
    %dma_start3A_60 = tpu.memref_slice %arg12[%dma_start3A_57, %dma_start3A_58, %dma_start3A_59] : memref<2x8x2048xf32, #tpu.memory_space<vmem>> -> memref<1x8x2048xf32, #tpu.memory_space<vmem>>
    %dma_start3A_61 = tpu.memref_squeeze %dma_start3A_60 : memref<1x8x2048xf32, #tpu.memory_space<vmem>> -> memref<8x2048xf32, #tpu.memory_space<vmem>>
    %dma_start3A_62 = arith.constant 0 : i32
    %dma_start3A_63 = tpu.memref_slice %arg6[%add3A_43, %dma_start3A_62] : memref<16384x2048xf32, #tpu.memory_space<hbm>> -> memref<8x2048xf32, #tpu.memory_space<hbm>>
    %dma_start3A_64 = arith.constant 0 : i32
    %dma_start3A_65 = arith.constant 0 : i32
    %dma_start3A_66 = tpu.memref_slice %arg12[%dma_start3A_57, %dma_start3A_64, %dma_start3A_65] : memref<2x8x2048xf32, #tpu.memory_space<vmem>> -> memref<1x8x2048xf32, #tpu.memory_space<vmem>>
    %dma_start3A_67 = tpu.memref_squeeze %dma_start3A_66 : memref<1x8x2048xf32, #tpu.memory_space<vmem>> -> memref<8x2048xf32, #tpu.memory_space<vmem>>
    %dma_start3A_68 = arith.constant 0 : i32
    %dma_start3A_69 = tpu.memref_slice %arg6[%add3A_43, %dma_start3A_68] : memref<16384x2048xf32, #tpu.memory_space<hbm>> -> memref<8x2048xf32, #tpu.memory_space<hbm>>
    tpu.enqueue_dma source(%dma_start3A_69 : memref<8x2048xf32, #tpu.memory_space<hbm>>) target(%dma_start3A_67 : memref<8x2048xf32, #tpu.memory_space<vmem>>) target_semaphore(%arg15 : memref<!tpu.dma_semaphore, #tpu.memory_space<semaphore_mem>>)
    %scan3A = arith.constant 0 : i32
    %scan3A_70 = arith.constant 0 : i32
    %scan3A_71 = arith.constant 32 : i32
    %scan3A_72 = arith.addi %scan3A_70, %scan3A_71 : i32
    %scan3A_73 = arith.constant 1 : i32
    scf.for %scan3A_126 = %scan3A_70 to %scan3A_72 step %scan3A_73  : i32 {
      %broadcast_in_dim3A = arith.constant 0.000000e+00 : f32
      %broadcast_in_dim3A_127 = vector.broadcast %broadcast_in_dim3A : f32 to vector<16xf32>
      %mul3A_128 = arith.constant 2 : i32
      %mul3A_129 = arith.muli %mul3A_128, %scan3A_126 : i32
      %add3A_130 = arith.constant 0 : i32
      %add3A_131 = arith.addi %mul3A_129, %add3A_130 : i32
      %dma_wait3A_132 = arith.constant 0 : i32
      %dma_wait3A_133 = arith.constant 0 : i32
      %dma_wait3A_134 = arith.constant 0 : i32
      %dma_wait3A_135 = tpu.memref_slice %arg11[%dma_wait3A_132, %dma_wait3A_133, %dma_wait3A_134] : memref<2x8x2048xf32, #tpu.memory_space<vmem>> -> memref<1x8x2048xf32, #tpu.memory_space<vmem>>
      %dma_wait3A_136 = tpu.memref_squeeze %dma_wait3A_135 : memref<1x8x2048xf32, #tpu.memory_space<vmem>> -> memref<8x2048xf32, #tpu.memory_space<vmem>>
      %dma_wait3A_137 = arith.constant 0 : i32
      %dma_wait3A_138 = tpu.memref_slice %arg5[%mul3A_2, %dma_wait3A_137] : memref<16384x2048xf32, #tpu.memory_space<hbm>> -> memref<8x2048xf32, #tpu.memory_space<hbm>>
      %dma_wait3A_139 = arith.constant 0 : i32
      %dma_wait3A_140 = arith.constant 0 : i32
      %dma_wait3A_141 = tpu.memref_slice %arg11[%dma_wait3A_132, %dma_wait3A_139, %dma_wait3A_140] : memref<2x8x2048xf32, #tpu.memory_space<vmem>> -> memref<1x8x2048xf32, #tpu.memory_space<vmem>>
      %dma_wait3A_142 = tpu.memref_squeeze %dma_wait3A_141 : memref<1x8x2048xf32, #tpu.memory_space<vmem>> -> memref<8x2048xf32, #tpu.memory_space<vmem>>
      %dma_wait3A_143 = arith.constant 0 : i32
      %dma_wait3A_144 = tpu.memref_slice %arg5[%mul3A_2, %dma_wait3A_143] : memref<16384x2048xf32, #tpu.memory_space<hbm>> -> memref<8x2048xf32, #tpu.memory_space<hbm>>
      tpu.wait_dma2 semaphore(%arg14 : memref<!tpu.dma_semaphore, #tpu.memory_space<semaphore_mem>>) src(%dma_wait3A_144 : memref<8x2048xf32, #tpu.memory_space<hbm>>) dst(%dma_wait3A_142 : memref<8x2048xf32, #tpu.memory_space<vmem>>)
      %dma_wait3A_145 = arith.constant 0 : i32
      %dma_wait3A_146 = arith.constant 0 : i32
      %dma_wait3A_147 = arith.constant 0 : i32
      %dma_wait3A_148 = tpu.memref_slice %arg12[%dma_wait3A_145, %dma_wait3A_146, %dma_wait3A_147] : memref<2x8x2048xf32, #tpu.memory_space<vmem>> -> memref<1x8x2048xf32, #tpu.memory_space<vmem>>
      %dma_wait3A_149 = tpu.memref_squeeze %dma_wait3A_148 : memref<1x8x2048xf32, #tpu.memory_space<vmem>> -> memref<8x2048xf32, #tpu.memory_space<vmem>>
      %dma_wait3A_150 = arith.constant 0 : i32
      %dma_wait3A_151 = tpu.memref_slice %arg6[%mul3A_2, %dma_wait3A_150] : memref<16384x2048xf32, #tpu.memory_space<hbm>> -> memref<8x2048xf32, #tpu.memory_space<hbm>>
      %dma_wait3A_152 = arith.constant 0 : i32
      %dma_wait3A_153 = arith.constant 0 : i32
      %dma_wait3A_154 = tpu.memref_slice %arg12[%dma_wait3A_145, %dma_wait3A_152, %dma_wait3A_153] : memref<2x8x2048xf32, #tpu.memory_space<vmem>> -> memref<1x8x2048xf32, #tpu.memory_space<vmem>>
      %dma_wait3A_155 = tpu.memref_squeeze %dma_wait3A_154 : memref<1x8x2048xf32, #tpu.memory_space<vmem>> -> memref<8x2048xf32, #tpu.memory_space<vmem>>
      %dma_wait3A_156 = arith.constant 0 : i32
      %dma_wait3A_157 = tpu.memref_slice %arg6[%mul3A_2, %dma_wait3A_156] : memref<16384x2048xf32, #tpu.memory_space<hbm>> -> memref<8x2048xf32, #tpu.memory_space<hbm>>
      tpu.wait_dma2 semaphore(%arg14 : memref<!tpu.dma_semaphore, #tpu.memory_space<semaphore_mem>>) src(%dma_wait3A_157 : memref<8x2048xf32, #tpu.memory_space<hbm>>) dst(%dma_wait3A_155 : memref<8x2048xf32, #tpu.memory_space<vmem>>)
      %broadcast_in_dim3A_158 = arith.constant 0.000000e+00 : f32
      %broadcast_in_dim3A_159 = vector.broadcast %broadcast_in_dim3A_158 : f32 to vector<16xf32>
      %scan3A_160 = arith.constant 0 : i32
      %scan3A_161 = arith.constant 16 : i32
      %scan3A_162 = arith.addi %scan3A_160, %scan3A_161 : i32
      %scan3A_163 = arith.constant 1 : i32
      %scan3A_164 = scf.for %scan3A_918 = %scan3A_160 to %scan3A_162 step %scan3A_163 iter_args(%scan3A_919 = %broadcast_in_dim3A_159) -> (vector<16xf32>)  : i32 {
        %mul3A_920 = arith.constant 128 : i32
        %mul3A_921 = arith.muli %scan3A_918, %mul3A_920 : i32
        %add3A_922 = arith.constant 0 : i32
        %add3A_923 = arith.addi %mul3A_921, %add3A_922 : i32
        %get3A_924 = arith.constant 0 : i32
        %get3A_925 = arith.constant 0 : i32
        %get3A_926 = arith.index_cast %get3A_924 : i32 to index
        %get3A_927 = arith.index_cast %get3A_925 : i32 to index
        %get3A_928 = arith.index_cast %add3A_923 : i32 to index
        %get3A_929 = tpu.vector_load %arg11[%get3A_926, %get3A_927, %get3A_928] {strides = array<i32>} : memref<2x8x2048xf32, #tpu.memory_space<vmem>>, vector<1x1x16xf32>,
        %get3A_930 = vector.shape_cast %get3A_929 : vector<1x1x16xf32> to vector<16xf32>
        %get3A_931 = arith.constant 0 : i32
        %get3A_932 = arith.constant 0 : i32
        %get3A_933 = arith.index_cast %get3A_931 : i32 to index
        %get3A_934 = arith.index_cast %get3A_932 : i32 to index
        %get3A_935 = arith.index_cast %add3A_923 : i32 to index
        %get3A_936 = tpu.vector_load %arg12[%get3A_933, %get3A_934, %get3A_935] {strides = array<i32>} : memref<2x8x2048xf32, #tpu.memory_space<vmem>>, vector<1x1x16xf32>,
        %get3A_937 = vector.shape_cast %get3A_936 : vector<1x1x16xf32> to vector<16xf32>
        %sub3A = arith.subf %get3A_930, %get3A_937 : vector<16xf32>
        %mul3A_938 = arith.mulf %sub3A, %sub3A : vector<16xf32>
        %add3A_939 = arith.addf %scan3A_919, %mul3A_938 : vector<16xf32>
        %mul3A_940 = arith.constant 128 : i32
        %mul3A_941 = arith.muli %scan3A_918, %mul3A_940 : i32
        %add3A_942 = arith.constant 16 : i32
        %add3A_943 = arith.addi %mul3A_941, %add3A_942 : i32
        %get3A_944 = arith.constant 0 : i32
        %get3A_945 = arith.constant 0 : i32
        %get3A_946 = arith.index_cast %get3A_944 : i32 to index
        %get3A_947 = arith.index_cast %get3A_945 : i32 to index
        %get3A_948 = arith.index_cast %add3A_943 : i32 to index
        %get3A_949 = tpu.vector_load %arg11[%get3A_946, %get3A_947, %get3A_948] {strides = array<i32>} : memref<2x8x2048xf32, #tpu.memory_space<vmem>>, vector<1x1x16xf32>,
        %get3A_950 = vector.shape_cast %get3A_949 : vector<1x1x16xf32> to vector<16xf32>
        %get3A_951 = arith.constant 0 : i32
        %get3A_952 = arith.constant 0 : i32
        %get3A_953 = arith.index_cast %get3A_951 : i32 to index
        %get3A_954 = arith.index_cast %get3A_952 : i32 to index
        %get3A_955 = arith.index_cast %add3A_943 : i32 to index
        %get3A_956 = tpu.vector_load %arg12[%get3A_953, %get3A_954, %get3A_955] {strides = array<i32>} : memref<2x8x2048xf32, #tpu.memory_space<vmem>>, vector<1x1x16xf32>,
        %get3A_957 = vector.shape_cast %get3A_956 : vector<1x1x16xf32> to vector<16xf32>
        %sub3A_958 = arith.subf %get3A_950, %get3A_957 : vector<16xf32>
        %mul3A_959 = arith.mulf %sub3A_958, %sub3A_958 : vector<16xf32>
        %add3A_960 = arith.addf %add3A_939, %mul3A_959 : vector<16xf32>
        %mul3A_961 = arith.constant 128 : i32
        %mul3A_962 = arith.muli %scan3A_918, %mul3A_961 : i32
        %add3A_963 = arith.constant 32 : i32
        %add3A_964 = arith.addi %mul3A_962, %add3A_963 : i32
        %get3A_965 = arith.constant 0 : i32
        %get3A_966 = arith.constant 0 : i32
        %get3A_967 = arith.index_cast %get3A_965 : i32 to index
        %get3A_968 = arith.index_cast %get3A_966 : i32 to index
        %get3A_969 = arith.index_cast %add3A_964 : i32 to index
        %get3A_970 = tpu.vector_load %arg11[%get3A_967, %get3A_968, %get3A_969] {strides = array<i32>} : memref<2x8x2048xf32, #tpu.memory_space<vmem>>, vector<1x1x16xf32>,
        %get3A_971 = vector.shape_cast %get3A_970 : vector<1x1x16xf32> to vector<16xf32>
        %get3A_972 = arith.constant 0 : i32
        %get3A_973 = arith.constant 0 : i32
        %get3A_974 = arith.index_cast %get3A_972 : i32 to index
        %get3A_975 = arith.index_cast %get3A_973 : i32 to index
        %get3A_976 = arith.index_cast %add3A_964 : i32 to index
        %get3A_977 = tpu.vector_load %arg12[%get3A_974, %get3A_975, %get3A_976] {strides = array<i32>} : memref<2x8x2048xf32, #tpu.memory_space<vmem>>, vector<1x1x16xf32>,
        %get3A_978 = vector.shape_cast %get3A_977 : vector<1x1x16xf32> to vector<16xf32>
        %sub3A_979 = arith.subf %get3A_971, %get3A_978 : vector<16xf32>
        %mul3A_980 = arith.mulf %sub3A_979, %sub3A_979 : vector<16xf32>
        %add3A_981 = arith.addf %add3A_960, %mul3A_980 : vector<16xf32>
        %mul3A_982 = arith.constant 128 : i32
        %mul3A_983 = arith.muli %scan3A_918, %mul3A_982 : i32
        %add3A_984 = arith.constant 48 : i32
        %add3A_985 = arith.addi %mul3A_983, %add3A_984 : i32
        %get3A_986 = arith.constant 0 : i32
        %get3A_987 = arith.constant 0 : i32
        %get3A_988 = arith.index_cast %get3A_986 : i32 to index
        %get3A_989 = arith.index_cast %get3A_987 : i32 to index
        %get3A_990 = arith.index_cast %add3A_985 : i32 to index
        %get3A_991 = tpu.vector_load %arg11[%get3A_988, %get3A_989, %get3A_990] {strides = array<i32>} : memref<2x8x2048xf32, #tpu.memory_space<vmem>>, vector<1x1x16xf32>,
        %get3A_992 = vector.shape_cast %get3A_991 : vector<1x1x16xf32> to vector<16xf32>
        %get3A_993 = arith.constant 0 : i32
        %get3A_994 = arith.constant 0 : i32
        %get3A_995 = arith.index_cast %get3A_993 : i32 to index
        %get3A_996 = arith.index_cast %get3A_994 : i32 to index
        %get3A_997 = arith.index_cast %add3A_985 : i32 to index
        %get3A_998 = tpu.vector_load %arg12[%get3A_995, %get3A_996, %get3A_997] {strides = array<i32>} : memref<2x8x2048xf32, #tpu.memory_space<vmem>>, vector<1x1x16xf32>,
        %get3A_999 = vector.shape_cast %get3A_998 : vector<1x1x16xf32> to vector<16xf32>
        %sub3A_1000 = arith.subf %get3A_992, %get3A_999 : vector<16xf32>
        %mul3A_1001 = arith.mulf %sub3A_1000, %sub3A_1000 : vector<16xf32>
        %add3A_1002 = arith.addf %add3A_981, %mul3A_1001 : vector<16xf32>
        %mul3A_1003 = arith.constant 128 : i32
        %mul3A_1004 = arith.muli %scan3A_918, %mul3A_1003 : i32
        %add3A_1005 = arith.constant 64 : i32
        %add3A_1006 = arith.addi %mul3A_1004, %add3A_1005 : i32
        %get3A_1007 = arith.constant 0 : i32
        %get3A_1008 = arith.constant 0 : i32
        %get3A_1009 = arith.index_cast %get3A_1007 : i32 to index
        %get3A_1010 = arith.index_cast %get3A_1008 : i32 to index
        %get3A_1011 = arith.index_cast %add3A_1006 : i32 to index
        %get3A_1012 = tpu.vector_load %arg11[%get3A_1009, %get3A_1010, %get3A_1011] {strides = array<i32>} : memref<2x8x2048xf32, #tpu.memory_space<vmem>>, vector<1x1x16xf32>,
        %get3A_1013 = vector.shape_cast %get3A_1012 : vector<1x1x16xf32> to vector<16xf32>
        %get3A_1014 = arith.constant 0 : i32
        %get3A_1015 = arith.constant 0 : i32
        %get3A_1016 = arith.index_cast %get3A_1014 : i32 to index
        %get3A_1017 = arith.index_cast %get3A_1015 : i32 to index
        %get3A_1018 = arith.index_cast %add3A_1006 : i32 to index
        %get3A_1019 = tpu.vector_load %arg12[%get3A_1016, %get3A_1017, %get3A_1018] {strides = array<i32>} : memref<2x8x2048xf32, #tpu.memory_space<vmem>>, vector<1x1x16xf32>,
        %get3A_1020 = vector.shape_cast %get3A_1019 : vector<1x1x16xf32> to vector<16xf32>
        %sub3A_1021 = arith.subf %get3A_1013, %get3A_1020 : vector<16xf32>
        %mul3A_1022 = arith.mulf %sub3A_1021, %sub3A_1021 : vector<16xf32>
        %add3A_1023 = arith.addf %add3A_1002, %mul3A_1022 : vector<16xf32>
        %mul3A_1024 = arith.constant 128 : i32
        %mul3A_1025 = arith.muli %scan3A_918, %mul3A_1024 : i32
        %add3A_1026 = arith.constant 80 : i32
        %add3A_1027 = arith.addi %mul3A_1025, %add3A_1026 : i32
        %get3A_1028 = arith.constant 0 : i32
        %get3A_1029 = arith.constant 0 : i32
        %get3A_1030 = arith.index_cast %get3A_1028 : i32 to index
        %get3A_1031 = arith.index_cast %get3A_1029 : i32 to index
        %get3A_1032 = arith.index_cast %add3A_1027 : i32 to index
        %get3A_1033 = tpu.vector_load %arg11[%get3A_1030, %get3A_1031, %get3A_1032] {strides = array<i32>} : memref<2x8x2048xf32, #tpu.memory_space<vmem>>, vector<1x1x16xf32>,
        %get3A_1034 = vector.shape_cast %get3A_1033 : vector<1x1x16xf32> to vector<16xf32>
        %get3A_1035 = arith.constant 0 : i32
        %get3A_1036 = arith.constant 0 : i32
        %get3A_1037 = arith.index_cast %get3A_1035 : i32 to index
        %get3A_1038 = arith.index_cast %get3A_1036 : i32 to index
        %get3A_1039 = arith.index_cast %add3A_1027 : i32 to index
        %get3A_1040 = tpu.vector_load %arg12[%get3A_1037, %get3A_1038, %get3A_1039] {strides = array<i32>} : memref<2x8x2048xf32, #tpu.memory_space<vmem>>, vector<1x1x16xf32>,
        %get3A_1041 = vector.shape_cast %get3A_1040 : vector<1x1x16xf32> to vector<16xf32>
        %sub3A_1042 = arith.subf %get3A_1034, %get3A_1041 : vector<16xf32>
        %mul3A_1043 = arith.mulf %sub3A_1042, %sub3A_1042 : vector<16xf32>
        %add3A_1044 = arith.addf %add3A_1023, %mul3A_1043 : vector<16xf32>
        %mul3A_1045 = arith.constant 128 : i32
        %mul3A_1046 = arith.muli %scan3A_918, %mul3A_1045 : i32
        %add3A_1047 = arith.constant 96 : i32
        %add3A_1048 = arith.addi %mul3A_1046, %add3A_1047 : i32
        %get3A_1049 = arith.constant 0 : i32
        %get3A_1050 = arith.constant 0 : i32
        %get3A_1051 = arith.index_cast %get3A_1049 : i32 to index
        %get3A_1052 = arith.index_cast %get3A_1050 : i32 to index
        %get3A_1053 = arith.index_cast %add3A_1048 : i32 to index
        %get3A_1054 = tpu.vector_load %arg11[%get3A_1051, %get3A_1052, %get3A_1053] {strides = array<i32>} : memref<2x8x2048xf32, #tpu.memory_space<vmem>>, vector<1x1x16xf32>,
        %get3A_1055 = vector.shape_cast %get3A_1054 : vector<1x1x16xf32> to vector<16xf32>
        %get3A_1056 = arith.constant 0 : i32
        %get3A_1057 = arith.constant 0 : i32
        %get3A_1058 = arith.index_cast %get3A_1056 : i32 to index
        %get3A_1059 = arith.index_cast %get3A_1057 : i32 to index
        %get3A_1060 = arith.index_cast %add3A_1048 : i32 to index
        %get3A_1061 = tpu.vector_load %arg12[%get3A_1058, %get3A_1059, %get3A_1060] {strides = array<i32>} : memref<2x8x2048xf32, #tpu.memory_space<vmem>>, vector<1x1x16xf32>,
        %get3A_1062 = vector.shape_cast %get3A_1061 : vector<1x1x16xf32> to vector<16xf32>
        %sub3A_1063 = arith.subf %get3A_1055, %get3A_1062 : vector<16xf32>
        %mul3A_1064 = arith.mulf %sub3A_1063, %sub3A_1063 : vector<16xf32>
        %add3A_1065 = arith.addf %add3A_1044, %mul3A_1064 : vector<16xf32>
        %mul3A_1066 = arith.constant 128 : i32
        %mul3A_1067 = arith.muli %scan3A_918, %mul3A_1066 : i32
        %add3A_1068 = arith.constant 112 : i32
        %add3A_1069 = arith.addi %mul3A_1067, %add3A_1068 : i32
        %get3A_1070 = arith.constant 0 : i32
        %get3A_1071 = arith.constant 0 : i32
        %get3A_1072 = arith.index_cast %get3A_1070 : i32 to index
        %get3A_1073 = arith.index_cast %get3A_1071 : i32 to index
        %get3A_1074 = arith.index_cast %add3A_1069 : i32 to index
        %get3A_1075 = tpu.vector_load %arg11[%get3A_1072, %get3A_1073, %get3A_1074] {strides = array<i32>} : memref<2x8x2048xf32, #tpu.memory_space<vmem>>, vector<1x1x16xf32>,
        %get3A_1076 = vector.shape_cast %get3A_1075 : vector<1x1x16xf32> to vector<16xf32>
        %get3A_1077 = arith.constant 0 : i32
        %get3A_1078 = arith.constant 0 : i32
        %get3A_1079 = arith.index_cast %get3A_1077 : i32 to index
        %get3A_1080 = arith.index_cast %get3A_1078 : i32 to index
        %get3A_1081 = arith.index_cast %add3A_1069 : i32 to index
        %get3A_1082 = tpu.vector_load %arg12[%get3A_1079, %get3A_1080, %get3A_1081] {strides = array<i32>} : memref<2x8x2048xf32, #tpu.memory_space<vmem>>, vector<1x1x16xf32>,
        %get3A_1083 = vector.shape_cast %get3A_1082 : vector<1x1x16xf32> to vector<16xf32>
        %sub3A_1084 = arith.subf %get3A_1076, %get3A_1083 : vector<16xf32>
        %mul3A_1085 = arith.mulf %sub3A_1084, %sub3A_1084 : vector<16xf32>
        %add3A_1086 = arith.addf %add3A_1065, %mul3A_1085 : vector<16xf32>
        scf.yield %add3A_1086 : vector<16xf32>
      }
      %scan3A_165 = arith.constant 16 : i32
      %iota3A = tpu.iota {dimensions = array<i32: 0>} : vector<16xi32>
      %xor3A = arith.constant 8 : i32
      %xor3A_166 = vector.broadcast %xor3A : i32 to vector<16xi32>
      %xor3A_167 = arith.xori %iota3A, %xor3A_166 : vector<16xi32>
      %broadcast_in_dim3A_168 = vector.shape_cast %xor3A_167 : vector<16xi32> to vector<16x1xi32>
      %gather3A = vector.shape_cast %broadcast_in_dim3A_168 : vector<16x1xi32> to vector<16xi32>
      %gather3A_169 = tpu.dynamic_gather %scan3A_164[%gather3A] in [0] : vector<16xf32>, vector<16xi32> -> vector<16xf32>
      %add3A_170 = arith.addf %scan3A_164, %gather3A_169 : vector<16xf32>
      %xor3A_171 = arith.constant 4 : i32
      %xor3A_172 = vector.broadcast %xor3A_171 : i32 to vector<16xi32>
      %xor3A_173 = arith.xori %iota3A, %xor3A_172 : vector<16xi32>
      %broadcast_in_dim3A_174 = vector.shape_cast %xor3A_173 : vector<16xi32> to vector<16x1xi32>
      %gather3A_175 = vector.shape_cast %broadcast_in_dim3A_174 : vector<16x1xi32> to vector<16xi32>
      %gather3A_176 = tpu.dynamic_gather %add3A_170[%gather3A_175] in [0] : vector<16xf32>, vector<16xi32> -> vector<16xf32>
      %add3A_177 = arith.addf %add3A_170, %gather3A_176 : vector<16xf32>
      %xor3A_178 = arith.constant 2 : i32
      %xor3A_179 = vector.broadcast %xor3A_178 : i32 to vector<16xi32>
      %xor3A_180 = arith.xori %iota3A, %xor3A_179 : vector<16xi32>
      %broadcast_in_dim3A_181 = vector.shape_cast %xor3A_180 : vector<16xi32> to vector<16x1xi32>
      %gather3A_182 = vector.shape_cast %broadcast_in_dim3A_181 : vector<16x1xi32> to vector<16xi32>
      %gather3A_183 = tpu.dynamic_gather %add3A_177[%gather3A_182] in [0] : vector<16xf32>, vector<16xi32> -> vector<16xf32>
      %add3A_184 = arith.addf %add3A_177, %gather3A_183 : vector<16xf32>
      %xor3A_185 = arith.constant 1 : i32
      %xor3A_186 = vector.broadcast %xor3A_185 : i32 to vector<16xi32>
      %xor3A_187 = arith.xori %iota3A, %xor3A_186 : vector<16xi32>
      %broadcast_in_dim3A_188 = vector.shape_cast %xor3A_187 : vector<16xi32> to vector<16x1xi32>
      %gather3A_189 = vector.shape_cast %broadcast_in_dim3A_188 : vector<16x1xi32> to vector<16xi32>
      %gather3A_190 = tpu.dynamic_gather %add3A_184[%gather3A_189] in [0] : vector<16xf32>, vector<16xi32> -> vector<16xf32>
      %add3A_191 = arith.addf %add3A_184, %gather3A_190 : vector<16xf32>
      %eq3A = arith.constant 0 : i32
      %eq3A_192 = vector.broadcast %eq3A : i32 to vector<16xi32>
      %eq3A_193 = arith.cmpi eq, %iota3A, %eq3A_192 : vector<16xi32>
      %select_n3A = arith.select %eq3A_193, %add3A_191, %broadcast_in_dim3A_127 : vector<16xi1>, vector<16xf32>
      %broadcast_in_dim3A_194 = arith.constant 0.000000e+00 : f32
      %broadcast_in_dim3A_195 = vector.broadcast %broadcast_in_dim3A_194 : f32 to vector<16xf32>
      %scan3A_196 = arith.constant 0 : i32
      %scan3A_197 = arith.constant 16 : i32
      %scan3A_198 = arith.addi %scan3A_196, %scan3A_197 : i32
      %scan3A_199 = arith.constant 1 : i32
      %scan3A_200 = scf.for %scan3A_918 = %scan3A_196 to %scan3A_198 step %scan3A_199 iter_args(%scan3A_919 = %broadcast_in_dim3A_195) -> (vector<16xf32>)  : i32 {
        %mul3A_920 = arith.constant 128 : i32
        %mul3A_921 = arith.muli %scan3A_918, %mul3A_920 : i32
        %add3A_922 = arith.constant 0 : i32
        %add3A_923 = arith.addi %mul3A_921, %add3A_922 : i32
        %get3A_924 = arith.constant 0 : i32
        %get3A_925 = arith.constant 1 : i32
        %get3A_926 = arith.index_cast %get3A_924 : i32 to index
        %get3A_927 = arith.index_cast %get3A_925 : i32 to index
        %get3A_928 = arith.index_cast %add3A_923 : i32 to index
        %get3A_929 = tpu.vector_load %arg11[%get3A_926, %get3A_927, %get3A_928] {strides = array<i32>} : memref<2x8x2048xf32, #tpu.memory_space<vmem>>, vector<1x1x16xf32>,
        %get3A_930 = vector.shape_cast %get3A_929 : vector<1x1x16xf32> to vector<16xf32>
        %get3A_931 = arith.constant 0 : i32
        %get3A_932 = arith.constant 1 : i32
        %get3A_933 = arith.index_cast %get3A_931 : i32 to index
        %get3A_934 = arith.index_cast %get3A_932 : i32 to index
        %get3A_935 = arith.index_cast %add3A_923 : i32 to index
        %get3A_936 = tpu.vector_load %arg12[%get3A_933, %get3A_934, %get3A_935] {strides = array<i32>} : memref<2x8x2048xf32, #tpu.memory_space<vmem>>, vector<1x1x16xf32>,
        %get3A_937 = vector.shape_cast %get3A_936 : vector<1x1x16xf32> to vector<16xf32>
        %sub3A = arith.subf %get3A_930, %get3A_937 : vector<16xf32>
        %mul3A_938 = arith.mulf %sub3A, %sub3A : vector<16xf32>
        %add3A_939 = arith.addf %scan3A_919, %mul3A_938 : vector<16xf32>
        %mul3A_940 = arith.constant 128 : i32
        %mul3A_941 = arith.muli %scan3A_918, %mul3A_940 : i32
        %add3A_942 = arith.constant 16 : i32
        %add3A_943 = arith.addi %mul3A_941, %add3A_942 : i32
        %get3A_944 = arith.constant 0 : i32
        %get3A_945 = arith.constant 1 : i32
        %get3A_946 = arith.index_cast %get3A_944 : i32 to index
        %get3A_947 = arith.index_cast %get3A_945 : i32 to index
        %get3A_948 = arith.index_cast %add3A_943 : i32 to index
        %get3A_949 = tpu.vector_load %arg11[%get3A_946, %get3A_947, %get3A_948] {strides = array<i32>} : memref<2x8x2048xf32, #tpu.memory_space<vmem>>, vector<1x1x16xf32>,
        %get3A_950 = vector.shape_cast %get3A_949 : vector<1x1x16xf32> to vector<16xf32>
        %get3A_951 = arith.constant 0 : i32
        %get3A_952 = arith.constant 1 : i32
        %get3A_953 = arith.index_cast %get3A_951 : i32 to index
        %get3A_954 = arith.index_cast %get3A_952 : i32 to index
        %get3A_955 = arith.index_cast %add3A_943 : i32 to index
        %get3A_956 = tpu.vector_load %arg12[%get3A_953, %get3A_954, %get3A_955] {strides = array<i32>} : memref<2x8x2048xf32, #tpu.memory_space<vmem>>, vector<1x1x16xf32>,
        %get3A_957 = vector.shape_cast %get3A_956 : vector<1x1x16xf32> to vector<16xf32>
        %sub3A_958 = arith.subf %get3A_950, %get3A_957 : vector<16xf32>
        %mul3A_959 = arith.mulf %sub3A_958, %sub3A_958 : vector<16xf32>
        %add3A_960 = arith.addf %add3A_939, %mul3A_959 : vector<16xf32>
        %mul3A_961 = arith.constant 128 : i32
        %mul3A_962 = arith.muli %scan3A_918, %mul3A_961 : i32
        %add3A_963 = arith.constant 32 : i32
        %add3A_964 = arith.addi %mul3A_962, %add3A_963 : i32
        %get3A_965 = arith.constant 0 : i32
        %get3A_966 = arith.constant 1 : i32
        %get3A_967 = arith.index_cast %get3A_965 : i32 to index
        %get3A_968 = arith.index_cast %get3A_966 : i32 to index
        %get3A_969 = arith.index_cast %add3A_964 : i32 to index
        %get3A_970 = tpu.vector_load %arg11[%get3A_967, %get3A_968, %get3A_969] {strides = array<i32>} : memref<2x8x2048xf32, #tpu.memory_space<vmem>>, vector<1x1x16xf32>,
        %get3A_971 = vector.shape_cast %get3A_970 : vector<1x1x16xf32> to vector<16xf32>
        %get3A_972 = arith.constant 0 : i32
        %get3A_973 = arith.constant 1 : i32
        %get3A_974 = arith.index_cast %get3A_972 : i32 to index
        %get3A_975 = arith.index_cast %get3A_973 : i32 to index
        %get3A_976 = arith.index_cast %add3A_964 : i32 to index
        %get3A_977 = tpu.vector_load %arg12[%get3A_974, %get3A_975, %get3A_976] {strides = array<i32>} : memref<2x8x2048xf32, #tpu.memory_space<vmem>>, vector<1x1x16xf32>,
        %get3A_978 = vector.shape_cast %get3A_977 : vector<1x1x16xf32> to vector<16xf32>
        %sub3A_979 = arith.subf %get3A_971, %get3A_978 : vector<16xf32>
        %mul3A_980 = arith.mulf %sub3A_979, %sub3A_979 : vector<16xf32>
        %add3A_981 = arith.addf %add3A_960, %mul3A_980 : vector<16xf32>
        %mul3A_982 = arith.constant 128 : i32
        %mul3A_983 = arith.muli %scan3A_918, %mul3A_982 : i32
        %add3A_984 = arith.constant 48 : i32
        %add3A_985 = arith.addi %mul3A_983, %add3A_984 : i32
        %get3A_986 = arith.constant 0 : i32
        %get3A_987 = arith.constant 1 : i32
        %get3A_988 = arith.index_cast %get3A_986 : i32 to index
        %get3A_989 = arith.index_cast %get3A_987 : i32 to index
        %get3A_990 = arith.index_cast %add3A_985 : i32 to index
        %get3A_991 = tpu.vector_load %arg11[%get3A_988, %get3A_989, %get3A_990] {strides = array<i32>} : memref<2x8x2048xf32, #tpu.memory_space<vmem>>, vector<1x1x16xf32>,
        %get3A_992 = vector.shape_cast %get3A_991 : vector<1x1x16xf32> to vector<16xf32>
        %get3A_993 = arith.constant 0 : i32
        %get3A_994 = arith.constant 1 : i32
        %get3A_995 = arith.index_cast %get3A_993 : i32 to index
        %get3A_996 = arith.index_cast %get3A_994 : i32 to index
        %get3A_997 = arith.index_cast %add3A_985 : i32 to index
        %get3A_998 = tpu.vector_load %arg12[%get3A_995, %get3A_996, %get3A_997] {strides = array<i32>} : memref<2x8x2048xf32, #tpu.memory_space<vmem>>, vector<1x1x16xf32>,
        %get3A_999 = vector.shape_cast %get3A_998 : vector<1x1x16xf32> to vector<16xf32>
        %sub3A_1000 = arith.subf %get3A_992, %get3A_999 : vector<16xf32>
        %mul3A_1001 = arith.mulf %sub3A_1000, %sub3A_1000 : vector<16xf32>
        %add3A_1002 = arith.addf %add3A_981, %mul3A_1001 : vector<16xf32>
        %mul3A_1003 = arith.constant 128 : i32
        %mul3A_1004 = arith.muli %scan3A_918, %mul3A_1003 : i32
        %add3A_1005 = arith.constant 64 : i32
        %add3A_1006 = arith.addi %mul3A_1004, %add3A_1005 : i32
        %get3A_1007 = arith.constant 0 : i32
        %get3A_1008 = arith.constant 1 : i32
        %get3A_1009 = arith.index_cast %get3A_1007 : i32 to index
        %get3A_1010 = arith.index_cast %get3A_1008 : i32 to index
        %get3A_1011 = arith.index_cast %add3A_1006 : i32 to index
        %get3A_1012 = tpu.vector_load %arg11[%get3A_1009, %get3A_1010, %get3A_1011] {strides = array<i32>} : memref<2x8x2048xf32, #tpu.memory_space<vmem>>, vector<1x1x16xf32>,
        %get3A_1013 = vector.shape_cast %get3A_1012 : vector<1x1x16xf32> to vector<16xf32>
        %get3A_1014 = arith.constant 0 : i32
        %get3A_1015 = arith.constant 1 : i32
        %get3A_1016 = arith.index_cast %get3A_1014 : i32 to index
        %get3A_1017 = arith.index_cast %get3A_1015 : i32 to index
        %get3A_1018 = arith.index_cast %add3A_1006 : i32 to index
        %get3A_1019 = tpu.vector_load %arg12[%get3A_1016, %get3A_1017, %get3A_1018] {strides = array<i32>} : memref<2x8x2048xf32, #tpu.memory_space<vmem>>, vector<1x1x16xf32>,
        %get3A_1020 = vector.shape_cast %get3A_1019 : vector<1x1x16xf32> to vector<16xf32>
        %sub3A_1021 = arith.subf %get3A_1013, %get3A_1020 : vector<16xf32>
        %mul3A_1022 = arith.mulf %sub3A_1021, %sub3A_1021 : vector<16xf32>
        %add3A_1023 = arith.addf %add3A_1002, %mul3A_1022 : vector<16xf32>
        %mul3A_1024 = arith.constant 128 : i32
        %mul3A_1025 = arith.muli %scan3A_918, %mul3A_1024 : i32
        %add3A_1026 = arith.constant 80 : i32
        %add3A_1027 = arith.addi %mul3A_1025, %add3A_1026 : i32
        %get3A_1028 = arith.constant 0 : i32
        %get3A_1029 = arith.constant 1 : i32
        %get3A_1030 = arith.index_cast %get3A_1028 : i32 to index
        %get3A_1031 = arith.index_cast %get3A_1029 : i32 to index
        %get3A_1032 = arith.index_cast %add3A_1027 : i32 to index
        %get3A_1033 = tpu.vector_load %arg11[%get3A_1030, %get3A_1031, %get3A_1032] {strides = array<i32>} : memref<2x8x2048xf32, #tpu.memory_space<vmem>>, vector<1x1x16xf32>,
        %get3A_1034 = vector.shape_cast %get3A_1033 : vector<1x1x16xf32> to vector<16xf32>
        %get3A_1035 = arith.constant 0 : i32
        %get3A_1036 = arith.constant 1 : i32
        %get3A_1037 = arith.index_cast %get3A_1035 : i32 to index
        %get3A_1038 = arith.index_cast %get3A_1036 : i32 to index
        %get3A_1039 = arith.index_cast %add3A_1027 : i32 to index
        %get3A_1040 = tpu.vector_load %arg12[%get3A_1037, %get3A_1038, %get3A_1039] {strides = array<i32>} : memref<2x8x2048xf32, #tpu.memory_space<vmem>>, vector<1x1x16xf32>,
        %get3A_1041 = vector.shape_cast %get3A_1040 : vector<1x1x16xf32> to vector<16xf32>
        %sub3A_1042 = arith.subf %get3A_1034, %get3A_1041 : vector<16xf32>
        %mul3A_1043 = arith.mulf %sub3A_1042, %sub3A_1042 : vector<16xf32>
        %add3A_1044 = arith.addf %add3A_1023, %mul3A_1043 : vector<16xf32>
        %mul3A_1045 = arith.constant 128 : i32
        %mul3A_1046 = arith.muli %scan3A_918, %mul3A_1045 : i32
        %add3A_1047 = arith.constant 96 : i32
        %add3A_1048 = arith.addi %mul3A_1046, %add3A_1047 : i32
        %get3A_1049 = arith.constant 0 : i32
        %get3A_1050 = arith.constant 1 : i32
        %get3A_1051 = arith.index_cast %get3A_1049 : i32 to index
        %get3A_1052 = arith.index_cast %get3A_1050 : i32 to index
        %get3A_1053 = arith.index_cast %add3A_1048 : i32 to index
        %get3A_1054 = tpu.vector_load %arg11[%get3A_1051, %get3A_1052, %get3A_1053] {strides = array<i32>} : memref<2x8x2048xf32, #tpu.memory_space<vmem>>, vector<1x1x16xf32>,
        %get3A_1055 = vector.shape_cast %get3A_1054 : vector<1x1x16xf32> to vector<16xf32>
        %get3A_1056 = arith.constant 0 : i32
        %get3A_1057 = arith.constant 1 : i32
        %get3A_1058 = arith.index_cast %get3A_1056 : i32 to index
        %get3A_1059 = arith.index_cast %get3A_1057 : i32 to index
        %get3A_1060 = arith.index_cast %add3A_1048 : i32 to index
        %get3A_1061 = tpu.vector_load %arg12[%get3A_1058, %get3A_1059, %get3A_1060] {strides = array<i32>} : memref<2x8x2048xf32, #tpu.memory_space<vmem>>, vector<1x1x16xf32>,
        %get3A_1062 = vector.shape_cast %get3A_1061 : vector<1x1x16xf32> to vector<16xf32>
        %sub3A_1063 = arith.subf %get3A_1055, %get3A_1062 : vector<16xf32>
        %mul3A_1064 = arith.mulf %sub3A_1063, %sub3A_1063 : vector<16xf32>
        %add3A_1065 = arith.addf %add3A_1044, %mul3A_1064 : vector<16xf32>
        %mul3A_1066 = arith.constant 128 : i32
        %mul3A_1067 = arith.muli %scan3A_918, %mul3A_1066 : i32
        %add3A_1068 = arith.constant 112 : i32
        %add3A_1069 = arith.addi %mul3A_1067, %add3A_1068 : i32
        %get3A_1070 = arith.constant 0 : i32
        %get3A_1071 = arith.constant 1 : i32
        %get3A_1072 = arith.index_cast %get3A_1070 : i32 to index
        %get3A_1073 = arith.index_cast %get3A_1071 : i32 to index
        %get3A_1074 = arith.index_cast %add3A_1069 : i32 to index
        %get3A_1075 = tpu.vector_load %arg11[%get3A_1072, %get3A_1073, %get3A_1074] {strides = array<i32>} : memref<2x8x2048xf32, #tpu.memory_space<vmem>>, vector<1x1x16xf32>,
        %get3A_1076 = vector.shape_cast %get3A_1075 : vector<1x1x16xf32> to vector<16xf32>
        %get3A_1077 = arith.constant 0 : i32
        %get3A_1078 = arith.constant 1 : i32
        %get3A_1079 = arith.index_cast %get3A_1077 : i32 to index
        %get3A_1080 = arith.index_cast %get3A_1078 : i32 to index
        %get3A_1081 = arith.index_cast %add3A_1069 : i32 to index
        %get3A_1082 = tpu.vector_load %arg12[%get3A_1079, %get3A_1080, %get3A_1081] {strides = array<i32>} : memref<2x8x2048xf32, #tpu.memory_space<vmem>>, vector<1x1x16xf32>,
        %get3A_1083 = vector.shape_cast %get3A_1082 : vector<1x1x16xf32> to vector<16xf32>
        %sub3A_1084 = arith.subf %get3A_1076, %get3A_1083 : vector<16xf32>
        %mul3A_1085 = arith.mulf %sub3A_1084, %sub3A_1084 : vector<16xf32>
        %add3A_1086 = arith.addf %add3A_1065, %mul3A_1085 : vector<16xf32>
        scf.yield %add3A_1086 : vector<16xf32>
      }
      %scan3A_201 = arith.constant 16 : i32
      %iota3A_202 = tpu.iota {dimensions = array<i32: 0>} : vector<16xi32>
      %xor3A_203 = arith.constant 8 : i32
      %xor3A_204 = vector.broadcast %xor3A_203 : i32 to vector<16xi32>
      %xor3A_205 = arith.xori %iota3A_202, %xor3A_204 : vector<16xi32>
      %broadcast_in_dim3A_206 = vector.shape_cast %xor3A_205 : vector<16xi32> to vector<16x1xi32>
      %gather3A_207 = vector.shape_cast %broadcast_in_dim3A_206 : vector<16x1xi32> to vector<16xi32>
      %gather3A_208 = tpu.dynamic_gather %scan3A_200[%gather3A_207] in [0] : vector<16xf32>, vector<16xi32> -> vector<16xf32>
      %add3A_209 = arith.addf %scan3A_200, %gather3A_208 : vector<16xf32>
      %xor3A_210 = arith.constant 4 : i32
      %xor3A_211 = vector.broadcast %xor3A_210 : i32 to vector<16xi32>
      %xor3A_212 = arith.xori %iota3A_202, %xor3A_211 : vector<16xi32>
      %broadcast_in_dim3A_213 = vector.shape_cast %xor3A_212 : vector<16xi32> to vector<16x1xi32>
      %gather3A_214 = vector.shape_cast %broadcast_in_dim3A_213 : vector<16x1xi32> to vector<16xi32>
      %gather3A_215 = tpu.dynamic_gather %add3A_209[%gather3A_214] in [0] : vector<16xf32>, vector<16xi32> -> vector<16xf32>
      %add3A_216 = arith.addf %add3A_209, %gather3A_215 : vector<16xf32>
      %xor3A_217 = arith.constant 2 : i32
      %xor3A_218 = vector.broadcast %xor3A_217 : i32 to vector<16xi32>
      %xor3A_219 = arith.xori %iota3A_202, %xor3A_218 : vector<16xi32>
      %broadcast_in_dim3A_220 = vector.shape_cast %xor3A_219 : vector<16xi32> to vector<16x1xi32>
      %gather3A_221 = vector.shape_cast %broadcast_in_dim3A_220 : vector<16x1xi32> to vector<16xi32>
      %gather3A_222 = tpu.dynamic_gather %add3A_216[%gather3A_221] in [0] : vector<16xf32>, vector<16xi32> -> vector<16xf32>
      %add3A_223 = arith.addf %add3A_216, %gather3A_222 : vector<16xf32>
      %xor3A_224 = arith.constant 1 : i32
      %xor3A_225 = vector.broadcast %xor3A_224 : i32 to vector<16xi32>
      %xor3A_226 = arith.xori %iota3A_202, %xor3A_225 : vector<16xi32>
      %broadcast_in_dim3A_227 = vector.shape_cast %xor3A_226 : vector<16xi32> to vector<16x1xi32>
      %gather3A_228 = vector.shape_cast %broadcast_in_dim3A_227 : vector<16x1xi32> to vector<16xi32>
      %gather3A_229 = tpu.dynamic_gather %add3A_223[%gather3A_228] in [0] : vector<16xf32>, vector<16xi32> -> vector<16xf32>
      %add3A_230 = arith.addf %add3A_223, %gather3A_229 : vector<16xf32>
      %eq3A_231 = arith.constant 1 : i32
      %eq3A_232 = vector.broadcast %eq3A_231 : i32 to vector<16xi32>
      %eq3A_233 = arith.cmpi eq, %iota3A_202, %eq3A_232 : vector<16xi32>
      %select_n3A_234 = arith.select %eq3A_233, %add3A_230, %select_n3A : vector<16xi1>, vector<16xf32>
      %broadcast_in_dim3A_235 = arith.constant 0.000000e+00 : f32
      %broadcast_in_dim3A_236 = vector.broadcast %broadcast_in_dim3A_235 : f32 to vector<16xf32>
      %scan3A_237 = arith.constant 0 : i32
      %scan3A_238 = arith.constant 16 : i32
      %scan3A_239 = arith.addi %scan3A_237, %scan3A_238 : i32
      %scan3A_240 = arith.constant 1 : i32
      %scan3A_241 = scf.for %scan3A_918 = %scan3A_237 to %scan3A_239 step %scan3A_240 iter_args(%scan3A_919 = %broadcast_in_dim3A_236) -> (vector<16xf32>)  : i32 {
        %mul3A_920 = arith.constant 128 : i32
        %mul3A_921 = arith.muli %scan3A_918, %mul3A_920 : i32
        %add3A_922 = arith.constant 0 : i32
        %add3A_923 = arith.addi %mul3A_921, %add3A_922 : i32
        %get3A_924 = arith.constant 0 : i32
        %get3A_925 = arith.constant 2 : i32
        %get3A_926 = arith.index_cast %get3A_924 : i32 to index
        %get3A_927 = arith.index_cast %get3A_925 : i32 to index
        %get3A_928 = arith.index_cast %add3A_923 : i32 to index
        %get3A_929 = tpu.vector_load %arg11[%get3A_926, %get3A_927, %get3A_928] {strides = array<i32>} : memref<2x8x2048xf32, #tpu.memory_space<vmem>>, vector<1x1x16xf32>,
        %get3A_930 = vector.shape_cast %get3A_929 : vector<1x1x16xf32> to vector<16xf32>
        %get3A_931 = arith.constant 0 : i32
        %get3A_932 = arith.constant 2 : i32
        %get3A_933 = arith.index_cast %get3A_931 : i32 to index
        %get3A_934 = arith.index_cast %get3A_932 : i32 to index
        %get3A_935 = arith.index_cast %add3A_923 : i32 to index
        %get3A_936 = tpu.vector_load %arg12[%get3A_933, %get3A_934, %get3A_935] {strides = array<i32>} : memref<2x8x2048xf32, #tpu.memory_space<vmem>>, vector<1x1x16xf32>,
        %get3A_937 = vector.shape_cast %get3A_936 : vector<1x1x16xf32> to vector<16xf32>
        %sub3A = arith.subf %get3A_930, %get3A_937 : vector<16xf32>
        %mul3A_938 = arith.mulf %sub3A, %sub3A : vector<16xf32>
        %add3A_939 = arith.addf %scan3A_919, %mul3A_938 : vector<16xf32>
        %mul3A_940 = arith.constant 128 : i32
        %mul3A_941 = arith.muli %scan3A_918, %mul3A_940 : i32
        %add3A_942 = arith.constant 16 : i32
        %add3A_943 = arith.addi %mul3A_941, %add3A_942 : i32
        %get3A_944 = arith.constant 0 : i32
        %get3A_945 = arith.constant 2 : i32
        %get3A_946 = arith.index_cast %get3A_944 : i32 to index
        %get3A_947 = arith.index_cast %get3A_945 : i32 to index
        %get3A_948 = arith.index_cast %add3A_943 : i32 to index
        %get3A_949 = tpu.vector_load %arg11[%get3A_946, %get3A_947, %get3A_948] {strides = array<i32>} : memref<2x8x2048xf32, #tpu.memory_space<vmem>>, vector<1x1x16xf32>,
        %get3A_950 = vector.shape_cast %get3A_949 : vector<1x1x16xf32> to vector<16xf32>
        %get3A_951 = arith.constant 0 : i32
        %get3A_952 = arith.constant 2 : i32
        %get3A_953 = arith.index_cast %get3A_951 : i32 to index
        %get3A_954 = arith.index_cast %get3A_952 : i32 to index
        %get3A_955 = arith.index_cast %add3A_943 : i32 to index
        %get3A_956 = tpu.vector_load %arg12[%get3A_953, %get3A_954, %get3A_955] {strides = array<i32>} : memref<2x8x2048xf32, #tpu.memory_space<vmem>>, vector<1x1x16xf32>,
        %get3A_957 = vector.shape_cast %get3A_956 : vector<1x1x16xf32> to vector<16xf32>
        %sub3A_958 = arith.subf %get3A_950, %get3A_957 : vector<16xf32>
        %mul3A_959 = arith.mulf %sub3A_958, %sub3A_958 : vector<16xf32>
        %add3A_960 = arith.addf %add3A_939, %mul3A_959 : vector<16xf32>
        %mul3A_961 = arith.constant 128 : i32
        %mul3A_962 = arith.muli %scan3A_918, %mul3A_961 : i32
        %add3A_963 = arith.constant 32 : i32
        %add3A_964 = arith.addi %mul3A_962, %add3A_963 : i32
        %get3A_965 = arith.constant 0 : i32
        %get3A_966 = arith.constant 2 : i32
        %get3A_967 = arith.index_cast %get3A_965 : i32 to index
        %get3A_968 = arith.index_cast %get3A_966 : i32 to index
        %get3A_969 = arith.index_cast %add3A_964 : i32 to index
        %get3A_970 = tpu.vector_load %arg11[%get3A_967, %get3A_968, %get3A_969] {strides = array<i32>} : memref<2x8x2048xf32, #tpu.memory_space<vmem>>, vector<1x1x16xf32>,
        %get3A_971 = vector.shape_cast %get3A_970 : vector<1x1x16xf32> to vector<16xf32>
        %get3A_972 = arith.constant 0 : i32
        %get3A_973 = arith.constant 2 : i32
        %get3A_974 = arith.index_cast %get3A_972 : i32 to index
        %get3A_975 = arith.index_cast %get3A_973 : i32 to index
        %get3A_976 = arith.index_cast %add3A_964 : i32 to index
        %get3A_977 = tpu.vector_load %arg12[%get3A_974, %get3A_975, %get3A_976] {strides = array<i32>} : memref<2x8x2048xf32, #tpu.memory_space<vmem>>, vector<1x1x16xf32>,
        %get3A_978 = vector.shape_cast %get3A_977 : vector<1x1x16xf32> to vector<16xf32>
        %sub3A_979 = arith.subf %get3A_971, %get3A_978 : vector<16xf32>
        %mul3A_980 = arith.mulf %sub3A_979, %sub3A_979 : vector<16xf32>
        %add3A_981 = arith.addf %add3A_960, %mul3A_980 : vector<16xf32>
        %mul3A_982 = arith.constant 128 : i32
        %mul3A_983 = arith.muli %scan3A_918, %mul3A_982 : i32
        %add3A_984 = arith.constant 48 : i32
        %add3A_985 = arith.addi %mul3A_983, %add3A_984 : i32
        %get3A_986 = arith.constant 0 : i32
        %get3A_987 = arith.constant 2 : i32
        %get3A_988 = arith.index_cast %get3A_986 : i32 to index
        %get3A_989 = arith.index_cast %get3A_987 : i32 to index
        %get3A_990 = arith.index_cast %add3A_985 : i32 to index
        %get3A_991 = tpu.vector_load %arg11[%get3A_988, %get3A_989, %get3A_990] {strides = array<i32>} : memref<2x8x2048xf32, #tpu.memory_space<vmem>>, vector<1x1x16xf32>,
        %get3A_992 = vector.shape_cast %get3A_991 : vector<1x1x16xf32> to vector<16xf32>
        %get3A_993 = arith.constant 0 : i32
        %get3A_994 = arith.constant 2 : i32
        %get3A_995 = arith.index_cast %get3A_993 : i32 to index
        %get3A_996 = arith.index_cast %get3A_994 : i32 to index
        %get3A_997 = arith.index_cast %add3A_985 : i32 to index
        %get3A_998 = tpu.vector_load %arg12[%get3A_995, %get3A_996, %get3A_997] {strides = array<i32>} : memref<2x8x2048xf32, #tpu.memory_space<vmem>>, vector<1x1x16xf32>,
        %get3A_999 = vector.shape_cast %get3A_998 : vector<1x1x16xf32> to vector<16xf32>
        %sub3A_1000 = arith.subf %get3A_992, %get3A_999 : vector<16xf32>
        %mul3A_1001 = arith.mulf %sub3A_1000, %sub3A_1000 : vector<16xf32>
        %add3A_1002 = arith.addf %add3A_981, %mul3A_1001 : vector<16xf32>
        %mul3A_1003 = arith.constant 128 : i32
        %mul3A_1004 = arith.muli %scan3A_918, %mul3A_1003 : i32
        %add3A_1005 = arith.constant 64 : i32
        %add3A_1006 = arith.addi %mul3A_1004, %add3A_1005 : i32
        %get3A_1007 = arith.constant 0 : i32
        %get3A_1008 = arith.constant 2 : i32
        %get3A_1009 = arith.index_cast %get3A_1007 : i32 to index
        %get3A_1010 = arith.index_cast %get3A_1008 : i32 to index
        %get3A_1011 = arith.index_cast %add3A_1006 : i32 to index
        %get3A_1012 = tpu.vector_load %arg11[%get3A_1009, %get3A_1010, %get3A_1011] {strides = array<i32>} : memref<2x8x2048xf32, #tpu.memory_space<vmem>>, vector<1x1x16xf32>,
        %get3A_1013 = vector.shape_cast %get3A_1012 : vector<1x1x16xf32> to vector<16xf32>
        %get3A_1014 = arith.constant 0 : i32
        %get3A_1015 = arith.constant 2 : i32
        %get3A_1016 = arith.index_cast %get3A_1014 : i32 to index
        %get3A_1017 = arith.index_cast %get3A_1015 : i32 to index
        %get3A_1018 = arith.index_cast %add3A_1006 : i32 to index
        %get3A_1019 = tpu.vector_load %arg12[%get3A_1016, %get3A_1017, %get3A_1018] {strides = array<i32>} : memref<2x8x2048xf32, #tpu.memory_space<vmem>>, vector<1x1x16xf32>,
        %get3A_1020 = vector.shape_cast %get3A_1019 : vector<1x1x16xf32> to vector<16xf32>
        %sub3A_1021 = arith.subf %get3A_1013, %get3A_1020 : vector<16xf32>
        %mul3A_1022 = arith.mulf %sub3A_1021, %sub3A_1021 : vector<16xf32>
        %add3A_1023 = arith.addf %add3A_1002, %mul3A_1022 : vector<16xf32>
        %mul3A_1024 = arith.constant 128 : i32
        %mul3A_1025 = arith.muli %scan3A_918, %mul3A_1024 : i32
        %add3A_1026 = arith.constant 80 : i32
        %add3A_1027 = arith.addi %mul3A_1025, %add3A_1026 : i32
        %get3A_1028 = arith.constant 0 : i32
        %get3A_1029 = arith.constant 2 : i32
        %get3A_1030 = arith.index_cast %get3A_1028 : i32 to index
        %get3A_1031 = arith.index_cast %get3A_1029 : i32 to index
        %get3A_1032 = arith.index_cast %add3A_1027 : i32 to index
        %get3A_1033 = tpu.vector_load %arg11[%get3A_1030, %get3A_1031, %get3A_1032] {strides = array<i32>} : memref<2x8x2048xf32, #tpu.memory_space<vmem>>, vector<1x1x16xf32>,
        %get3A_1034 = vector.shape_cast %get3A_1033 : vector<1x1x16xf32> to vector<16xf32>
        %get3A_1035 = arith.constant 0 : i32
        %get3A_1036 = arith.constant 2 : i32
        %get3A_1037 = arith.index_cast %get3A_1035 : i32 to index
        %get3A_1038 = arith.index_cast %get3A_1036 : i32 to index
        %get3A_1039 = arith.index_cast %add3A_1027 : i32 to index
        %get3A_1040 = tpu.vector_load %arg12[%get3A_1037, %get3A_1038, %get3A_1039] {strides = array<i32>} : memref<2x8x2048xf32, #tpu.memory_space<vmem>>, vector<1x1x16xf32>,
        %get3A_1041 = vector.shape_cast %get3A_1040 : vector<1x1x16xf32> to vector<16xf32>
        %sub3A_1042 = arith.subf %get3A_1034, %get3A_1041 : vector<16xf32>
        %mul3A_1043 = arith.mulf %sub3A_1042, %sub3A_1042 : vector<16xf32>
        %add3A_1044 = arith.addf %add3A_1023, %mul3A_1043 : vector<16xf32>
        %mul3A_1045 = arith.constant 128 : i32
        %mul3A_1046 = arith.muli %scan3A_918, %mul3A_1045 : i32
        %add3A_1047 = arith.constant 96 : i32
        %add3A_1048 = arith.addi %mul3A_1046, %add3A_1047 : i32
        %get3A_1049 = arith.constant 0 : i32
        %get3A_1050 = arith.constant 2 : i32
        %get3A_1051 = arith.index_cast %get3A_1049 : i32 to index
        %get3A_1052 = arith.index_cast %get3A_1050 : i32 to index
        %get3A_1053 = arith.index_cast %add3A_1048 : i32 to index
        %get3A_1054 = tpu.vector_load %arg11[%get3A_1051, %get3A_1052, %get3A_1053] {strides = array<i32>} : memref<2x8x2048xf32, #tpu.memory_space<vmem>>, vector<1x1x16xf32>,
        %get3A_1055 = vector.shape_cast %get3A_1054 : vector<1x1x16xf32> to vector<16xf32>
        %get3A_1056 = arith.constant 0 : i32
        %get3A_1057 = arith.constant 2 : i32
        %get3A_1058 = arith.index_cast %get3A_1056 : i32 to index
        %get3A_1059 = arith.index_cast %get3A_1057 : i32 to index
        %get3A_1060 = arith.index_cast %add3A_1048 : i32 to index
        %get3A_1061 = tpu.vector_load %arg12[%get3A_1058, %get3A_1059, %get3A_1060] {strides = array<i32>} : memref<2x8x2048xf32, #tpu.memory_space<vmem>>, vector<1x1x16xf32>,
        %get3A_1062 = vector.shape_cast %get3A_1061 : vector<1x1x16xf32> to vector<16xf32>
        %sub3A_1063 = arith.subf %get3A_1055, %get3A_1062 : vector<16xf32>
        %mul3A_1064 = arith.mulf %sub3A_1063, %sub3A_1063 : vector<16xf32>
        %add3A_1065 = arith.addf %add3A_1044, %mul3A_1064 : vector<16xf32>
        %mul3A_1066 = arith.constant 128 : i32
        %mul3A_1067 = arith.muli %scan3A_918, %mul3A_1066 : i32
        %add3A_1068 = arith.constant 112 : i32
        %add3A_1069 = arith.addi %mul3A_1067, %add3A_1068 : i32
        %get3A_1070 = arith.constant 0 : i32
        %get3A_1071 = arith.constant 2 : i32
        %get3A_1072 = arith.index_cast %get3A_1070 : i32 to index
        %get3A_1073 = arith.index_cast %get3A_1071 : i32 to index
        %get3A_1074 = arith.index_cast %add3A_1069 : i32 to index
        %get3A_1075 = tpu.vector_load %arg11[%get3A_1072, %get3A_1073, %get3A_1074] {strides = array<i32>} : memref<2x8x2048xf32, #tpu.memory_space<vmem>>, vector<1x1x16xf32>,
        %get3A_1076 = vector.shape_cast %get3A_1075 : vector<1x1x16xf32> to vector<16xf32>
        %get3A_1077 = arith.constant 0 : i32
        %get3A_1078 = arith.constant 2 : i32
        %get3A_1079 = arith.index_cast %get3A_1077 : i32 to index
        %get3A_1080 = arith.index_cast %get3A_1078 : i32 to index
        %get3A_1081 = arith.index_cast %add3A_1069 : i32 to index
        %get3A_1082 = tpu.vector_load %arg12[%get3A_1079, %get3A_1080, %get3A_1081] {strides = array<i32>} : memref<2x8x2048xf32, #tpu.memory_space<vmem>>, vector<1x1x16xf32>,
        %get3A_1083 = vector.shape_cast %get3A_1082 : vector<1x1x16xf32> to vector<16xf32>
        %sub3A_1084 = arith.subf %get3A_1076, %get3A_1083 : vector<16xf32>
        %mul3A_1085 = arith.mulf %sub3A_1084, %sub3A_1084 : vector<16xf32>
        %add3A_1086 = arith.addf %add3A_1065, %mul3A_1085 : vector<16xf32>
        scf.yield %add3A_1086 : vector<16xf32>
      }
      %scan3A_242 = arith.constant 16 : i32
      %iota3A_243 = tpu.iota {dimensions = array<i32: 0>} : vector<16xi32>
      %xor3A_244 = arith.constant 8 : i32
      %xor3A_245 = vector.broadcast %xor3A_244 : i32 to vector<16xi32>
      %xor3A_246 = arith.xori %iota3A_243, %xor3A_245 : vector<16xi32>
      %broadcast_in_dim3A_247 = vector.shape_cast %xor3A_246 : vector<16xi32> to vector<16x1xi32>
      %gather3A_248 = vector.shape_cast %broadcast_in_dim3A_247 : vector<16x1xi32> to vector<16xi32>
      %gather3A_249 = tpu.dynamic_gather %scan3A_241[%gather3A_248] in [0] : vector<16xf32>, vector<16xi32> -> vector<16xf32>
      %add3A_250 = arith.addf %scan3A_241, %gather3A_249 : vector<16xf32>
      %xor3A_251 = arith.constant 4 : i32
      %xor3A_252 = vector.broadcast %xor3A_251 : i32 to vector<16xi32>
      %xor3A_253 = arith.xori %iota3A_243, %xor3A_252 : vector<16xi32>
      %broadcast_in_dim3A_254 = vector.shape_cast %xor3A_253 : vector<16xi32> to vector<16x1xi32>
      %gather3A_255 = vector.shape_cast %broadcast_in_dim3A_254 : vector<16x1xi32> to vector<16xi32>
      %gather3A_256 = tpu.dynamic_gather %add3A_250[%gather3A_255] in [0] : vector<16xf32>, vector<16xi32> -> vector<16xf32>
      %add3A_257 = arith.addf %add3A_250, %gather3A_256 : vector<16xf32>
      %xor3A_258 = arith.constant 2 : i32
      %xor3A_259 = vector.broadcast %xor3A_258 : i32 to vector<16xi32>
      %xor3A_260 = arith.xori %iota3A_243, %xor3A_259 : vector<16xi32>
      %broadcast_in_dim3A_261 = vector.shape_cast %xor3A_260 : vector<16xi32> to vector<16x1xi32>
      %gather3A_262 = vector.shape_cast %broadcast_in_dim3A_261 : vector<16x1xi32> to vector<16xi32>
      %gather3A_263 = tpu.dynamic_gather %add3A_257[%gather3A_262] in [0] : vector<16xf32>, vector<16xi32> -> vector<16xf32>
      %add3A_264 = arith.addf %add3A_257, %gather3A_263 : vector<16xf32>
      %xor3A_265 = arith.constant 1 : i32
      %xor3A_266 = vector.broadcast %xor3A_265 : i32 to vector<16xi32>
      %xor3A_267 = arith.xori %iota3A_243, %xor3A_266 : vector<16xi32>
      %broadcast_in_dim3A_268 = vector.shape_cast %xor3A_267 : vector<16xi32> to vector<16x1xi32>
      %gather3A_269 = vector.shape_cast %broadcast_in_dim3A_268 : vector<16x1xi32> to vector<16xi32>
      %gather3A_270 = tpu.dynamic_gather %add3A_264[%gather3A_269] in [0] : vector<16xf32>, vector<16xi32> -> vector<16xf32>
      %add3A_271 = arith.addf %add3A_264, %gather3A_270 : vector<16xf32>
      %eq3A_272 = arith.constant 2 : i32
      %eq3A_273 = vector.broadcast %eq3A_272 : i32 to vector<16xi32>
      %eq3A_274 = arith.cmpi eq, %iota3A_243, %eq3A_273 : vector<16xi32>
      %select_n3A_275 = arith.select %eq3A_274, %add3A_271, %select_n3A_234 : vector<16xi1>, vector<16xf32>
      %broadcast_in_dim3A_276 = arith.constant 0.000000e+00 : f32
      %broadcast_in_dim3A_277 = vector.broadcast %broadcast_in_dim3A_276 : f32 to vector<16xf32>
      %scan3A_278 = arith.constant 0 : i32
      %scan3A_279 = arith.constant 16 : i32
      %scan3A_280 = arith.addi %scan3A_278, %scan3A_279 : i32
      %scan3A_281 = arith.constant 1 : i32
      %scan3A_282 = scf.for %scan3A_918 = %scan3A_278 to %scan3A_280 step %scan3A_281 iter_args(%scan3A_919 = %broadcast_in_dim3A_277) -> (vector<16xf32>)  : i32 {
        %mul3A_920 = arith.constant 128 : i32
        %mul3A_921 = arith.muli %scan3A_918, %mul3A_920 : i32
        %add3A_922 = arith.constant 0 : i32
        %add3A_923 = arith.addi %mul3A_921, %add3A_922 : i32
        %get3A_924 = arith.constant 0 : i32
        %get3A_925 = arith.constant 3 : i32
        %get3A_926 = arith.index_cast %get3A_924 : i32 to index
        %get3A_927 = arith.index_cast %get3A_925 : i32 to index
        %get3A_928 = arith.index_cast %add3A_923 : i32 to index
        %get3A_929 = tpu.vector_load %arg11[%get3A_926, %get3A_927, %get3A_928] {strides = array<i32>} : memref<2x8x2048xf32, #tpu.memory_space<vmem>>, vector<1x1x16xf32>,
        %get3A_930 = vector.shape_cast %get3A_929 : vector<1x1x16xf32> to vector<16xf32>
        %get3A_931 = arith.constant 0 : i32
        %get3A_932 = arith.constant 3 : i32
        %get3A_933 = arith.index_cast %get3A_931 : i32 to index
        %get3A_934 = arith.index_cast %get3A_932 : i32 to index
        %get3A_935 = arith.index_cast %add3A_923 : i32 to index
        %get3A_936 = tpu.vector_load %arg12[%get3A_933, %get3A_934, %get3A_935] {strides = array<i32>} : memref<2x8x2048xf32, #tpu.memory_space<vmem>>, vector<1x1x16xf32>,
        %get3A_937 = vector.shape_cast %get3A_936 : vector<1x1x16xf32> to vector<16xf32>
        %sub3A = arith.subf %get3A_930, %get3A_937 : vector<16xf32>
        %mul3A_938 = arith.mulf %sub3A, %sub3A : vector<16xf32>
        %add3A_939 = arith.addf %scan3A_919, %mul3A_938 : vector<16xf32>
        %mul3A_940 = arith.constant 128 : i32
        %mul3A_941 = arith.muli %scan3A_918, %mul3A_940 : i32
        %add3A_942 = arith.constant 16 : i32
        %add3A_943 = arith.addi %mul3A_941, %add3A_942 : i32
        %get3A_944 = arith.constant 0 : i32
        %get3A_945 = arith.constant 3 : i32
        %get3A_946 = arith.index_cast %get3A_944 : i32 to index
        %get3A_947 = arith.index_cast %get3A_945 : i32 to index
        %get3A_948 = arith.index_cast %add3A_943 : i32 to index
        %get3A_949 = tpu.vector_load %arg11[%get3A_946, %get3A_947, %get3A_948] {strides = array<i32>} : memref<2x8x2048xf32, #tpu.memory_space<vmem>>, vector<1x1x16xf32>,
        %get3A_950 = vector.shape_cast %get3A_949 : vector<1x1x16xf32> to vector<16xf32>
        %get3A_951 = arith.constant 0 : i32
        %get3A_952 = arith.constant 3 : i32
        %get3A_953 = arith.index_cast %get3A_951 : i32 to index
        %get3A_954 = arith.index_cast %get3A_952 : i32 to index
        %get3A_955 = arith.index_cast %add3A_943 : i32 to index
        %get3A_956 = tpu.vector_load %arg12[%get3A_953, %get3A_954, %get3A_955] {strides = array<i32>} : memref<2x8x2048xf32, #tpu.memory_space<vmem>>, vector<1x1x16xf32>,
        %get3A_957 = vector.shape_cast %get3A_956 : vector<1x1x16xf32> to vector<16xf32>
        %sub3A_958 = arith.subf %get3A_950, %get3A_957 : vector<16xf32>
        %mul3A_959 = arith.mulf %sub3A_958, %sub3A_958 : vector<16xf32>
        %add3A_960 = arith.addf %add3A_939, %mul3A_959 : vector<16xf32>
        %mul3A_961 = arith.constant 128 : i32
        %mul3A_962 = arith.muli %scan3A_918, %mul3A_961 : i32
        %add3A_963 = arith.constant 32 : i32
        %add3A_964 = arith.addi %mul3A_962, %add3A_963 : i32
        %get3A_965 = arith.constant 0 : i32
        %get3A_966 = arith.constant 3 : i32
        %get3A_967 = arith.index_cast %get3A_965 : i32 to index
        %get3A_968 = arith.index_cast %get3A_966 : i32 to index
        %get3A_969 = arith.index_cast %add3A_964 : i32 to index
        %get3A_970 = tpu.vector_load %arg11[%get3A_967, %get3A_968, %get3A_969] {strides = array<i32>} : memref<2x8x2048xf32, #tpu.memory_space<vmem>>, vector<1x1x16xf32>,
        %get3A_971 = vector.shape_cast %get3A_970 : vector<1x1x16xf32> to vector<16xf32>
        %get3A_972 = arith.constant 0 : i32
        %get3A_973 = arith.constant 3 : i32
        %get3A_974 = arith.index_cast %get3A_972 : i32 to index
        %get3A_975 = arith.index_cast %get3A_973 : i32 to index
        %get3A_976 = arith.index_cast %add3A_964 : i32 to index
        %get3A_977 = tpu.vector_load %arg12[%get3A_974, %get3A_975, %get3A_976] {strides = array<i32>} : memref<2x8x2048xf32, #tpu.memory_space<vmem>>, vector<1x1x16xf32>,
        %get3A_978 = vector.shape_cast %get3A_977 : vector<1x1x16xf32> to vector<16xf32>
        %sub3A_979 = arith.subf %get3A_971, %get3A_978 : vector<16xf32>
        %mul3A_980 = arith.mulf %sub3A_979, %sub3A_979 : vector<16xf32>
        %add3A_981 = arith.addf %add3A_960, %mul3A_980 : vector<16xf32>
        %mul3A_982 = arith.constant 128 : i32
        %mul3A_983 = arith.muli %scan3A_918, %mul3A_982 : i32
        %add3A_984 = arith.constant 48 : i32
        %add3A_985 = arith.addi %mul3A_983, %add3A_984 : i32
        %get3A_986 = arith.constant 0 : i32
        %get3A_987 = arith.constant 3 : i32
        %get3A_988 = arith.index_cast %get3A_986 : i32 to index
        %get3A_989 = arith.index_cast %get3A_987 : i32 to index
        %get3A_990 = arith.index_cast %add3A_985 : i32 to index
        %get3A_991 = tpu.vector_load %arg11[%get3A_988, %get3A_989, %get3A_990] {strides = array<i32>} : memref<2x8x2048xf32, #tpu.memory_space<vmem>>, vector<1x1x16xf32>,
        %get3A_992 = vector.shape_cast %get3A_991 : vector<1x1x16xf32> to vector<16xf32>
        %get3A_993 = arith.constant 0 : i32
        %get3A_994 = arith.constant 3 : i32
        %get3A_995 = arith.index_cast %get3A_993 : i32 to index
        %get3A_996 = arith.index_cast %get3A_994 : i32 to index
        %get3A_997 = arith.index_cast %add3A_985 : i32 to index
        %get3A_998 = tpu.vector_load %arg12[%get3A_995, %get3A_996, %get3A_997] {strides = array<i32>} : memref<2x8x2048xf32, #tpu.memory_space<vmem>>, vector<1x1x16xf32>,
        %get3A_999 = vector.shape_cast %get3A_998 : vector<1x1x16xf32> to vector<16xf32>
        %sub3A_1000 = arith.subf %get3A_992, %get3A_999 : vector<16xf32>
        %mul3A_1001 = arith.mulf %sub3A_1000, %sub3A_1000 : vector<16xf32>
        %add3A_1002 = arith.addf %add3A_981, %mul3A_1001 : vector<16xf32>
        %mul3A_1003 = arith.constant 128 : i32
        %mul3A_1004 = arith.muli %scan3A_918, %mul3A_1003 : i32
        %add3A_1005 = arith.constant 64 : i32
        %add3A_1006 = arith.addi %mul3A_1004, %add3A_1005 : i32
        %get3A_1007 = arith.constant 0 : i32
        %get3A_1008 = arith.constant 3 : i32
        %get3A_1009 = arith.index_cast %get3A_1007 : i32 to index
        %get3A_1010 = arith.index_cast %get3A_1008 : i32 to index
        %get3A_1011 = arith.index_cast %add3A_1006 : i32 to index
        %get3A_1012 = tpu.vector_load %arg11[%get3A_1009, %get3A_1010, %get3A_1011] {strides = array<i32>} : memref<2x8x2048xf32, #tpu.memory_space<vmem>>, vector<1x1x16xf32>,
        %get3A_1013 = vector.shape_cast %get3A_1012 : vector<1x1x16xf32> to vector<16xf32>
        %get3A_1014 = arith.constant 0 : i32
        %get3A_1015 = arith.constant 3 : i32
        %get3A_1016 = arith.index_cast %get3A_1014 : i32 to index
        %get3A_1017 = arith.index_cast %get3A_1015 : i32 to index
        %get3A_1018 = arith.index_cast %add3A_1006 : i32 to index
        %get3A_1019 = tpu.vector_load %arg12[%get3A_1016, %get3A_1017, %get3A_1018] {strides = array<i32>} : memref<2x8x2048xf32, #tpu.memory_space<vmem>>, vector<1x1x16xf32>,
        %get3A_1020 = vector.shape_cast %get3A_1019 : vector<1x1x16xf32> to vector<16xf32>
        %sub3A_1021 = arith.subf %get3A_1013, %get3A_1020 : vector<16xf32>
        %mul3A_1022 = arith.mulf %sub3A_1021, %sub3A_1021 : vector<16xf32>
        %add3A_1023 = arith.addf %add3A_1002, %mul3A_1022 : vector<16xf32>
        %mul3A_1024 = arith.constant 128 : i32
        %mul3A_1025 = arith.muli %scan3A_918, %mul3A_1024 : i32
        %add3A_1026 = arith.constant 80 : i32
        %add3A_1027 = arith.addi %mul3A_1025, %add3A_1026 : i32
        %get3A_1028 = arith.constant 0 : i32
        %get3A_1029 = arith.constant 3 : i32
        %get3A_1030 = arith.index_cast %get3A_1028 : i32 to index
        %get3A_1031 = arith.index_cast %get3A_1029 : i32 to index
        %get3A_1032 = arith.index_cast %add3A_1027 : i32 to index
        %get3A_1033 = tpu.vector_load %arg11[%get3A_1030, %get3A_1031, %get3A_1032] {strides = array<i32>} : memref<2x8x2048xf32, #tpu.memory_space<vmem>>, vector<1x1x16xf32>,
        %get3A_1034 = vector.shape_cast %get3A_1033 : vector<1x1x16xf32> to vector<16xf32>
        %get3A_1035 = arith.constant 0 : i32
        %get3A_1036 = arith.constant 3 : i32
        %get3A_1037 = arith.index_cast %get3A_1035 : i32 to index
        %get3A_1038 = arith.index_cast %get3A_1036 : i32 to index
        %get3A_1039 = arith.index_cast %add3A_1027 : i32 to index
        %get3A_1040 = tpu.vector_load %arg12[%get3A_1037, %get3A_1038, %get3A_1039] {strides = array<i32>} : memref<2x8x2048xf32, #tpu.memory_space<vmem>>, vector<1x1x16xf32>,
        %get3A_1041 = vector.shape_cast %get3A_1040 : vector<1x1x16xf32> to vector<16xf32>
        %sub3A_1042 = arith.subf %get3A_1034, %get3A_1041 : vector<16xf32>
        %mul3A_1043 = arith.mulf %sub3A_1042, %sub3A_1042 : vector<16xf32>
        %add3A_1044 = arith.addf %add3A_1023, %mul3A_1043 : vector<16xf32>
        %mul3A_1045 = arith.constant 128 : i32
        %mul3A_1046 = arith.muli %scan3A_918, %mul3A_1045 : i32
        %add3A_1047 = arith.constant 96 : i32
        %add3A_1048 = arith.addi %mul3A_1046, %add3A_1047 : i32
        %get3A_1049 = arith.constant 0 : i32
        %get3A_1050 = arith.constant 3 : i32
        %get3A_1051 = arith.index_cast %get3A_1049 : i32 to index
        %get3A_1052 = arith.index_cast %get3A_1050 : i32 to index
        %get3A_1053 = arith.index_cast %add3A_1048 : i32 to index
        %get3A_1054 = tpu.vector_load %arg11[%get3A_1051, %get3A_1052, %get3A_1053] {strides = array<i32>} : memref<2x8x2048xf32, #tpu.memory_space<vmem>>, vector<1x1x16xf32>,
        %get3A_1055 = vector.shape_cast %get3A_1054 : vector<1x1x16xf32> to vector<16xf32>
        %get3A_1056 = arith.constant 0 : i32
        %get3A_1057 = arith.constant 3 : i32
        %get3A_1058 = arith.index_cast %get3A_1056 : i32 to index
        %get3A_1059 = arith.index_cast %get3A_1057 : i32 to index
        %get3A_1060 = arith.index_cast %add3A_1048 : i32 to index
        %get3A_1061 = tpu.vector_load %arg12[%get3A_1058, %get3A_1059, %get3A_1060] {strides = array<i32>} : memref<2x8x2048xf32, #tpu.memory_space<vmem>>, vector<1x1x16xf32>,
        %get3A_1062 = vector.shape_cast %get3A_1061 : vector<1x1x16xf32> to vector<16xf32>
        %sub3A_1063 = arith.subf %get3A_1055, %get3A_1062 : vector<16xf32>
        %mul3A_1064 = arith.mulf %sub3A_1063, %sub3A_1063 : vector<16xf32>
        %add3A_1065 = arith.addf %add3A_1044, %mul3A_1064 : vector<16xf32>
        %mul3A_1066 = arith.constant 128 : i32
        %mul3A_1067 = arith.muli %scan3A_918, %mul3A_1066 : i32
        %add3A_1068 = arith.constant 112 : i32
        %add3A_1069 = arith.addi %mul3A_1067, %add3A_1068 : i32
        %get3A_1070 = arith.constant 0 : i32
        %get3A_1071 = arith.constant 3 : i32
        %get3A_1072 = arith.index_cast %get3A_1070 : i32 to index
        %get3A_1073 = arith.index_cast %get3A_1071 : i32 to index
        %get3A_1074 = arith.index_cast %add3A_1069 : i32 to index
        %get3A_1075 = tpu.vector_load %arg11[%get3A_1072, %get3A_1073, %get3A_1074] {strides = array<i32>} : memref<2x8x2048xf32, #tpu.memory_space<vmem>>, vector<1x1x16xf32>,
        %get3A_1076 = vector.shape_cast %get3A_1075 : vector<1x1x16xf32> to vector<16xf32>
        %get3A_1077 = arith.constant 0 : i32
        %get3A_1078 = arith.constant 3 : i32
        %get3A_1079 = arith.index_cast %get3A_1077 : i32 to index
        %get3A_1080 = arith.index_cast %get3A_1078 : i32 to index
        %get3A_1081 = arith.index_cast %add3A_1069 : i32 to index
        %get3A_1082 = tpu.vector_load %arg12[%get3A_1079, %get3A_1080, %get3A_1081] {strides = array<i32>} : memref<2x8x2048xf32, #tpu.memory_space<vmem>>, vector<1x1x16xf32>,
        %get3A_1083 = vector.shape_cast %get3A_1082 : vector<1x1x16xf32> to vector<16xf32>
        %sub3A_1084 = arith.subf %get3A_1076, %get3A_1083 : vector<16xf32>
        %mul3A_1085 = arith.mulf %sub3A_1084, %sub3A_1084 : vector<16xf32>
        %add3A_1086 = arith.addf %add3A_1065, %mul3A_1085 : vector<16xf32>
        scf.yield %add3A_1086 : vector<16xf32>
      }
      %scan3A_283 = arith.constant 16 : i32
      %iota3A_284 = tpu.iota {dimensions = array<i32: 0>} : vector<16xi32>
      %xor3A_285 = arith.constant 8 : i32
      %xor3A_286 = vector.broadcast %xor3A_285 : i32 to vector<16xi32>
      %xor3A_287 = arith.xori %iota3A_284, %xor3A_286 : vector<16xi32>
      %broadcast_in_dim3A_288 = vector.shape_cast %xor3A_287 : vector<16xi32> to vector<16x1xi32>
      %gather3A_289 = vector.shape_cast %broadcast_in_dim3A_288 : vector<16x1xi32> to vector<16xi32>
      %gather3A_290 = tpu.dynamic_gather %scan3A_282[%gather3A_289] in [0] : vector<16xf32>, vector<16xi32> -> vector<16xf32>
      %add3A_291 = arith.addf %scan3A_282, %gather3A_290 : vector<16xf32>
      %xor3A_292 = arith.constant 4 : i32
      %xor3A_293 = vector.broadcast %xor3A_292 : i32 to vector<16xi32>
      %xor3A_294 = arith.xori %iota3A_284, %xor3A_293 : vector<16xi32>
      %broadcast_in_dim3A_295 = vector.shape_cast %xor3A_294 : vector<16xi32> to vector<16x1xi32>
      %gather3A_296 = vector.shape_cast %broadcast_in_dim3A_295 : vector<16x1xi32> to vector<16xi32>
      %gather3A_297 = tpu.dynamic_gather %add3A_291[%gather3A_296] in [0] : vector<16xf32>, vector<16xi32> -> vector<16xf32>
      %add3A_298 = arith.addf %add3A_291, %gather3A_297 : vector<16xf32>
      %xor3A_299 = arith.constant 2 : i32
      %xor3A_300 = vector.broadcast %xor3A_299 : i32 to vector<16xi32>
      %xor3A_301 = arith.xori %iota3A_284, %xor3A_300 : vector<16xi32>
      %broadcast_in_dim3A_302 = vector.shape_cast %xor3A_301 : vector<16xi32> to vector<16x1xi32>
      %gather3A_303 = vector.shape_cast %broadcast_in_dim3A_302 : vector<16x1xi32> to vector<16xi32>
      %gather3A_304 = tpu.dynamic_gather %add3A_298[%gather3A_303] in [0] : vector<16xf32>, vector<16xi32> -> vector<16xf32>
      %add3A_305 = arith.addf %add3A_298, %gather3A_304 : vector<16xf32>
      %xor3A_306 = arith.constant 1 : i32
      %xor3A_307 = vector.broadcast %xor3A_306 : i32 to vector<16xi32>
      %xor3A_308 = arith.xori %iota3A_284, %xor3A_307 : vector<16xi32>
      %broadcast_in_dim3A_309 = vector.shape_cast %xor3A_308 : vector<16xi32> to vector<16x1xi32>
      %gather3A_310 = vector.shape_cast %broadcast_in_dim3A_309 : vector<16x1xi32> to vector<16xi32>
      %gather3A_311 = tpu.dynamic_gather %add3A_305[%gather3A_310] in [0] : vector<16xf32>, vector<16xi32> -> vector<16xf32>
      %add3A_312 = arith.addf %add3A_305, %gather3A_311 : vector<16xf32>
      %eq3A_313 = arith.constant 3 : i32
      %eq3A_314 = vector.broadcast %eq3A_313 : i32 to vector<16xi32>
      %eq3A_315 = arith.cmpi eq, %iota3A_284, %eq3A_314 : vector<16xi32>
      %select_n3A_316 = arith.select %eq3A_315, %add3A_312, %select_n3A_275 : vector<16xi1>, vector<16xf32>
      %broadcast_in_dim3A_317 = arith.constant 0.000000e+00 : f32
      %broadcast_in_dim3A_318 = vector.broadcast %broadcast_in_dim3A_317 : f32 to vector<16xf32>
      %scan3A_319 = arith.constant 0 : i32
      %scan3A_320 = arith.constant 16 : i32
      %scan3A_321 = arith.addi %scan3A_319, %scan3A_320 : i32
      %scan3A_322 = arith.constant 1 : i32
      %scan3A_323 = scf.for %scan3A_918 = %scan3A_319 to %scan3A_321 step %scan3A_322 iter_args(%scan3A_919 = %broadcast_in_dim3A_318) -> (vector<16xf32>)  : i32 {
        %mul3A_920 = arith.constant 128 : i32
        %mul3A_921 = arith.muli %scan3A_918, %mul3A_920 : i32
        %add3A_922 = arith.constant 0 : i32
        %add3A_923 = arith.addi %mul3A_921, %add3A_922 : i32
        %get3A_924 = arith.constant 0 : i32
        %get3A_925 = arith.constant 4 : i32
        %get3A_926 = arith.index_cast %get3A_924 : i32 to index
        %get3A_927 = arith.index_cast %get3A_925 : i32 to index
        %get3A_928 = arith.index_cast %add3A_923 : i32 to index
        %get3A_929 = tpu.vector_load %arg11[%get3A_926, %get3A_927, %get3A_928] {strides = array<i32>} : memref<2x8x2048xf32, #tpu.memory_space<vmem>>, vector<1x1x16xf32>,
        %get3A_930 = vector.shape_cast %get3A_929 : vector<1x1x16xf32> to vector<16xf32>
        %get3A_931 = arith.constant 0 : i32
        %get3A_932 = arith.constant 4 : i32
        %get3A_933 = arith.index_cast %get3A_931 : i32 to index
        %get3A_934 = arith.index_cast %get3A_932 : i32 to index
        %get3A_935 = arith.index_cast %add3A_923 : i32 to index
        %get3A_936 = tpu.vector_load %arg12[%get3A_933, %get3A_934, %get3A_935] {strides = array<i32>} : memref<2x8x2048xf32, #tpu.memory_space<vmem>>, vector<1x1x16xf32>,
        %get3A_937 = vector.shape_cast %get3A_936 : vector<1x1x16xf32> to vector<16xf32>
        %sub3A = arith.subf %get3A_930, %get3A_937 : vector<16xf32>
        %mul3A_938 = arith.mulf %sub3A, %sub3A : vector<16xf32>
        %add3A_939 = arith.addf %scan3A_919, %mul3A_938 : vector<16xf32>
        %mul3A_940 = arith.constant 128 : i32
        %mul3A_941 = arith.muli %scan3A_918, %mul3A_940 : i32
        %add3A_942 = arith.constant 16 : i32
        %add3A_943 = arith.addi %mul3A_941, %add3A_942 : i32
        %get3A_944 = arith.constant 0 : i32
        %get3A_945 = arith.constant 4 : i32
        %get3A_946 = arith.index_cast %get3A_944 : i32 to index
        %get3A_947 = arith.index_cast %get3A_945 : i32 to index
        %get3A_948 = arith.index_cast %add3A_943 : i32 to index
        %get3A_949 = tpu.vector_load %arg11[%get3A_946, %get3A_947, %get3A_948] {strides = array<i32>} : memref<2x8x2048xf32, #tpu.memory_space<vmem>>, vector<1x1x16xf32>,
        %get3A_950 = vector.shape_cast %get3A_949 : vector<1x1x16xf32> to vector<16xf32>
        %get3A_951 = arith.constant 0 : i32
        %get3A_952 = arith.constant 4 : i32
        %get3A_953 = arith.index_cast %get3A_951 : i32 to index
        %get3A_954 = arith.index_cast %get3A_952 : i32 to index
        %get3A_955 = arith.index_cast %add3A_943 : i32 to index
        %get3A_956 = tpu.vector_load %arg12[%get3A_953, %get3A_954, %get3A_955] {strides = array<i32>} : memref<2x8x2048xf32, #tpu.memory_space<vmem>>, vector<1x1x16xf32>,
        %get3A_957 = vector.shape_cast %get3A_956 : vector<1x1x16xf32> to vector<16xf32>
        %sub3A_958 = arith.subf %get3A_950, %get3A_957 : vector<16xf32>
        %mul3A_959 = arith.mulf %sub3A_958, %sub3A_958 : vector<16xf32>
        %add3A_960 = arith.addf %add3A_939, %mul3A_959 : vector<16xf32>
        %mul3A_961 = arith.constant 128 : i32
        %mul3A_962 = arith.muli %scan3A_918, %mul3A_961 : i32
        %add3A_963 = arith.constant 32 : i32
        %add3A_964 = arith.addi %mul3A_962, %add3A_963 : i32
        %get3A_965 = arith.constant 0 : i32
        %get3A_966 = arith.constant 4 : i32
        %get3A_967 = arith.index_cast %get3A_965 : i32 to index
        %get3A_968 = arith.index_cast %get3A_966 : i32 to index
        %get3A_969 = arith.index_cast %add3A_964 : i32 to index
        %get3A_970 = tpu.vector_load %arg11[%get3A_967, %get3A_968, %get3A_969] {strides = array<i32>} : memref<2x8x2048xf32, #tpu.memory_space<vmem>>, vector<1x1x16xf32>,
        %get3A_971 = vector.shape_cast %get3A_970 : vector<1x1x16xf32> to vector<16xf32>
        %get3A_972 = arith.constant 0 : i32
        %get3A_973 = arith.constant 4 : i32
        %get3A_974 = arith.index_cast %get3A_972 : i32 to index
        %get3A_975 = arith.index_cast %get3A_973 : i32 to index
        %get3A_976 = arith.index_cast %add3A_964 : i32 to index
        %get3A_977 = tpu.vector_load %arg12[%get3A_974, %get3A_975, %get3A_976] {strides = array<i32>} : memref<2x8x2048xf32, #tpu.memory_space<vmem>>, vector<1x1x16xf32>,
        %get3A_978 = vector.shape_cast %get3A_977 : vector<1x1x16xf32> to vector<16xf32>
        %sub3A_979 = arith.subf %get3A_971, %get3A_978 : vector<16xf32>
        %mul3A_980 = arith.mulf %sub3A_979, %sub3A_979 : vector<16xf32>
        %add3A_981 = arith.addf %add3A_960, %mul3A_980 : vector<16xf32>
        %mul3A_982 = arith.constant 128 : i32
        %mul3A_983 = arith.muli %scan3A_918, %mul3A_982 : i32
        %add3A_984 = arith.constant 48 : i32
        %add3A_985 = arith.addi %mul3A_983, %add3A_984 : i32
        %get3A_986 = arith.constant 0 : i32
        %get3A_987 = arith.constant 4 : i32
        %get3A_988 = arith.index_cast %get3A_986 : i32 to index
        %get3A_989 = arith.index_cast %get3A_987 : i32 to index
        %get3A_990 = arith.index_cast %add3A_985 : i32 to index
        %get3A_991 = tpu.vector_load %arg11[%get3A_988, %get3A_989, %get3A_990] {strides = array<i32>} : memref<2x8x2048xf32, #tpu.memory_space<vmem>>, vector<1x1x16xf32>,
        %get3A_992 = vector.shape_cast %get3A_991 : vector<1x1x16xf32> to vector<16xf32>
        %get3A_993 = arith.constant 0 : i32
        %get3A_994 = arith.constant 4 : i32
        %get3A_995 = arith.index_cast %get3A_993 : i32 to index
        %get3A_996 = arith.index_cast %get3A_994 : i32 to index
        %get3A_997 = arith.index_cast %add3A_985 : i32 to index
        %get3A_998 = tpu.vector_load %arg12[%get3A_995, %get3A_996, %get3A_997] {strides = array<i32>} : memref<2x8x2048xf32, #tpu.memory_space<vmem>>, vector<1x1x16xf32>,
        %get3A_999 = vector.shape_cast %get3A_998 : vector<1x1x16xf32> to vector<16xf32>
        %sub3A_1000 = arith.subf %get3A_992, %get3A_999 : vector<16xf32>
        %mul3A_1001 = arith.mulf %sub3A_1000, %sub3A_1000 : vector<16xf32>
        %add3A_1002 = arith.addf %add3A_981, %mul3A_1001 : vector<16xf32>
        %mul3A_1003 = arith.constant 128 : i32
        %mul3A_1004 = arith.muli %scan3A_918, %mul3A_1003 : i32
        %add3A_1005 = arith.constant 64 : i32
        %add3A_1006 = arith.addi %mul3A_1004, %add3A_1005 : i32
        %get3A_1007 = arith.constant 0 : i32
        %get3A_1008 = arith.constant 4 : i32
        %get3A_1009 = arith.index_cast %get3A_1007 : i32 to index
        %get3A_1010 = arith.index_cast %get3A_1008 : i32 to index
        %get3A_1011 = arith.index_cast %add3A_1006 : i32 to index
        %get3A_1012 = tpu.vector_load %arg11[%get3A_1009, %get3A_1010, %get3A_1011] {strides = array<i32>} : memref<2x8x2048xf32, #tpu.memory_space<vmem>>, vector<1x1x16xf32>,
        %get3A_1013 = vector.shape_cast %get3A_1012 : vector<1x1x16xf32> to vector<16xf32>
        %get3A_1014 = arith.constant 0 : i32
        %get3A_1015 = arith.constant 4 : i32
        %get3A_1016 = arith.index_cast %get3A_1014 : i32 to index
        %get3A_1017 = arith.index_cast %get3A_1015 : i32 to index
        %get3A_1018 = arith.index_cast %add3A_1006 : i32 to index
        %get3A_1019 = tpu.vector_load %arg12[%get3A_1016, %get3A_1017, %get3A_1018] {strides = array<i32>} : memref<2x8x2048xf32, #tpu.memory_space<vmem>>, vector<1x1x16xf32>,
        %get3A_1020 = vector.shape_cast %get3A_1019 : vector<1x1x16xf32> to vector<16xf32>
        %sub3A_1021 = arith.subf %get3A_1013, %get3A_1020 : vector<16xf32>
        %mul3A_1022 = arith.mulf %sub3A_1021, %sub3A_1021 : vector<16xf32>
        %add3A_1023 = arith.addf %add3A_1002, %mul3A_1022 : vector<16xf32>
        %mul3A_1024 = arith.constant 128 : i32
        %mul3A_1025 = arith.muli %scan3A_918, %mul3A_1024 : i32
        %add3A_1026 = arith.constant 80 : i32
        %add3A_1027 = arith.addi %mul3A_1025, %add3A_1026 : i32
        %get3A_1028 = arith.constant 0 : i32
        %get3A_1029 = arith.constant 4 : i32
        %get3A_1030 = arith.index_cast %get3A_1028 : i32 to index
        %get3A_1031 = arith.index_cast %get3A_1029 : i32 to index
        %get3A_1032 = arith.index_cast %add3A_1027 : i32 to index
        %get3A_1033 = tpu.vector_load %arg11[%get3A_1030, %get3A_1031, %get3A_1032] {strides = array<i32>} : memref<2x8x2048xf32, #tpu.memory_space<vmem>>, vector<1x1x16xf32>,
        %get3A_1034 = vector.shape_cast %get3A_1033 : vector<1x1x16xf32> to vector<16xf32>
        %get3A_1035 = arith.constant 0 : i32
        %get3A_1036 = arith.constant 4 : i32
        %get3A_1037 = arith.index_cast %get3A_1035 : i32 to index
        %get3A_1038 = arith.index_cast %get3A_1036 : i32 to index
        %get3A_1039 = arith.index_cast %add3A_1027 : i32 to index
        %get3A_1040 = tpu.vector_load %arg12[%get3A_1037, %get3A_1038, %get3A_1039] {strides = array<i32>} : memref<2x8x2048xf32, #tpu.memory_space<vmem>>, vector<1x1x16xf32>,
        %get3A_1041 = vector.shape_cast %get3A_1040 : vector<1x1x16xf32> to vector<16xf32>
        %sub3A_1042 = arith.subf %get3A_1034, %get3A_1041 : vector<16xf32>
        %mul3A_1043 = arith.mulf %sub3A_1042, %sub3A_1042 : vector<16xf32>
        %add3A_1044 = arith.addf %add3A_1023, %mul3A_1043 : vector<16xf32>
        %mul3A_1045 = arith.constant 128 : i32
        %mul3A_1046 = arith.muli %scan3A_918, %mul3A_1045 : i32
        %add3A_1047 = arith.constant 96 : i32
        %add3A_1048 = arith.addi %mul3A_1046, %add3A_1047 : i32
        %get3A_1049 = arith.constant 0 : i32
        %get3A_1050 = arith.constant 4 : i32
        %get3A_1051 = arith.index_cast %get3A_1049 : i32 to index
        %get3A_1052 = arith.index_cast %get3A_1050 : i32 to index
        %get3A_1053 = arith.index_cast %add3A_1048 : i32 to index
        %get3A_1054 = tpu.vector_load %arg11[%get3A_1051, %get3A_1052, %get3A_1053] {strides = array<i32>} : memref<2x8x2048xf32, #tpu.memory_space<vmem>>, vector<1x1x16xf32>,
        %get3A_1055 = vector.shape_cast %get3A_1054 : vector<1x1x16xf32> to vector<16xf32>
        %get3A_1056 = arith.constant 0 : i32
        %get3A_1057 = arith.constant 4 : i32
        %get3A_1058 = arith.index_cast %get3A_1056 : i32 to index
        %get3A_1059 = arith.index_cast %get3A_1057 : i32 to index
        %get3A_1060 = arith.index_cast %add3A_1048 : i32 to index
        %get3A_1061 = tpu.vector_load %arg12[%get3A_1058, %get3A_1059, %get3A_1060] {strides = array<i32>} : memref<2x8x2048xf32, #tpu.memory_space<vmem>>, vector<1x1x16xf32>,
        %get3A_1062 = vector.shape_cast %get3A_1061 : vector<1x1x16xf32> to vector<16xf32>
        %sub3A_1063 = arith.subf %get3A_1055, %get3A_1062 : vector<16xf32>
        %mul3A_1064 = arith.mulf %sub3A_1063, %sub3A_1063 : vector<16xf32>
        %add3A_1065 = arith.addf %add3A_1044, %mul3A_1064 : vector<16xf32>
        %mul3A_1066 = arith.constant 128 : i32
        %mul3A_1067 = arith.muli %scan3A_918, %mul3A_1066 : i32
        %add3A_1068 = arith.constant 112 : i32
        %add3A_1069 = arith.addi %mul3A_1067, %add3A_1068 : i32
        %get3A_1070 = arith.constant 0 : i32
        %get3A_1071 = arith.constant 4 : i32
        %get3A_1072 = arith.index_cast %get3A_1070 : i32 to index
        %get3A_1073 = arith.index_cast %get3A_1071 : i32 to index
        %get3A_1074 = arith.index_cast %add3A_1069 : i32 to index
        %get3A_1075 = tpu.vector_load %arg11[%get3A_1072, %get3A_1073, %get3A_1074] {strides = array<i32>} : memref<2x8x2048xf32, #tpu.memory_space<vmem>>, vector<1x1x16xf32>,
        %get3A_1076 = vector.shape_cast %get3A_1075 : vector<1x1x16xf32> to vector<16xf32>
        %get3A_1077 = arith.constant 0 : i32
        %get3A_1078 = arith.constant 4 : i32
        %get3A_1079 = arith.index_cast %get3A_1077 : i32 to index
        %get3A_1080 = arith.index_cast %get3A_1078 : i32 to index
        %get3A_1081 = arith.index_cast %add3A_1069 : i32 to index
        %get3A_1082 = tpu.vector_load %arg12[%get3A_1079, %get3A_1080, %get3A_1081] {strides = array<i32>} : memref<2x8x2048xf32, #tpu.memory_space<vmem>>, vector<1x1x16xf32>,
        %get3A_1083 = vector.shape_cast %get3A_1082 : vector<1x1x16xf32> to vector<16xf32>
        %sub3A_1084 = arith.subf %get3A_1076, %get3A_1083 : vector<16xf32>
        %mul3A_1085 = arith.mulf %sub3A_1084, %sub3A_1084 : vector<16xf32>
        %add3A_1086 = arith.addf %add3A_1065, %mul3A_1085 : vector<16xf32>
        scf.yield %add3A_1086 : vector<16xf32>
      }
      %scan3A_324 = arith.constant 16 : i32
      %iota3A_325 = tpu.iota {dimensions = array<i32: 0>} : vector<16xi32>
      %xor3A_326 = arith.constant 8 : i32
      %xor3A_327 = vector.broadcast %xor3A_326 : i32 to vector<16xi32>
      %xor3A_328 = arith.xori %iota3A_325, %xor3A_327 : vector<16xi32>
      %broadcast_in_dim3A_329 = vector.shape_cast %xor3A_328 : vector<16xi32> to vector<16x1xi32>
      %gather3A_330 = vector.shape_cast %broadcast_in_dim3A_329 : vector<16x1xi32> to vector<16xi32>
      %gather3A_331 = tpu.dynamic_gather %scan3A_323[%gather3A_330] in [0] : vector<16xf32>, vector<16xi32> -> vector<16xf32>
      %add3A_332 = arith.addf %scan3A_323, %gather3A_331 : vector<16xf32>
      %xor3A_333 = arith.constant 4 : i32
      %xor3A_334 = vector.broadcast %xor3A_333 : i32 to vector<16xi32>
      %xor3A_335 = arith.xori %iota3A_325, %xor3A_334 : vector<16xi32>
      %broadcast_in_dim3A_336 = vector.shape_cast %xor3A_335 : vector<16xi32> to vector<16x1xi32>
      %gather3A_337 = vector.shape_cast %broadcast_in_dim3A_336 : vector<16x1xi32> to vector<16xi32>
      %gather3A_338 = tpu.dynamic_gather %add3A_332[%gather3A_337] in [0] : vector<16xf32>, vector<16xi32> -> vector<16xf32>
      %add3A_339 = arith.addf %add3A_332, %gather3A_338 : vector<16xf32>
      %xor3A_340 = arith.constant 2 : i32
      %xor3A_341 = vector.broadcast %xor3A_340 : i32 to vector<16xi32>
      %xor3A_342 = arith.xori %iota3A_325, %xor3A_341 : vector<16xi32>
      %broadcast_in_dim3A_343 = vector.shape_cast %xor3A_342 : vector<16xi32> to vector<16x1xi32>
      %gather3A_344 = vector.shape_cast %broadcast_in_dim3A_343 : vector<16x1xi32> to vector<16xi32>
      %gather3A_345 = tpu.dynamic_gather %add3A_339[%gather3A_344] in [0] : vector<16xf32>, vector<16xi32> -> vector<16xf32>
      %add3A_346 = arith.addf %add3A_339, %gather3A_345 : vector<16xf32>
      %xor3A_347 = arith.constant 1 : i32
      %xor3A_348 = vector.broadcast %xor3A_347 : i32 to vector<16xi32>
      %xor3A_349 = arith.xori %iota3A_325, %xor3A_348 : vector<16xi32>
      %broadcast_in_dim3A_350 = vector.shape_cast %xor3A_349 : vector<16xi32> to vector<16x1xi32>
      %gather3A_351 = vector.shape_cast %broadcast_in_dim3A_350 : vector<16x1xi32> to vector<16xi32>
      %gather3A_352 = tpu.dynamic_gather %add3A_346[%gather3A_351] in [0] : vector<16xf32>, vector<16xi32> -> vector<16xf32>
      %add3A_353 = arith.addf %add3A_346, %gather3A_352 : vector<16xf32>
      %eq3A_354 = arith.constant 4 : i32
      %eq3A_355 = vector.broadcast %eq3A_354 : i32 to vector<16xi32>
      %eq3A_356 = arith.cmpi eq, %iota3A_325, %eq3A_355 : vector<16xi32>
      %select_n3A_357 = arith.select %eq3A_356, %add3A_353, %select_n3A_316 : vector<16xi1>, vector<16xf32>
      %broadcast_in_dim3A_358 = arith.constant 0.000000e+00 : f32
      %broadcast_in_dim3A_359 = vector.broadcast %broadcast_in_dim3A_358 : f32 to vector<16xf32>
      %scan3A_360 = arith.constant 0 : i32
      %scan3A_361 = arith.constant 16 : i32
      %scan3A_362 = arith.addi %scan3A_360, %scan3A_361 : i32
      %scan3A_363 = arith.constant 1 : i32
      %scan3A_364 = scf.for %scan3A_918 = %scan3A_360 to %scan3A_362 step %scan3A_363 iter_args(%scan3A_919 = %broadcast_in_dim3A_359) -> (vector<16xf32>)  : i32 {
        %mul3A_920 = arith.constant 128 : i32
        %mul3A_921 = arith.muli %scan3A_918, %mul3A_920 : i32
        %add3A_922 = arith.constant 0 : i32
        %add3A_923 = arith.addi %mul3A_921, %add3A_922 : i32
        %get3A_924 = arith.constant 0 : i32
        %get3A_925 = arith.constant 5 : i32
        %get3A_926 = arith.index_cast %get3A_924 : i32 to index
        %get3A_927 = arith.index_cast %get3A_925 : i32 to index
        %get3A_928 = arith.index_cast %add3A_923 : i32 to index
        %get3A_929 = tpu.vector_load %arg11[%get3A_926, %get3A_927, %get3A_928] {strides = array<i32>} : memref<2x8x2048xf32, #tpu.memory_space<vmem>>, vector<1x1x16xf32>,
        %get3A_930 = vector.shape_cast %get3A_929 : vector<1x1x16xf32> to vector<16xf32>
        %get3A_931 = arith.constant 0 : i32
        %get3A_932 = arith.constant 5 : i32
        %get3A_933 = arith.index_cast %get3A_931 : i32 to index
        %get3A_934 = arith.index_cast %get3A_932 : i32 to index
        %get3A_935 = arith.index_cast %add3A_923 : i32 to index
        %get3A_936 = tpu.vector_load %arg12[%get3A_933, %get3A_934, %get3A_935] {strides = array<i32>} : memref<2x8x2048xf32, #tpu.memory_space<vmem>>, vector<1x1x16xf32>,
        %get3A_937 = vector.shape_cast %get3A_936 : vector<1x1x16xf32> to vector<16xf32>
        %sub3A = arith.subf %get3A_930, %get3A_937 : vector<16xf32>
        %mul3A_938 = arith.mulf %sub3A, %sub3A : vector<16xf32>
        %add3A_939 = arith.addf %scan3A_919, %mul3A_938 : vector<16xf32>
        %mul3A_940 = arith.constant 128 : i32
        %mul3A_941 = arith.muli %scan3A_918, %mul3A_940 : i32
        %add3A_942 = arith.constant 16 : i32
        %add3A_943 = arith.addi %mul3A_941, %add3A_942 : i32
        %get3A_944 = arith.constant 0 : i32
        %get3A_945 = arith.constant 5 : i32
        %get3A_946 = arith.index_cast %get3A_944 : i32 to index
        %get3A_947 = arith.index_cast %get3A_945 : i32 to index
        %get3A_948 = arith.index_cast %add3A_943 : i32 to index
        %get3A_949 = tpu.vector_load %arg11[%get3A_946, %get3A_947, %get3A_948] {strides = array<i32>} : memref<2x8x2048xf32, #tpu.memory_space<vmem>>, vector<1x1x16xf32>,
        %get3A_950 = vector.shape_cast %get3A_949 : vector<1x1x16xf32> to vector<16xf32>
        %get3A_951 = arith.constant 0 : i32
        %get3A_952 = arith.constant 5 : i32
        %get3A_953 = arith.index_cast %get3A_951 : i32 to index
        %get3A_954 = arith.index_cast %get3A_952 : i32 to index
        %get3A_955 = arith.index_cast %add3A_943 : i32 to index
        %get3A_956 = tpu.vector_load %arg12[%get3A_953, %get3A_954, %get3A_955] {strides = array<i32>} : memref<2x8x2048xf32, #tpu.memory_space<vmem>>, vector<1x1x16xf32>,
        %get3A_957 = vector.shape_cast %get3A_956 : vector<1x1x16xf32> to vector<16xf32>
        %sub3A_958 = arith.subf %get3A_950, %get3A_957 : vector<16xf32>
        %mul3A_959 = arith.mulf %sub3A_958, %sub3A_958 : vector<16xf32>
        %add3A_960 = arith.addf %add3A_939, %mul3A_959 : vector<16xf32>
        %mul3A_961 = arith.constant 128 : i32
        %mul3A_962 = arith.muli %scan3A_918, %mul3A_961 : i32
        %add3A_963 = arith.constant 32 : i32
        %add3A_964 = arith.addi %mul3A_962, %add3A_963 : i32
        %get3A_965 = arith.constant 0 : i32
        %get3A_966 = arith.constant 5 : i32
        %get3A_967 = arith.index_cast %get3A_965 : i32 to index
        %get3A_968 = arith.index_cast %get3A_966 : i32 to index
        %get3A_969 = arith.index_cast %add3A_964 : i32 to index
        %get3A_970 = tpu.vector_load %arg11[%get3A_967, %get3A_968, %get3A_969] {strides = array<i32>} : memref<2x8x2048xf32, #tpu.memory_space<vmem>>, vector<1x1x16xf32>,
        %get3A_971 = vector.shape_cast %get3A_970 : vector<1x1x16xf32> to vector<16xf32>
        %get3A_972 = arith.constant 0 : i32
        %get3A_973 = arith.constant 5 : i32
        %get3A_974 = arith.index_cast %get3A_972 : i32 to index
        %get3A_975 = arith.index_cast %get3A_973 : i32 to index
        %get3A_976 = arith.index_cast %add3A_964 : i32 to index
        %get3A_977 = tpu.vector_load %arg12[%get3A_974, %get3A_975, %get3A_976] {strides = array<i32>} : memref<2x8x2048xf32, #tpu.memory_space<vmem>>, vector<1x1x16xf32>,
        %get3A_978 = vector.shape_cast %get3A_977 : vector<1x1x16xf32> to vector<16xf32>
        %sub3A_979 = arith.subf %get3A_971, %get3A_978 : vector<16xf32>
        %mul3A_980 = arith.mulf %sub3A_979, %sub3A_979 : vector<16xf32>
        %add3A_981 = arith.addf %add3A_960, %mul3A_980 : vector<16xf32>
        %mul3A_982 = arith.constant 128 : i32
        %mul3A_983 = arith.muli %scan3A_918, %mul3A_982 : i32
        %add3A_984 = arith.constant 48 : i32
        %add3A_985 = arith.addi %mul3A_983, %add3A_984 : i32
        %get3A_986 = arith.constant 0 : i32
        %get3A_987 = arith.constant 5 : i32
        %get3A_988 = arith.index_cast %get3A_986 : i32 to index
        %get3A_989 = arith.index_cast %get3A_987 : i32 to index
        %get3A_990 = arith.index_cast %add3A_985 : i32 to index
        %get3A_991 = tpu.vector_load %arg11[%get3A_988, %get3A_989, %get3A_990] {strides = array<i32>} : memref<2x8x2048xf32, #tpu.memory_space<vmem>>, vector<1x1x16xf32>,
        %get3A_992 = vector.shape_cast %get3A_991 : vector<1x1x16xf32> to vector<16xf32>
        %get3A_993 = arith.constant 0 : i32
        %get3A_994 = arith.constant 5 : i32
        %get3A_995 = arith.index_cast %get3A_993 : i32 to index
        %get3A_996 = arith.index_cast %get3A_994 : i32 to index
        %get3A_997 = arith.index_cast %add3A_985 : i32 to index
        %get3A_998 = tpu.vector_load %arg12[%get3A_995, %get3A_996, %get3A_997] {strides = array<i32>} : memref<2x8x2048xf32, #tpu.memory_space<vmem>>, vector<1x1x16xf32>,
        %get3A_999 = vector.shape_cast %get3A_998 : vector<1x1x16xf32> to vector<16xf32>
        %sub3A_1000 = arith.subf %get3A_992, %get3A_999 : vector<16xf32>
        %mul3A_1001 = arith.mulf %sub3A_1000, %sub3A_1000 : vector<16xf32>
        %add3A_1002 = arith.addf %add3A_981, %mul3A_1001 : vector<16xf32>
        %mul3A_1003 = arith.constant 128 : i32
        %mul3A_1004 = arith.muli %scan3A_918, %mul3A_1003 : i32
        %add3A_1005 = arith.constant 64 : i32
        %add3A_1006 = arith.addi %mul3A_1004, %add3A_1005 : i32
        %get3A_1007 = arith.constant 0 : i32
        %get3A_1008 = arith.constant 5 : i32
        %get3A_1009 = arith.index_cast %get3A_1007 : i32 to index
        %get3A_1010 = arith.index_cast %get3A_1008 : i32 to index
        %get3A_1011 = arith.index_cast %add3A_1006 : i32 to index
        %get3A_1012 = tpu.vector_load %arg11[%get3A_1009, %get3A_1010, %get3A_1011] {strides = array<i32>} : memref<2x8x2048xf32, #tpu.memory_space<vmem>>, vector<1x1x16xf32>,
        %get3A_1013 = vector.shape_cast %get3A_1012 : vector<1x1x16xf32> to vector<16xf32>
        %get3A_1014 = arith.constant 0 : i32
        %get3A_1015 = arith.constant 5 : i32
        %get3A_1016 = arith.index_cast %get3A_1014 : i32 to index
        %get3A_1017 = arith.index_cast %get3A_1015 : i32 to index
        %get3A_1018 = arith.index_cast %add3A_1006 : i32 to index
        %get3A_1019 = tpu.vector_load %arg12[%get3A_1016, %get3A_1017, %get3A_1018] {strides = array<i32>} : memref<2x8x2048xf32, #tpu.memory_space<vmem>>, vector<1x1x16xf32>,
        %get3A_1020 = vector.shape_cast %get3A_1019 : vector<1x1x16xf32> to vector<16xf32>
        %sub3A_1021 = arith.subf %get3A_1013, %get3A_1020 : vector<16xf32>
        %mul3A_1022 = arith.mulf %sub3A_1021, %sub3A_1021 : vector<16xf32>
        %add3A_1023 = arith.addf %add3A_1002, %mul3A_1022 : vector<16xf32>
        %mul3A_1024 = arith.constant 128 : i32
        %mul3A_1025 = arith.muli %scan3A_918, %mul3A_1024 : i32
        %add3A_1026 = arith.constant 80 : i32
        %add3A_1027 = arith.addi %mul3A_1025, %add3A_1026 : i32
        %get3A_1028 = arith.constant 0 : i32
        %get3A_1029 = arith.constant 5 : i32
        %get3A_1030 = arith.index_cast %get3A_1028 : i32 to index
        %get3A_1031 = arith.index_cast %get3A_1029 : i32 to index
        %get3A_1032 = arith.index_cast %add3A_1027 : i32 to index
        %get3A_1033 = tpu.vector_load %arg11[%get3A_1030, %get3A_1031, %get3A_1032] {strides = array<i32>} : memref<2x8x2048xf32, #tpu.memory_space<vmem>>, vector<1x1x16xf32>,
        %get3A_1034 = vector.shape_cast %get3A_1033 : vector<1x1x16xf32> to vector<16xf32>
        %get3A_1035 = arith.constant 0 : i32
        %get3A_1036 = arith.constant 5 : i32
        %get3A_1037 = arith.index_cast %get3A_1035 : i32 to index
        %get3A_1038 = arith.index_cast %get3A_1036 : i32 to index
        %get3A_1039 = arith.index_cast %add3A_1027 : i32 to index
        %get3A_1040 = tpu.vector_load %arg12[%get3A_1037, %get3A_1038, %get3A_1039] {strides = array<i32>} : memref<2x8x2048xf32, #tpu.memory_space<vmem>>, vector<1x1x16xf32>,
        %get3A_1041 = vector.shape_cast %get3A_1040 : vector<1x1x16xf32> to vector<16xf32>
        %sub3A_1042 = arith.subf %get3A_1034, %get3A_1041 : vector<16xf32>
        %mul3A_1043 = arith.mulf %sub3A_1042, %sub3A_1042 : vector<16xf32>
        %add3A_1044 = arith.addf %add3A_1023, %mul3A_1043 : vector<16xf32>
        %mul3A_1045 = arith.constant 128 : i32
        %mul3A_1046 = arith.muli %scan3A_918, %mul3A_1045 : i32
        %add3A_1047 = arith.constant 96 : i32
        %add3A_1048 = arith.addi %mul3A_1046, %add3A_1047 : i32
        %get3A_1049 = arith.constant 0 : i32
        %get3A_1050 = arith.constant 5 : i32
        %get3A_1051 = arith.index_cast %get3A_1049 : i32 to index
        %get3A_1052 = arith.index_cast %get3A_1050 : i32 to index
        %get3A_1053 = arith.index_cast %add3A_1048 : i32 to index
        %get3A_1054 = tpu.vector_load %arg11[%get3A_1051, %get3A_1052, %get3A_1053] {strides = array<i32>} : memref<2x8x2048xf32, #tpu.memory_space<vmem>>, vector<1x1x16xf32>,
        %get3A_1055 = vector.shape_cast %get3A_1054 : vector<1x1x16xf32> to vector<16xf32>
        %get3A_1056 = arith.constant 0 : i32
        %get3A_1057 = arith.constant 5 : i32
        %get3A_1058 = arith.index_cast %get3A_1056 : i32 to index
        %get3A_1059 = arith.index_cast %get3A_1057 : i32 to index
        %get3A_1060 = arith.index_cast %add3A_1048 : i32 to index
        %get3A_1061 = tpu.vector_load %arg12[%get3A_1058, %get3A_1059, %get3A_1060] {strides = array<i32>} : memref<2x8x2048xf32, #tpu.memory_space<vmem>>, vector<1x1x16xf32>,
        %get3A_1062 = vector.shape_cast %get3A_1061 : vector<1x1x16xf32> to vector<16xf32>
        %sub3A_1063 = arith.subf %get3A_1055, %get3A_1062 : vector<16xf32>
        %mul3A_1064 = arith.mulf %sub3A_1063, %sub3A_1063 : vector<16xf32>
        %add3A_1065 = arith.addf %add3A_1044, %mul3A_1064 : vector<16xf32>
        %mul3A_1066 = arith.constant 128 : i32
        %mul3A_1067 = arith.muli %scan3A_918, %mul3A_1066 : i32
        %add3A_1068 = arith.constant 112 : i32
        %add3A_1069 = arith.addi %mul3A_1067, %add3A_1068 : i32
        %get3A_1070 = arith.constant 0 : i32
        %get3A_1071 = arith.constant 5 : i32
        %get3A_1072 = arith.index_cast %get3A_1070 : i32 to index
        %get3A_1073 = arith.index_cast %get3A_1071 : i32 to index
        %get3A_1074 = arith.index_cast %add3A_1069 : i32 to index
        %get3A_1075 = tpu.vector_load %arg11[%get3A_1072, %get3A_1073, %get3A_1074] {strides = array<i32>} : memref<2x8x2048xf32, #tpu.memory_space<vmem>>, vector<1x1x16xf32>,
        %get3A_1076 = vector.shape_cast %get3A_1075 : vector<1x1x16xf32> to vector<16xf32>
        %get3A_1077 = arith.constant 0 : i32
        %get3A_1078 = arith.constant 5 : i32
        %get3A_1079 = arith.index_cast %get3A_1077 : i32 to index
        %get3A_1080 = arith.index_cast %get3A_1078 : i32 to index
        %get3A_1081 = arith.index_cast %add3A_1069 : i32 to index
        %get3A_1082 = tpu.vector_load %arg12[%get3A_1079, %get3A_1080, %get3A_1081] {strides = array<i32>} : memref<2x8x2048xf32, #tpu.memory_space<vmem>>, vector<1x1x16xf32>,
        %get3A_1083 = vector.shape_cast %get3A_1082 : vector<1x1x16xf32> to vector<16xf32>
        %sub3A_1084 = arith.subf %get3A_1076, %get3A_1083 : vector<16xf32>
        %mul3A_1085 = arith.mulf %sub3A_1084, %sub3A_1084 : vector<16xf32>
        %add3A_1086 = arith.addf %add3A_1065, %mul3A_1085 : vector<16xf32>
        scf.yield %add3A_1086 : vector<16xf32>
      }
      %scan3A_365 = arith.constant 16 : i32
      %iota3A_366 = tpu.iota {dimensions = array<i32: 0>} : vector<16xi32>
      %xor3A_367 = arith.constant 8 : i32
      %xor3A_368 = vector.broadcast %xor3A_367 : i32 to vector<16xi32>
      %xor3A_369 = arith.xori %iota3A_366, %xor3A_368 : vector<16xi32>
      %broadcast_in_dim3A_370 = vector.shape_cast %xor3A_369 : vector<16xi32> to vector<16x1xi32>
      %gather3A_371 = vector.shape_cast %broadcast_in_dim3A_370 : vector<16x1xi32> to vector<16xi32>
      %gather3A_372 = tpu.dynamic_gather %scan3A_364[%gather3A_371] in [0] : vector<16xf32>, vector<16xi32> -> vector<16xf32>
      %add3A_373 = arith.addf %scan3A_364, %gather3A_372 : vector<16xf32>
      %xor3A_374 = arith.constant 4 : i32
      %xor3A_375 = vector.broadcast %xor3A_374 : i32 to vector<16xi32>
      %xor3A_376 = arith.xori %iota3A_366, %xor3A_375 : vector<16xi32>
      %broadcast_in_dim3A_377 = vector.shape_cast %xor3A_376 : vector<16xi32> to vector<16x1xi32>
      %gather3A_378 = vector.shape_cast %broadcast_in_dim3A_377 : vector<16x1xi32> to vector<16xi32>
      %gather3A_379 = tpu.dynamic_gather %add3A_373[%gather3A_378] in [0] : vector<16xf32>, vector<16xi32> -> vector<16xf32>
      %add3A_380 = arith.addf %add3A_373, %gather3A_379 : vector<16xf32>
      %xor3A_381 = arith.constant 2 : i32
      %xor3A_382 = vector.broadcast %xor3A_381 : i32 to vector<16xi32>
      %xor3A_383 = arith.xori %iota3A_366, %xor3A_382 : vector<16xi32>
      %broadcast_in_dim3A_384 = vector.shape_cast %xor3A_383 : vector<16xi32> to vector<16x1xi32>
      %gather3A_385 = vector.shape_cast %broadcast_in_dim3A_384 : vector<16x1xi32> to vector<16xi32>
      %gather3A_386 = tpu.dynamic_gather %add3A_380[%gather3A_385] in [0] : vector<16xf32>, vector<16xi32> -> vector<16xf32>
      %add3A_387 = arith.addf %add3A_380, %gather3A_386 : vector<16xf32>
      %xor3A_388 = arith.constant 1 : i32
      %xor3A_389 = vector.broadcast %xor3A_388 : i32 to vector<16xi32>
      %xor3A_390 = arith.xori %iota3A_366, %xor3A_389 : vector<16xi32>
      %broadcast_in_dim3A_391 = vector.shape_cast %xor3A_390 : vector<16xi32> to vector<16x1xi32>
      %gather3A_392 = vector.shape_cast %broadcast_in_dim3A_391 : vector<16x1xi32> to vector<16xi32>
      %gather3A_393 = tpu.dynamic_gather %add3A_387[%gather3A_392] in [0] : vector<16xf32>, vector<16xi32> -> vector<16xf32>
      %add3A_394 = arith.addf %add3A_387, %gather3A_393 : vector<16xf32>
      %eq3A_395 = arith.constant 5 : i32
      %eq3A_396 = vector.broadcast %eq3A_395 : i32 to vector<16xi32>
      %eq3A_397 = arith.cmpi eq, %iota3A_366, %eq3A_396 : vector<16xi32>
      %select_n3A_398 = arith.select %eq3A_397, %add3A_394, %select_n3A_357 : vector<16xi1>, vector<16xf32>
      %broadcast_in_dim3A_399 = arith.constant 0.000000e+00 : f32
      %broadcast_in_dim3A_400 = vector.broadcast %broadcast_in_dim3A_399 : f32 to vector<16xf32>
      %scan3A_401 = arith.constant 0 : i32
      %scan3A_402 = arith.constant 16 : i32
      %scan3A_403 = arith.addi %scan3A_401, %scan3A_402 : i32
      %scan3A_404 = arith.constant 1 : i32
      %scan3A_405 = scf.for %scan3A_918 = %scan3A_401 to %scan3A_403 step %scan3A_404 iter_args(%scan3A_919 = %broadcast_in_dim3A_400) -> (vector<16xf32>)  : i32 {
        %mul3A_920 = arith.constant 128 : i32
        %mul3A_921 = arith.muli %scan3A_918, %mul3A_920 : i32
        %add3A_922 = arith.constant 0 : i32
        %add3A_923 = arith.addi %mul3A_921, %add3A_922 : i32
        %get3A_924 = arith.constant 0 : i32
        %get3A_925 = arith.constant 6 : i32
        %get3A_926 = arith.index_cast %get3A_924 : i32 to index
        %get3A_927 = arith.index_cast %get3A_925 : i32 to index
        %get3A_928 = arith.index_cast %add3A_923 : i32 to index
        %get3A_929 = tpu.vector_load %arg11[%get3A_926, %get3A_927, %get3A_928] {strides = array<i32>} : memref<2x8x2048xf32, #tpu.memory_space<vmem>>, vector<1x1x16xf32>,
        %get3A_930 = vector.shape_cast %get3A_929 : vector<1x1x16xf32> to vector<16xf32>
        %get3A_931 = arith.constant 0 : i32
        %get3A_932 = arith.constant 6 : i32
        %get3A_933 = arith.index_cast %get3A_931 : i32 to index
        %get3A_934 = arith.index_cast %get3A_932 : i32 to index
        %get3A_935 = arith.index_cast %add3A_923 : i32 to index
        %get3A_936 = tpu.vector_load %arg12[%get3A_933, %get3A_934, %get3A_935] {strides = array<i32>} : memref<2x8x2048xf32, #tpu.memory_space<vmem>>, vector<1x1x16xf32>,
        %get3A_937 = vector.shape_cast %get3A_936 : vector<1x1x16xf32> to vector<16xf32>
        %sub3A = arith.subf %get3A_930, %get3A_937 : vector<16xf32>
        %mul3A_938 = arith.mulf %sub3A, %sub3A : vector<16xf32>
        %add3A_939 = arith.addf %scan3A_919, %mul3A_938 : vector<16xf32>
        %mul3A_940 = arith.constant 128 : i32
        %mul3A_941 = arith.muli %scan3A_918, %mul3A_940 : i32
        %add3A_942 = arith.constant 16 : i32
        %add3A_943 = arith.addi %mul3A_941, %add3A_942 : i32
        %get3A_944 = arith.constant 0 : i32
        %get3A_945 = arith.constant 6 : i32
        %get3A_946 = arith.index_cast %get3A_944 : i32 to index
        %get3A_947 = arith.index_cast %get3A_945 : i32 to index
        %get3A_948 = arith.index_cast %add3A_943 : i32 to index
        %get3A_949 = tpu.vector_load %arg11[%get3A_946, %get3A_947, %get3A_948] {strides = array<i32>} : memref<2x8x2048xf32, #tpu.memory_space<vmem>>, vector<1x1x16xf32>,
        %get3A_950 = vector.shape_cast %get3A_949 : vector<1x1x16xf32> to vector<16xf32>
        %get3A_951 = arith.constant 0 : i32
        %get3A_952 = arith.constant 6 : i32
        %get3A_953 = arith.index_cast %get3A_951 : i32 to index
        %get3A_954 = arith.index_cast %get3A_952 : i32 to index
        %get3A_955 = arith.index_cast %add3A_943 : i32 to index
        %get3A_956 = tpu.vector_load %arg12[%get3A_953, %get3A_954, %get3A_955] {strides = array<i32>} : memref<2x8x2048xf32, #tpu.memory_space<vmem>>, vector<1x1x16xf32>,
        %get3A_957 = vector.shape_cast %get3A_956 : vector<1x1x16xf32> to vector<16xf32>
        %sub3A_958 = arith.subf %get3A_950, %get3A_957 : vector<16xf32>
        %mul3A_959 = arith.mulf %sub3A_958, %sub3A_958 : vector<16xf32>
        %add3A_960 = arith.addf %add3A_939, %mul3A_959 : vector<16xf32>
        %mul3A_961 = arith.constant 128 : i32
        %mul3A_962 = arith.muli %scan3A_918, %mul3A_961 : i32
        %add3A_963 = arith.constant 32 : i32
        %add3A_964 = arith.addi %mul3A_962, %add3A_963 : i32
        %get3A_965 = arith.constant 0 : i32
        %get3A_966 = arith.constant 6 : i32
        %get3A_967 = arith.index_cast %get3A_965 : i32 to index
        %get3A_968 = arith.index_cast %get3A_966 : i32 to index
        %get3A_969 = arith.index_cast %add3A_964 : i32 to index
        %get3A_970 = tpu.vector_load %arg11[%get3A_967, %get3A_968, %get3A_969] {strides = array<i32>} : memref<2x8x2048xf32, #tpu.memory_space<vmem>>, vector<1x1x16xf32>,
        %get3A_971 = vector.shape_cast %get3A_970 : vector<1x1x16xf32> to vector<16xf32>
        %get3A_972 = arith.constant 0 : i32
        %get3A_973 = arith.constant 6 : i32
        %get3A_974 = arith.index_cast %get3A_972 : i32 to index
        %get3A_975 = arith.index_cast %get3A_973 : i32 to index
        %get3A_976 = arith.index_cast %add3A_964 : i32 to index
        %get3A_977 = tpu.vector_load %arg12[%get3A_974, %get3A_975, %get3A_976] {strides = array<i32>} : memref<2x8x2048xf32, #tpu.memory_space<vmem>>, vector<1x1x16xf32>,
        %get3A_978 = vector.shape_cast %get3A_977 : vector<1x1x16xf32> to vector<16xf32>
        %sub3A_979 = arith.subf %get3A_971, %get3A_978 : vector<16xf32>
        %mul3A_980 = arith.mulf %sub3A_979, %sub3A_979 : vector<16xf32>
        %add3A_981 = arith.addf %add3A_960, %mul3A_980 : vector<16xf32>
        %mul3A_982 = arith.constant 128 : i32
        %mul3A_983 = arith.muli %scan3A_918, %mul3A_982 : i32
        %add3A_984 = arith.constant 48 : i32
        %add3A_985 = arith.addi %mul3A_983, %add3A_984 : i32
        %get3A_986 = arith.constant 0 : i32
        %get3A_987 = arith.constant 6 : i32
        %get3A_988 = arith.index_cast %get3A_986 : i32 to index
        %get3A_989 = arith.index_cast %get3A_987 : i32 to index
        %get3A_990 = arith.index_cast %add3A_985 : i32 to index
        %get3A_991 = tpu.vector_load %arg11[%get3A_988, %get3A_989, %get3A_990] {strides = array<i32>} : memref<2x8x2048xf32, #tpu.memory_space<vmem>>, vector<1x1x16xf32>,
        %get3A_992 = vector.shape_cast %get3A_991 : vector<1x1x16xf32> to vector<16xf32>
        %get3A_993 = arith.constant 0 : i32
        %get3A_994 = arith.constant 6 : i32
        %get3A_995 = arith.index_cast %get3A_993 : i32 to index
        %get3A_996 = arith.index_cast %get3A_994 : i32 to index
        %get3A_997 = arith.index_cast %add3A_985 : i32 to index
        %get3A_998 = tpu.vector_load %arg12[%get3A_995, %get3A_996, %get3A_997] {strides = array<i32>} : memref<2x8x2048xf32, #tpu.memory_space<vmem>>, vector<1x1x16xf32>,
        %get3A_999 = vector.shape_cast %get3A_998 : vector<1x1x16xf32> to vector<16xf32>
        %sub3A_1000 = arith.subf %get3A_992, %get3A_999 : vector<16xf32>
        %mul3A_1001 = arith.mulf %sub3A_1000, %sub3A_1000 : vector<16xf32>
        %add3A_1002 = arith.addf %add3A_981, %mul3A_1001 : vector<16xf32>
        %mul3A_1003 = arith.constant 128 : i32
        %mul3A_1004 = arith.muli %scan3A_918, %mul3A_1003 : i32
        %add3A_1005 = arith.constant 64 : i32
        %add3A_1006 = arith.addi %mul3A_1004, %add3A_1005 : i32
        %get3A_1007 = arith.constant 0 : i32
        %get3A_1008 = arith.constant 6 : i32
        %get3A_1009 = arith.index_cast %get3A_1007 : i32 to index
        %get3A_1010 = arith.index_cast %get3A_1008 : i32 to index
        %get3A_1011 = arith.index_cast %add3A_1006 : i32 to index
        %get3A_1012 = tpu.vector_load %arg11[%get3A_1009, %get3A_1010, %get3A_1011] {strides = array<i32>} : memref<2x8x2048xf32, #tpu.memory_space<vmem>>, vector<1x1x16xf32>,
        %get3A_1013 = vector.shape_cast %get3A_1012 : vector<1x1x16xf32> to vector<16xf32>
        %get3A_1014 = arith.constant 0 : i32
        %get3A_1015 = arith.constant 6 : i32
        %get3A_1016 = arith.index_cast %get3A_1014 : i32 to index
        %get3A_1017 = arith.index_cast %get3A_1015 : i32 to index
        %get3A_1018 = arith.index_cast %add3A_1006 : i32 to index
        %get3A_1019 = tpu.vector_load %arg12[%get3A_1016, %get3A_1017, %get3A_1018] {strides = array<i32>} : memref<2x8x2048xf32, #tpu.memory_space<vmem>>, vector<1x1x16xf32>,
        %get3A_1020 = vector.shape_cast %get3A_1019 : vector<1x1x16xf32> to vector<16xf32>
        %sub3A_1021 = arith.subf %get3A_1013, %get3A_1020 : vector<16xf32>
        %mul3A_1022 = arith.mulf %sub3A_1021, %sub3A_1021 : vector<16xf32>
        %add3A_1023 = arith.addf %add3A_1002, %mul3A_1022 : vector<16xf32>
        %mul3A_1024 = arith.constant 128 : i32
        %mul3A_1025 = arith.muli %scan3A_918, %mul3A_1024 : i32
        %add3A_1026 = arith.constant 80 : i32
        %add3A_1027 = arith.addi %mul3A_1025, %add3A_1026 : i32
        %get3A_1028 = arith.constant 0 : i32
        %get3A_1029 = arith.constant 6 : i32
        %get3A_1030 = arith.index_cast %get3A_1028 : i32 to index
        %get3A_1031 = arith.index_cast %get3A_1029 : i32 to index
        %get3A_1032 = arith.index_cast %add3A_1027 : i32 to index
        %get3A_1033 = tpu.vector_load %arg11[%get3A_1030, %get3A_1031, %get3A_1032] {strides = array<i32>} : memref<2x8x2048xf32, #tpu.memory_space<vmem>>, vector<1x1x16xf32>,
        %get3A_1034 = vector.shape_cast %get3A_1033 : vector<1x1x16xf32> to vector<16xf32>
        %get3A_1035 = arith.constant 0 : i32
        %get3A_1036 = arith.constant 6 : i32
        %get3A_1037 = arith.index_cast %get3A_1035 : i32 to index
        %get3A_1038 = arith.index_cast %get3A_1036 : i32 to index
        %get3A_1039 = arith.index_cast %add3A_1027 : i32 to index
        %get3A_1040 = tpu.vector_load %arg12[%get3A_1037, %get3A_1038, %get3A_1039] {strides = array<i32>} : memref<2x8x2048xf32, #tpu.memory_space<vmem>>, vector<1x1x16xf32>,
        %get3A_1041 = vector.shape_cast %get3A_1040 : vector<1x1x16xf32> to vector<16xf32>
        %sub3A_1042 = arith.subf %get3A_1034, %get3A_1041 : vector<16xf32>
        %mul3A_1043 = arith.mulf %sub3A_1042, %sub3A_1042 : vector<16xf32>
        %add3A_1044 = arith.addf %add3A_1023, %mul3A_1043 : vector<16xf32>
        %mul3A_1045 = arith.constant 128 : i32
        %mul3A_1046 = arith.muli %scan3A_918, %mul3A_1045 : i32
        %add3A_1047 = arith.constant 96 : i32
        %add3A_1048 = arith.addi %mul3A_1046, %add3A_1047 : i32
        %get3A_1049 = arith.constant 0 : i32
        %get3A_1050 = arith.constant 6 : i32
        %get3A_1051 = arith.index_cast %get3A_1049 : i32 to index
        %get3A_1052 = arith.index_cast %get3A_1050 : i32 to index
        %get3A_1053 = arith.index_cast %add3A_1048 : i32 to index
        %get3A_1054 = tpu.vector_load %arg11[%get3A_1051, %get3A_1052, %get3A_1053] {strides = array<i32>} : memref<2x8x2048xf32, #tpu.memory_space<vmem>>, vector<1x1x16xf32>,
        %get3A_1055 = vector.shape_cast %get3A_1054 : vector<1x1x16xf32> to vector<16xf32>
        %get3A_1056 = arith.constant 0 : i32
        %get3A_1057 = arith.constant 6 : i32
        %get3A_1058 = arith.index_cast %get3A_1056 : i32 to index
        %get3A_1059 = arith.index_cast %get3A_1057 : i32 to index
        %get3A_1060 = arith.index_cast %add3A_1048 : i32 to index
        %get3A_1061 = tpu.vector_load %arg12[%get3A_1058, %get3A_1059, %get3A_1060] {strides = array<i32>} : memref<2x8x2048xf32, #tpu.memory_space<vmem>>, vector<1x1x16xf32>,
        %get3A_1062 = vector.shape_cast %get3A_1061 : vector<1x1x16xf32> to vector<16xf32>
        %sub3A_1063 = arith.subf %get3A_1055, %get3A_1062 : vector<16xf32>
        %mul3A_1064 = arith.mulf %sub3A_1063, %sub3A_1063 : vector<16xf32>
        %add3A_1065 = arith.addf %add3A_1044, %mul3A_1064 : vector<16xf32>
        %mul3A_1066 = arith.constant 128 : i32
        %mul3A_1067 = arith.muli %scan3A_918, %mul3A_1066 : i32
        %add3A_1068 = arith.constant 112 : i32
        %add3A_1069 = arith.addi %mul3A_1067, %add3A_1068 : i32
        %get3A_1070 = arith.constant 0 : i32
        %get3A_1071 = arith.constant 6 : i32
        %get3A_1072 = arith.index_cast %get3A_1070 : i32 to index
        %get3A_1073 = arith.index_cast %get3A_1071 : i32 to index
        %get3A_1074 = arith.index_cast %add3A_1069 : i32 to index
        %get3A_1075 = tpu.vector_load %arg11[%get3A_1072, %get3A_1073, %get3A_1074] {strides = array<i32>} : memref<2x8x2048xf32, #tpu.memory_space<vmem>>, vector<1x1x16xf32>,
        %get3A_1076 = vector.shape_cast %get3A_1075 : vector<1x1x16xf32> to vector<16xf32>
        %get3A_1077 = arith.constant 0 : i32
        %get3A_1078 = arith.constant 6 : i32
        %get3A_1079 = arith.index_cast %get3A_1077 : i32 to index
        %get3A_1080 = arith.index_cast %get3A_1078 : i32 to index
        %get3A_1081 = arith.index_cast %add3A_1069 : i32 to index
        %get3A_1082 = tpu.vector_load %arg12[%get3A_1079, %get3A_1080, %get3A_1081] {strides = array<i32>} : memref<2x8x2048xf32, #tpu.memory_space<vmem>>, vector<1x1x16xf32>,
        %get3A_1083 = vector.shape_cast %get3A_1082 : vector<1x1x16xf32> to vector<16xf32>
        %sub3A_1084 = arith.subf %get3A_1076, %get3A_1083 : vector<16xf32>
        %mul3A_1085 = arith.mulf %sub3A_1084, %sub3A_1084 : vector<16xf32>
        %add3A_1086 = arith.addf %add3A_1065, %mul3A_1085 : vector<16xf32>
        scf.yield %add3A_1086 : vector<16xf32>
      }
      %scan3A_406 = arith.constant 16 : i32
      %iota3A_407 = tpu.iota {dimensions = array<i32: 0>} : vector<16xi32>
      %xor3A_408 = arith.constant 8 : i32
      %xor3A_409 = vector.broadcast %xor3A_408 : i32 to vector<16xi32>
      %xor3A_410 = arith.xori %iota3A_407, %xor3A_409 : vector<16xi32>
      %broadcast_in_dim3A_411 = vector.shape_cast %xor3A_410 : vector<16xi32> to vector<16x1xi32>
      %gather3A_412 = vector.shape_cast %broadcast_in_dim3A_411 : vector<16x1xi32> to vector<16xi32>
      %gather3A_413 = tpu.dynamic_gather %scan3A_405[%gather3A_412] in [0] : vector<16xf32>, vector<16xi32> -> vector<16xf32>
      %add3A_414 = arith.addf %scan3A_405, %gather3A_413 : vector<16xf32>
      %xor3A_415 = arith.constant 4 : i32
      %xor3A_416 = vector.broadcast %xor3A_415 : i32 to vector<16xi32>
      %xor3A_417 = arith.xori %iota3A_407, %xor3A_416 : vector<16xi32>
      %broadcast_in_dim3A_418 = vector.shape_cast %xor3A_417 : vector<16xi32> to vector<16x1xi32>
      %gather3A_419 = vector.shape_cast %broadcast_in_dim3A_418 : vector<16x1xi32> to vector<16xi32>
      %gather3A_420 = tpu.dynamic_gather %add3A_414[%gather3A_419] in [0] : vector<16xf32>, vector<16xi32> -> vector<16xf32>
      %add3A_421 = arith.addf %add3A_414, %gather3A_420 : vector<16xf32>
      %xor3A_422 = arith.constant 2 : i32
      %xor3A_423 = vector.broadcast %xor3A_422 : i32 to vector<16xi32>
      %xor3A_424 = arith.xori %iota3A_407, %xor3A_423 : vector<16xi32>
      %broadcast_in_dim3A_425 = vector.shape_cast %xor3A_424 : vector<16xi32> to vector<16x1xi32>
      %gather3A_426 = vector.shape_cast %broadcast_in_dim3A_425 : vector<16x1xi32> to vector<16xi32>
      %gather3A_427 = tpu.dynamic_gather %add3A_421[%gather3A_426] in [0] : vector<16xf32>, vector<16xi32> -> vector<16xf32>
      %add3A_428 = arith.addf %add3A_421, %gather3A_427 : vector<16xf32>
      %xor3A_429 = arith.constant 1 : i32
      %xor3A_430 = vector.broadcast %xor3A_429 : i32 to vector<16xi32>
      %xor3A_431 = arith.xori %iota3A_407, %xor3A_430 : vector<16xi32>
      %broadcast_in_dim3A_432 = vector.shape_cast %xor3A_431 : vector<16xi32> to vector<16x1xi32>
      %gather3A_433 = vector.shape_cast %broadcast_in_dim3A_432 : vector<16x1xi32> to vector<16xi32>
      %gather3A_434 = tpu.dynamic_gather %add3A_428[%gather3A_433] in [0] : vector<16xf32>, vector<16xi32> -> vector<16xf32>
      %add3A_435 = arith.addf %add3A_428, %gather3A_434 : vector<16xf32>
      %eq3A_436 = arith.constant 6 : i32
      %eq3A_437 = vector.broadcast %eq3A_436 : i32 to vector<16xi32>
      %eq3A_438 = arith.cmpi eq, %iota3A_407, %eq3A_437 : vector<16xi32>
      %select_n3A_439 = arith.select %eq3A_438, %add3A_435, %select_n3A_398 : vector<16xi1>, vector<16xf32>
      %broadcast_in_dim3A_440 = arith.constant 0.000000e+00 : f32
      %broadcast_in_dim3A_441 = vector.broadcast %broadcast_in_dim3A_440 : f32 to vector<16xf32>
      %scan3A_442 = arith.constant 0 : i32
      %scan3A_443 = arith.constant 16 : i32
      %scan3A_444 = arith.addi %scan3A_442, %scan3A_443 : i32
      %scan3A_445 = arith.constant 1 : i32
      %scan3A_446 = scf.for %scan3A_918 = %scan3A_442 to %scan3A_444 step %scan3A_445 iter_args(%scan3A_919 = %broadcast_in_dim3A_441) -> (vector<16xf32>)  : i32 {
        %mul3A_920 = arith.constant 128 : i32
        %mul3A_921 = arith.muli %scan3A_918, %mul3A_920 : i32
        %add3A_922 = arith.constant 0 : i32
        %add3A_923 = arith.addi %mul3A_921, %add3A_922 : i32
        %get3A_924 = arith.constant 0 : i32
        %get3A_925 = arith.constant 7 : i32
        %get3A_926 = arith.index_cast %get3A_924 : i32 to index
        %get3A_927 = arith.index_cast %get3A_925 : i32 to index
        %get3A_928 = arith.index_cast %add3A_923 : i32 to index
        %get3A_929 = tpu.vector_load %arg11[%get3A_926, %get3A_927, %get3A_928] {strides = array<i32>} : memref<2x8x2048xf32, #tpu.memory_space<vmem>>, vector<1x1x16xf32>,
        %get3A_930 = vector.shape_cast %get3A_929 : vector<1x1x16xf32> to vector<16xf32>
        %get3A_931 = arith.constant 0 : i32
        %get3A_932 = arith.constant 7 : i32
        %get3A_933 = arith.index_cast %get3A_931 : i32 to index
        %get3A_934 = arith.index_cast %get3A_932 : i32 to index
        %get3A_935 = arith.index_cast %add3A_923 : i32 to index
        %get3A_936 = tpu.vector_load %arg12[%get3A_933, %get3A_934, %get3A_935] {strides = array<i32>} : memref<2x8x2048xf32, #tpu.memory_space<vmem>>, vector<1x1x16xf32>,
        %get3A_937 = vector.shape_cast %get3A_936 : vector<1x1x16xf32> to vector<16xf32>
        %sub3A = arith.subf %get3A_930, %get3A_937 : vector<16xf32>
        %mul3A_938 = arith.mulf %sub3A, %sub3A : vector<16xf32>
        %add3A_939 = arith.addf %scan3A_919, %mul3A_938 : vector<16xf32>
        %mul3A_940 = arith.constant 128 : i32
        %mul3A_941 = arith.muli %scan3A_918, %mul3A_940 : i32
        %add3A_942 = arith.constant 16 : i32
        %add3A_943 = arith.addi %mul3A_941, %add3A_942 : i32
        %get3A_944 = arith.constant 0 : i32
        %get3A_945 = arith.constant 7 : i32
        %get3A_946 = arith.index_cast %get3A_944 : i32 to index
        %get3A_947 = arith.index_cast %get3A_945 : i32 to index
        %get3A_948 = arith.index_cast %add3A_943 : i32 to index
        %get3A_949 = tpu.vector_load %arg11[%get3A_946, %get3A_947, %get3A_948] {strides = array<i32>} : memref<2x8x2048xf32, #tpu.memory_space<vmem>>, vector<1x1x16xf32>,
        %get3A_950 = vector.shape_cast %get3A_949 : vector<1x1x16xf32> to vector<16xf32>
        %get3A_951 = arith.constant 0 : i32
        %get3A_952 = arith.constant 7 : i32
        %get3A_953 = arith.index_cast %get3A_951 : i32 to index
        %get3A_954 = arith.index_cast %get3A_952 : i32 to index
        %get3A_955 = arith.index_cast %add3A_943 : i32 to index
        %get3A_956 = tpu.vector_load %arg12[%get3A_953, %get3A_954, %get3A_955] {strides = array<i32>} : memref<2x8x2048xf32, #tpu.memory_space<vmem>>, vector<1x1x16xf32>,
        %get3A_957 = vector.shape_cast %get3A_956 : vector<1x1x16xf32> to vector<16xf32>
        %sub3A_958 = arith.subf %get3A_950, %get3A_957 : vector<16xf32>
        %mul3A_959 = arith.mulf %sub3A_958, %sub3A_958 : vector<16xf32>
        %add3A_960 = arith.addf %add3A_939, %mul3A_959 : vector<16xf32>
        %mul3A_961 = arith.constant 128 : i32
        %mul3A_962 = arith.muli %scan3A_918, %mul3A_961 : i32
        %add3A_963 = arith.constant 32 : i32
        %add3A_964 = arith.addi %mul3A_962, %add3A_963 : i32
        %get3A_965 = arith.constant 0 : i32
        %get3A_966 = arith.constant 7 : i32
        %get3A_967 = arith.index_cast %get3A_965 : i32 to index
        %get3A_968 = arith.index_cast %get3A_966 : i32 to index
        %get3A_969 = arith.index_cast %add3A_964 : i32 to index
        %get3A_970 = tpu.vector_load %arg11[%get3A_967, %get3A_968, %get3A_969] {strides = array<i32>} : memref<2x8x2048xf32, #tpu.memory_space<vmem>>, vector<1x1x16xf32>,
        %get3A_971 = vector.shape_cast %get3A_970 : vector<1x1x16xf32> to vector<16xf32>
        %get3A_972 = arith.constant 0 : i32
        %get3A_973 = arith.constant 7 : i32
        %get3A_974 = arith.index_cast %get3A_972 : i32 to index
        %get3A_975 = arith.index_cast %get3A_973 : i32 to index
        %get3A_976 = arith.index_cast %add3A_964 : i32 to index
        %get3A_977 = tpu.vector_load %arg12[%get3A_974, %get3A_975, %get3A_976] {strides = array<i32>} : memref<2x8x2048xf32, #tpu.memory_space<vmem>>, vector<1x1x16xf32>,
        %get3A_978 = vector.shape_cast %get3A_977 : vector<1x1x16xf32> to vector<16xf32>
        %sub3A_979 = arith.subf %get3A_971, %get3A_978 : vector<16xf32>
        %mul3A_980 = arith.mulf %sub3A_979, %sub3A_979 : vector<16xf32>
        %add3A_981 = arith.addf %add3A_960, %mul3A_980 : vector<16xf32>
        %mul3A_982 = arith.constant 128 : i32
        %mul3A_983 = arith.muli %scan3A_918, %mul3A_982 : i32
        %add3A_984 = arith.constant 48 : i32
        %add3A_985 = arith.addi %mul3A_983, %add3A_984 : i32
        %get3A_986 = arith.constant 0 : i32
        %get3A_987 = arith.constant 7 : i32
        %get3A_988 = arith.index_cast %get3A_986 : i32 to index
        %get3A_989 = arith.index_cast %get3A_987 : i32 to index
        %get3A_990 = arith.index_cast %add3A_985 : i32 to index
        %get3A_991 = tpu.vector_load %arg11[%get3A_988, %get3A_989, %get3A_990] {strides = array<i32>} : memref<2x8x2048xf32, #tpu.memory_space<vmem>>, vector<1x1x16xf32>,
        %get3A_992 = vector.shape_cast %get3A_991 : vector<1x1x16xf32> to vector<16xf32>
        %get3A_993 = arith.constant 0 : i32
        %get3A_994 = arith.constant 7 : i32
        %get3A_995 = arith.index_cast %get3A_993 : i32 to index
        %get3A_996 = arith.index_cast %get3A_994 : i32 to index
        %get3A_997 = arith.index_cast %add3A_985 : i32 to index
        %get3A_998 = tpu.vector_load %arg12[%get3A_995, %get3A_996, %get3A_997] {strides = array<i32>} : memref<2x8x2048xf32, #tpu.memory_space<vmem>>, vector<1x1x16xf32>,
        %get3A_999 = vector.shape_cast %get3A_998 : vector<1x1x16xf32> to vector<16xf32>
        %sub3A_1000 = arith.subf %get3A_992, %get3A_999 : vector<16xf32>
        %mul3A_1001 = arith.mulf %sub3A_1000, %sub3A_1000 : vector<16xf32>
        %add3A_1002 = arith.addf %add3A_981, %mul3A_1001 : vector<16xf32>
        %mul3A_1003 = arith.constant 128 : i32
        %mul3A_1004 = arith.muli %scan3A_918, %mul3A_1003 : i32
        %add3A_1005 = arith.constant 64 : i32
        %add3A_1006 = arith.addi %mul3A_1004, %add3A_1005 : i32
        %get3A_1007 = arith.constant 0 : i32
        %get3A_1008 = arith.constant 7 : i32
        %get3A_1009 = arith.index_cast %get3A_1007 : i32 to index
        %get3A_1010 = arith.index_cast %get3A_1008 : i32 to index
        %get3A_1011 = arith.index_cast %add3A_1006 : i32 to index
        %get3A_1012 = tpu.vector_load %arg11[%get3A_1009, %get3A_1010, %get3A_1011] {strides = array<i32>} : memref<2x8x2048xf32, #tpu.memory_space<vmem>>, vector<1x1x16xf32>,
        %get3A_1013 = vector.shape_cast %get3A_1012 : vector<1x1x16xf32> to vector<16xf32>
        %get3A_1014 = arith.constant 0 : i32
        %get3A_1015 = arith.constant 7 : i32
        %get3A_1016 = arith.index_cast %get3A_1014 : i32 to index
        %get3A_1017 = arith.index_cast %get3A_1015 : i32 to index
        %get3A_1018 = arith.index_cast %add3A_1006 : i32 to index
        %get3A_1019 = tpu.vector_load %arg12[%get3A_1016, %get3A_1017, %get3A_1018] {strides = array<i32>} : memref<2x8x2048xf32, #tpu.memory_space<vmem>>, vector<1x1x16xf32>,
        %get3A_1020 = vector.shape_cast %get3A_1019 : vector<1x1x16xf32> to vector<16xf32>
        %sub3A_1021 = arith.subf %get3A_1013, %get3A_1020 : vector<16xf32>
        %mul3A_1022 = arith.mulf %sub3A_1021, %sub3A_1021 : vector<16xf32>
        %add3A_1023 = arith.addf %add3A_1002, %mul3A_1022 : vector<16xf32>
        %mul3A_1024 = arith.constant 128 : i32
        %mul3A_1025 = arith.muli %scan3A_918, %mul3A_1024 : i32
        %add3A_1026 = arith.constant 80 : i32
        %add3A_1027 = arith.addi %mul3A_1025, %add3A_1026 : i32
        %get3A_1028 = arith.constant 0 : i32
        %get3A_1029 = arith.constant 7 : i32
        %get3A_1030 = arith.index_cast %get3A_1028 : i32 to index
        %get3A_1031 = arith.index_cast %get3A_1029 : i32 to index
        %get3A_1032 = arith.index_cast %add3A_1027 : i32 to index
        %get3A_1033 = tpu.vector_load %arg11[%get3A_1030, %get3A_1031, %get3A_1032] {strides = array<i32>} : memref<2x8x2048xf32, #tpu.memory_space<vmem>>, vector<1x1x16xf32>,
        %get3A_1034 = vector.shape_cast %get3A_1033 : vector<1x1x16xf32> to vector<16xf32>
        %get3A_1035 = arith.constant 0 : i32
        %get3A_1036 = arith.constant 7 : i32
        %get3A_1037 = arith.index_cast %get3A_1035 : i32 to index
        %get3A_1038 = arith.index_cast %get3A_1036 : i32 to index
        %get3A_1039 = arith.index_cast %add3A_1027 : i32 to index
        %get3A_1040 = tpu.vector_load %arg12[%get3A_1037, %get3A_1038, %get3A_1039] {strides = array<i32>} : memref<2x8x2048xf32, #tpu.memory_space<vmem>>, vector<1x1x16xf32>,
        %get3A_1041 = vector.shape_cast %get3A_1040 : vector<1x1x16xf32> to vector<16xf32>
        %sub3A_1042 = arith.subf %get3A_1034, %get3A_1041 : vector<16xf32>
        %mul3A_1043 = arith.mulf %sub3A_1042, %sub3A_1042 : vector<16xf32>
        %add3A_1044 = arith.addf %add3A_1023, %mul3A_1043 : vector<16xf32>
        %mul3A_1045 = arith.constant 128 : i32
        %mul3A_1046 = arith.muli %scan3A_918, %mul3A_1045 : i32
        %add3A_1047 = arith.constant 96 : i32
        %add3A_1048 = arith.addi %mul3A_1046, %add3A_1047 : i32
        %get3A_1049 = arith.constant 0 : i32
        %get3A_1050 = arith.constant 7 : i32
        %get3A_1051 = arith.index_cast %get3A_1049 : i32 to index
        %get3A_1052 = arith.index_cast %get3A_1050 : i32 to index
        %get3A_1053 = arith.index_cast %add3A_1048 : i32 to index
        %get3A_1054 = tpu.vector_load %arg11[%get3A_1051, %get3A_1052, %get3A_1053] {strides = array<i32>} : memref<2x8x2048xf32, #tpu.memory_space<vmem>>, vector<1x1x16xf32>,
        %get3A_1055 = vector.shape_cast %get3A_1054 : vector<1x1x16xf32> to vector<16xf32>
        %get3A_1056 = arith.constant 0 : i32
        %get3A_1057 = arith.constant 7 : i32
        %get3A_1058 = arith.index_cast %get3A_1056 : i32 to index
        %get3A_1059 = arith.index_cast %get3A_1057 : i32 to index
        %get3A_1060 = arith.index_cast %add3A_1048 : i32 to index
        %get3A_1061 = tpu.vector_load %arg12[%get3A_1058, %get3A_1059, %get3A_1060] {strides = array<i32>} : memref<2x8x2048xf32, #tpu.memory_space<vmem>>, vector<1x1x16xf32>,
        %get3A_1062 = vector.shape_cast %get3A_1061 : vector<1x1x16xf32> to vector<16xf32>
        %sub3A_1063 = arith.subf %get3A_1055, %get3A_1062 : vector<16xf32>
        %mul3A_1064 = arith.mulf %sub3A_1063, %sub3A_1063 : vector<16xf32>
        %add3A_1065 = arith.addf %add3A_1044, %mul3A_1064 : vector<16xf32>
        %mul3A_1066 = arith.constant 128 : i32
        %mul3A_1067 = arith.muli %scan3A_918, %mul3A_1066 : i32
        %add3A_1068 = arith.constant 112 : i32
        %add3A_1069 = arith.addi %mul3A_1067, %add3A_1068 : i32
        %get3A_1070 = arith.constant 0 : i32
        %get3A_1071 = arith.constant 7 : i32
        %get3A_1072 = arith.index_cast %get3A_1070 : i32 to index
        %get3A_1073 = arith.index_cast %get3A_1071 : i32 to index
        %get3A_1074 = arith.index_cast %add3A_1069 : i32 to index
        %get3A_1075 = tpu.vector_load %arg11[%get3A_1072, %get3A_1073, %get3A_1074] {strides = array<i32>} : memref<2x8x2048xf32, #tpu.memory_space<vmem>>, vector<1x1x16xf32>,
        %get3A_1076 = vector.shape_cast %get3A_1075 : vector<1x1x16xf32> to vector<16xf32>
        %get3A_1077 = arith.constant 0 : i32
        %get3A_1078 = arith.constant 7 : i32
        %get3A_1079 = arith.index_cast %get3A_1077 : i32 to index
        %get3A_1080 = arith.index_cast %get3A_1078 : i32 to index
        %get3A_1081 = arith.index_cast %add3A_1069 : i32 to index
        %get3A_1082 = tpu.vector_load %arg12[%get3A_1079, %get3A_1080, %get3A_1081] {strides = array<i32>} : memref<2x8x2048xf32, #tpu.memory_space<vmem>>, vector<1x1x16xf32>,
        %get3A_1083 = vector.shape_cast %get3A_1082 : vector<1x1x16xf32> to vector<16xf32>
        %sub3A_1084 = arith.subf %get3A_1076, %get3A_1083 : vector<16xf32>
        %mul3A_1085 = arith.mulf %sub3A_1084, %sub3A_1084 : vector<16xf32>
        %add3A_1086 = arith.addf %add3A_1065, %mul3A_1085 : vector<16xf32>
        scf.yield %add3A_1086 : vector<16xf32>
      }
      %scan3A_447 = arith.constant 16 : i32
      %iota3A_448 = tpu.iota {dimensions = array<i32: 0>} : vector<16xi32>
      %xor3A_449 = arith.constant 8 : i32
      %xor3A_450 = vector.broadcast %xor3A_449 : i32 to vector<16xi32>
      %xor3A_451 = arith.xori %iota3A_448, %xor3A_450 : vector<16xi32>
      %broadcast_in_dim3A_452 = vector.shape_cast %xor3A_451 : vector<16xi32> to vector<16x1xi32>
      %gather3A_453 = vector.shape_cast %broadcast_in_dim3A_452 : vector<16x1xi32> to vector<16xi32>
      %gather3A_454 = tpu.dynamic_gather %scan3A_446[%gather3A_453] in [0] : vector<16xf32>, vector<16xi32> -> vector<16xf32>
      %add3A_455 = arith.addf %scan3A_446, %gather3A_454 : vector<16xf32>
      %xor3A_456 = arith.constant 4 : i32
      %xor3A_457 = vector.broadcast %xor3A_456 : i32 to vector<16xi32>
      %xor3A_458 = arith.xori %iota3A_448, %xor3A_457 : vector<16xi32>
      %broadcast_in_dim3A_459 = vector.shape_cast %xor3A_458 : vector<16xi32> to vector<16x1xi32>
      %gather3A_460 = vector.shape_cast %broadcast_in_dim3A_459 : vector<16x1xi32> to vector<16xi32>
      %gather3A_461 = tpu.dynamic_gather %add3A_455[%gather3A_460] in [0] : vector<16xf32>, vector<16xi32> -> vector<16xf32>
      %add3A_462 = arith.addf %add3A_455, %gather3A_461 : vector<16xf32>
      %xor3A_463 = arith.constant 2 : i32
      %xor3A_464 = vector.broadcast %xor3A_463 : i32 to vector<16xi32>
      %xor3A_465 = arith.xori %iota3A_448, %xor3A_464 : vector<16xi32>
      %broadcast_in_dim3A_466 = vector.shape_cast %xor3A_465 : vector<16xi32> to vector<16x1xi32>
      %gather3A_467 = vector.shape_cast %broadcast_in_dim3A_466 : vector<16x1xi32> to vector<16xi32>
      %gather3A_468 = tpu.dynamic_gather %add3A_462[%gather3A_467] in [0] : vector<16xf32>, vector<16xi32> -> vector<16xf32>
      %add3A_469 = arith.addf %add3A_462, %gather3A_468 : vector<16xf32>
      %xor3A_470 = arith.constant 1 : i32
      %xor3A_471 = vector.broadcast %xor3A_470 : i32 to vector<16xi32>
      %xor3A_472 = arith.xori %iota3A_448, %xor3A_471 : vector<16xi32>
      %broadcast_in_dim3A_473 = vector.shape_cast %xor3A_472 : vector<16xi32> to vector<16x1xi32>
      %gather3A_474 = vector.shape_cast %broadcast_in_dim3A_473 : vector<16x1xi32> to vector<16xi32>
      %gather3A_475 = tpu.dynamic_gather %add3A_469[%gather3A_474] in [0] : vector<16xf32>, vector<16xi32> -> vector<16xf32>
      %add3A_476 = arith.addf %add3A_469, %gather3A_475 : vector<16xf32>
      %eq3A_477 = arith.constant 7 : i32
      %eq3A_478 = vector.broadcast %eq3A_477 : i32 to vector<16xi32>
      %eq3A_479 = arith.cmpi eq, %iota3A_448, %eq3A_478 : vector<16xi32>
      %select_n3A_480 = arith.select %eq3A_479, %add3A_476, %select_n3A_439 : vector<16xi1>, vector<16xf32>
      %add3A_481 = arith.constant 2 : i32
      %add3A_482 = arith.addi %add3A_131, %add3A_481 : i32
      %min3A_483 = arith.constant 63 : i32
      %min3A_484 = arith.minsi %add3A_482, %min3A_483 : i32
      %mul3A_485 = arith.constant 8 : i32
      %mul3A_486 = arith.muli %min3A_484, %mul3A_485 : i32
      %add3A_487 = arith.addi %mul3A_2, %mul3A_486 : i32
      %dma_start3A_488 = arith.constant 0 : i32
      %dma_start3A_489 = arith.constant 0 : i32
      %dma_start3A_490 = arith.constant 0 : i32
      %dma_start3A_491 = tpu.memref_slice %arg11[%dma_start3A_488, %dma_start3A_489, %dma_start3A_490] : memref<2x8x2048xf32, #tpu.memory_space<vmem>> -> memref<1x8x2048xf32, #tpu.memory_space<vmem>>
      %dma_start3A_492 = tpu.memref_squeeze %dma_start3A_491 : memref<1x8x2048xf32, #tpu.memory_space<vmem>> -> memref<8x2048xf32, #tpu.memory_space<vmem>>
      %dma_start3A_493 = arith.constant 0 : i32
      %dma_start3A_494 = tpu.memref_slice %arg5[%add3A_487, %dma_start3A_493] : memref<16384x2048xf32, #tpu.memory_space<hbm>> -> memref<8x2048xf32, #tpu.memory_space<hbm>>
      %dma_start3A_495 = arith.constant 0 : i32
      %dma_start3A_496 = arith.constant 0 : i32
      %dma_start3A_497 = tpu.memref_slice %arg11[%dma_start3A_488, %dma_start3A_495, %dma_start3A_496] : memref<2x8x2048xf32, #tpu.memory_space<vmem>> -> memref<1x8x2048xf32, #tpu.memory_space<vmem>>
      %dma_start3A_498 = tpu.memref_squeeze %dma_start3A_497 : memref<1x8x2048xf32, #tpu.memory_space<vmem>> -> memref<8x2048xf32, #tpu.memory_space<vmem>>
      %dma_start3A_499 = arith.constant 0 : i32
      %dma_start3A_500 = tpu.memref_slice %arg5[%add3A_487, %dma_start3A_499] : memref<16384x2048xf32, #tpu.memory_space<hbm>> -> memref<8x2048xf32, #tpu.memory_space<hbm>>
      tpu.enqueue_dma source(%dma_start3A_500 : memref<8x2048xf32, #tpu.memory_space<hbm>>) target(%dma_start3A_498 : memref<8x2048xf32, #tpu.memory_space<vmem>>) target_semaphore(%arg14 : memref<!tpu.dma_semaphore, #tpu.memory_space<semaphore_mem>>)
      %dma_start3A_501 = arith.constant 0 : i32
      %dma_start3A_502 = arith.constant 0 : i32
      %dma_start3A_503 = arith.constant 0 : i32
      %dma_start3A_504 = tpu.memref_slice %arg12[%dma_start3A_501, %dma_start3A_502, %dma_start3A_503] : memref<2x8x2048xf32, #tpu.memory_space<vmem>> -> memref<1x8x2048xf32, #tpu.memory_space<vmem>>
      %dma_start3A_505 = tpu.memref_squeeze %dma_start3A_504 : memref<1x8x2048xf32, #tpu.memory_space<vmem>> -> memref<8x2048xf32, #tpu.memory_space<vmem>>
      %dma_start3A_506 = arith.constant 0 : i32
      %dma_start3A_507 = tpu.memref_slice %arg6[%add3A_487, %dma_start3A_506] : memref<16384x2048xf32, #tpu.memory_space<hbm>> -> memref<8x2048xf32, #tpu.memory_space<hbm>>
      %dma_start3A_508 = arith.constant 0 : i32
      %dma_start3A_509 = arith.constant 0 : i32
      %dma_start3A_510 = tpu.memref_slice %arg12[%dma_start3A_501, %dma_start3A_508, %dma_start3A_509] : memref<2x8x2048xf32, #tpu.memory_space<vmem>> -> memref<1x8x2048xf32, #tpu.memory_space<vmem>>
      %dma_start3A_511 = tpu.memref_squeeze %dma_start3A_510 : memref<1x8x2048xf32, #tpu.memory_space<vmem>> -> memref<8x2048xf32, #tpu.memory_space<vmem>>
      %dma_start3A_512 = arith.constant 0 : i32
      %dma_start3A_513 = tpu.memref_slice %arg6[%add3A_487, %dma_start3A_512] : memref<16384x2048xf32, #tpu.memory_space<hbm>> -> memref<8x2048xf32, #tpu.memory_space<hbm>>
      tpu.enqueue_dma source(%dma_start3A_513 : memref<8x2048xf32, #tpu.memory_space<hbm>>) target(%dma_start3A_511 : memref<8x2048xf32, #tpu.memory_space<vmem>>) target_semaphore(%arg14 : memref<!tpu.dma_semaphore, #tpu.memory_space<semaphore_mem>>)
      %mul3A_514 = arith.constant 2 : i32
      %mul3A_515 = arith.muli %mul3A_514, %scan3A_126 : i32
      %add3A_516 = arith.constant 1 : i32
      %add3A_517 = arith.addi %mul3A_515, %add3A_516 : i32
      %dma_wait3A_518 = arith.constant 1 : i32
      %dma_wait3A_519 = arith.constant 0 : i32
      %dma_wait3A_520 = arith.constant 0 : i32
      %dma_wait3A_521 = tpu.memref_slice %arg11[%dma_wait3A_518, %dma_wait3A_519, %dma_wait3A_520] : memref<2x8x2048xf32, #tpu.memory_space<vmem>> -> memref<1x8x2048xf32, #tpu.memory_space<vmem>>
      %dma_wait3A_522 = tpu.memref_squeeze %dma_wait3A_521 : memref<1x8x2048xf32, #tpu.memory_space<vmem>> -> memref<8x2048xf32, #tpu.memory_space<vmem>>
      %dma_wait3A_523 = arith.constant 0 : i32
      %dma_wait3A_524 = tpu.memref_slice %arg5[%mul3A_2, %dma_wait3A_523] : memref<16384x2048xf32, #tpu.memory_space<hbm>> -> memref<8x2048xf32, #tpu.memory_space<hbm>>
      %dma_wait3A_525 = arith.constant 0 : i32
      %dma_wait3A_526 = arith.constant 0 : i32
      %dma_wait3A_527 = tpu.memref_slice %arg11[%dma_wait3A_518, %dma_wait3A_525, %dma_wait3A_526] : memref<2x8x2048xf32, #tpu.memory_space<vmem>> -> memref<1x8x2048xf32, #tpu.memory_space<vmem>>
      %dma_wait3A_528 = tpu.memref_squeeze %dma_wait3A_527 : memref<1x8x2048xf32, #tpu.memory_space<vmem>> -> memref<8x2048xf32, #tpu.memory_space<vmem>>
      %dma_wait3A_529 = arith.constant 0 : i32
      %dma_wait3A_530 = tpu.memref_slice %arg5[%mul3A_2, %dma_wait3A_529] : memref<16384x2048xf32, #tpu.memory_space<hbm>> -> memref<8x2048xf32, #tpu.memory_space<hbm>>
      tpu.wait_dma2 semaphore(%arg15 : memref<!tpu.dma_semaphore, #tpu.memory_space<semaphore_mem>>) src(%dma_wait3A_530 : memref<8x2048xf32, #tpu.memory_space<hbm>>) dst(%dma_wait3A_528 : memref<8x2048xf32, #tpu.memory_space<vmem>>)
      %dma_wait3A_531 = arith.constant 1 : i32
      %dma_wait3A_532 = arith.constant 0 : i32
      %dma_wait3A_533 = arith.constant 0 : i32
      %dma_wait3A_534 = tpu.memref_slice %arg12[%dma_wait3A_531, %dma_wait3A_532, %dma_wait3A_533] : memref<2x8x2048xf32, #tpu.memory_space<vmem>> -> memref<1x8x2048xf32, #tpu.memory_space<vmem>>
      %dma_wait3A_535 = tpu.memref_squeeze %dma_wait3A_534 : memref<1x8x2048xf32, #tpu.memory_space<vmem>> -> memref<8x2048xf32, #tpu.memory_space<vmem>>
      %dma_wait3A_536 = arith.constant 0 : i32
      %dma_wait3A_537 = tpu.memref_slice %arg6[%mul3A_2, %dma_wait3A_536] : memref<16384x2048xf32, #tpu.memory_space<hbm>> -> memref<8x2048xf32, #tpu.memory_space<hbm>>
      %dma_wait3A_538 = arith.constant 0 : i32
      %dma_wait3A_539 = arith.constant 0 : i32
      %dma_wait3A_540 = tpu.memref_slice %arg12[%dma_wait3A_531, %dma_wait3A_538, %dma_wait3A_539] : memref<2x8x2048xf32, #tpu.memory_space<vmem>> -> memref<1x8x2048xf32, #tpu.memory_space<vmem>>
      %dma_wait3A_541 = tpu.memref_squeeze %dma_wait3A_540 : memref<1x8x2048xf32, #tpu.memory_space<vmem>> -> memref<8x2048xf32, #tpu.memory_space<vmem>>
      %dma_wait3A_542 = arith.constant 0 : i32
      %dma_wait3A_543 = tpu.memref_slice %arg6[%mul3A_2, %dma_wait3A_542] : memref<16384x2048xf32, #tpu.memory_space<hbm>> -> memref<8x2048xf32, #tpu.memory_space<hbm>>
      tpu.wait_dma2 semaphore(%arg15 : memref<!tpu.dma_semaphore, #tpu.memory_space<semaphore_mem>>) src(%dma_wait3A_543 : memref<8x2048xf32, #tpu.memory_space<hbm>>) dst(%dma_wait3A_541 : memref<8x2048xf32, #tpu.memory_space<vmem>>)
      %broadcast_in_dim3A_544 = arith.constant 0.000000e+00 : f32
      %broadcast_in_dim3A_545 = vector.broadcast %broadcast_in_dim3A_544 : f32 to vector<16xf32>
      %scan3A_546 = arith.constant 0 : i32
      %scan3A_547 = arith.constant 16 : i32
      %scan3A_548 = arith.addi %scan3A_546, %scan3A_547 : i32
      %scan3A_549 = arith.constant 1 : i32
      %scan3A_550 = scf.for %scan3A_918 = %scan3A_546 to %scan3A_548 step %scan3A_549 iter_args(%scan3A_919 = %broadcast_in_dim3A_545) -> (vector<16xf32>)  : i32 {
        %mul3A_920 = arith.constant 128 : i32
        %mul3A_921 = arith.muli %scan3A_918, %mul3A_920 : i32
        %add3A_922 = arith.constant 0 : i32
        %add3A_923 = arith.addi %mul3A_921, %add3A_922 : i32
        %get3A_924 = arith.constant 1 : i32
        %get3A_925 = arith.constant 0 : i32
        %get3A_926 = arith.index_cast %get3A_924 : i32 to index
        %get3A_927 = arith.index_cast %get3A_925 : i32 to index
        %get3A_928 = arith.index_cast %add3A_923 : i32 to index
        %get3A_929 = tpu.vector_load %arg11[%get3A_926, %get3A_927, %get3A_928] {strides = array<i32>} : memref<2x8x2048xf32, #tpu.memory_space<vmem>>, vector<1x1x16xf32>,
        %get3A_930 = vector.shape_cast %get3A_929 : vector<1x1x16xf32> to vector<16xf32>
        %get3A_931 = arith.constant 1 : i32
        %get3A_932 = arith.constant 0 : i32
        %get3A_933 = arith.index_cast %get3A_931 : i32 to index
        %get3A_934 = arith.index_cast %get3A_932 : i32 to index
        %get3A_935 = arith.index_cast %add3A_923 : i32 to index
        %get3A_936 = tpu.vector_load %arg12[%get3A_933, %get3A_934, %get3A_935] {strides = array<i32>} : memref<2x8x2048xf32, #tpu.memory_space<vmem>>, vector<1x1x16xf32>,
        %get3A_937 = vector.shape_cast %get3A_936 : vector<1x1x16xf32> to vector<16xf32>
        %sub3A = arith.subf %get3A_930, %get3A_937 : vector<16xf32>
        %mul3A_938 = arith.mulf %sub3A, %sub3A : vector<16xf32>
        %add3A_939 = arith.addf %scan3A_919, %mul3A_938 : vector<16xf32>
        %mul3A_940 = arith.constant 128 : i32
        %mul3A_941 = arith.muli %scan3A_918, %mul3A_940 : i32
        %add3A_942 = arith.constant 16 : i32
        %add3A_943 = arith.addi %mul3A_941, %add3A_942 : i32
        %get3A_944 = arith.constant 1 : i32
        %get3A_945 = arith.constant 0 : i32
        %get3A_946 = arith.index_cast %get3A_944 : i32 to index
        %get3A_947 = arith.index_cast %get3A_945 : i32 to index
        %get3A_948 = arith.index_cast %add3A_943 : i32 to index
        %get3A_949 = tpu.vector_load %arg11[%get3A_946, %get3A_947, %get3A_948] {strides = array<i32>} : memref<2x8x2048xf32, #tpu.memory_space<vmem>>, vector<1x1x16xf32>,
        %get3A_950 = vector.shape_cast %get3A_949 : vector<1x1x16xf32> to vector<16xf32>
        %get3A_951 = arith.constant 1 : i32
        %get3A_952 = arith.constant 0 : i32
        %get3A_953 = arith.index_cast %get3A_951 : i32 to index
        %get3A_954 = arith.index_cast %get3A_952 : i32 to index
        %get3A_955 = arith.index_cast %add3A_943 : i32 to index
        %get3A_956 = tpu.vector_load %arg12[%get3A_953, %get3A_954, %get3A_955] {strides = array<i32>} : memref<2x8x2048xf32, #tpu.memory_space<vmem>>, vector<1x1x16xf32>,
        %get3A_957 = vector.shape_cast %get3A_956 : vector<1x1x16xf32> to vector<16xf32>
        %sub3A_958 = arith.subf %get3A_950, %get3A_957 : vector<16xf32>
        %mul3A_959 = arith.mulf %sub3A_958, %sub3A_958 : vector<16xf32>
        %add3A_960 = arith.addf %add3A_939, %mul3A_959 : vector<16xf32>
        %mul3A_961 = arith.constant 128 : i32
        %mul3A_962 = arith.muli %scan3A_918, %mul3A_961 : i32
        %add3A_963 = arith.constant 32 : i32
        %add3A_964 = arith.addi %mul3A_962, %add3A_963 : i32
        %get3A_965 = arith.constant 1 : i32
        %get3A_966 = arith.constant 0 : i32
        %get3A_967 = arith.index_cast %get3A_965 : i32 to index
        %get3A_968 = arith.index_cast %get3A_966 : i32 to index
        %get3A_969 = arith.index_cast %add3A_964 : i32 to index
        %get3A_970 = tpu.vector_load %arg11[%get3A_967, %get3A_968, %get3A_969] {strides = array<i32>} : memref<2x8x2048xf32, #tpu.memory_space<vmem>>, vector<1x1x16xf32>,
        %get3A_971 = vector.shape_cast %get3A_970 : vector<1x1x16xf32> to vector<16xf32>
        %get3A_972 = arith.constant 1 : i32
        %get3A_973 = arith.constant 0 : i32
        %get3A_974 = arith.index_cast %get3A_972 : i32 to index
        %get3A_975 = arith.index_cast %get3A_973 : i32 to index
        %get3A_976 = arith.index_cast %add3A_964 : i32 to index
        %get3A_977 = tpu.vector_load %arg12[%get3A_974, %get3A_975, %get3A_976] {strides = array<i32>} : memref<2x8x2048xf32, #tpu.memory_space<vmem>>, vector<1x1x16xf32>,
        %get3A_978 = vector.shape_cast %get3A_977 : vector<1x1x16xf32> to vector<16xf32>
        %sub3A_979 = arith.subf %get3A_971, %get3A_978 : vector<16xf32>
        %mul3A_980 = arith.mulf %sub3A_979, %sub3A_979 : vector<16xf32>
        %add3A_981 = arith.addf %add3A_960, %mul3A_980 : vector<16xf32>
        %mul3A_982 = arith.constant 128 : i32
        %mul3A_983 = arith.muli %scan3A_918, %mul3A_982 : i32
        %add3A_984 = arith.constant 48 : i32
        %add3A_985 = arith.addi %mul3A_983, %add3A_984 : i32
        %get3A_986 = arith.constant 1 : i32
        %get3A_987 = arith.constant 0 : i32
        %get3A_988 = arith.index_cast %get3A_986 : i32 to index
        %get3A_989 = arith.index_cast %get3A_987 : i32 to index
        %get3A_990 = arith.index_cast %add3A_985 : i32 to index
        %get3A_991 = tpu.vector_load %arg11[%get3A_988, %get3A_989, %get3A_990] {strides = array<i32>} : memref<2x8x2048xf32, #tpu.memory_space<vmem>>, vector<1x1x16xf32>,
        %get3A_992 = vector.shape_cast %get3A_991 : vector<1x1x16xf32> to vector<16xf32>
        %get3A_993 = arith.constant 1 : i32
        %get3A_994 = arith.constant 0 : i32
        %get3A_995 = arith.index_cast %get3A_993 : i32 to index
        %get3A_996 = arith.index_cast %get3A_994 : i32 to index
        %get3A_997 = arith.index_cast %add3A_985 : i32 to index
        %get3A_998 = tpu.vector_load %arg12[%get3A_995, %get3A_996, %get3A_997] {strides = array<i32>} : memref<2x8x2048xf32, #tpu.memory_space<vmem>>, vector<1x1x16xf32>,
        %get3A_999 = vector.shape_cast %get3A_998 : vector<1x1x16xf32> to vector<16xf32>
        %sub3A_1000 = arith.subf %get3A_992, %get3A_999 : vector<16xf32>
        %mul3A_1001 = arith.mulf %sub3A_1000, %sub3A_1000 : vector<16xf32>
        %add3A_1002 = arith.addf %add3A_981, %mul3A_1001 : vector<16xf32>
        %mul3A_1003 = arith.constant 128 : i32
        %mul3A_1004 = arith.muli %scan3A_918, %mul3A_1003 : i32
        %add3A_1005 = arith.constant 64 : i32
        %add3A_1006 = arith.addi %mul3A_1004, %add3A_1005 : i32
        %get3A_1007 = arith.constant 1 : i32
        %get3A_1008 = arith.constant 0 : i32
        %get3A_1009 = arith.index_cast %get3A_1007 : i32 to index
        %get3A_1010 = arith.index_cast %get3A_1008 : i32 to index
        %get3A_1011 = arith.index_cast %add3A_1006 : i32 to index
        %get3A_1012 = tpu.vector_load %arg11[%get3A_1009, %get3A_1010, %get3A_1011] {strides = array<i32>} : memref<2x8x2048xf32, #tpu.memory_space<vmem>>, vector<1x1x16xf32>,
        %get3A_1013 = vector.shape_cast %get3A_1012 : vector<1x1x16xf32> to vector<16xf32>
        %get3A_1014 = arith.constant 1 : i32
        %get3A_1015 = arith.constant 0 : i32
        %get3A_1016 = arith.index_cast %get3A_1014 : i32 to index
        %get3A_1017 = arith.index_cast %get3A_1015 : i32 to index
        %get3A_1018 = arith.index_cast %add3A_1006 : i32 to index
        %get3A_1019 = tpu.vector_load %arg12[%get3A_1016, %get3A_1017, %get3A_1018] {strides = array<i32>} : memref<2x8x2048xf32, #tpu.memory_space<vmem>>, vector<1x1x16xf32>,
        %get3A_1020 = vector.shape_cast %get3A_1019 : vector<1x1x16xf32> to vector<16xf32>
        %sub3A_1021 = arith.subf %get3A_1013, %get3A_1020 : vector<16xf32>
        %mul3A_1022 = arith.mulf %sub3A_1021, %sub3A_1021 : vector<16xf32>
        %add3A_1023 = arith.addf %add3A_1002, %mul3A_1022 : vector<16xf32>
        %mul3A_1024 = arith.constant 128 : i32
        %mul3A_1025 = arith.muli %scan3A_918, %mul3A_1024 : i32
        %add3A_1026 = arith.constant 80 : i32
        %add3A_1027 = arith.addi %mul3A_1025, %add3A_1026 : i32
        %get3A_1028 = arith.constant 1 : i32
        %get3A_1029 = arith.constant 0 : i32
        %get3A_1030 = arith.index_cast %get3A_1028 : i32 to index
        %get3A_1031 = arith.index_cast %get3A_1029 : i32 to index
        %get3A_1032 = arith.index_cast %add3A_1027 : i32 to index
        %get3A_1033 = tpu.vector_load %arg11[%get3A_1030, %get3A_1031, %get3A_1032] {strides = array<i32>} : memref<2x8x2048xf32, #tpu.memory_space<vmem>>, vector<1x1x16xf32>,
        %get3A_1034 = vector.shape_cast %get3A_1033 : vector<1x1x16xf32> to vector<16xf32>
        %get3A_1035 = arith.constant 1 : i32
        %get3A_1036 = arith.constant 0 : i32
        %get3A_1037 = arith.index_cast %get3A_1035 : i32 to index
        %get3A_1038 = arith.index_cast %get3A_1036 : i32 to index
        %get3A_1039 = arith.index_cast %add3A_1027 : i32 to index
        %get3A_1040 = tpu.vector_load %arg12[%get3A_1037, %get3A_1038, %get3A_1039] {strides = array<i32>} : memref<2x8x2048xf32, #tpu.memory_space<vmem>>, vector<1x1x16xf32>,
        %get3A_1041 = vector.shape_cast %get3A_1040 : vector<1x1x16xf32> to vector<16xf32>
        %sub3A_1042 = arith.subf %get3A_1034, %get3A_1041 : vector<16xf32>
        %mul3A_1043 = arith.mulf %sub3A_1042, %sub3A_1042 : vector<16xf32>
        %add3A_1044 = arith.addf %add3A_1023, %mul3A_1043 : vector<16xf32>
        %mul3A_1045 = arith.constant 128 : i32
        %mul3A_1046 = arith.muli %scan3A_918, %mul3A_1045 : i32
        %add3A_1047 = arith.constant 96 : i32
        %add3A_1048 = arith.addi %mul3A_1046, %add3A_1047 : i32
        %get3A_1049 = arith.constant 1 : i32
        %get3A_1050 = arith.constant 0 : i32
        %get3A_1051 = arith.index_cast %get3A_1049 : i32 to index
        %get3A_1052 = arith.index_cast %get3A_1050 : i32 to index
        %get3A_1053 = arith.index_cast %add3A_1048 : i32 to index
        %get3A_1054 = tpu.vector_load %arg11[%get3A_1051, %get3A_1052, %get3A_1053] {strides = array<i32>} : memref<2x8x2048xf32, #tpu.memory_space<vmem>>, vector<1x1x16xf32>,
        %get3A_1055 = vector.shape_cast %get3A_1054 : vector<1x1x16xf32> to vector<16xf32>
        %get3A_1056 = arith.constant 1 : i32
        %get3A_1057 = arith.constant 0 : i32
        %get3A_1058 = arith.index_cast %get3A_1056 : i32 to index
        %get3A_1059 = arith.index_cast %get3A_1057 : i32 to index
        %get3A_1060 = arith.index_cast %add3A_1048 : i32 to index
        %get3A_1061 = tpu.vector_load %arg12[%get3A_1058, %get3A_1059, %get3A_1060] {strides = array<i32>} : memref<2x8x2048xf32, #tpu.memory_space<vmem>>, vector<1x1x16xf32>,
        %get3A_1062 = vector.shape_cast %get3A_1061 : vector<1x1x16xf32> to vector<16xf32>
        %sub3A_1063 = arith.subf %get3A_1055, %get3A_1062 : vector<16xf32>
        %mul3A_1064 = arith.mulf %sub3A_1063, %sub3A_1063 : vector<16xf32>
        %add3A_1065 = arith.addf %add3A_1044, %mul3A_1064 : vector<16xf32>
        %mul3A_1066 = arith.constant 128 : i32
        %mul3A_1067 = arith.muli %scan3A_918, %mul3A_1066 : i32
        %add3A_1068 = arith.constant 112 : i32
        %add3A_1069 = arith.addi %mul3A_1067, %add3A_1068 : i32
        %get3A_1070 = arith.constant 1 : i32
        %get3A_1071 = arith.constant 0 : i32
        %get3A_1072 = arith.index_cast %get3A_1070 : i32 to index
        %get3A_1073 = arith.index_cast %get3A_1071 : i32 to index
        %get3A_1074 = arith.index_cast %add3A_1069 : i32 to index
        %get3A_1075 = tpu.vector_load %arg11[%get3A_1072, %get3A_1073, %get3A_1074] {strides = array<i32>} : memref<2x8x2048xf32, #tpu.memory_space<vmem>>, vector<1x1x16xf32>,
        %get3A_1076 = vector.shape_cast %get3A_1075 : vector<1x1x16xf32> to vector<16xf32>
        %get3A_1077 = arith.constant 1 : i32
        %get3A_1078 = arith.constant 0 : i32
        %get3A_1079 = arith.index_cast %get3A_1077 : i32 to index
        %get3A_1080 = arith.index_cast %get3A_1078 : i32 to index
        %get3A_1081 = arith.index_cast %add3A_1069 : i32 to index
        %get3A_1082 = tpu.vector_load %arg12[%get3A_1079, %get3A_1080, %get3A_1081] {strides = array<i32>} : memref<2x8x2048xf32, #tpu.memory_space<vmem>>, vector<1x1x16xf32>,
        %get3A_1083 = vector.shape_cast %get3A_1082 : vector<1x1x16xf32> to vector<16xf32>
        %sub3A_1084 = arith.subf %get3A_1076, %get3A_1083 : vector<16xf32>
        %mul3A_1085 = arith.mulf %sub3A_1084, %sub3A_1084 : vector<16xf32>
        %add3A_1086 = arith.addf %add3A_1065, %mul3A_1085 : vector<16xf32>
        scf.yield %add3A_1086 : vector<16xf32>
      }
      %scan3A_551 = arith.constant 16 : i32
      %iota3A_552 = tpu.iota {dimensions = array<i32: 0>} : vector<16xi32>
      %xor3A_553 = arith.constant 8 : i32
      %xor3A_554 = vector.broadcast %xor3A_553 : i32 to vector<16xi32>
      %xor3A_555 = arith.xori %iota3A_552, %xor3A_554 : vector<16xi32>
      %broadcast_in_dim3A_556 = vector.shape_cast %xor3A_555 : vector<16xi32> to vector<16x1xi32>
      %gather3A_557 = vector.shape_cast %broadcast_in_dim3A_556 : vector<16x1xi32> to vector<16xi32>
      %gather3A_558 = tpu.dynamic_gather %scan3A_550[%gather3A_557] in [0] : vector<16xf32>, vector<16xi32> -> vector<16xf32>
      %add3A_559 = arith.addf %scan3A_550, %gather3A_558 : vector<16xf32>
      %xor3A_560 = arith.constant 4 : i32
      %xor3A_561 = vector.broadcast %xor3A_560 : i32 to vector<16xi32>
      %xor3A_562 = arith.xori %iota3A_552, %xor3A_561 : vector<16xi32>
      %broadcast_in_dim3A_563 = vector.shape_cast %xor3A_562 : vector<16xi32> to vector<16x1xi32>
      %gather3A_564 = vector.shape_cast %broadcast_in_dim3A_563 : vector<16x1xi32> to vector<16xi32>
      %gather3A_565 = tpu.dynamic_gather %add3A_559[%gather3A_564] in [0] : vector<16xf32>, vector<16xi32> -> vector<16xf32>
      %add3A_566 = arith.addf %add3A_559, %gather3A_565 : vector<16xf32>
      %xor3A_567 = arith.constant 2 : i32
      %xor3A_568 = vector.broadcast %xor3A_567 : i32 to vector<16xi32>
      %xor3A_569 = arith.xori %iota3A_552, %xor3A_568 : vector<16xi32>
      %broadcast_in_dim3A_570 = vector.shape_cast %xor3A_569 : vector<16xi32> to vector<16x1xi32>
      %gather3A_571 = vector.shape_cast %broadcast_in_dim3A_570 : vector<16x1xi32> to vector<16xi32>
      %gather3A_572 = tpu.dynamic_gather %add3A_566[%gather3A_571] in [0] : vector<16xf32>, vector<16xi32> -> vector<16xf32>
      %add3A_573 = arith.addf %add3A_566, %gather3A_572 : vector<16xf32>
      %xor3A_574 = arith.constant 1 : i32
      %xor3A_575 = vector.broadcast %xor3A_574 : i32 to vector<16xi32>
      %xor3A_576 = arith.xori %iota3A_552, %xor3A_575 : vector<16xi32>
      %broadcast_in_dim3A_577 = vector.shape_cast %xor3A_576 : vector<16xi32> to vector<16x1xi32>
      %gather3A_578 = vector.shape_cast %broadcast_in_dim3A_577 : vector<16x1xi32> to vector<16xi32>
      %gather3A_579 = tpu.dynamic_gather %add3A_573[%gather3A_578] in [0] : vector<16xf32>, vector<16xi32> -> vector<16xf32>
      %add3A_580 = arith.addf %add3A_573, %gather3A_579 : vector<16xf32>
      %eq3A_581 = arith.constant 8 : i32
      %eq3A_582 = vector.broadcast %eq3A_581 : i32 to vector<16xi32>
      %eq3A_583 = arith.cmpi eq, %iota3A_552, %eq3A_582 : vector<16xi32>
      %select_n3A_584 = arith.select %eq3A_583, %add3A_580, %select_n3A_480 : vector<16xi1>, vector<16xf32>
      %broadcast_in_dim3A_585 = arith.constant 0.000000e+00 : f32
      %broadcast_in_dim3A_586 = vector.broadcast %broadcast_in_dim3A_585 : f32 to vector<16xf32>
      %scan3A_587 = arith.constant 0 : i32
      %scan3A_588 = arith.constant 16 : i32
      %scan3A_589 = arith.addi %scan3A_587, %scan3A_588 : i32
      %scan3A_590 = arith.constant 1 : i32
      %scan3A_591 = scf.for %scan3A_918 = %scan3A_587 to %scan3A_589 step %scan3A_590 iter_args(%scan3A_919 = %broadcast_in_dim3A_586) -> (vector<16xf32>)  : i32 {
        %mul3A_920 = arith.constant 128 : i32
        %mul3A_921 = arith.muli %scan3A_918, %mul3A_920 : i32
        %add3A_922 = arith.constant 0 : i32
        %add3A_923 = arith.addi %mul3A_921, %add3A_922 : i32
        %get3A_924 = arith.constant 1 : i32
        %get3A_925 = arith.constant 1 : i32
        %get3A_926 = arith.index_cast %get3A_924 : i32 to index
        %get3A_927 = arith.index_cast %get3A_925 : i32 to index
        %get3A_928 = arith.index_cast %add3A_923 : i32 to index
        %get3A_929 = tpu.vector_load %arg11[%get3A_926, %get3A_927, %get3A_928] {strides = array<i32>} : memref<2x8x2048xf32, #tpu.memory_space<vmem>>, vector<1x1x16xf32>,
        %get3A_930 = vector.shape_cast %get3A_929 : vector<1x1x16xf32> to vector<16xf32>
        %get3A_931 = arith.constant 1 : i32
        %get3A_932 = arith.constant 1 : i32
        %get3A_933 = arith.index_cast %get3A_931 : i32 to index
        %get3A_934 = arith.index_cast %get3A_932 : i32 to index
        %get3A_935 = arith.index_cast %add3A_923 : i32 to index
        %get3A_936 = tpu.vector_load %arg12[%get3A_933, %get3A_934, %get3A_935] {strides = array<i32>} : memref<2x8x2048xf32, #tpu.memory_space<vmem>>, vector<1x1x16xf32>,
        %get3A_937 = vector.shape_cast %get3A_936 : vector<1x1x16xf32> to vector<16xf32>
        %sub3A = arith.subf %get3A_930, %get3A_937 : vector<16xf32>
        %mul3A_938 = arith.mulf %sub3A, %sub3A : vector<16xf32>
        %add3A_939 = arith.addf %scan3A_919, %mul3A_938 : vector<16xf32>
        %mul3A_940 = arith.constant 128 : i32
        %mul3A_941 = arith.muli %scan3A_918, %mul3A_940 : i32
        %add3A_942 = arith.constant 16 : i32
        %add3A_943 = arith.addi %mul3A_941, %add3A_942 : i32
        %get3A_944 = arith.constant 1 : i32
        %get3A_945 = arith.constant 1 : i32
        %get3A_946 = arith.index_cast %get3A_944 : i32 to index
        %get3A_947 = arith.index_cast %get3A_945 : i32 to index
        %get3A_948 = arith.index_cast %add3A_943 : i32 to index
        %get3A_949 = tpu.vector_load %arg11[%get3A_946, %get3A_947, %get3A_948] {strides = array<i32>} : memref<2x8x2048xf32, #tpu.memory_space<vmem>>, vector<1x1x16xf32>,
        %get3A_950 = vector.shape_cast %get3A_949 : vector<1x1x16xf32> to vector<16xf32>
        %get3A_951 = arith.constant 1 : i32
        %get3A_952 = arith.constant 1 : i32
        %get3A_953 = arith.index_cast %get3A_951 : i32 to index
        %get3A_954 = arith.index_cast %get3A_952 : i32 to index
        %get3A_955 = arith.index_cast %add3A_943 : i32 to index
        %get3A_956 = tpu.vector_load %arg12[%get3A_953, %get3A_954, %get3A_955] {strides = array<i32>} : memref<2x8x2048xf32, #tpu.memory_space<vmem>>, vector<1x1x16xf32>,
        %get3A_957 = vector.shape_cast %get3A_956 : vector<1x1x16xf32> to vector<16xf32>
        %sub3A_958 = arith.subf %get3A_950, %get3A_957 : vector<16xf32>
        %mul3A_959 = arith.mulf %sub3A_958, %sub3A_958 : vector<16xf32>
        %add3A_960 = arith.addf %add3A_939, %mul3A_959 : vector<16xf32>
        %mul3A_961 = arith.constant 128 : i32
        %mul3A_962 = arith.muli %scan3A_918, %mul3A_961 : i32
        %add3A_963 = arith.constant 32 : i32
        %add3A_964 = arith.addi %mul3A_962, %add3A_963 : i32
        %get3A_965 = arith.constant 1 : i32
        %get3A_966 = arith.constant 1 : i32
        %get3A_967 = arith.index_cast %get3A_965 : i32 to index
        %get3A_968 = arith.index_cast %get3A_966 : i32 to index
        %get3A_969 = arith.index_cast %add3A_964 : i32 to index
        %get3A_970 = tpu.vector_load %arg11[%get3A_967, %get3A_968, %get3A_969] {strides = array<i32>} : memref<2x8x2048xf32, #tpu.memory_space<vmem>>, vector<1x1x16xf32>,
        %get3A_971 = vector.shape_cast %get3A_970 : vector<1x1x16xf32> to vector<16xf32>
        %get3A_972 = arith.constant 1 : i32
        %get3A_973 = arith.constant 1 : i32
        %get3A_974 = arith.index_cast %get3A_972 : i32 to index
        %get3A_975 = arith.index_cast %get3A_973 : i32 to index
        %get3A_976 = arith.index_cast %add3A_964 : i32 to index
        %get3A_977 = tpu.vector_load %arg12[%get3A_974, %get3A_975, %get3A_976] {strides = array<i32>} : memref<2x8x2048xf32, #tpu.memory_space<vmem>>, vector<1x1x16xf32>,
        %get3A_978 = vector.shape_cast %get3A_977 : vector<1x1x16xf32> to vector<16xf32>
        %sub3A_979 = arith.subf %get3A_971, %get3A_978 : vector<16xf32>
        %mul3A_980 = arith.mulf %sub3A_979, %sub3A_979 : vector<16xf32>
        %add3A_981 = arith.addf %add3A_960, %mul3A_980 : vector<16xf32>
        %mul3A_982 = arith.constant 128 : i32
        %mul3A_983 = arith.muli %scan3A_918, %mul3A_982 : i32
        %add3A_984 = arith.constant 48 : i32
        %add3A_985 = arith.addi %mul3A_983, %add3A_984 : i32
        %get3A_986 = arith.constant 1 : i32
        %get3A_987 = arith.constant 1 : i32
        %get3A_988 = arith.index_cast %get3A_986 : i32 to index
        %get3A_989 = arith.index_cast %get3A_987 : i32 to index
        %get3A_990 = arith.index_cast %add3A_985 : i32 to index
        %get3A_991 = tpu.vector_load %arg11[%get3A_988, %get3A_989, %get3A_990] {strides = array<i32>} : memref<2x8x2048xf32, #tpu.memory_space<vmem>>, vector<1x1x16xf32>,
        %get3A_992 = vector.shape_cast %get3A_991 : vector<1x1x16xf32> to vector<16xf32>
        %get3A_993 = arith.constant 1 : i32
        %get3A_994 = arith.constant 1 : i32
        %get3A_995 = arith.index_cast %get3A_993 : i32 to index
        %get3A_996 = arith.index_cast %get3A_994 : i32 to index
        %get3A_997 = arith.index_cast %add3A_985 : i32 to index
        %get3A_998 = tpu.vector_load %arg12[%get3A_995, %get3A_996, %get3A_997] {strides = array<i32>} : memref<2x8x2048xf32, #tpu.memory_space<vmem>>, vector<1x1x16xf32>,
        %get3A_999 = vector.shape_cast %get3A_998 : vector<1x1x16xf32> to vector<16xf32>
        %sub3A_1000 = arith.subf %get3A_992, %get3A_999 : vector<16xf32>
        %mul3A_1001 = arith.mulf %sub3A_1000, %sub3A_1000 : vector<16xf32>
        %add3A_1002 = arith.addf %add3A_981, %mul3A_1001 : vector<16xf32>
        %mul3A_1003 = arith.constant 128 : i32
        %mul3A_1004 = arith.muli %scan3A_918, %mul3A_1003 : i32
        %add3A_1005 = arith.constant 64 : i32
        %add3A_1006 = arith.addi %mul3A_1004, %add3A_1005 : i32
        %get3A_1007 = arith.constant 1 : i32
        %get3A_1008 = arith.constant 1 : i32
        %get3A_1009 = arith.index_cast %get3A_1007 : i32 to index
        %get3A_1010 = arith.index_cast %get3A_1008 : i32 to index
        %get3A_1011 = arith.index_cast %add3A_1006 : i32 to index
        %get3A_1012 = tpu.vector_load %arg11[%get3A_1009, %get3A_1010, %get3A_1011] {strides = array<i32>} : memref<2x8x2048xf32, #tpu.memory_space<vmem>>, vector<1x1x16xf32>,
        %get3A_1013 = vector.shape_cast %get3A_1012 : vector<1x1x16xf32> to vector<16xf32>
        %get3A_1014 = arith.constant 1 : i32
        %get3A_1015 = arith.constant 1 : i32
        %get3A_1016 = arith.index_cast %get3A_1014 : i32 to index
        %get3A_1017 = arith.index_cast %get3A_1015 : i32 to index
        %get3A_1018 = arith.index_cast %add3A_1006 : i32 to index
        %get3A_1019 = tpu.vector_load %arg12[%get3A_1016, %get3A_1017, %get3A_1018] {strides = array<i32>} : memref<2x8x2048xf32, #tpu.memory_space<vmem>>, vector<1x1x16xf32>,
        %get3A_1020 = vector.shape_cast %get3A_1019 : vector<1x1x16xf32> to vector<16xf32>
        %sub3A_1021 = arith.subf %get3A_1013, %get3A_1020 : vector<16xf32>
        %mul3A_1022 = arith.mulf %sub3A_1021, %sub3A_1021 : vector<16xf32>
        %add3A_1023 = arith.addf %add3A_1002, %mul3A_1022 : vector<16xf32>
        %mul3A_1024 = arith.constant 128 : i32
        %mul3A_1025 = arith.muli %scan3A_918, %mul3A_1024 : i32
        %add3A_1026 = arith.constant 80 : i32
        %add3A_1027 = arith.addi %mul3A_1025, %add3A_1026 : i32
        %get3A_1028 = arith.constant 1 : i32
        %get3A_1029 = arith.constant 1 : i32
        %get3A_1030 = arith.index_cast %get3A_1028 : i32 to index
        %get3A_1031 = arith.index_cast %get3A_1029 : i32 to index
        %get3A_1032 = arith.index_cast %add3A_1027 : i32 to index
        %get3A_1033 = tpu.vector_load %arg11[%get3A_1030, %get3A_1031, %get3A_1032] {strides = array<i32>} : memref<2x8x2048xf32, #tpu.memory_space<vmem>>, vector<1x1x16xf32>,
        %get3A_1034 = vector.shape_cast %get3A_1033 : vector<1x1x16xf32> to vector<16xf32>
        %get3A_1035 = arith.constant 1 : i32
        %get3A_1036 = arith.constant 1 : i32
        %get3A_1037 = arith.index_cast %get3A_1035 : i32 to index
        %get3A_1038 = arith.index_cast %get3A_1036 : i32 to index
        %get3A_1039 = arith.index_cast %add3A_1027 : i32 to index
        %get3A_1040 = tpu.vector_load %arg12[%get3A_1037, %get3A_1038, %get3A_1039] {strides = array<i32>} : memref<2x8x2048xf32, #tpu.memory_space<vmem>>, vector<1x1x16xf32>,
        %get3A_1041 = vector.shape_cast %get3A_1040 : vector<1x1x16xf32> to vector<16xf32>
        %sub3A_1042 = arith.subf %get3A_1034, %get3A_1041 : vector<16xf32>
        %mul3A_1043 = arith.mulf %sub3A_1042, %sub3A_1042 : vector<16xf32>
        %add3A_1044 = arith.addf %add3A_1023, %mul3A_1043 : vector<16xf32>
        %mul3A_1045 = arith.constant 128 : i32
        %mul3A_1046 = arith.muli %scan3A_918, %mul3A_1045 : i32
        %add3A_1047 = arith.constant 96 : i32
        %add3A_1048 = arith.addi %mul3A_1046, %add3A_1047 : i32
        %get3A_1049 = arith.constant 1 : i32
        %get3A_1050 = arith.constant 1 : i32
        %get3A_1051 = arith.index_cast %get3A_1049 : i32 to index
        %get3A_1052 = arith.index_cast %get3A_1050 : i32 to index
        %get3A_1053 = arith.index_cast %add3A_1048 : i32 to index
        %get3A_1054 = tpu.vector_load %arg11[%get3A_1051, %get3A_1052, %get3A_1053] {strides = array<i32>} : memref<2x8x2048xf32, #tpu.memory_space<vmem>>, vector<1x1x16xf32>,
        %get3A_1055 = vector.shape_cast %get3A_1054 : vector<1x1x16xf32> to vector<16xf32>
        %get3A_1056 = arith.constant 1 : i32
        %get3A_1057 = arith.constant 1 : i32
        %get3A_1058 = arith.index_cast %get3A_1056 : i32 to index
        %get3A_1059 = arith.index_cast %get3A_1057 : i32 to index
        %get3A_1060 = arith.index_cast %add3A_1048 : i32 to index
        %get3A_1061 = tpu.vector_load %arg12[%get3A_1058, %get3A_1059, %get3A_1060] {strides = array<i32>} : memref<2x8x2048xf32, #tpu.memory_space<vmem>>, vector<1x1x16xf32>,
        %get3A_1062 = vector.shape_cast %get3A_1061 : vector<1x1x16xf32> to vector<16xf32>
        %sub3A_1063 = arith.subf %get3A_1055, %get3A_1062 : vector<16xf32>
        %mul3A_1064 = arith.mulf %sub3A_1063, %sub3A_1063 : vector<16xf32>
        %add3A_1065 = arith.addf %add3A_1044, %mul3A_1064 : vector<16xf32>
        %mul3A_1066 = arith.constant 128 : i32
        %mul3A_1067 = arith.muli %scan3A_918, %mul3A_1066 : i32
        %add3A_1068 = arith.constant 112 : i32
        %add3A_1069 = arith.addi %mul3A_1067, %add3A_1068 : i32
        %get3A_1070 = arith.constant 1 : i32
        %get3A_1071 = arith.constant 1 : i32
        %get3A_1072 = arith.index_cast %get3A_1070 : i32 to index
        %get3A_1073 = arith.index_cast %get3A_1071 : i32 to index
        %get3A_1074 = arith.index_cast %add3A_1069 : i32 to index
        %get3A_1075 = tpu.vector_load %arg11[%get3A_1072, %get3A_1073, %get3A_1074] {strides = array<i32>} : memref<2x8x2048xf32, #tpu.memory_space<vmem>>, vector<1x1x16xf32>,
        %get3A_1076 = vector.shape_cast %get3A_1075 : vector<1x1x16xf32> to vector<16xf32>
        %get3A_1077 = arith.constant 1 : i32
        %get3A_1078 = arith.constant 1 : i32
        %get3A_1079 = arith.index_cast %get3A_1077 : i32 to index
        %get3A_1080 = arith.index_cast %get3A_1078 : i32 to index
        %get3A_1081 = arith.index_cast %add3A_1069 : i32 to index
        %get3A_1082 = tpu.vector_load %arg12[%get3A_1079, %get3A_1080, %get3A_1081] {strides = array<i32>} : memref<2x8x2048xf32, #tpu.memory_space<vmem>>, vector<1x1x16xf32>,
        %get3A_1083 = vector.shape_cast %get3A_1082 : vector<1x1x16xf32> to vector<16xf32>
        %sub3A_1084 = arith.subf %get3A_1076, %get3A_1083 : vector<16xf32>
        %mul3A_1085 = arith.mulf %sub3A_1084, %sub3A_1084 : vector<16xf32>
        %add3A_1086 = arith.addf %add3A_1065, %mul3A_1085 : vector<16xf32>
        scf.yield %add3A_1086 : vector<16xf32>
      }
      %scan3A_592 = arith.constant 16 : i32
      %iota3A_593 = tpu.iota {dimensions = array<i32: 0>} : vector<16xi32>
      %xor3A_594 = arith.constant 8 : i32
      %xor3A_595 = vector.broadcast %xor3A_594 : i32 to vector<16xi32>
      %xor3A_596 = arith.xori %iota3A_593, %xor3A_595 : vector<16xi32>
      %broadcast_in_dim3A_597 = vector.shape_cast %xor3A_596 : vector<16xi32> to vector<16x1xi32>
      %gather3A_598 = vector.shape_cast %broadcast_in_dim3A_597 : vector<16x1xi32> to vector<16xi32>
      %gather3A_599 = tpu.dynamic_gather %scan3A_591[%gather3A_598] in [0] : vector<16xf32>, vector<16xi32> -> vector<16xf32>
      %add3A_600 = arith.addf %scan3A_591, %gather3A_599 : vector<16xf32>
      %xor3A_601 = arith.constant 4 : i32
      %xor3A_602 = vector.broadcast %xor3A_601 : i32 to vector<16xi32>
      %xor3A_603 = arith.xori %iota3A_593, %xor3A_602 : vector<16xi32>
      %broadcast_in_dim3A_604 = vector.shape_cast %xor3A_603 : vector<16xi32> to vector<16x1xi32>
      %gather3A_605 = vector.shape_cast %broadcast_in_dim3A_604 : vector<16x1xi32> to vector<16xi32>
      %gather3A_606 = tpu.dynamic_gather %add3A_600[%gather3A_605] in [0] : vector<16xf32>, vector<16xi32> -> vector<16xf32>
      %add3A_607 = arith.addf %add3A_600, %gather3A_606 : vector<16xf32>
      %xor3A_608 = arith.constant 2 : i32
      %xor3A_609 = vector.broadcast %xor3A_608 : i32 to vector<16xi32>
      %xor3A_610 = arith.xori %iota3A_593, %xor3A_609 : vector<16xi32>
      %broadcast_in_dim3A_611 = vector.shape_cast %xor3A_610 : vector<16xi32> to vector<16x1xi32>
      %gather3A_612 = vector.shape_cast %broadcast_in_dim3A_611 : vector<16x1xi32> to vector<16xi32>
      %gather3A_613 = tpu.dynamic_gather %add3A_607[%gather3A_612] in [0] : vector<16xf32>, vector<16xi32> -> vector<16xf32>
      %add3A_614 = arith.addf %add3A_607, %gather3A_613 : vector<16xf32>
      %xor3A_615 = arith.constant 1 : i32
      %xor3A_616 = vector.broadcast %xor3A_615 : i32 to vector<16xi32>
      %xor3A_617 = arith.xori %iota3A_593, %xor3A_616 : vector<16xi32>
      %broadcast_in_dim3A_618 = vector.shape_cast %xor3A_617 : vector<16xi32> to vector<16x1xi32>
      %gather3A_619 = vector.shape_cast %broadcast_in_dim3A_618 : vector<16x1xi32> to vector<16xi32>
      %gather3A_620 = tpu.dynamic_gather %add3A_614[%gather3A_619] in [0] : vector<16xf32>, vector<16xi32> -> vector<16xf32>
      %add3A_621 = arith.addf %add3A_614, %gather3A_620 : vector<16xf32>
      %eq3A_622 = arith.constant 9 : i32
      %eq3A_623 = vector.broadcast %eq3A_622 : i32 to vector<16xi32>
      %eq3A_624 = arith.cmpi eq, %iota3A_593, %eq3A_623 : vector<16xi32>
      %select_n3A_625 = arith.select %eq3A_624, %add3A_621, %select_n3A_584 : vector<16xi1>, vector<16xf32>
      %broadcast_in_dim3A_626 = arith.constant 0.000000e+00 : f32
      %broadcast_in_dim3A_627 = vector.broadcast %broadcast_in_dim3A_626 : f32 to vector<16xf32>
      %scan3A_628 = arith.constant 0 : i32
      %scan3A_629 = arith.constant 16 : i32
      %scan3A_630 = arith.addi %scan3A_628, %scan3A_629 : i32
      %scan3A_631 = arith.constant 1 : i32
      %scan3A_632 = scf.for %scan3A_918 = %scan3A_628 to %scan3A_630 step %scan3A_631 iter_args(%scan3A_919 = %broadcast_in_dim3A_627) -> (vector<16xf32>)  : i32 {
        %mul3A_920 = arith.constant 128 : i32
        %mul3A_921 = arith.muli %scan3A_918, %mul3A_920 : i32
        %add3A_922 = arith.constant 0 : i32
        %add3A_923 = arith.addi %mul3A_921, %add3A_922 : i32
        %get3A_924 = arith.constant 1 : i32
        %get3A_925 = arith.constant 2 : i32
        %get3A_926 = arith.index_cast %get3A_924 : i32 to index
        %get3A_927 = arith.index_cast %get3A_925 : i32 to index
        %get3A_928 = arith.index_cast %add3A_923 : i32 to index
        %get3A_929 = tpu.vector_load %arg11[%get3A_926, %get3A_927, %get3A_928] {strides = array<i32>} : memref<2x8x2048xf32, #tpu.memory_space<vmem>>, vector<1x1x16xf32>,
        %get3A_930 = vector.shape_cast %get3A_929 : vector<1x1x16xf32> to vector<16xf32>
        %get3A_931 = arith.constant 1 : i32
        %get3A_932 = arith.constant 2 : i32
        %get3A_933 = arith.index_cast %get3A_931 : i32 to index
        %get3A_934 = arith.index_cast %get3A_932 : i32 to index
        %get3A_935 = arith.index_cast %add3A_923 : i32 to index
        %get3A_936 = tpu.vector_load %arg12[%get3A_933, %get3A_934, %get3A_935] {strides = array<i32>} : memref<2x8x2048xf32, #tpu.memory_space<vmem>>, vector<1x1x16xf32>,
        %get3A_937 = vector.shape_cast %get3A_936 : vector<1x1x16xf32> to vector<16xf32>
        %sub3A = arith.subf %get3A_930, %get3A_937 : vector<16xf32>
        %mul3A_938 = arith.mulf %sub3A, %sub3A : vector<16xf32>
        %add3A_939 = arith.addf %scan3A_919, %mul3A_938 : vector<16xf32>
        %mul3A_940 = arith.constant 128 : i32
        %mul3A_941 = arith.muli %scan3A_918, %mul3A_940 : i32
        %add3A_942 = arith.constant 16 : i32
        %add3A_943 = arith.addi %mul3A_941, %add3A_942 : i32
        %get3A_944 = arith.constant 1 : i32
        %get3A_945 = arith.constant 2 : i32
        %get3A_946 = arith.index_cast %get3A_944 : i32 to index
        %get3A_947 = arith.index_cast %get3A_945 : i32 to index
        %get3A_948 = arith.index_cast %add3A_943 : i32 to index
        %get3A_949 = tpu.vector_load %arg11[%get3A_946, %get3A_947, %get3A_948] {strides = array<i32>} : memref<2x8x2048xf32, #tpu.memory_space<vmem>>, vector<1x1x16xf32>,
        %get3A_950 = vector.shape_cast %get3A_949 : vector<1x1x16xf32> to vector<16xf32>
        %get3A_951 = arith.constant 1 : i32
        %get3A_952 = arith.constant 2 : i32
        %get3A_953 = arith.index_cast %get3A_951 : i32 to index
        %get3A_954 = arith.index_cast %get3A_952 : i32 to index
        %get3A_955 = arith.index_cast %add3A_943 : i32 to index
        %get3A_956 = tpu.vector_load %arg12[%get3A_953, %get3A_954, %get3A_955] {strides = array<i32>} : memref<2x8x2048xf32, #tpu.memory_space<vmem>>, vector<1x1x16xf32>,
        %get3A_957 = vector.shape_cast %get3A_956 : vector<1x1x16xf32> to vector<16xf32>
        %sub3A_958 = arith.subf %get3A_950, %get3A_957 : vector<16xf32>
        %mul3A_959 = arith.mulf %sub3A_958, %sub3A_958 : vector<16xf32>
        %add3A_960 = arith.addf %add3A_939, %mul3A_959 : vector<16xf32>
        %mul3A_961 = arith.constant 128 : i32
        %mul3A_962 = arith.muli %scan3A_918, %mul3A_961 : i32
        %add3A_963 = arith.constant 32 : i32
        %add3A_964 = arith.addi %mul3A_962, %add3A_963 : i32
        %get3A_965 = arith.constant 1 : i32
        %get3A_966 = arith.constant 2 : i32
        %get3A_967 = arith.index_cast %get3A_965 : i32 to index
        %get3A_968 = arith.index_cast %get3A_966 : i32 to index
        %get3A_969 = arith.index_cast %add3A_964 : i32 to index
        %get3A_970 = tpu.vector_load %arg11[%get3A_967, %get3A_968, %get3A_969] {strides = array<i32>} : memref<2x8x2048xf32, #tpu.memory_space<vmem>>, vector<1x1x16xf32>,
        %get3A_971 = vector.shape_cast %get3A_970 : vector<1x1x16xf32> to vector<16xf32>
        %get3A_972 = arith.constant 1 : i32
        %get3A_973 = arith.constant 2 : i32
        %get3A_974 = arith.index_cast %get3A_972 : i32 to index
        %get3A_975 = arith.index_cast %get3A_973 : i32 to index
        %get3A_976 = arith.index_cast %add3A_964 : i32 to index
        %get3A_977 = tpu.vector_load %arg12[%get3A_974, %get3A_975, %get3A_976] {strides = array<i32>} : memref<2x8x2048xf32, #tpu.memory_space<vmem>>, vector<1x1x16xf32>,
        %get3A_978 = vector.shape_cast %get3A_977 : vector<1x1x16xf32> to vector<16xf32>
        %sub3A_979 = arith.subf %get3A_971, %get3A_978 : vector<16xf32>
        %mul3A_980 = arith.mulf %sub3A_979, %sub3A_979 : vector<16xf32>
        %add3A_981 = arith.addf %add3A_960, %mul3A_980 : vector<16xf32>
        %mul3A_982 = arith.constant 128 : i32
        %mul3A_983 = arith.muli %scan3A_918, %mul3A_982 : i32
        %add3A_984 = arith.constant 48 : i32
        %add3A_985 = arith.addi %mul3A_983, %add3A_984 : i32
        %get3A_986 = arith.constant 1 : i32
        %get3A_987 = arith.constant 2 : i32
        %get3A_988 = arith.index_cast %get3A_986 : i32 to index
        %get3A_989 = arith.index_cast %get3A_987 : i32 to index
        %get3A_990 = arith.index_cast %add3A_985 : i32 to index
        %get3A_991 = tpu.vector_load %arg11[%get3A_988, %get3A_989, %get3A_990] {strides = array<i32>} : memref<2x8x2048xf32, #tpu.memory_space<vmem>>, vector<1x1x16xf32>,
        %get3A_992 = vector.shape_cast %get3A_991 : vector<1x1x16xf32> to vector<16xf32>
        %get3A_993 = arith.constant 1 : i32
        %get3A_994 = arith.constant 2 : i32
        %get3A_995 = arith.index_cast %get3A_993 : i32 to index
        %get3A_996 = arith.index_cast %get3A_994 : i32 to index
        %get3A_997 = arith.index_cast %add3A_985 : i32 to index
        %get3A_998 = tpu.vector_load %arg12[%get3A_995, %get3A_996, %get3A_997] {strides = array<i32>} : memref<2x8x2048xf32, #tpu.memory_space<vmem>>, vector<1x1x16xf32>,
        %get3A_999 = vector.shape_cast %get3A_998 : vector<1x1x16xf32> to vector<16xf32>
        %sub3A_1000 = arith.subf %get3A_992, %get3A_999 : vector<16xf32>
        %mul3A_1001 = arith.mulf %sub3A_1000, %sub3A_1000 : vector<16xf32>
        %add3A_1002 = arith.addf %add3A_981, %mul3A_1001 : vector<16xf32>
        %mul3A_1003 = arith.constant 128 : i32
        %mul3A_1004 = arith.muli %scan3A_918, %mul3A_1003 : i32
        %add3A_1005 = arith.constant 64 : i32
        %add3A_1006 = arith.addi %mul3A_1004, %add3A_1005 : i32
        %get3A_1007 = arith.constant 1 : i32
        %get3A_1008 = arith.constant 2 : i32
        %get3A_1009 = arith.index_cast %get3A_1007 : i32 to index
        %get3A_1010 = arith.index_cast %get3A_1008 : i32 to index
        %get3A_1011 = arith.index_cast %add3A_1006 : i32 to index
        %get3A_1012 = tpu.vector_load %arg11[%get3A_1009, %get3A_1010, %get3A_1011] {strides = array<i32>} : memref<2x8x2048xf32, #tpu.memory_space<vmem>>, vector<1x1x16xf32>,
        %get3A_1013 = vector.shape_cast %get3A_1012 : vector<1x1x16xf32> to vector<16xf32>
        %get3A_1014 = arith.constant 1 : i32
        %get3A_1015 = arith.constant 2 : i32
        %get3A_1016 = arith.index_cast %get3A_1014 : i32 to index
        %get3A_1017 = arith.index_cast %get3A_1015 : i32 to index
        %get3A_1018 = arith.index_cast %add3A_1006 : i32 to index
        %get3A_1019 = tpu.vector_load %arg12[%get3A_1016, %get3A_1017, %get3A_1018] {strides = array<i32>} : memref<2x8x2048xf32, #tpu.memory_space<vmem>>, vector<1x1x16xf32>,
        %get3A_1020 = vector.shape_cast %get3A_1019 : vector<1x1x16xf32> to vector<16xf32>
        %sub3A_1021 = arith.subf %get3A_1013, %get3A_1020 : vector<16xf32>
        %mul3A_1022 = arith.mulf %sub3A_1021, %sub3A_1021 : vector<16xf32>
        %add3A_1023 = arith.addf %add3A_1002, %mul3A_1022 : vector<16xf32>
        %mul3A_1024 = arith.constant 128 : i32
        %mul3A_1025 = arith.muli %scan3A_918, %mul3A_1024 : i32
        %add3A_1026 = arith.constant 80 : i32
        %add3A_1027 = arith.addi %mul3A_1025, %add3A_1026 : i32
        %get3A_1028 = arith.constant 1 : i32
        %get3A_1029 = arith.constant 2 : i32
        %get3A_1030 = arith.index_cast %get3A_1028 : i32 to index
        %get3A_1031 = arith.index_cast %get3A_1029 : i32 to index
        %get3A_1032 = arith.index_cast %add3A_1027 : i32 to index
        %get3A_1033 = tpu.vector_load %arg11[%get3A_1030, %get3A_1031, %get3A_1032] {strides = array<i32>} : memref<2x8x2048xf32, #tpu.memory_space<vmem>>, vector<1x1x16xf32>,
        %get3A_1034 = vector.shape_cast %get3A_1033 : vector<1x1x16xf32> to vector<16xf32>
        %get3A_1035 = arith.constant 1 : i32
        %get3A_1036 = arith.constant 2 : i32
        %get3A_1037 = arith.index_cast %get3A_1035 : i32 to index
        %get3A_1038 = arith.index_cast %get3A_1036 : i32 to index
        %get3A_1039 = arith.index_cast %add3A_1027 : i32 to index
        %get3A_1040 = tpu.vector_load %arg12[%get3A_1037, %get3A_1038, %get3A_1039] {strides = array<i32>} : memref<2x8x2048xf32, #tpu.memory_space<vmem>>, vector<1x1x16xf32>,
        %get3A_1041 = vector.shape_cast %get3A_1040 : vector<1x1x16xf32> to vector<16xf32>
        %sub3A_1042 = arith.subf %get3A_1034, %get3A_1041 : vector<16xf32>
        %mul3A_1043 = arith.mulf %sub3A_1042, %sub3A_1042 : vector<16xf32>
        %add3A_1044 = arith.addf %add3A_1023, %mul3A_1043 : vector<16xf32>
        %mul3A_1045 = arith.constant 128 : i32
        %mul3A_1046 = arith.muli %scan3A_918, %mul3A_1045 : i32
        %add3A_1047 = arith.constant 96 : i32
        %add3A_1048 = arith.addi %mul3A_1046, %add3A_1047 : i32
        %get3A_1049 = arith.constant 1 : i32
        %get3A_1050 = arith.constant 2 : i32
        %get3A_1051 = arith.index_cast %get3A_1049 : i32 to index
        %get3A_1052 = arith.index_cast %get3A_1050 : i32 to index
        %get3A_1053 = arith.index_cast %add3A_1048 : i32 to index
        %get3A_1054 = tpu.vector_load %arg11[%get3A_1051, %get3A_1052, %get3A_1053] {strides = array<i32>} : memref<2x8x2048xf32, #tpu.memory_space<vmem>>, vector<1x1x16xf32>,
        %get3A_1055 = vector.shape_cast %get3A_1054 : vector<1x1x16xf32> to vector<16xf32>
        %get3A_1056 = arith.constant 1 : i32
        %get3A_1057 = arith.constant 2 : i32
        %get3A_1058 = arith.index_cast %get3A_1056 : i32 to index
        %get3A_1059 = arith.index_cast %get3A_1057 : i32 to index
        %get3A_1060 = arith.index_cast %add3A_1048 : i32 to index
        %get3A_1061 = tpu.vector_load %arg12[%get3A_1058, %get3A_1059, %get3A_1060] {strides = array<i32>} : memref<2x8x2048xf32, #tpu.memory_space<vmem>>, vector<1x1x16xf32>,
        %get3A_1062 = vector.shape_cast %get3A_1061 : vector<1x1x16xf32> to vector<16xf32>
        %sub3A_1063 = arith.subf %get3A_1055, %get3A_1062 : vector<16xf32>
        %mul3A_1064 = arith.mulf %sub3A_1063, %sub3A_1063 : vector<16xf32>
        %add3A_1065 = arith.addf %add3A_1044, %mul3A_1064 : vector<16xf32>
        %mul3A_1066 = arith.constant 128 : i32
        %mul3A_1067 = arith.muli %scan3A_918, %mul3A_1066 : i32
        %add3A_1068 = arith.constant 112 : i32
        %add3A_1069 = arith.addi %mul3A_1067, %add3A_1068 : i32
        %get3A_1070 = arith.constant 1 : i32
        %get3A_1071 = arith.constant 2 : i32
        %get3A_1072 = arith.index_cast %get3A_1070 : i32 to index
        %get3A_1073 = arith.index_cast %get3A_1071 : i32 to index
        %get3A_1074 = arith.index_cast %add3A_1069 : i32 to index
        %get3A_1075 = tpu.vector_load %arg11[%get3A_1072, %get3A_1073, %get3A_1074] {strides = array<i32>} : memref<2x8x2048xf32, #tpu.memory_space<vmem>>, vector<1x1x16xf32>,
        %get3A_1076 = vector.shape_cast %get3A_1075 : vector<1x1x16xf32> to vector<16xf32>
        %get3A_1077 = arith.constant 1 : i32
        %get3A_1078 = arith.constant 2 : i32
        %get3A_1079 = arith.index_cast %get3A_1077 : i32 to index
        %get3A_1080 = arith.index_cast %get3A_1078 : i32 to index
        %get3A_1081 = arith.index_cast %add3A_1069 : i32 to index
        %get3A_1082 = tpu.vector_load %arg12[%get3A_1079, %get3A_1080, %get3A_1081] {strides = array<i32>} : memref<2x8x2048xf32, #tpu.memory_space<vmem>>, vector<1x1x16xf32>,
        %get3A_1083 = vector.shape_cast %get3A_1082 : vector<1x1x16xf32> to vector<16xf32>
        %sub3A_1084 = arith.subf %get3A_1076, %get3A_1083 : vector<16xf32>
        %mul3A_1085 = arith.mulf %sub3A_1084, %sub3A_1084 : vector<16xf32>
        %add3A_1086 = arith.addf %add3A_1065, %mul3A_1085 : vector<16xf32>
        scf.yield %add3A_1086 : vector<16xf32>
      }
      %scan3A_633 = arith.constant 16 : i32
      %iota3A_634 = tpu.iota {dimensions = array<i32: 0>} : vector<16xi32>
      %xor3A_635 = arith.constant 8 : i32
      %xor3A_636 = vector.broadcast %xor3A_635 : i32 to vector<16xi32>
      %xor3A_637 = arith.xori %iota3A_634, %xor3A_636 : vector<16xi32>
      %broadcast_in_dim3A_638 = vector.shape_cast %xor3A_637 : vector<16xi32> to vector<16x1xi32>
      %gather3A_639 = vector.shape_cast %broadcast_in_dim3A_638 : vector<16x1xi32> to vector<16xi32>
      %gather3A_640 = tpu.dynamic_gather %scan3A_632[%gather3A_639] in [0] : vector<16xf32>, vector<16xi32> -> vector<16xf32>
      %add3A_641 = arith.addf %scan3A_632, %gather3A_640 : vector<16xf32>
      %xor3A_642 = arith.constant 4 : i32
      %xor3A_643 = vector.broadcast %xor3A_642 : i32 to vector<16xi32>
      %xor3A_644 = arith.xori %iota3A_634, %xor3A_643 : vector<16xi32>
      %broadcast_in_dim3A_645 = vector.shape_cast %xor3A_644 : vector<16xi32> to vector<16x1xi32>
      %gather3A_646 = vector.shape_cast %broadcast_in_dim3A_645 : vector<16x1xi32> to vector<16xi32>
      %gather3A_647 = tpu.dynamic_gather %add3A_641[%gather3A_646] in [0] : vector<16xf32>, vector<16xi32> -> vector<16xf32>
      %add3A_648 = arith.addf %add3A_641, %gather3A_647 : vector<16xf32>
      %xor3A_649 = arith.constant 2 : i32
      %xor3A_650 = vector.broadcast %xor3A_649 : i32 to vector<16xi32>
      %xor3A_651 = arith.xori %iota3A_634, %xor3A_650 : vector<16xi32>
      %broadcast_in_dim3A_652 = vector.shape_cast %xor3A_651 : vector<16xi32> to vector<16x1xi32>
      %gather3A_653 = vector.shape_cast %broadcast_in_dim3A_652 : vector<16x1xi32> to vector<16xi32>
      %gather3A_654 = tpu.dynamic_gather %add3A_648[%gather3A_653] in [0] : vector<16xf32>, vector<16xi32> -> vector<16xf32>
      %add3A_655 = arith.addf %add3A_648, %gather3A_654 : vector<16xf32>
      %xor3A_656 = arith.constant 1 : i32
      %xor3A_657 = vector.broadcast %xor3A_656 : i32 to vector<16xi32>
      %xor3A_658 = arith.xori %iota3A_634, %xor3A_657 : vector<16xi32>
      %broadcast_in_dim3A_659 = vector.shape_cast %xor3A_658 : vector<16xi32> to vector<16x1xi32>
      %gather3A_660 = vector.shape_cast %broadcast_in_dim3A_659 : vector<16x1xi32> to vector<16xi32>
      %gather3A_661 = tpu.dynamic_gather %add3A_655[%gather3A_660] in [0] : vector<16xf32>, vector<16xi32> -> vector<16xf32>
      %add3A_662 = arith.addf %add3A_655, %gather3A_661 : vector<16xf32>
      %eq3A_663 = arith.constant 10 : i32
      %eq3A_664 = vector.broadcast %eq3A_663 : i32 to vector<16xi32>
      %eq3A_665 = arith.cmpi eq, %iota3A_634, %eq3A_664 : vector<16xi32>
      %select_n3A_666 = arith.select %eq3A_665, %add3A_662, %select_n3A_625 : vector<16xi1>, vector<16xf32>
      %broadcast_in_dim3A_667 = arith.constant 0.000000e+00 : f32
      %broadcast_in_dim3A_668 = vector.broadcast %broadcast_in_dim3A_667 : f32 to vector<16xf32>
      %scan3A_669 = arith.constant 0 : i32
      %scan3A_670 = arith.constant 16 : i32
      %scan3A_671 = arith.addi %scan3A_669, %scan3A_670 : i32
      %scan3A_672 = arith.constant 1 : i32
      %scan3A_673 = scf.for %scan3A_918 = %scan3A_669 to %scan3A_671 step %scan3A_672 iter_args(%scan3A_919 = %broadcast_in_dim3A_668) -> (vector<16xf32>)  : i32 {
        %mul3A_920 = arith.constant 128 : i32
        %mul3A_921 = arith.muli %scan3A_918, %mul3A_920 : i32
        %add3A_922 = arith.constant 0 : i32
        %add3A_923 = arith.addi %mul3A_921, %add3A_922 : i32
        %get3A_924 = arith.constant 1 : i32
        %get3A_925 = arith.constant 3 : i32
        %get3A_926 = arith.index_cast %get3A_924 : i32 to index
        %get3A_927 = arith.index_cast %get3A_925 : i32 to index
        %get3A_928 = arith.index_cast %add3A_923 : i32 to index
        %get3A_929 = tpu.vector_load %arg11[%get3A_926, %get3A_927, %get3A_928] {strides = array<i32>} : memref<2x8x2048xf32, #tpu.memory_space<vmem>>, vector<1x1x16xf32>,
        %get3A_930 = vector.shape_cast %get3A_929 : vector<1x1x16xf32> to vector<16xf32>
        %get3A_931 = arith.constant 1 : i32
        %get3A_932 = arith.constant 3 : i32
        %get3A_933 = arith.index_cast %get3A_931 : i32 to index
        %get3A_934 = arith.index_cast %get3A_932 : i32 to index
        %get3A_935 = arith.index_cast %add3A_923 : i32 to index
        %get3A_936 = tpu.vector_load %arg12[%get3A_933, %get3A_934, %get3A_935] {strides = array<i32>} : memref<2x8x2048xf32, #tpu.memory_space<vmem>>, vector<1x1x16xf32>,
        %get3A_937 = vector.shape_cast %get3A_936 : vector<1x1x16xf32> to vector<16xf32>
        %sub3A = arith.subf %get3A_930, %get3A_937 : vector<16xf32>
        %mul3A_938 = arith.mulf %sub3A, %sub3A : vector<16xf32>
        %add3A_939 = arith.addf %scan3A_919, %mul3A_938 : vector<16xf32>
        %mul3A_940 = arith.constant 128 : i32
        %mul3A_941 = arith.muli %scan3A_918, %mul3A_940 : i32
        %add3A_942 = arith.constant 16 : i32
        %add3A_943 = arith.addi %mul3A_941, %add3A_942 : i32
        %get3A_944 = arith.constant 1 : i32
        %get3A_945 = arith.constant 3 : i32
        %get3A_946 = arith.index_cast %get3A_944 : i32 to index
        %get3A_947 = arith.index_cast %get3A_945 : i32 to index
        %get3A_948 = arith.index_cast %add3A_943 : i32 to index
        %get3A_949 = tpu.vector_load %arg11[%get3A_946, %get3A_947, %get3A_948] {strides = array<i32>} : memref<2x8x2048xf32, #tpu.memory_space<vmem>>, vector<1x1x16xf32>,
        %get3A_950 = vector.shape_cast %get3A_949 : vector<1x1x16xf32> to vector<16xf32>
        %get3A_951 = arith.constant 1 : i32
        %get3A_952 = arith.constant 3 : i32
        %get3A_953 = arith.index_cast %get3A_951 : i32 to index
        %get3A_954 = arith.index_cast %get3A_952 : i32 to index
        %get3A_955 = arith.index_cast %add3A_943 : i32 to index
        %get3A_956 = tpu.vector_load %arg12[%get3A_953, %get3A_954, %get3A_955] {strides = array<i32>} : memref<2x8x2048xf32, #tpu.memory_space<vmem>>, vector<1x1x16xf32>,
        %get3A_957 = vector.shape_cast %get3A_956 : vector<1x1x16xf32> to vector<16xf32>
        %sub3A_958 = arith.subf %get3A_950, %get3A_957 : vector<16xf32>
        %mul3A_959 = arith.mulf %sub3A_958, %sub3A_958 : vector<16xf32>
        %add3A_960 = arith.addf %add3A_939, %mul3A_959 : vector<16xf32>
        %mul3A_961 = arith.constant 128 : i32
        %mul3A_962 = arith.muli %scan3A_918, %mul3A_961 : i32
        %add3A_963 = arith.constant 32 : i32
        %add3A_964 = arith.addi %mul3A_962, %add3A_963 : i32
        %get3A_965 = arith.constant 1 : i32
        %get3A_966 = arith.constant 3 : i32
        %get3A_967 = arith.index_cast %get3A_965 : i32 to index
        %get3A_968 = arith.index_cast %get3A_966 : i32 to index
        %get3A_969 = arith.index_cast %add3A_964 : i32 to index
        %get3A_970 = tpu.vector_load %arg11[%get3A_967, %get3A_968, %get3A_969] {strides = array<i32>} : memref<2x8x2048xf32, #tpu.memory_space<vmem>>, vector<1x1x16xf32>,
        %get3A_971 = vector.shape_cast %get3A_970 : vector<1x1x16xf32> to vector<16xf32>
        %get3A_972 = arith.constant 1 : i32
        %get3A_973 = arith.constant 3 : i32
        %get3A_974 = arith.index_cast %get3A_972 : i32 to index
        %get3A_975 = arith.index_cast %get3A_973 : i32 to index
        %get3A_976 = arith.index_cast %add3A_964 : i32 to index
        %get3A_977 = tpu.vector_load %arg12[%get3A_974, %get3A_975, %get3A_976] {strides = array<i32>} : memref<2x8x2048xf32, #tpu.memory_space<vmem>>, vector<1x1x16xf32>,
        %get3A_978 = vector.shape_cast %get3A_977 : vector<1x1x16xf32> to vector<16xf32>
        %sub3A_979 = arith.subf %get3A_971, %get3A_978 : vector<16xf32>
        %mul3A_980 = arith.mulf %sub3A_979, %sub3A_979 : vector<16xf32>
        %add3A_981 = arith.addf %add3A_960, %mul3A_980 : vector<16xf32>
        %mul3A_982 = arith.constant 128 : i32
        %mul3A_983 = arith.muli %scan3A_918, %mul3A_982 : i32
        %add3A_984 = arith.constant 48 : i32
        %add3A_985 = arith.addi %mul3A_983, %add3A_984 : i32
        %get3A_986 = arith.constant 1 : i32
        %get3A_987 = arith.constant 3 : i32
        %get3A_988 = arith.index_cast %get3A_986 : i32 to index
        %get3A_989 = arith.index_cast %get3A_987 : i32 to index
        %get3A_990 = arith.index_cast %add3A_985 : i32 to index
        %get3A_991 = tpu.vector_load %arg11[%get3A_988, %get3A_989, %get3A_990] {strides = array<i32>} : memref<2x8x2048xf32, #tpu.memory_space<vmem>>, vector<1x1x16xf32>,
        %get3A_992 = vector.shape_cast %get3A_991 : vector<1x1x16xf32> to vector<16xf32>
        %get3A_993 = arith.constant 1 : i32
        %get3A_994 = arith.constant 3 : i32
        %get3A_995 = arith.index_cast %get3A_993 : i32 to index
        %get3A_996 = arith.index_cast %get3A_994 : i32 to index
        %get3A_997 = arith.index_cast %add3A_985 : i32 to index
        %get3A_998 = tpu.vector_load %arg12[%get3A_995, %get3A_996, %get3A_997] {strides = array<i32>} : memref<2x8x2048xf32, #tpu.memory_space<vmem>>, vector<1x1x16xf32>,
        %get3A_999 = vector.shape_cast %get3A_998 : vector<1x1x16xf32> to vector<16xf32>
        %sub3A_1000 = arith.subf %get3A_992, %get3A_999 : vector<16xf32>
        %mul3A_1001 = arith.mulf %sub3A_1000, %sub3A_1000 : vector<16xf32>
        %add3A_1002 = arith.addf %add3A_981, %mul3A_1001 : vector<16xf32>
        %mul3A_1003 = arith.constant 128 : i32
        %mul3A_1004 = arith.muli %scan3A_918, %mul3A_1003 : i32
        %add3A_1005 = arith.constant 64 : i32
        %add3A_1006 = arith.addi %mul3A_1004, %add3A_1005 : i32
        %get3A_1007 = arith.constant 1 : i32
        %get3A_1008 = arith.constant 3 : i32
        %get3A_1009 = arith.index_cast %get3A_1007 : i32 to index
        %get3A_1010 = arith.index_cast %get3A_1008 : i32 to index
        %get3A_1011 = arith.index_cast %add3A_1006 : i32 to index
        %get3A_1012 = tpu.vector_load %arg11[%get3A_1009, %get3A_1010, %get3A_1011] {strides = array<i32>} : memref<2x8x2048xf32, #tpu.memory_space<vmem>>, vector<1x1x16xf32>,
        %get3A_1013 = vector.shape_cast %get3A_1012 : vector<1x1x16xf32> to vector<16xf32>
        %get3A_1014 = arith.constant 1 : i32
        %get3A_1015 = arith.constant 3 : i32
        %get3A_1016 = arith.index_cast %get3A_1014 : i32 to index
        %get3A_1017 = arith.index_cast %get3A_1015 : i32 to index
        %get3A_1018 = arith.index_cast %add3A_1006 : i32 to index
        %get3A_1019 = tpu.vector_load %arg12[%get3A_1016, %get3A_1017, %get3A_1018] {strides = array<i32>} : memref<2x8x2048xf32, #tpu.memory_space<vmem>>, vector<1x1x16xf32>,
        %get3A_1020 = vector.shape_cast %get3A_1019 : vector<1x1x16xf32> to vector<16xf32>
        %sub3A_1021 = arith.subf %get3A_1013, %get3A_1020 : vector<16xf32>
        %mul3A_1022 = arith.mulf %sub3A_1021, %sub3A_1021 : vector<16xf32>
        %add3A_1023 = arith.addf %add3A_1002, %mul3A_1022 : vector<16xf32>
        %mul3A_1024 = arith.constant 128 : i32
        %mul3A_1025 = arith.muli %scan3A_918, %mul3A_1024 : i32
        %add3A_1026 = arith.constant 80 : i32
        %add3A_1027 = arith.addi %mul3A_1025, %add3A_1026 : i32
        %get3A_1028 = arith.constant 1 : i32
        %get3A_1029 = arith.constant 3 : i32
        %get3A_1030 = arith.index_cast %get3A_1028 : i32 to index
        %get3A_1031 = arith.index_cast %get3A_1029 : i32 to index
        %get3A_1032 = arith.index_cast %add3A_1027 : i32 to index
        %get3A_1033 = tpu.vector_load %arg11[%get3A_1030, %get3A_1031, %get3A_1032] {strides = array<i32>} : memref<2x8x2048xf32, #tpu.memory_space<vmem>>, vector<1x1x16xf32>,
        %get3A_1034 = vector.shape_cast %get3A_1033 : vector<1x1x16xf32> to vector<16xf32>
        %get3A_1035 = arith.constant 1 : i32
        %get3A_1036 = arith.constant 3 : i32
        %get3A_1037 = arith.index_cast %get3A_1035 : i32 to index
        %get3A_1038 = arith.index_cast %get3A_1036 : i32 to index
        %get3A_1039 = arith.index_cast %add3A_1027 : i32 to index
        %get3A_1040 = tpu.vector_load %arg12[%get3A_1037, %get3A_1038, %get3A_1039] {strides = array<i32>} : memref<2x8x2048xf32, #tpu.memory_space<vmem>>, vector<1x1x16xf32>,
        %get3A_1041 = vector.shape_cast %get3A_1040 : vector<1x1x16xf32> to vector<16xf32>
        %sub3A_1042 = arith.subf %get3A_1034, %get3A_1041 : vector<16xf32>
        %mul3A_1043 = arith.mulf %sub3A_1042, %sub3A_1042 : vector<16xf32>
        %add3A_1044 = arith.addf %add3A_1023, %mul3A_1043 : vector<16xf32>
        %mul3A_1045 = arith.constant 128 : i32
        %mul3A_1046 = arith.muli %scan3A_918, %mul3A_1045 : i32
        %add3A_1047 = arith.constant 96 : i32
        %add3A_1048 = arith.addi %mul3A_1046, %add3A_1047 : i32
        %get3A_1049 = arith.constant 1 : i32
        %get3A_1050 = arith.constant 3 : i32
        %get3A_1051 = arith.index_cast %get3A_1049 : i32 to index
        %get3A_1052 = arith.index_cast %get3A_1050 : i32 to index
        %get3A_1053 = arith.index_cast %add3A_1048 : i32 to index
        %get3A_1054 = tpu.vector_load %arg11[%get3A_1051, %get3A_1052, %get3A_1053] {strides = array<i32>} : memref<2x8x2048xf32, #tpu.memory_space<vmem>>, vector<1x1x16xf32>,
        %get3A_1055 = vector.shape_cast %get3A_1054 : vector<1x1x16xf32> to vector<16xf32>
        %get3A_1056 = arith.constant 1 : i32
        %get3A_1057 = arith.constant 3 : i32
        %get3A_1058 = arith.index_cast %get3A_1056 : i32 to index
        %get3A_1059 = arith.index_cast %get3A_1057 : i32 to index
        %get3A_1060 = arith.index_cast %add3A_1048 : i32 to index
        %get3A_1061 = tpu.vector_load %arg12[%get3A_1058, %get3A_1059, %get3A_1060] {strides = array<i32>} : memref<2x8x2048xf32, #tpu.memory_space<vmem>>, vector<1x1x16xf32>,
        %get3A_1062 = vector.shape_cast %get3A_1061 : vector<1x1x16xf32> to vector<16xf32>
        %sub3A_1063 = arith.subf %get3A_1055, %get3A_1062 : vector<16xf32>
        %mul3A_1064 = arith.mulf %sub3A_1063, %sub3A_1063 : vector<16xf32>
        %add3A_1065 = arith.addf %add3A_1044, %mul3A_1064 : vector<16xf32>
        %mul3A_1066 = arith.constant 128 : i32
        %mul3A_1067 = arith.muli %scan3A_918, %mul3A_1066 : i32
        %add3A_1068 = arith.constant 112 : i32
        %add3A_1069 = arith.addi %mul3A_1067, %add3A_1068 : i32
        %get3A_1070 = arith.constant 1 : i32
        %get3A_1071 = arith.constant 3 : i32
        %get3A_1072 = arith.index_cast %get3A_1070 : i32 to index
        %get3A_1073 = arith.index_cast %get3A_1071 : i32 to index
        %get3A_1074 = arith.index_cast %add3A_1069 : i32 to index
        %get3A_1075 = tpu.vector_load %arg11[%get3A_1072, %get3A_1073, %get3A_1074] {strides = array<i32>} : memref<2x8x2048xf32, #tpu.memory_space<vmem>>, vector<1x1x16xf32>,
        %get3A_1076 = vector.shape_cast %get3A_1075 : vector<1x1x16xf32> to vector<16xf32>
        %get3A_1077 = arith.constant 1 : i32
        %get3A_1078 = arith.constant 3 : i32
        %get3A_1079 = arith.index_cast %get3A_1077 : i32 to index
        %get3A_1080 = arith.index_cast %get3A_1078 : i32 to index
        %get3A_1081 = arith.index_cast %add3A_1069 : i32 to index
        %get3A_1082 = tpu.vector_load %arg12[%get3A_1079, %get3A_1080, %get3A_1081] {strides = array<i32>} : memref<2x8x2048xf32, #tpu.memory_space<vmem>>, vector<1x1x16xf32>,
        %get3A_1083 = vector.shape_cast %get3A_1082 : vector<1x1x16xf32> to vector<16xf32>
        %sub3A_1084 = arith.subf %get3A_1076, %get3A_1083 : vector<16xf32>
        %mul3A_1085 = arith.mulf %sub3A_1084, %sub3A_1084 : vector<16xf32>
        %add3A_1086 = arith.addf %add3A_1065, %mul3A_1085 : vector<16xf32>
        scf.yield %add3A_1086 : vector<16xf32>
      }
      %scan3A_674 = arith.constant 16 : i32
      %iota3A_675 = tpu.iota {dimensions = array<i32: 0>} : vector<16xi32>
      %xor3A_676 = arith.constant 8 : i32
      %xor3A_677 = vector.broadcast %xor3A_676 : i32 to vector<16xi32>
      %xor3A_678 = arith.xori %iota3A_675, %xor3A_677 : vector<16xi32>
      %broadcast_in_dim3A_679 = vector.shape_cast %xor3A_678 : vector<16xi32> to vector<16x1xi32>
      %gather3A_680 = vector.shape_cast %broadcast_in_dim3A_679 : vector<16x1xi32> to vector<16xi32>
      %gather3A_681 = tpu.dynamic_gather %scan3A_673[%gather3A_680] in [0] : vector<16xf32>, vector<16xi32> -> vector<16xf32>
      %add3A_682 = arith.addf %scan3A_673, %gather3A_681 : vector<16xf32>
      %xor3A_683 = arith.constant 4 : i32
      %xor3A_684 = vector.broadcast %xor3A_683 : i32 to vector<16xi32>
      %xor3A_685 = arith.xori %iota3A_675, %xor3A_684 : vector<16xi32>
      %broadcast_in_dim3A_686 = vector.shape_cast %xor3A_685 : vector<16xi32> to vector<16x1xi32>
      %gather3A_687 = vector.shape_cast %broadcast_in_dim3A_686 : vector<16x1xi32> to vector<16xi32>
      %gather3A_688 = tpu.dynamic_gather %add3A_682[%gather3A_687] in [0] : vector<16xf32>, vector<16xi32> -> vector<16xf32>
      %add3A_689 = arith.addf %add3A_682, %gather3A_688 : vector<16xf32>
      %xor3A_690 = arith.constant 2 : i32
      %xor3A_691 = vector.broadcast %xor3A_690 : i32 to vector<16xi32>
      %xor3A_692 = arith.xori %iota3A_675, %xor3A_691 : vector<16xi32>
      %broadcast_in_dim3A_693 = vector.shape_cast %xor3A_692 : vector<16xi32> to vector<16x1xi32>
      %gather3A_694 = vector.shape_cast %broadcast_in_dim3A_693 : vector<16x1xi32> to vector<16xi32>
      %gather3A_695 = tpu.dynamic_gather %add3A_689[%gather3A_694] in [0] : vector<16xf32>, vector<16xi32> -> vector<16xf32>
      %add3A_696 = arith.addf %add3A_689, %gather3A_695 : vector<16xf32>
      %xor3A_697 = arith.constant 1 : i32
      %xor3A_698 = vector.broadcast %xor3A_697 : i32 to vector<16xi32>
      %xor3A_699 = arith.xori %iota3A_675, %xor3A_698 : vector<16xi32>
      %broadcast_in_dim3A_700 = vector.shape_cast %xor3A_699 : vector<16xi32> to vector<16x1xi32>
      %gather3A_701 = vector.shape_cast %broadcast_in_dim3A_700 : vector<16x1xi32> to vector<16xi32>
      %gather3A_702 = tpu.dynamic_gather %add3A_696[%gather3A_701] in [0] : vector<16xf32>, vector<16xi32> -> vector<16xf32>
      %add3A_703 = arith.addf %add3A_696, %gather3A_702 : vector<16xf32>
      %eq3A_704 = arith.constant 11 : i32
      %eq3A_705 = vector.broadcast %eq3A_704 : i32 to vector<16xi32>
      %eq3A_706 = arith.cmpi eq, %iota3A_675, %eq3A_705 : vector<16xi32>
      %select_n3A_707 = arith.select %eq3A_706, %add3A_703, %select_n3A_666 : vector<16xi1>, vector<16xf32>
      %broadcast_in_dim3A_708 = arith.constant 0.000000e+00 : f32
      %broadcast_in_dim3A_709 = vector.broadcast %broadcast_in_dim3A_708 : f32 to vector<16xf32>
      %scan3A_710 = arith.constant 0 : i32
      %scan3A_711 = arith.constant 16 : i32
      %scan3A_712 = arith.addi %scan3A_710, %scan3A_711 : i32
      %scan3A_713 = arith.constant 1 : i32
      %scan3A_714 = scf.for %scan3A_918 = %scan3A_710 to %scan3A_712 step %scan3A_713 iter_args(%scan3A_919 = %broadcast_in_dim3A_709) -> (vector<16xf32>)  : i32 {
        %mul3A_920 = arith.constant 128 : i32
        %mul3A_921 = arith.muli %scan3A_918, %mul3A_920 : i32
        %add3A_922 = arith.constant 0 : i32
        %add3A_923 = arith.addi %mul3A_921, %add3A_922 : i32
        %get3A_924 = arith.constant 1 : i32
        %get3A_925 = arith.constant 4 : i32
        %get3A_926 = arith.index_cast %get3A_924 : i32 to index
        %get3A_927 = arith.index_cast %get3A_925 : i32 to index
        %get3A_928 = arith.index_cast %add3A_923 : i32 to index
        %get3A_929 = tpu.vector_load %arg11[%get3A_926, %get3A_927, %get3A_928] {strides = array<i32>} : memref<2x8x2048xf32, #tpu.memory_space<vmem>>, vector<1x1x16xf32>,
        %get3A_930 = vector.shape_cast %get3A_929 : vector<1x1x16xf32> to vector<16xf32>
        %get3A_931 = arith.constant 1 : i32
        %get3A_932 = arith.constant 4 : i32
        %get3A_933 = arith.index_cast %get3A_931 : i32 to index
        %get3A_934 = arith.index_cast %get3A_932 : i32 to index
        %get3A_935 = arith.index_cast %add3A_923 : i32 to index
        %get3A_936 = tpu.vector_load %arg12[%get3A_933, %get3A_934, %get3A_935] {strides = array<i32>} : memref<2x8x2048xf32, #tpu.memory_space<vmem>>, vector<1x1x16xf32>,
        %get3A_937 = vector.shape_cast %get3A_936 : vector<1x1x16xf32> to vector<16xf32>
        %sub3A = arith.subf %get3A_930, %get3A_937 : vector<16xf32>
        %mul3A_938 = arith.mulf %sub3A, %sub3A : vector<16xf32>
        %add3A_939 = arith.addf %scan3A_919, %mul3A_938 : vector<16xf32>
        %mul3A_940 = arith.constant 128 : i32
        %mul3A_941 = arith.muli %scan3A_918, %mul3A_940 : i32
        %add3A_942 = arith.constant 16 : i32
        %add3A_943 = arith.addi %mul3A_941, %add3A_942 : i32
        %get3A_944 = arith.constant 1 : i32
        %get3A_945 = arith.constant 4 : i32
        %get3A_946 = arith.index_cast %get3A_944 : i32 to index
        %get3A_947 = arith.index_cast %get3A_945 : i32 to index
        %get3A_948 = arith.index_cast %add3A_943 : i32 to index
        %get3A_949 = tpu.vector_load %arg11[%get3A_946, %get3A_947, %get3A_948] {strides = array<i32>} : memref<2x8x2048xf32, #tpu.memory_space<vmem>>, vector<1x1x16xf32>,
        %get3A_950 = vector.shape_cast %get3A_949 : vector<1x1x16xf32> to vector<16xf32>
        %get3A_951 = arith.constant 1 : i32
        %get3A_952 = arith.constant 4 : i32
        %get3A_953 = arith.index_cast %get3A_951 : i32 to index
        %get3A_954 = arith.index_cast %get3A_952 : i32 to index
        %get3A_955 = arith.index_cast %add3A_943 : i32 to index
        %get3A_956 = tpu.vector_load %arg12[%get3A_953, %get3A_954, %get3A_955] {strides = array<i32>} : memref<2x8x2048xf32, #tpu.memory_space<vmem>>, vector<1x1x16xf32>,
        %get3A_957 = vector.shape_cast %get3A_956 : vector<1x1x16xf32> to vector<16xf32>
        %sub3A_958 = arith.subf %get3A_950, %get3A_957 : vector<16xf32>
        %mul3A_959 = arith.mulf %sub3A_958, %sub3A_958 : vector<16xf32>
        %add3A_960 = arith.addf %add3A_939, %mul3A_959 : vector<16xf32>
        %mul3A_961 = arith.constant 128 : i32
        %mul3A_962 = arith.muli %scan3A_918, %mul3A_961 : i32
        %add3A_963 = arith.constant 32 : i32
        %add3A_964 = arith.addi %mul3A_962, %add3A_963 : i32
        %get3A_965 = arith.constant 1 : i32
        %get3A_966 = arith.constant 4 : i32
        %get3A_967 = arith.index_cast %get3A_965 : i32 to index
        %get3A_968 = arith.index_cast %get3A_966 : i32 to index
        %get3A_969 = arith.index_cast %add3A_964 : i32 to index
        %get3A_970 = tpu.vector_load %arg11[%get3A_967, %get3A_968, %get3A_969] {strides = array<i32>} : memref<2x8x2048xf32, #tpu.memory_space<vmem>>, vector<1x1x16xf32>,
        %get3A_971 = vector.shape_cast %get3A_970 : vector<1x1x16xf32> to vector<16xf32>
        %get3A_972 = arith.constant 1 : i32
        %get3A_973 = arith.constant 4 : i32
        %get3A_974 = arith.index_cast %get3A_972 : i32 to index
        %get3A_975 = arith.index_cast %get3A_973 : i32 to index
        %get3A_976 = arith.index_cast %add3A_964 : i32 to index
        %get3A_977 = tpu.vector_load %arg12[%get3A_974, %get3A_975, %get3A_976] {strides = array<i32>} : memref<2x8x2048xf32, #tpu.memory_space<vmem>>, vector<1x1x16xf32>,
        %get3A_978 = vector.shape_cast %get3A_977 : vector<1x1x16xf32> to vector<16xf32>
        %sub3A_979 = arith.subf %get3A_971, %get3A_978 : vector<16xf32>
        %mul3A_980 = arith.mulf %sub3A_979, %sub3A_979 : vector<16xf32>
        %add3A_981 = arith.addf %add3A_960, %mul3A_980 : vector<16xf32>
        %mul3A_982 = arith.constant 128 : i32
        %mul3A_983 = arith.muli %scan3A_918, %mul3A_982 : i32
        %add3A_984 = arith.constant 48 : i32
        %add3A_985 = arith.addi %mul3A_983, %add3A_984 : i32
        %get3A_986 = arith.constant 1 : i32
        %get3A_987 = arith.constant 4 : i32
        %get3A_988 = arith.index_cast %get3A_986 : i32 to index
        %get3A_989 = arith.index_cast %get3A_987 : i32 to index
        %get3A_990 = arith.index_cast %add3A_985 : i32 to index
        %get3A_991 = tpu.vector_load %arg11[%get3A_988, %get3A_989, %get3A_990] {strides = array<i32>} : memref<2x8x2048xf32, #tpu.memory_space<vmem>>, vector<1x1x16xf32>,
        %get3A_992 = vector.shape_cast %get3A_991 : vector<1x1x16xf32> to vector<16xf32>
        %get3A_993 = arith.constant 1 : i32
        %get3A_994 = arith.constant 4 : i32
        %get3A_995 = arith.index_cast %get3A_993 : i32 to index
        %get3A_996 = arith.index_cast %get3A_994 : i32 to index
        %get3A_997 = arith.index_cast %add3A_985 : i32 to index
        %get3A_998 = tpu.vector_load %arg12[%get3A_995, %get3A_996, %get3A_997] {strides = array<i32>} : memref<2x8x2048xf32, #tpu.memory_space<vmem>>, vector<1x1x16xf32>,
        %get3A_999 = vector.shape_cast %get3A_998 : vector<1x1x16xf32> to vector<16xf32>
        %sub3A_1000 = arith.subf %get3A_992, %get3A_999 : vector<16xf32>
        %mul3A_1001 = arith.mulf %sub3A_1000, %sub3A_1000 : vector<16xf32>
        %add3A_1002 = arith.addf %add3A_981, %mul3A_1001 : vector<16xf32>
        %mul3A_1003 = arith.constant 128 : i32
        %mul3A_1004 = arith.muli %scan3A_918, %mul3A_1003 : i32
        %add3A_1005 = arith.constant 64 : i32
        %add3A_1006 = arith.addi %mul3A_1004, %add3A_1005 : i32
        %get3A_1007 = arith.constant 1 : i32
        %get3A_1008 = arith.constant 4 : i32
        %get3A_1009 = arith.index_cast %get3A_1007 : i32 to index
        %get3A_1010 = arith.index_cast %get3A_1008 : i32 to index
        %get3A_1011 = arith.index_cast %add3A_1006 : i32 to index
        %get3A_1012 = tpu.vector_load %arg11[%get3A_1009, %get3A_1010, %get3A_1011] {strides = array<i32>} : memref<2x8x2048xf32, #tpu.memory_space<vmem>>, vector<1x1x16xf32>,
        %get3A_1013 = vector.shape_cast %get3A_1012 : vector<1x1x16xf32> to vector<16xf32>
        %get3A_1014 = arith.constant 1 : i32
        %get3A_1015 = arith.constant 4 : i32
        %get3A_1016 = arith.index_cast %get3A_1014 : i32 to index
        %get3A_1017 = arith.index_cast %get3A_1015 : i32 to index
        %get3A_1018 = arith.index_cast %add3A_1006 : i32 to index
        %get3A_1019 = tpu.vector_load %arg12[%get3A_1016, %get3A_1017, %get3A_1018] {strides = array<i32>} : memref<2x8x2048xf32, #tpu.memory_space<vmem>>, vector<1x1x16xf32>,
        %get3A_1020 = vector.shape_cast %get3A_1019 : vector<1x1x16xf32> to vector<16xf32>
        %sub3A_1021 = arith.subf %get3A_1013, %get3A_1020 : vector<16xf32>
        %mul3A_1022 = arith.mulf %sub3A_1021, %sub3A_1021 : vector<16xf32>
        %add3A_1023 = arith.addf %add3A_1002, %mul3A_1022 : vector<16xf32>
        %mul3A_1024 = arith.constant 128 : i32
        %mul3A_1025 = arith.muli %scan3A_918, %mul3A_1024 : i32
        %add3A_1026 = arith.constant 80 : i32
        %add3A_1027 = arith.addi %mul3A_1025, %add3A_1026 : i32
        %get3A_1028 = arith.constant 1 : i32
        %get3A_1029 = arith.constant 4 : i32
        %get3A_1030 = arith.index_cast %get3A_1028 : i32 to index
        %get3A_1031 = arith.index_cast %get3A_1029 : i32 to index
        %get3A_1032 = arith.index_cast %add3A_1027 : i32 to index
        %get3A_1033 = tpu.vector_load %arg11[%get3A_1030, %get3A_1031, %get3A_1032] {strides = array<i32>} : memref<2x8x2048xf32, #tpu.memory_space<vmem>>, vector<1x1x16xf32>,
        %get3A_1034 = vector.shape_cast %get3A_1033 : vector<1x1x16xf32> to vector<16xf32>
        %get3A_1035 = arith.constant 1 : i32
        %get3A_1036 = arith.constant 4 : i32
        %get3A_1037 = arith.index_cast %get3A_1035 : i32 to index
        %get3A_1038 = arith.index_cast %get3A_1036 : i32 to index
        %get3A_1039 = arith.index_cast %add3A_1027 : i32 to index
        %get3A_1040 = tpu.vector_load %arg12[%get3A_1037, %get3A_1038, %get3A_1039] {strides = array<i32>} : memref<2x8x2048xf32, #tpu.memory_space<vmem>>, vector<1x1x16xf32>,
        %get3A_1041 = vector.shape_cast %get3A_1040 : vector<1x1x16xf32> to vector<16xf32>
        %sub3A_1042 = arith.subf %get3A_1034, %get3A_1041 : vector<16xf32>
        %mul3A_1043 = arith.mulf %sub3A_1042, %sub3A_1042 : vector<16xf32>
        %add3A_1044 = arith.addf %add3A_1023, %mul3A_1043 : vector<16xf32>
        %mul3A_1045 = arith.constant 128 : i32
        %mul3A_1046 = arith.muli %scan3A_918, %mul3A_1045 : i32
        %add3A_1047 = arith.constant 96 : i32
        %add3A_1048 = arith.addi %mul3A_1046, %add3A_1047 : i32
        %get3A_1049 = arith.constant 1 : i32
        %get3A_1050 = arith.constant 4 : i32
        %get3A_1051 = arith.index_cast %get3A_1049 : i32 to index
        %get3A_1052 = arith.index_cast %get3A_1050 : i32 to index
        %get3A_1053 = arith.index_cast %add3A_1048 : i32 to index
        %get3A_1054 = tpu.vector_load %arg11[%get3A_1051, %get3A_1052, %get3A_1053] {strides = array<i32>} : memref<2x8x2048xf32, #tpu.memory_space<vmem>>, vector<1x1x16xf32>,
        %get3A_1055 = vector.shape_cast %get3A_1054 : vector<1x1x16xf32> to vector<16xf32>
        %get3A_1056 = arith.constant 1 : i32
        %get3A_1057 = arith.constant 4 : i32
        %get3A_1058 = arith.index_cast %get3A_1056 : i32 to index
        %get3A_1059 = arith.index_cast %get3A_1057 : i32 to index
        %get3A_1060 = arith.index_cast %add3A_1048 : i32 to index
        %get3A_1061 = tpu.vector_load %arg12[%get3A_1058, %get3A_1059, %get3A_1060] {strides = array<i32>} : memref<2x8x2048xf32, #tpu.memory_space<vmem>>, vector<1x1x16xf32>,
        %get3A_1062 = vector.shape_cast %get3A_1061 : vector<1x1x16xf32> to vector<16xf32>
        %sub3A_1063 = arith.subf %get3A_1055, %get3A_1062 : vector<16xf32>
        %mul3A_1064 = arith.mulf %sub3A_1063, %sub3A_1063 : vector<16xf32>
        %add3A_1065 = arith.addf %add3A_1044, %mul3A_1064 : vector<16xf32>
        %mul3A_1066 = arith.constant 128 : i32
        %mul3A_1067 = arith.muli %scan3A_918, %mul3A_1066 : i32
        %add3A_1068 = arith.constant 112 : i32
        %add3A_1069 = arith.addi %mul3A_1067, %add3A_1068 : i32
        %get3A_1070 = arith.constant 1 : i32
        %get3A_1071 = arith.constant 4 : i32
        %get3A_1072 = arith.index_cast %get3A_1070 : i32 to index
        %get3A_1073 = arith.index_cast %get3A_1071 : i32 to index
        %get3A_1074 = arith.index_cast %add3A_1069 : i32 to index
        %get3A_1075 = tpu.vector_load %arg11[%get3A_1072, %get3A_1073, %get3A_1074] {strides = array<i32>} : memref<2x8x2048xf32, #tpu.memory_space<vmem>>, vector<1x1x16xf32>,
        %get3A_1076 = vector.shape_cast %get3A_1075 : vector<1x1x16xf32> to vector<16xf32>
        %get3A_1077 = arith.constant 1 : i32
        %get3A_1078 = arith.constant 4 : i32
        %get3A_1079 = arith.index_cast %get3A_1077 : i32 to index
        %get3A_1080 = arith.index_cast %get3A_1078 : i32 to index
        %get3A_1081 = arith.index_cast %add3A_1069 : i32 to index
        %get3A_1082 = tpu.vector_load %arg12[%get3A_1079, %get3A_1080, %get3A_1081] {strides = array<i32>} : memref<2x8x2048xf32, #tpu.memory_space<vmem>>, vector<1x1x16xf32>,
        %get3A_1083 = vector.shape_cast %get3A_1082 : vector<1x1x16xf32> to vector<16xf32>
        %sub3A_1084 = arith.subf %get3A_1076, %get3A_1083 : vector<16xf32>
        %mul3A_1085 = arith.mulf %sub3A_1084, %sub3A_1084 : vector<16xf32>
        %add3A_1086 = arith.addf %add3A_1065, %mul3A_1085 : vector<16xf32>
        scf.yield %add3A_1086 : vector<16xf32>
      }
      %scan3A_715 = arith.constant 16 : i32
      %iota3A_716 = tpu.iota {dimensions = array<i32: 0>} : vector<16xi32>
      %xor3A_717 = arith.constant 8 : i32
      %xor3A_718 = vector.broadcast %xor3A_717 : i32 to vector<16xi32>
      %xor3A_719 = arith.xori %iota3A_716, %xor3A_718 : vector<16xi32>
      %broadcast_in_dim3A_720 = vector.shape_cast %xor3A_719 : vector<16xi32> to vector<16x1xi32>
      %gather3A_721 = vector.shape_cast %broadcast_in_dim3A_720 : vector<16x1xi32> to vector<16xi32>
      %gather3A_722 = tpu.dynamic_gather %scan3A_714[%gather3A_721] in [0] : vector<16xf32>, vector<16xi32> -> vector<16xf32>
      %add3A_723 = arith.addf %scan3A_714, %gather3A_722 : vector<16xf32>
      %xor3A_724 = arith.constant 4 : i32
      %xor3A_725 = vector.broadcast %xor3A_724 : i32 to vector<16xi32>
      %xor3A_726 = arith.xori %iota3A_716, %xor3A_725 : vector<16xi32>
      %broadcast_in_dim3A_727 = vector.shape_cast %xor3A_726 : vector<16xi32> to vector<16x1xi32>
      %gather3A_728 = vector.shape_cast %broadcast_in_dim3A_727 : vector<16x1xi32> to vector<16xi32>
      %gather3A_729 = tpu.dynamic_gather %add3A_723[%gather3A_728] in [0] : vector<16xf32>, vector<16xi32> -> vector<16xf32>
      %add3A_730 = arith.addf %add3A_723, %gather3A_729 : vector<16xf32>
      %xor3A_731 = arith.constant 2 : i32
      %xor3A_732 = vector.broadcast %xor3A_731 : i32 to vector<16xi32>
      %xor3A_733 = arith.xori %iota3A_716, %xor3A_732 : vector<16xi32>
      %broadcast_in_dim3A_734 = vector.shape_cast %xor3A_733 : vector<16xi32> to vector<16x1xi32>
      %gather3A_735 = vector.shape_cast %broadcast_in_dim3A_734 : vector<16x1xi32> to vector<16xi32>
      %gather3A_736 = tpu.dynamic_gather %add3A_730[%gather3A_735] in [0] : vector<16xf32>, vector<16xi32> -> vector<16xf32>
      %add3A_737 = arith.addf %add3A_730, %gather3A_736 : vector<16xf32>
      %xor3A_738 = arith.constant 1 : i32
      %xor3A_739 = vector.broadcast %xor3A_738 : i32 to vector<16xi32>
      %xor3A_740 = arith.xori %iota3A_716, %xor3A_739 : vector<16xi32>
      %broadcast_in_dim3A_741 = vector.shape_cast %xor3A_740 : vector<16xi32> to vector<16x1xi32>
      %gather3A_742 = vector.shape_cast %broadcast_in_dim3A_741 : vector<16x1xi32> to vector<16xi32>
      %gather3A_743 = tpu.dynamic_gather %add3A_737[%gather3A_742] in [0] : vector<16xf32>, vector<16xi32> -> vector<16xf32>
      %add3A_744 = arith.addf %add3A_737, %gather3A_743 : vector<16xf32>
      %eq3A_745 = arith.constant 12 : i32
      %eq3A_746 = vector.broadcast %eq3A_745 : i32 to vector<16xi32>
      %eq3A_747 = arith.cmpi eq, %iota3A_716, %eq3A_746 : vector<16xi32>
      %select_n3A_748 = arith.select %eq3A_747, %add3A_744, %select_n3A_707 : vector<16xi1>, vector<16xf32>
      %broadcast_in_dim3A_749 = arith.constant 0.000000e+00 : f32
      %broadcast_in_dim3A_750 = vector.broadcast %broadcast_in_dim3A_749 : f32 to vector<16xf32>
      %scan3A_751 = arith.constant 0 : i32
      %scan3A_752 = arith.constant 16 : i32
      %scan3A_753 = arith.addi %scan3A_751, %scan3A_752 : i32
      %scan3A_754 = arith.constant 1 : i32
      %scan3A_755 = scf.for %scan3A_918 = %scan3A_751 to %scan3A_753 step %scan3A_754 iter_args(%scan3A_919 = %broadcast_in_dim3A_750) -> (vector<16xf32>)  : i32 {
        %mul3A_920 = arith.constant 128 : i32
        %mul3A_921 = arith.muli %scan3A_918, %mul3A_920 : i32
        %add3A_922 = arith.constant 0 : i32
        %add3A_923 = arith.addi %mul3A_921, %add3A_922 : i32
        %get3A_924 = arith.constant 1 : i32
        %get3A_925 = arith.constant 5 : i32
        %get3A_926 = arith.index_cast %get3A_924 : i32 to index
        %get3A_927 = arith.index_cast %get3A_925 : i32 to index
        %get3A_928 = arith.index_cast %add3A_923 : i32 to index
        %get3A_929 = tpu.vector_load %arg11[%get3A_926, %get3A_927, %get3A_928] {strides = array<i32>} : memref<2x8x2048xf32, #tpu.memory_space<vmem>>, vector<1x1x16xf32>,
        %get3A_930 = vector.shape_cast %get3A_929 : vector<1x1x16xf32> to vector<16xf32>
        %get3A_931 = arith.constant 1 : i32
        %get3A_932 = arith.constant 5 : i32
        %get3A_933 = arith.index_cast %get3A_931 : i32 to index
        %get3A_934 = arith.index_cast %get3A_932 : i32 to index
        %get3A_935 = arith.index_cast %add3A_923 : i32 to index
        %get3A_936 = tpu.vector_load %arg12[%get3A_933, %get3A_934, %get3A_935] {strides = array<i32>} : memref<2x8x2048xf32, #tpu.memory_space<vmem>>, vector<1x1x16xf32>,
        %get3A_937 = vector.shape_cast %get3A_936 : vector<1x1x16xf32> to vector<16xf32>
        %sub3A = arith.subf %get3A_930, %get3A_937 : vector<16xf32>
        %mul3A_938 = arith.mulf %sub3A, %sub3A : vector<16xf32>
        %add3A_939 = arith.addf %scan3A_919, %mul3A_938 : vector<16xf32>
        %mul3A_940 = arith.constant 128 : i32
        %mul3A_941 = arith.muli %scan3A_918, %mul3A_940 : i32
        %add3A_942 = arith.constant 16 : i32
        %add3A_943 = arith.addi %mul3A_941, %add3A_942 : i32
        %get3A_944 = arith.constant 1 : i32
        %get3A_945 = arith.constant 5 : i32
        %get3A_946 = arith.index_cast %get3A_944 : i32 to index
        %get3A_947 = arith.index_cast %get3A_945 : i32 to index
        %get3A_948 = arith.index_cast %add3A_943 : i32 to index
        %get3A_949 = tpu.vector_load %arg11[%get3A_946, %get3A_947, %get3A_948] {strides = array<i32>} : memref<2x8x2048xf32, #tpu.memory_space<vmem>>, vector<1x1x16xf32>,
        %get3A_950 = vector.shape_cast %get3A_949 : vector<1x1x16xf32> to vector<16xf32>
        %get3A_951 = arith.constant 1 : i32
        %get3A_952 = arith.constant 5 : i32
        %get3A_953 = arith.index_cast %get3A_951 : i32 to index
        %get3A_954 = arith.index_cast %get3A_952 : i32 to index
        %get3A_955 = arith.index_cast %add3A_943 : i32 to index
        %get3A_956 = tpu.vector_load %arg12[%get3A_953, %get3A_954, %get3A_955] {strides = array<i32>} : memref<2x8x2048xf32, #tpu.memory_space<vmem>>, vector<1x1x16xf32>,
        %get3A_957 = vector.shape_cast %get3A_956 : vector<1x1x16xf32> to vector<16xf32>
        %sub3A_958 = arith.subf %get3A_950, %get3A_957 : vector<16xf32>
        %mul3A_959 = arith.mulf %sub3A_958, %sub3A_958 : vector<16xf32>
        %add3A_960 = arith.addf %add3A_939, %mul3A_959 : vector<16xf32>
        %mul3A_961 = arith.constant 128 : i32
        %mul3A_962 = arith.muli %scan3A_918, %mul3A_961 : i32
        %add3A_963 = arith.constant 32 : i32
        %add3A_964 = arith.addi %mul3A_962, %add3A_963 : i32
        %get3A_965 = arith.constant 1 : i32
        %get3A_966 = arith.constant 5 : i32
        %get3A_967 = arith.index_cast %get3A_965 : i32 to index
        %get3A_968 = arith.index_cast %get3A_966 : i32 to index
        %get3A_969 = arith.index_cast %add3A_964 : i32 to index
        %get3A_970 = tpu.vector_load %arg11[%get3A_967, %get3A_968, %get3A_969] {strides = array<i32>} : memref<2x8x2048xf32, #tpu.memory_space<vmem>>, vector<1x1x16xf32>,
        %get3A_971 = vector.shape_cast %get3A_970 : vector<1x1x16xf32> to vector<16xf32>
        %get3A_972 = arith.constant 1 : i32
        %get3A_973 = arith.constant 5 : i32
        %get3A_974 = arith.index_cast %get3A_972 : i32 to index
        %get3A_975 = arith.index_cast %get3A_973 : i32 to index
        %get3A_976 = arith.index_cast %add3A_964 : i32 to index
        %get3A_977 = tpu.vector_load %arg12[%get3A_974, %get3A_975, %get3A_976] {strides = array<i32>} : memref<2x8x2048xf32, #tpu.memory_space<vmem>>, vector<1x1x16xf32>,
        %get3A_978 = vector.shape_cast %get3A_977 : vector<1x1x16xf32> to vector<16xf32>
        %sub3A_979 = arith.subf %get3A_971, %get3A_978 : vector<16xf32>
        %mul3A_980 = arith.mulf %sub3A_979, %sub3A_979 : vector<16xf32>
        %add3A_981 = arith.addf %add3A_960, %mul3A_980 : vector<16xf32>
        %mul3A_982 = arith.constant 128 : i32
        %mul3A_983 = arith.muli %scan3A_918, %mul3A_982 : i32
        %add3A_984 = arith.constant 48 : i32
        %add3A_985 = arith.addi %mul3A_983, %add3A_984 : i32
        %get3A_986 = arith.constant 1 : i32
        %get3A_987 = arith.constant 5 : i32
        %get3A_988 = arith.index_cast %get3A_986 : i32 to index
        %get3A_989 = arith.index_cast %get3A_987 : i32 to index
        %get3A_990 = arith.index_cast %add3A_985 : i32 to index
        %get3A_991 = tpu.vector_load %arg11[%get3A_988, %get3A_989, %get3A_990] {strides = array<i32>} : memref<2x8x2048xf32, #tpu.memory_space<vmem>>, vector<1x1x16xf32>,
        %get3A_992 = vector.shape_cast %get3A_991 : vector<1x1x16xf32> to vector<16xf32>
        %get3A_993 = arith.constant 1 : i32
        %get3A_994 = arith.constant 5 : i32
        %get3A_995 = arith.index_cast %get3A_993 : i32 to index
        %get3A_996 = arith.index_cast %get3A_994 : i32 to index
        %get3A_997 = arith.index_cast %add3A_985 : i32 to index
        %get3A_998 = tpu.vector_load %arg12[%get3A_995, %get3A_996, %get3A_997] {strides = array<i32>} : memref<2x8x2048xf32, #tpu.memory_space<vmem>>, vector<1x1x16xf32>,
        %get3A_999 = vector.shape_cast %get3A_998 : vector<1x1x16xf32> to vector<16xf32>
        %sub3A_1000 = arith.subf %get3A_992, %get3A_999 : vector<16xf32>
        %mul3A_1001 = arith.mulf %sub3A_1000, %sub3A_1000 : vector<16xf32>
        %add3A_1002 = arith.addf %add3A_981, %mul3A_1001 : vector<16xf32>
        %mul3A_1003 = arith.constant 128 : i32
        %mul3A_1004 = arith.muli %scan3A_918, %mul3A_1003 : i32
        %add3A_1005 = arith.constant 64 : i32
        %add3A_1006 = arith.addi %mul3A_1004, %add3A_1005 : i32
        %get3A_1007 = arith.constant 1 : i32
        %get3A_1008 = arith.constant 5 : i32
        %get3A_1009 = arith.index_cast %get3A_1007 : i32 to index
        %get3A_1010 = arith.index_cast %get3A_1008 : i32 to index
        %get3A_1011 = arith.index_cast %add3A_1006 : i32 to index
        %get3A_1012 = tpu.vector_load %arg11[%get3A_1009, %get3A_1010, %get3A_1011] {strides = array<i32>} : memref<2x8x2048xf32, #tpu.memory_space<vmem>>, vector<1x1x16xf32>,
        %get3A_1013 = vector.shape_cast %get3A_1012 : vector<1x1x16xf32> to vector<16xf32>
        %get3A_1014 = arith.constant 1 : i32
        %get3A_1015 = arith.constant 5 : i32
        %get3A_1016 = arith.index_cast %get3A_1014 : i32 to index
        %get3A_1017 = arith.index_cast %get3A_1015 : i32 to index
        %get3A_1018 = arith.index_cast %add3A_1006 : i32 to index
        %get3A_1019 = tpu.vector_load %arg12[%get3A_1016, %get3A_1017, %get3A_1018] {strides = array<i32>} : memref<2x8x2048xf32, #tpu.memory_space<vmem>>, vector<1x1x16xf32>,
        %get3A_1020 = vector.shape_cast %get3A_1019 : vector<1x1x16xf32> to vector<16xf32>
        %sub3A_1021 = arith.subf %get3A_1013, %get3A_1020 : vector<16xf32>
        %mul3A_1022 = arith.mulf %sub3A_1021, %sub3A_1021 : vector<16xf32>
        %add3A_1023 = arith.addf %add3A_1002, %mul3A_1022 : vector<16xf32>
        %mul3A_1024 = arith.constant 128 : i32
        %mul3A_1025 = arith.muli %scan3A_918, %mul3A_1024 : i32
        %add3A_1026 = arith.constant 80 : i32
        %add3A_1027 = arith.addi %mul3A_1025, %add3A_1026 : i32
        %get3A_1028 = arith.constant 1 : i32
        %get3A_1029 = arith.constant 5 : i32
        %get3A_1030 = arith.index_cast %get3A_1028 : i32 to index
        %get3A_1031 = arith.index_cast %get3A_1029 : i32 to index
        %get3A_1032 = arith.index_cast %add3A_1027 : i32 to index
        %get3A_1033 = tpu.vector_load %arg11[%get3A_1030, %get3A_1031, %get3A_1032] {strides = array<i32>} : memref<2x8x2048xf32, #tpu.memory_space<vmem>>, vector<1x1x16xf32>,
        %get3A_1034 = vector.shape_cast %get3A_1033 : vector<1x1x16xf32> to vector<16xf32>
        %get3A_1035 = arith.constant 1 : i32
        %get3A_1036 = arith.constant 5 : i32
        %get3A_1037 = arith.index_cast %get3A_1035 : i32 to index
        %get3A_1038 = arith.index_cast %get3A_1036 : i32 to index
        %get3A_1039 = arith.index_cast %add3A_1027 : i32 to index
        %get3A_1040 = tpu.vector_load %arg12[%get3A_1037, %get3A_1038, %get3A_1039] {strides = array<i32>} : memref<2x8x2048xf32, #tpu.memory_space<vmem>>, vector<1x1x16xf32>,
        %get3A_1041 = vector.shape_cast %get3A_1040 : vector<1x1x16xf32> to vector<16xf32>
        %sub3A_1042 = arith.subf %get3A_1034, %get3A_1041 : vector<16xf32>
        %mul3A_1043 = arith.mulf %sub3A_1042, %sub3A_1042 : vector<16xf32>
        %add3A_1044 = arith.addf %add3A_1023, %mul3A_1043 : vector<16xf32>
        %mul3A_1045 = arith.constant 128 : i32
        %mul3A_1046 = arith.muli %scan3A_918, %mul3A_1045 : i32
        %add3A_1047 = arith.constant 96 : i32
        %add3A_1048 = arith.addi %mul3A_1046, %add3A_1047 : i32
        %get3A_1049 = arith.constant 1 : i32
        %get3A_1050 = arith.constant 5 : i32
        %get3A_1051 = arith.index_cast %get3A_1049 : i32 to index
        %get3A_1052 = arith.index_cast %get3A_1050 : i32 to index
        %get3A_1053 = arith.index_cast %add3A_1048 : i32 to index
        %get3A_1054 = tpu.vector_load %arg11[%get3A_1051, %get3A_1052, %get3A_1053] {strides = array<i32>} : memref<2x8x2048xf32, #tpu.memory_space<vmem>>, vector<1x1x16xf32>,
        %get3A_1055 = vector.shape_cast %get3A_1054 : vector<1x1x16xf32> to vector<16xf32>
        %get3A_1056 = arith.constant 1 : i32
        %get3A_1057 = arith.constant 5 : i32
        %get3A_1058 = arith.index_cast %get3A_1056 : i32 to index
        %get3A_1059 = arith.index_cast %get3A_1057 : i32 to index
        %get3A_1060 = arith.index_cast %add3A_1048 : i32 to index
        %get3A_1061 = tpu.vector_load %arg12[%get3A_1058, %get3A_1059, %get3A_1060] {strides = array<i32>} : memref<2x8x2048xf32, #tpu.memory_space<vmem>>, vector<1x1x16xf32>,
        %get3A_1062 = vector.shape_cast %get3A_1061 : vector<1x1x16xf32> to vector<16xf32>
        %sub3A_1063 = arith.subf %get3A_1055, %get3A_1062 : vector<16xf32>
        %mul3A_1064 = arith.mulf %sub3A_1063, %sub3A_1063 : vector<16xf32>
        %add3A_1065 = arith.addf %add3A_1044, %mul3A_1064 : vector<16xf32>
        %mul3A_1066 = arith.constant 128 : i32
        %mul3A_1067 = arith.muli %scan3A_918, %mul3A_1066 : i32
        %add3A_1068 = arith.constant 112 : i32
        %add3A_1069 = arith.addi %mul3A_1067, %add3A_1068 : i32
        %get3A_1070 = arith.constant 1 : i32
        %get3A_1071 = arith.constant 5 : i32
        %get3A_1072 = arith.index_cast %get3A_1070 : i32 to index
        %get3A_1073 = arith.index_cast %get3A_1071 : i32 to index
        %get3A_1074 = arith.index_cast %add3A_1069 : i32 to index
        %get3A_1075 = tpu.vector_load %arg11[%get3A_1072, %get3A_1073, %get3A_1074] {strides = array<i32>} : memref<2x8x2048xf32, #tpu.memory_space<vmem>>, vector<1x1x16xf32>,
        %get3A_1076 = vector.shape_cast %get3A_1075 : vector<1x1x16xf32> to vector<16xf32>
        %get3A_1077 = arith.constant 1 : i32
        %get3A_1078 = arith.constant 5 : i32
        %get3A_1079 = arith.index_cast %get3A_1077 : i32 to index
        %get3A_1080 = arith.index_cast %get3A_1078 : i32 to index
        %get3A_1081 = arith.index_cast %add3A_1069 : i32 to index
        %get3A_1082 = tpu.vector_load %arg12[%get3A_1079, %get3A_1080, %get3A_1081] {strides = array<i32>} : memref<2x8x2048xf32, #tpu.memory_space<vmem>>, vector<1x1x16xf32>,
        %get3A_1083 = vector.shape_cast %get3A_1082 : vector<1x1x16xf32> to vector<16xf32>
        %sub3A_1084 = arith.subf %get3A_1076, %get3A_1083 : vector<16xf32>
        %mul3A_1085 = arith.mulf %sub3A_1084, %sub3A_1084 : vector<16xf32>
        %add3A_1086 = arith.addf %add3A_1065, %mul3A_1085 : vector<16xf32>
        scf.yield %add3A_1086 : vector<16xf32>
      }
      %scan3A_756 = arith.constant 16 : i32
      %iota3A_757 = tpu.iota {dimensions = array<i32: 0>} : vector<16xi32>
      %xor3A_758 = arith.constant 8 : i32
      %xor3A_759 = vector.broadcast %xor3A_758 : i32 to vector<16xi32>
      %xor3A_760 = arith.xori %iota3A_757, %xor3A_759 : vector<16xi32>
      %broadcast_in_dim3A_761 = vector.shape_cast %xor3A_760 : vector<16xi32> to vector<16x1xi32>
      %gather3A_762 = vector.shape_cast %broadcast_in_dim3A_761 : vector<16x1xi32> to vector<16xi32>
      %gather3A_763 = tpu.dynamic_gather %scan3A_755[%gather3A_762] in [0] : vector<16xf32>, vector<16xi32> -> vector<16xf32>
      %add3A_764 = arith.addf %scan3A_755, %gather3A_763 : vector<16xf32>
      %xor3A_765 = arith.constant 4 : i32
      %xor3A_766 = vector.broadcast %xor3A_765 : i32 to vector<16xi32>
      %xor3A_767 = arith.xori %iota3A_757, %xor3A_766 : vector<16xi32>
      %broadcast_in_dim3A_768 = vector.shape_cast %xor3A_767 : vector<16xi32> to vector<16x1xi32>
      %gather3A_769 = vector.shape_cast %broadcast_in_dim3A_768 : vector<16x1xi32> to vector<16xi32>
      %gather3A_770 = tpu.dynamic_gather %add3A_764[%gather3A_769] in [0] : vector<16xf32>, vector<16xi32> -> vector<16xf32>
      %add3A_771 = arith.addf %add3A_764, %gather3A_770 : vector<16xf32>
      %xor3A_772 = arith.constant 2 : i32
      %xor3A_773 = vector.broadcast %xor3A_772 : i32 to vector<16xi32>
      %xor3A_774 = arith.xori %iota3A_757, %xor3A_773 : vector<16xi32>
      %broadcast_in_dim3A_775 = vector.shape_cast %xor3A_774 : vector<16xi32> to vector<16x1xi32>
      %gather3A_776 = vector.shape_cast %broadcast_in_dim3A_775 : vector<16x1xi32> to vector<16xi32>
      %gather3A_777 = tpu.dynamic_gather %add3A_771[%gather3A_776] in [0] : vector<16xf32>, vector<16xi32> -> vector<16xf32>
      %add3A_778 = arith.addf %add3A_771, %gather3A_777 : vector<16xf32>
      %xor3A_779 = arith.constant 1 : i32
      %xor3A_780 = vector.broadcast %xor3A_779 : i32 to vector<16xi32>
      %xor3A_781 = arith.xori %iota3A_757, %xor3A_780 : vector<16xi32>
      %broadcast_in_dim3A_782 = vector.shape_cast %xor3A_781 : vector<16xi32> to vector<16x1xi32>
      %gather3A_783 = vector.shape_cast %broadcast_in_dim3A_782 : vector<16x1xi32> to vector<16xi32>
      %gather3A_784 = tpu.dynamic_gather %add3A_778[%gather3A_783] in [0] : vector<16xf32>, vector<16xi32> -> vector<16xf32>
      %add3A_785 = arith.addf %add3A_778, %gather3A_784 : vector<16xf32>
      %eq3A_786 = arith.constant 13 : i32
      %eq3A_787 = vector.broadcast %eq3A_786 : i32 to vector<16xi32>
      %eq3A_788 = arith.cmpi eq, %iota3A_757, %eq3A_787 : vector<16xi32>
      %select_n3A_789 = arith.select %eq3A_788, %add3A_785, %select_n3A_748 : vector<16xi1>, vector<16xf32>
      %broadcast_in_dim3A_790 = arith.constant 0.000000e+00 : f32
      %broadcast_in_dim3A_791 = vector.broadcast %broadcast_in_dim3A_790 : f32 to vector<16xf32>
      %scan3A_792 = arith.constant 0 : i32
      %scan3A_793 = arith.constant 16 : i32
      %scan3A_794 = arith.addi %scan3A_792, %scan3A_793 : i32
      %scan3A_795 = arith.constant 1 : i32
      %scan3A_796 = scf.for %scan3A_918 = %scan3A_792 to %scan3A_794 step %scan3A_795 iter_args(%scan3A_919 = %broadcast_in_dim3A_791) -> (vector<16xf32>)  : i32 {
        %mul3A_920 = arith.constant 128 : i32
        %mul3A_921 = arith.muli %scan3A_918, %mul3A_920 : i32
        %add3A_922 = arith.constant 0 : i32
        %add3A_923 = arith.addi %mul3A_921, %add3A_922 : i32
        %get3A_924 = arith.constant 1 : i32
        %get3A_925 = arith.constant 6 : i32
        %get3A_926 = arith.index_cast %get3A_924 : i32 to index
        %get3A_927 = arith.index_cast %get3A_925 : i32 to index
        %get3A_928 = arith.index_cast %add3A_923 : i32 to index
        %get3A_929 = tpu.vector_load %arg11[%get3A_926, %get3A_927, %get3A_928] {strides = array<i32>} : memref<2x8x2048xf32, #tpu.memory_space<vmem>>, vector<1x1x16xf32>,
        %get3A_930 = vector.shape_cast %get3A_929 : vector<1x1x16xf32> to vector<16xf32>
        %get3A_931 = arith.constant 1 : i32
        %get3A_932 = arith.constant 6 : i32
        %get3A_933 = arith.index_cast %get3A_931 : i32 to index
        %get3A_934 = arith.index_cast %get3A_932 : i32 to index
        %get3A_935 = arith.index_cast %add3A_923 : i32 to index
        %get3A_936 = tpu.vector_load %arg12[%get3A_933, %get3A_934, %get3A_935] {strides = array<i32>} : memref<2x8x2048xf32, #tpu.memory_space<vmem>>, vector<1x1x16xf32>,
        %get3A_937 = vector.shape_cast %get3A_936 : vector<1x1x16xf32> to vector<16xf32>
        %sub3A = arith.subf %get3A_930, %get3A_937 : vector<16xf32>
        %mul3A_938 = arith.mulf %sub3A, %sub3A : vector<16xf32>
        %add3A_939 = arith.addf %scan3A_919, %mul3A_938 : vector<16xf32>
        %mul3A_940 = arith.constant 128 : i32
        %mul3A_941 = arith.muli %scan3A_918, %mul3A_940 : i32
        %add3A_942 = arith.constant 16 : i32
        %add3A_943 = arith.addi %mul3A_941, %add3A_942 : i32
        %get3A_944 = arith.constant 1 : i32
        %get3A_945 = arith.constant 6 : i32
        %get3A_946 = arith.index_cast %get3A_944 : i32 to index
        %get3A_947 = arith.index_cast %get3A_945 : i32 to index
        %get3A_948 = arith.index_cast %add3A_943 : i32 to index
        %get3A_949 = tpu.vector_load %arg11[%get3A_946, %get3A_947, %get3A_948] {strides = array<i32>} : memref<2x8x2048xf32, #tpu.memory_space<vmem>>, vector<1x1x16xf32>,
        %get3A_950 = vector.shape_cast %get3A_949 : vector<1x1x16xf32> to vector<16xf32>
        %get3A_951 = arith.constant 1 : i32
        %get3A_952 = arith.constant 6 : i32
        %get3A_953 = arith.index_cast %get3A_951 : i32 to index
        %get3A_954 = arith.index_cast %get3A_952 : i32 to index
        %get3A_955 = arith.index_cast %add3A_943 : i32 to index
        %get3A_956 = tpu.vector_load %arg12[%get3A_953, %get3A_954, %get3A_955] {strides = array<i32>} : memref<2x8x2048xf32, #tpu.memory_space<vmem>>, vector<1x1x16xf32>,
        %get3A_957 = vector.shape_cast %get3A_956 : vector<1x1x16xf32> to vector<16xf32>
        %sub3A_958 = arith.subf %get3A_950, %get3A_957 : vector<16xf32>
        %mul3A_959 = arith.mulf %sub3A_958, %sub3A_958 : vector<16xf32>
        %add3A_960 = arith.addf %add3A_939, %mul3A_959 : vector<16xf32>
        %mul3A_961 = arith.constant 128 : i32
        %mul3A_962 = arith.muli %scan3A_918, %mul3A_961 : i32
        %add3A_963 = arith.constant 32 : i32
        %add3A_964 = arith.addi %mul3A_962, %add3A_963 : i32
        %get3A_965 = arith.constant 1 : i32
        %get3A_966 = arith.constant 6 : i32
        %get3A_967 = arith.index_cast %get3A_965 : i32 to index
        %get3A_968 = arith.index_cast %get3A_966 : i32 to index
        %get3A_969 = arith.index_cast %add3A_964 : i32 to index
        %get3A_970 = tpu.vector_load %arg11[%get3A_967, %get3A_968, %get3A_969] {strides = array<i32>} : memref<2x8x2048xf32, #tpu.memory_space<vmem>>, vector<1x1x16xf32>,
        %get3A_971 = vector.shape_cast %get3A_970 : vector<1x1x16xf32> to vector<16xf32>
        %get3A_972 = arith.constant 1 : i32
        %get3A_973 = arith.constant 6 : i32
        %get3A_974 = arith.index_cast %get3A_972 : i32 to index
        %get3A_975 = arith.index_cast %get3A_973 : i32 to index
        %get3A_976 = arith.index_cast %add3A_964 : i32 to index
        %get3A_977 = tpu.vector_load %arg12[%get3A_974, %get3A_975, %get3A_976] {strides = array<i32>} : memref<2x8x2048xf32, #tpu.memory_space<vmem>>, vector<1x1x16xf32>,
        %get3A_978 = vector.shape_cast %get3A_977 : vector<1x1x16xf32> to vector<16xf32>
        %sub3A_979 = arith.subf %get3A_971, %get3A_978 : vector<16xf32>
        %mul3A_980 = arith.mulf %sub3A_979, %sub3A_979 : vector<16xf32>
        %add3A_981 = arith.addf %add3A_960, %mul3A_980 : vector<16xf32>
        %mul3A_982 = arith.constant 128 : i32
        %mul3A_983 = arith.muli %scan3A_918, %mul3A_982 : i32
        %add3A_984 = arith.constant 48 : i32
        %add3A_985 = arith.addi %mul3A_983, %add3A_984 : i32
        %get3A_986 = arith.constant 1 : i32
        %get3A_987 = arith.constant 6 : i32
        %get3A_988 = arith.index_cast %get3A_986 : i32 to index
        %get3A_989 = arith.index_cast %get3A_987 : i32 to index
        %get3A_990 = arith.index_cast %add3A_985 : i32 to index
        %get3A_991 = tpu.vector_load %arg11[%get3A_988, %get3A_989, %get3A_990] {strides = array<i32>} : memref<2x8x2048xf32, #tpu.memory_space<vmem>>, vector<1x1x16xf32>,
        %get3A_992 = vector.shape_cast %get3A_991 : vector<1x1x16xf32> to vector<16xf32>
        %get3A_993 = arith.constant 1 : i32
        %get3A_994 = arith.constant 6 : i32
        %get3A_995 = arith.index_cast %get3A_993 : i32 to index
        %get3A_996 = arith.index_cast %get3A_994 : i32 to index
        %get3A_997 = arith.index_cast %add3A_985 : i32 to index
        %get3A_998 = tpu.vector_load %arg12[%get3A_995, %get3A_996, %get3A_997] {strides = array<i32>} : memref<2x8x2048xf32, #tpu.memory_space<vmem>>, vector<1x1x16xf32>,
        %get3A_999 = vector.shape_cast %get3A_998 : vector<1x1x16xf32> to vector<16xf32>
        %sub3A_1000 = arith.subf %get3A_992, %get3A_999 : vector<16xf32>
        %mul3A_1001 = arith.mulf %sub3A_1000, %sub3A_1000 : vector<16xf32>
        %add3A_1002 = arith.addf %add3A_981, %mul3A_1001 : vector<16xf32>
        %mul3A_1003 = arith.constant 128 : i32
        %mul3A_1004 = arith.muli %scan3A_918, %mul3A_1003 : i32
        %add3A_1005 = arith.constant 64 : i32
        %add3A_1006 = arith.addi %mul3A_1004, %add3A_1005 : i32
        %get3A_1007 = arith.constant 1 : i32
        %get3A_1008 = arith.constant 6 : i32
        %get3A_1009 = arith.index_cast %get3A_1007 : i32 to index
        %get3A_1010 = arith.index_cast %get3A_1008 : i32 to index
        %get3A_1011 = arith.index_cast %add3A_1006 : i32 to index
        %get3A_1012 = tpu.vector_load %arg11[%get3A_1009, %get3A_1010, %get3A_1011] {strides = array<i32>} : memref<2x8x2048xf32, #tpu.memory_space<vmem>>, vector<1x1x16xf32>,
        %get3A_1013 = vector.shape_cast %get3A_1012 : vector<1x1x16xf32> to vector<16xf32>
        %get3A_1014 = arith.constant 1 : i32
        %get3A_1015 = arith.constant 6 : i32
        %get3A_1016 = arith.index_cast %get3A_1014 : i32 to index
        %get3A_1017 = arith.index_cast %get3A_1015 : i32 to index
        %get3A_1018 = arith.index_cast %add3A_1006 : i32 to index
        %get3A_1019 = tpu.vector_load %arg12[%get3A_1016, %get3A_1017, %get3A_1018] {strides = array<i32>} : memref<2x8x2048xf32, #tpu.memory_space<vmem>>, vector<1x1x16xf32>,
        %get3A_1020 = vector.shape_cast %get3A_1019 : vector<1x1x16xf32> to vector<16xf32>
        %sub3A_1021 = arith.subf %get3A_1013, %get3A_1020 : vector<16xf32>
        %mul3A_1022 = arith.mulf %sub3A_1021, %sub3A_1021 : vector<16xf32>
        %add3A_1023 = arith.addf %add3A_1002, %mul3A_1022 : vector<16xf32>
        %mul3A_1024 = arith.constant 128 : i32
        %mul3A_1025 = arith.muli %scan3A_918, %mul3A_1024 : i32
        %add3A_1026 = arith.constant 80 : i32
        %add3A_1027 = arith.addi %mul3A_1025, %add3A_1026 : i32
        %get3A_1028 = arith.constant 1 : i32
        %get3A_1029 = arith.constant 6 : i32
        %get3A_1030 = arith.index_cast %get3A_1028 : i32 to index
        %get3A_1031 = arith.index_cast %get3A_1029 : i32 to index
        %get3A_1032 = arith.index_cast %add3A_1027 : i32 to index
        %get3A_1033 = tpu.vector_load %arg11[%get3A_1030, %get3A_1031, %get3A_1032] {strides = array<i32>} : memref<2x8x2048xf32, #tpu.memory_space<vmem>>, vector<1x1x16xf32>,
        %get3A_1034 = vector.shape_cast %get3A_1033 : vector<1x1x16xf32> to vector<16xf32>
        %get3A_1035 = arith.constant 1 : i32
        %get3A_1036 = arith.constant 6 : i32
        %get3A_1037 = arith.index_cast %get3A_1035 : i32 to index
        %get3A_1038 = arith.index_cast %get3A_1036 : i32 to index
        %get3A_1039 = arith.index_cast %add3A_1027 : i32 to index
        %get3A_1040 = tpu.vector_load %arg12[%get3A_1037, %get3A_1038, %get3A_1039] {strides = array<i32>} : memref<2x8x2048xf32, #tpu.memory_space<vmem>>, vector<1x1x16xf32>,
        %get3A_1041 = vector.shape_cast %get3A_1040 : vector<1x1x16xf32> to vector<16xf32>
        %sub3A_1042 = arith.subf %get3A_1034, %get3A_1041 : vector<16xf32>
        %mul3A_1043 = arith.mulf %sub3A_1042, %sub3A_1042 : vector<16xf32>
        %add3A_1044 = arith.addf %add3A_1023, %mul3A_1043 : vector<16xf32>
        %mul3A_1045 = arith.constant 128 : i32
        %mul3A_1046 = arith.muli %scan3A_918, %mul3A_1045 : i32
        %add3A_1047 = arith.constant 96 : i32
        %add3A_1048 = arith.addi %mul3A_1046, %add3A_1047 : i32
        %get3A_1049 = arith.constant 1 : i32
        %get3A_1050 = arith.constant 6 : i32
        %get3A_1051 = arith.index_cast %get3A_1049 : i32 to index
        %get3A_1052 = arith.index_cast %get3A_1050 : i32 to index
        %get3A_1053 = arith.index_cast %add3A_1048 : i32 to index
        %get3A_1054 = tpu.vector_load %arg11[%get3A_1051, %get3A_1052, %get3A_1053] {strides = array<i32>} : memref<2x8x2048xf32, #tpu.memory_space<vmem>>, vector<1x1x16xf32>,
        %get3A_1055 = vector.shape_cast %get3A_1054 : vector<1x1x16xf32> to vector<16xf32>
        %get3A_1056 = arith.constant 1 : i32
        %get3A_1057 = arith.constant 6 : i32
        %get3A_1058 = arith.index_cast %get3A_1056 : i32 to index
        %get3A_1059 = arith.index_cast %get3A_1057 : i32 to index
        %get3A_1060 = arith.index_cast %add3A_1048 : i32 to index
        %get3A_1061 = tpu.vector_load %arg12[%get3A_1058, %get3A_1059, %get3A_1060] {strides = array<i32>} : memref<2x8x2048xf32, #tpu.memory_space<vmem>>, vector<1x1x16xf32>,
        %get3A_1062 = vector.shape_cast %get3A_1061 : vector<1x1x16xf32> to vector<16xf32>
        %sub3A_1063 = arith.subf %get3A_1055, %get3A_1062 : vector<16xf32>
        %mul3A_1064 = arith.mulf %sub3A_1063, %sub3A_1063 : vector<16xf32>
        %add3A_1065 = arith.addf %add3A_1044, %mul3A_1064 : vector<16xf32>
        %mul3A_1066 = arith.constant 128 : i32
        %mul3A_1067 = arith.muli %scan3A_918, %mul3A_1066 : i32
        %add3A_1068 = arith.constant 112 : i32
        %add3A_1069 = arith.addi %mul3A_1067, %add3A_1068 : i32
        %get3A_1070 = arith.constant 1 : i32
        %get3A_1071 = arith.constant 6 : i32
        %get3A_1072 = arith.index_cast %get3A_1070 : i32 to index
        %get3A_1073 = arith.index_cast %get3A_1071 : i32 to index
        %get3A_1074 = arith.index_cast %add3A_1069 : i32 to index
        %get3A_1075 = tpu.vector_load %arg11[%get3A_1072, %get3A_1073, %get3A_1074] {strides = array<i32>} : memref<2x8x2048xf32, #tpu.memory_space<vmem>>, vector<1x1x16xf32>,
        %get3A_1076 = vector.shape_cast %get3A_1075 : vector<1x1x16xf32> to vector<16xf32>
        %get3A_1077 = arith.constant 1 : i32
        %get3A_1078 = arith.constant 6 : i32
        %get3A_1079 = arith.index_cast %get3A_1077 : i32 to index
        %get3A_1080 = arith.index_cast %get3A_1078 : i32 to index
        %get3A_1081 = arith.index_cast %add3A_1069 : i32 to index
        %get3A_1082 = tpu.vector_load %arg12[%get3A_1079, %get3A_1080, %get3A_1081] {strides = array<i32>} : memref<2x8x2048xf32, #tpu.memory_space<vmem>>, vector<1x1x16xf32>,
        %get3A_1083 = vector.shape_cast %get3A_1082 : vector<1x1x16xf32> to vector<16xf32>
        %sub3A_1084 = arith.subf %get3A_1076, %get3A_1083 : vector<16xf32>
        %mul3A_1085 = arith.mulf %sub3A_1084, %sub3A_1084 : vector<16xf32>
        %add3A_1086 = arith.addf %add3A_1065, %mul3A_1085 : vector<16xf32>
        scf.yield %add3A_1086 : vector<16xf32>
      }
      %scan3A_797 = arith.constant 16 : i32
      %iota3A_798 = tpu.iota {dimensions = array<i32: 0>} : vector<16xi32>
      %xor3A_799 = arith.constant 8 : i32
      %xor3A_800 = vector.broadcast %xor3A_799 : i32 to vector<16xi32>
      %xor3A_801 = arith.xori %iota3A_798, %xor3A_800 : vector<16xi32>
      %broadcast_in_dim3A_802 = vector.shape_cast %xor3A_801 : vector<16xi32> to vector<16x1xi32>
      %gather3A_803 = vector.shape_cast %broadcast_in_dim3A_802 : vector<16x1xi32> to vector<16xi32>
      %gather3A_804 = tpu.dynamic_gather %scan3A_796[%gather3A_803] in [0] : vector<16xf32>, vector<16xi32> -> vector<16xf32>
      %add3A_805 = arith.addf %scan3A_796, %gather3A_804 : vector<16xf32>
      %xor3A_806 = arith.constant 4 : i32
      %xor3A_807 = vector.broadcast %xor3A_806 : i32 to vector<16xi32>
      %xor3A_808 = arith.xori %iota3A_798, %xor3A_807 : vector<16xi32>
      %broadcast_in_dim3A_809 = vector.shape_cast %xor3A_808 : vector<16xi32> to vector<16x1xi32>
      %gather3A_810 = vector.shape_cast %broadcast_in_dim3A_809 : vector<16x1xi32> to vector<16xi32>
      %gather3A_811 = tpu.dynamic_gather %add3A_805[%gather3A_810] in [0] : vector<16xf32>, vector<16xi32> -> vector<16xf32>
      %add3A_812 = arith.addf %add3A_805, %gather3A_811 : vector<16xf32>
      %xor3A_813 = arith.constant 2 : i32
      %xor3A_814 = vector.broadcast %xor3A_813 : i32 to vector<16xi32>
      %xor3A_815 = arith.xori %iota3A_798, %xor3A_814 : vector<16xi32>
      %broadcast_in_dim3A_816 = vector.shape_cast %xor3A_815 : vector<16xi32> to vector<16x1xi32>
      %gather3A_817 = vector.shape_cast %broadcast_in_dim3A_816 : vector<16x1xi32> to vector<16xi32>
      %gather3A_818 = tpu.dynamic_gather %add3A_812[%gather3A_817] in [0] : vector<16xf32>, vector<16xi32> -> vector<16xf32>
      %add3A_819 = arith.addf %add3A_812, %gather3A_818 : vector<16xf32>
      %xor3A_820 = arith.constant 1 : i32
      %xor3A_821 = vector.broadcast %xor3A_820 : i32 to vector<16xi32>
      %xor3A_822 = arith.xori %iota3A_798, %xor3A_821 : vector<16xi32>
      %broadcast_in_dim3A_823 = vector.shape_cast %xor3A_822 : vector<16xi32> to vector<16x1xi32>
      %gather3A_824 = vector.shape_cast %broadcast_in_dim3A_823 : vector<16x1xi32> to vector<16xi32>
      %gather3A_825 = tpu.dynamic_gather %add3A_819[%gather3A_824] in [0] : vector<16xf32>, vector<16xi32> -> vector<16xf32>
      %add3A_826 = arith.addf %add3A_819, %gather3A_825 : vector<16xf32>
      %eq3A_827 = arith.constant 14 : i32
      %eq3A_828 = vector.broadcast %eq3A_827 : i32 to vector<16xi32>
      %eq3A_829 = arith.cmpi eq, %iota3A_798, %eq3A_828 : vector<16xi32>
      %select_n3A_830 = arith.select %eq3A_829, %add3A_826, %select_n3A_789 : vector<16xi1>, vector<16xf32>
      %broadcast_in_dim3A_831 = arith.constant 0.000000e+00 : f32
      %broadcast_in_dim3A_832 = vector.broadcast %broadcast_in_dim3A_831 : f32 to vector<16xf32>
      %scan3A_833 = arith.constant 0 : i32
      %scan3A_834 = arith.constant 16 : i32
      %scan3A_835 = arith.addi %scan3A_833, %scan3A_834 : i32
      %scan3A_836 = arith.constant 1 : i32
      %scan3A_837 = scf.for %scan3A_918 = %scan3A_833 to %scan3A_835 step %scan3A_836 iter_args(%scan3A_919 = %broadcast_in_dim3A_832) -> (vector<16xf32>)  : i32 {
        %mul3A_920 = arith.constant 128 : i32
        %mul3A_921 = arith.muli %scan3A_918, %mul3A_920 : i32
        %add3A_922 = arith.constant 0 : i32
        %add3A_923 = arith.addi %mul3A_921, %add3A_922 : i32
        %get3A_924 = arith.constant 1 : i32
        %get3A_925 = arith.constant 7 : i32
        %get3A_926 = arith.index_cast %get3A_924 : i32 to index
        %get3A_927 = arith.index_cast %get3A_925 : i32 to index
        %get3A_928 = arith.index_cast %add3A_923 : i32 to index
        %get3A_929 = tpu.vector_load %arg11[%get3A_926, %get3A_927, %get3A_928] {strides = array<i32>} : memref<2x8x2048xf32, #tpu.memory_space<vmem>>, vector<1x1x16xf32>,
        %get3A_930 = vector.shape_cast %get3A_929 : vector<1x1x16xf32> to vector<16xf32>
        %get3A_931 = arith.constant 1 : i32
        %get3A_932 = arith.constant 7 : i32
        %get3A_933 = arith.index_cast %get3A_931 : i32 to index
        %get3A_934 = arith.index_cast %get3A_932 : i32 to index
        %get3A_935 = arith.index_cast %add3A_923 : i32 to index
        %get3A_936 = tpu.vector_load %arg12[%get3A_933, %get3A_934, %get3A_935] {strides = array<i32>} : memref<2x8x2048xf32, #tpu.memory_space<vmem>>, vector<1x1x16xf32>,
        %get3A_937 = vector.shape_cast %get3A_936 : vector<1x1x16xf32> to vector<16xf32>
        %sub3A = arith.subf %get3A_930, %get3A_937 : vector<16xf32>
        %mul3A_938 = arith.mulf %sub3A, %sub3A : vector<16xf32>
        %add3A_939 = arith.addf %scan3A_919, %mul3A_938 : vector<16xf32>
        %mul3A_940 = arith.constant 128 : i32
        %mul3A_941 = arith.muli %scan3A_918, %mul3A_940 : i32
        %add3A_942 = arith.constant 16 : i32
        %add3A_943 = arith.addi %mul3A_941, %add3A_942 : i32
        %get3A_944 = arith.constant 1 : i32
        %get3A_945 = arith.constant 7 : i32
        %get3A_946 = arith.index_cast %get3A_944 : i32 to index
        %get3A_947 = arith.index_cast %get3A_945 : i32 to index
        %get3A_948 = arith.index_cast %add3A_943 : i32 to index
        %get3A_949 = tpu.vector_load %arg11[%get3A_946, %get3A_947, %get3A_948] {strides = array<i32>} : memref<2x8x2048xf32, #tpu.memory_space<vmem>>, vector<1x1x16xf32>,
        %get3A_950 = vector.shape_cast %get3A_949 : vector<1x1x16xf32> to vector<16xf32>
        %get3A_951 = arith.constant 1 : i32
        %get3A_952 = arith.constant 7 : i32
        %get3A_953 = arith.index_cast %get3A_951 : i32 to index
        %get3A_954 = arith.index_cast %get3A_952 : i32 to index
        %get3A_955 = arith.index_cast %add3A_943 : i32 to index
        %get3A_956 = tpu.vector_load %arg12[%get3A_953, %get3A_954, %get3A_955] {strides = array<i32>} : memref<2x8x2048xf32, #tpu.memory_space<vmem>>, vector<1x1x16xf32>,
        %get3A_957 = vector.shape_cast %get3A_956 : vector<1x1x16xf32> to vector<16xf32>
        %sub3A_958 = arith.subf %get3A_950, %get3A_957 : vector<16xf32>
        %mul3A_959 = arith.mulf %sub3A_958, %sub3A_958 : vector<16xf32>
        %add3A_960 = arith.addf %add3A_939, %mul3A_959 : vector<16xf32>
        %mul3A_961 = arith.constant 128 : i32
        %mul3A_962 = arith.muli %scan3A_918, %mul3A_961 : i32
        %add3A_963 = arith.constant 32 : i32
        %add3A_964 = arith.addi %mul3A_962, %add3A_963 : i32
        %get3A_965 = arith.constant 1 : i32
        %get3A_966 = arith.constant 7 : i32
        %get3A_967 = arith.index_cast %get3A_965 : i32 to index
        %get3A_968 = arith.index_cast %get3A_966 : i32 to index
        %get3A_969 = arith.index_cast %add3A_964 : i32 to index
        %get3A_970 = tpu.vector_load %arg11[%get3A_967, %get3A_968, %get3A_969] {strides = array<i32>} : memref<2x8x2048xf32, #tpu.memory_space<vmem>>, vector<1x1x16xf32>,
        %get3A_971 = vector.shape_cast %get3A_970 : vector<1x1x16xf32> to vector<16xf32>
        %get3A_972 = arith.constant 1 : i32
        %get3A_973 = arith.constant 7 : i32
        %get3A_974 = arith.index_cast %get3A_972 : i32 to index
        %get3A_975 = arith.index_cast %get3A_973 : i32 to index
        %get3A_976 = arith.index_cast %add3A_964 : i32 to index
        %get3A_977 = tpu.vector_load %arg12[%get3A_974, %get3A_975, %get3A_976] {strides = array<i32>} : memref<2x8x2048xf32, #tpu.memory_space<vmem>>, vector<1x1x16xf32>,
        %get3A_978 = vector.shape_cast %get3A_977 : vector<1x1x16xf32> to vector<16xf32>
        %sub3A_979 = arith.subf %get3A_971, %get3A_978 : vector<16xf32>
        %mul3A_980 = arith.mulf %sub3A_979, %sub3A_979 : vector<16xf32>
        %add3A_981 = arith.addf %add3A_960, %mul3A_980 : vector<16xf32>
        %mul3A_982 = arith.constant 128 : i32
        %mul3A_983 = arith.muli %scan3A_918, %mul3A_982 : i32
        %add3A_984 = arith.constant 48 : i32
        %add3A_985 = arith.addi %mul3A_983, %add3A_984 : i32
        %get3A_986 = arith.constant 1 : i32
        %get3A_987 = arith.constant 7 : i32
        %get3A_988 = arith.index_cast %get3A_986 : i32 to index
        %get3A_989 = arith.index_cast %get3A_987 : i32 to index
        %get3A_990 = arith.index_cast %add3A_985 : i32 to index
        %get3A_991 = tpu.vector_load %arg11[%get3A_988, %get3A_989, %get3A_990] {strides = array<i32>} : memref<2x8x2048xf32, #tpu.memory_space<vmem>>, vector<1x1x16xf32>,
        %get3A_992 = vector.shape_cast %get3A_991 : vector<1x1x16xf32> to vector<16xf32>
        %get3A_993 = arith.constant 1 : i32
        %get3A_994 = arith.constant 7 : i32
        %get3A_995 = arith.index_cast %get3A_993 : i32 to index
        %get3A_996 = arith.index_cast %get3A_994 : i32 to index
        %get3A_997 = arith.index_cast %add3A_985 : i32 to index
        %get3A_998 = tpu.vector_load %arg12[%get3A_995, %get3A_996, %get3A_997] {strides = array<i32>} : memref<2x8x2048xf32, #tpu.memory_space<vmem>>, vector<1x1x16xf32>,
        %get3A_999 = vector.shape_cast %get3A_998 : vector<1x1x16xf32> to vector<16xf32>
        %sub3A_1000 = arith.subf %get3A_992, %get3A_999 : vector<16xf32>
        %mul3A_1001 = arith.mulf %sub3A_1000, %sub3A_1000 : vector<16xf32>
        %add3A_1002 = arith.addf %add3A_981, %mul3A_1001 : vector<16xf32>
        %mul3A_1003 = arith.constant 128 : i32
        %mul3A_1004 = arith.muli %scan3A_918, %mul3A_1003 : i32
        %add3A_1005 = arith.constant 64 : i32
        %add3A_1006 = arith.addi %mul3A_1004, %add3A_1005 : i32
        %get3A_1007 = arith.constant 1 : i32
        %get3A_1008 = arith.constant 7 : i32
        %get3A_1009 = arith.index_cast %get3A_1007 : i32 to index
        %get3A_1010 = arith.index_cast %get3A_1008 : i32 to index
        %get3A_1011 = arith.index_cast %add3A_1006 : i32 to index
        %get3A_1012 = tpu.vector_load %arg11[%get3A_1009, %get3A_1010, %get3A_1011] {strides = array<i32>} : memref<2x8x2048xf32, #tpu.memory_space<vmem>>, vector<1x1x16xf32>,
        %get3A_1013 = vector.shape_cast %get3A_1012 : vector<1x1x16xf32> to vector<16xf32>
        %get3A_1014 = arith.constant 1 : i32
        %get3A_1015 = arith.constant 7 : i32
        %get3A_1016 = arith.index_cast %get3A_1014 : i32 to index
        %get3A_1017 = arith.index_cast %get3A_1015 : i32 to index
        %get3A_1018 = arith.index_cast %add3A_1006 : i32 to index
        %get3A_1019 = tpu.vector_load %arg12[%get3A_1016, %get3A_1017, %get3A_1018] {strides = array<i32>} : memref<2x8x2048xf32, #tpu.memory_space<vmem>>, vector<1x1x16xf32>,
        %get3A_1020 = vector.shape_cast %get3A_1019 : vector<1x1x16xf32> to vector<16xf32>
        %sub3A_1021 = arith.subf %get3A_1013, %get3A_1020 : vector<16xf32>
        %mul3A_1022 = arith.mulf %sub3A_1021, %sub3A_1021 : vector<16xf32>
        %add3A_1023 = arith.addf %add3A_1002, %mul3A_1022 : vector<16xf32>
        %mul3A_1024 = arith.constant 128 : i32
        %mul3A_1025 = arith.muli %scan3A_918, %mul3A_1024 : i32
        %add3A_1026 = arith.constant 80 : i32
        %add3A_1027 = arith.addi %mul3A_1025, %add3A_1026 : i32
        %get3A_1028 = arith.constant 1 : i32
        %get3A_1029 = arith.constant 7 : i32
        %get3A_1030 = arith.index_cast %get3A_1028 : i32 to index
        %get3A_1031 = arith.index_cast %get3A_1029 : i32 to index
        %get3A_1032 = arith.index_cast %add3A_1027 : i32 to index
        %get3A_1033 = tpu.vector_load %arg11[%get3A_1030, %get3A_1031, %get3A_1032] {strides = array<i32>} : memref<2x8x2048xf32, #tpu.memory_space<vmem>>, vector<1x1x16xf32>,
        %get3A_1034 = vector.shape_cast %get3A_1033 : vector<1x1x16xf32> to vector<16xf32>
        %get3A_1035 = arith.constant 1 : i32
        %get3A_1036 = arith.constant 7 : i32
        %get3A_1037 = arith.index_cast %get3A_1035 : i32 to index
        %get3A_1038 = arith.index_cast %get3A_1036 : i32 to index
        %get3A_1039 = arith.index_cast %add3A_1027 : i32 to index
        %get3A_1040 = tpu.vector_load %arg12[%get3A_1037, %get3A_1038, %get3A_1039] {strides = array<i32>} : memref<2x8x2048xf32, #tpu.memory_space<vmem>>, vector<1x1x16xf32>,
        %get3A_1041 = vector.shape_cast %get3A_1040 : vector<1x1x16xf32> to vector<16xf32>
        %sub3A_1042 = arith.subf %get3A_1034, %get3A_1041 : vector<16xf32>
        %mul3A_1043 = arith.mulf %sub3A_1042, %sub3A_1042 : vector<16xf32>
        %add3A_1044 = arith.addf %add3A_1023, %mul3A_1043 : vector<16xf32>
        %mul3A_1045 = arith.constant 128 : i32
        %mul3A_1046 = arith.muli %scan3A_918, %mul3A_1045 : i32
        %add3A_1047 = arith.constant 96 : i32
        %add3A_1048 = arith.addi %mul3A_1046, %add3A_1047 : i32
        %get3A_1049 = arith.constant 1 : i32
        %get3A_1050 = arith.constant 7 : i32
        %get3A_1051 = arith.index_cast %get3A_1049 : i32 to index
        %get3A_1052 = arith.index_cast %get3A_1050 : i32 to index
        %get3A_1053 = arith.index_cast %add3A_1048 : i32 to index
        %get3A_1054 = tpu.vector_load %arg11[%get3A_1051, %get3A_1052, %get3A_1053] {strides = array<i32>} : memref<2x8x2048xf32, #tpu.memory_space<vmem>>, vector<1x1x16xf32>,
        %get3A_1055 = vector.shape_cast %get3A_1054 : vector<1x1x16xf32> to vector<16xf32>
        %get3A_1056 = arith.constant 1 : i32
        %get3A_1057 = arith.constant 7 : i32
        %get3A_1058 = arith.index_cast %get3A_1056 : i32 to index
        %get3A_1059 = arith.index_cast %get3A_1057 : i32 to index
        %get3A_1060 = arith.index_cast %add3A_1048 : i32 to index
        %get3A_1061 = tpu.vector_load %arg12[%get3A_1058, %get3A_1059, %get3A_1060] {strides = array<i32>} : memref<2x8x2048xf32, #tpu.memory_space<vmem>>, vector<1x1x16xf32>,
        %get3A_1062 = vector.shape_cast %get3A_1061 : vector<1x1x16xf32> to vector<16xf32>
        %sub3A_1063 = arith.subf %get3A_1055, %get3A_1062 : vector<16xf32>
        %mul3A_1064 = arith.mulf %sub3A_1063, %sub3A_1063 : vector<16xf32>
        %add3A_1065 = arith.addf %add3A_1044, %mul3A_1064 : vector<16xf32>
        %mul3A_1066 = arith.constant 128 : i32
        %mul3A_1067 = arith.muli %scan3A_918, %mul3A_1066 : i32
        %add3A_1068 = arith.constant 112 : i32
        %add3A_1069 = arith.addi %mul3A_1067, %add3A_1068 : i32
        %get3A_1070 = arith.constant 1 : i32
        %get3A_1071 = arith.constant 7 : i32
        %get3A_1072 = arith.index_cast %get3A_1070 : i32 to index
        %get3A_1073 = arith.index_cast %get3A_1071 : i32 to index
        %get3A_1074 = arith.index_cast %add3A_1069 : i32 to index
        %get3A_1075 = tpu.vector_load %arg11[%get3A_1072, %get3A_1073, %get3A_1074] {strides = array<i32>} : memref<2x8x2048xf32, #tpu.memory_space<vmem>>, vector<1x1x16xf32>,
        %get3A_1076 = vector.shape_cast %get3A_1075 : vector<1x1x16xf32> to vector<16xf32>
        %get3A_1077 = arith.constant 1 : i32
        %get3A_1078 = arith.constant 7 : i32
        %get3A_1079 = arith.index_cast %get3A_1077 : i32 to index
        %get3A_1080 = arith.index_cast %get3A_1078 : i32 to index
        %get3A_1081 = arith.index_cast %add3A_1069 : i32 to index
        %get3A_1082 = tpu.vector_load %arg12[%get3A_1079, %get3A_1080, %get3A_1081] {strides = array<i32>} : memref<2x8x2048xf32, #tpu.memory_space<vmem>>, vector<1x1x16xf32>,
        %get3A_1083 = vector.shape_cast %get3A_1082 : vector<1x1x16xf32> to vector<16xf32>
        %sub3A_1084 = arith.subf %get3A_1076, %get3A_1083 : vector<16xf32>
        %mul3A_1085 = arith.mulf %sub3A_1084, %sub3A_1084 : vector<16xf32>
        %add3A_1086 = arith.addf %add3A_1065, %mul3A_1085 : vector<16xf32>
        scf.yield %add3A_1086 : vector<16xf32>
      }
      %scan3A_838 = arith.constant 16 : i32
      %iota3A_839 = tpu.iota {dimensions = array<i32: 0>} : vector<16xi32>
      %xor3A_840 = arith.constant 8 : i32
      %xor3A_841 = vector.broadcast %xor3A_840 : i32 to vector<16xi32>
      %xor3A_842 = arith.xori %iota3A_839, %xor3A_841 : vector<16xi32>
      %broadcast_in_dim3A_843 = vector.shape_cast %xor3A_842 : vector<16xi32> to vector<16x1xi32>
      %gather3A_844 = vector.shape_cast %broadcast_in_dim3A_843 : vector<16x1xi32> to vector<16xi32>
      %gather3A_845 = tpu.dynamic_gather %scan3A_837[%gather3A_844] in [0] : vector<16xf32>, vector<16xi32> -> vector<16xf32>
      %add3A_846 = arith.addf %scan3A_837, %gather3A_845 : vector<16xf32>
      %xor3A_847 = arith.constant 4 : i32
      %xor3A_848 = vector.broadcast %xor3A_847 : i32 to vector<16xi32>
      %xor3A_849 = arith.xori %iota3A_839, %xor3A_848 : vector<16xi32>
      %broadcast_in_dim3A_850 = vector.shape_cast %xor3A_849 : vector<16xi32> to vector<16x1xi32>
      %gather3A_851 = vector.shape_cast %broadcast_in_dim3A_850 : vector<16x1xi32> to vector<16xi32>
      %gather3A_852 = tpu.dynamic_gather %add3A_846[%gather3A_851] in [0] : vector<16xf32>, vector<16xi32> -> vector<16xf32>
      %add3A_853 = arith.addf %add3A_846, %gather3A_852 : vector<16xf32>
      %xor3A_854 = arith.constant 2 : i32
      %xor3A_855 = vector.broadcast %xor3A_854 : i32 to vector<16xi32>
      %xor3A_856 = arith.xori %iota3A_839, %xor3A_855 : vector<16xi32>
      %broadcast_in_dim3A_857 = vector.shape_cast %xor3A_856 : vector<16xi32> to vector<16x1xi32>
      %gather3A_858 = vector.shape_cast %broadcast_in_dim3A_857 : vector<16x1xi32> to vector<16xi32>
      %gather3A_859 = tpu.dynamic_gather %add3A_853[%gather3A_858] in [0] : vector<16xf32>, vector<16xi32> -> vector<16xf32>
      %add3A_860 = arith.addf %add3A_853, %gather3A_859 : vector<16xf32>
      %xor3A_861 = arith.constant 1 : i32
      %xor3A_862 = vector.broadcast %xor3A_861 : i32 to vector<16xi32>
      %xor3A_863 = arith.xori %iota3A_839, %xor3A_862 : vector<16xi32>
      %broadcast_in_dim3A_864 = vector.shape_cast %xor3A_863 : vector<16xi32> to vector<16x1xi32>
      %gather3A_865 = vector.shape_cast %broadcast_in_dim3A_864 : vector<16x1xi32> to vector<16xi32>
      %gather3A_866 = tpu.dynamic_gather %add3A_860[%gather3A_865] in [0] : vector<16xf32>, vector<16xi32> -> vector<16xf32>
      %add3A_867 = arith.addf %add3A_860, %gather3A_866 : vector<16xf32>
      %eq3A_868 = arith.constant 15 : i32
      %eq3A_869 = vector.broadcast %eq3A_868 : i32 to vector<16xi32>
      %eq3A_870 = arith.cmpi eq, %iota3A_839, %eq3A_869 : vector<16xi32>
      %select_n3A_871 = arith.select %eq3A_870, %add3A_867, %select_n3A_830 : vector<16xi1>, vector<16xf32>
      %add3A_872 = arith.constant 2 : i32
      %add3A_873 = arith.addi %add3A_517, %add3A_872 : i32
      %min3A_874 = arith.constant 63 : i32
      %min3A_875 = arith.minsi %add3A_873, %min3A_874 : i32
      %mul3A_876 = arith.constant 8 : i32
      %mul3A_877 = arith.muli %min3A_875, %mul3A_876 : i32
      %add3A_878 = arith.addi %mul3A_2, %mul3A_877 : i32
      %dma_start3A_879 = arith.constant 1 : i32
      %dma_start3A_880 = arith.constant 0 : i32
      %dma_start3A_881 = arith.constant 0 : i32
      %dma_start3A_882 = tpu.memref_slice %arg11[%dma_start3A_879, %dma_start3A_880, %dma_start3A_881] : memref<2x8x2048xf32, #tpu.memory_space<vmem>> -> memref<1x8x2048xf32, #tpu.memory_space<vmem>>
      %dma_start3A_883 = tpu.memref_squeeze %dma_start3A_882 : memref<1x8x2048xf32, #tpu.memory_space<vmem>> -> memref<8x2048xf32, #tpu.memory_space<vmem>>
      %dma_start3A_884 = arith.constant 0 : i32
      %dma_start3A_885 = tpu.memref_slice %arg5[%add3A_878, %dma_start3A_884] : memref<16384x2048xf32, #tpu.memory_space<hbm>> -> memref<8x2048xf32, #tpu.memory_space<hbm>>
      %dma_start3A_886 = arith.constant 0 : i32
      %dma_start3A_887 = arith.constant 0 : i32
      %dma_start3A_888 = tpu.memref_slice %arg11[%dma_start3A_879, %dma_start3A_886, %dma_start3A_887] : memref<2x8x2048xf32, #tpu.memory_space<vmem>> -> memref<1x8x2048xf32, #tpu.memory_space<vmem>>
      %dma_start3A_889 = tpu.memref_squeeze %dma_start3A_888 : memref<1x8x2048xf32, #tpu.memory_space<vmem>> -> memref<8x2048xf32, #tpu.memory_space<vmem>>
      %dma_start3A_890 = arith.constant 0 : i32
      %dma_start3A_891 = tpu.memref_slice %arg5[%add3A_878, %dma_start3A_890] : memref<16384x2048xf32, #tpu.memory_space<hbm>> -> memref<8x2048xf32, #tpu.memory_space<hbm>>
      tpu.enqueue_dma source(%dma_start3A_891 : memref<8x2048xf32, #tpu.memory_space<hbm>>) target(%dma_start3A_889 : memref<8x2048xf32, #tpu.memory_space<vmem>>) target_semaphore(%arg15 : memref<!tpu.dma_semaphore, #tpu.memory_space<semaphore_mem>>)
      %dma_start3A_892 = arith.constant 1 : i32
      %dma_start3A_893 = arith.constant 0 : i32
      %dma_start3A_894 = arith.constant 0 : i32
      %dma_start3A_895 = tpu.memref_slice %arg12[%dma_start3A_892, %dma_start3A_893, %dma_start3A_894] : memref<2x8x2048xf32, #tpu.memory_space<vmem>> -> memref<1x8x2048xf32, #tpu.memory_space<vmem>>
      %dma_start3A_896 = tpu.memref_squeeze %dma_start3A_895 : memref<1x8x2048xf32, #tpu.memory_space<vmem>> -> memref<8x2048xf32, #tpu.memory_space<vmem>>
      %dma_start3A_897 = arith.constant 0 : i32
      %dma_start3A_898 = tpu.memref_slice %arg6[%add3A_878, %dma_start3A_897] : memref<16384x2048xf32, #tpu.memory_space<hbm>> -> memref<8x2048xf32, #tpu.memory_space<hbm>>
      %dma_start3A_899 = arith.constant 0 : i32
      %dma_start3A_900 = arith.constant 0 : i32
      %dma_start3A_901 = tpu.memref_slice %arg12[%dma_start3A_892, %dma_start3A_899, %dma_start3A_900] : memref<2x8x2048xf32, #tpu.memory_space<vmem>> -> memref<1x8x2048xf32, #tpu.memory_space<vmem>>
      %dma_start3A_902 = tpu.memref_squeeze %dma_start3A_901 : memref<1x8x2048xf32, #tpu.memory_space<vmem>> -> memref<8x2048xf32, #tpu.memory_space<vmem>>
      %dma_start3A_903 = arith.constant 0 : i32
      %dma_start3A_904 = tpu.memref_slice %arg6[%add3A_878, %dma_start3A_903] : memref<16384x2048xf32, #tpu.memory_space<hbm>> -> memref<8x2048xf32, #tpu.memory_space<hbm>>
      tpu.enqueue_dma source(%dma_start3A_904 : memref<8x2048xf32, #tpu.memory_space<hbm>>) target(%dma_start3A_902 : memref<8x2048xf32, #tpu.memory_space<vmem>>) target_semaphore(%arg15 : memref<!tpu.dma_semaphore, #tpu.memory_space<semaphore_mem>>)
      %mul3A_905 = arith.constant 16 : i32
      %mul3A_906 = arith.muli %scan3A_126, %mul3A_905 : i32
      %get3A_907 = arith.index_cast %mul3A_906 : i32 to index
      %get3A_908 = tpu.vector_load %arg8[%get3A_907] {strides = array<i32>} : memref<512xf32, #tpu.memory_space<vmem>>, vector<16xf32>,
      %get3A_909 = vector.shape_cast %get3A_908 : vector<16xf32> to vector<16xf32>
      %mul3A_910 = arith.mulf %get3A_7, %get3A_909 : vector<16xf32>
      %exp3A = math.exp %mul3A_910 : vector<16xf32>
      %mul3A_911 = arith.mulf %get3A_4, %exp3A : vector<16xf32>
      %mul3A_912 = arith.mulf %mul3A_911, %select_n3A_871 : vector<16xf32>
      %mul3A_913 = arith.constant 16 : i32
      %mul3A_914 = arith.muli %scan3A_126, %mul3A_913 : i32
      %swap3A = arith.index_cast %mul3A_914 : i32 to index
      %swap3A_915 = tpu.vector_load %arg13[%swap3A] {strides = array<i32>} : memref<512xf32, #tpu.memory_space<vmem>>, vector<16xf32>,
      %swap3A_916 = vector.shape_cast %swap3A_915 : vector<16xf32> to vector<16xf32>
      %swap3A_917 = vector.shape_cast %mul3A_912 : vector<16xf32> to vector<16xf32>
      tpu.vector_store %arg13[%swap3A], %swap3A_917 {strides = array<i32>} : memref<512xf32, #tpu.memory_space<vmem>>, vector<16xf32>,
    }
    %scan3A_74 = arith.constant 32 : i32
    %dma_wait3A = arith.constant 0 : i32
    %dma_wait3A_75 = arith.constant 0 : i32
    %dma_wait3A_76 = arith.constant 0 : i32
    %dma_wait3A_77 = tpu.memref_slice %arg11[%dma_wait3A, %dma_wait3A_75, %dma_wait3A_76] : memref<2x8x2048xf32, #tpu.memory_space<vmem>> -> memref<1x8x2048xf32, #tpu.memory_space<vmem>>
    %dma_wait3A_78 = tpu.memref_squeeze %dma_wait3A_77 : memref<1x8x2048xf32, #tpu.memory_space<vmem>> -> memref<8x2048xf32, #tpu.memory_space<vmem>>
    %dma_wait3A_79 = arith.constant 0 : i32
    %dma_wait3A_80 = tpu.memref_slice %arg5[%mul3A_2, %dma_wait3A_79] : memref<16384x2048xf32, #tpu.memory_space<hbm>> -> memref<8x2048xf32, #tpu.memory_space<hbm>>
    %dma_wait3A_81 = arith.constant 0 : i32
    %dma_wait3A_82 = arith.constant 0 : i32
    %dma_wait3A_83 = tpu.memref_slice %arg11[%dma_wait3A, %dma_wait3A_81, %dma_wait3A_82] : memref<2x8x2048xf32, #tpu.memory_space<vmem>> -> memref<1x8x2048xf32, #tpu.memory_space<vmem>>
    %dma_wait3A_84 = tpu.memref_squeeze %dma_wait3A_83 : memref<1x8x2048xf32, #tpu.memory_space<vmem>> -> memref<8x2048xf32, #tpu.memory_space<vmem>>
    %dma_wait3A_85 = arith.constant 0 : i32
    %dma_wait3A_86 = tpu.memref_slice %arg5[%mul3A_2, %dma_wait3A_85] : memref<16384x2048xf32, #tpu.memory_space<hbm>> -> memref<8x2048xf32, #tpu.memory_space<hbm>>
    tpu.wait_dma2 semaphore(%arg14 : memref<!tpu.dma_semaphore, #tpu.memory_space<semaphore_mem>>) src(%dma_wait3A_86 : memref<8x2048xf32, #tpu.memory_space<hbm>>) dst(%dma_wait3A_84 : memref<8x2048xf32, #tpu.memory_space<vmem>>)
    %dma_wait3A_87 = arith.constant 0 : i32
    %dma_wait3A_88 = arith.constant 0 : i32
    %dma_wait3A_89 = arith.constant 0 : i32
    %dma_wait3A_90 = tpu.memref_slice %arg12[%dma_wait3A_87, %dma_wait3A_88, %dma_wait3A_89] : memref<2x8x2048xf32, #tpu.memory_space<vmem>> -> memref<1x8x2048xf32, #tpu.memory_space<vmem>>
    %dma_wait3A_91 = tpu.memref_squeeze %dma_wait3A_90 : memref<1x8x2048xf32, #tpu.memory_space<vmem>> -> memref<8x2048xf32, #tpu.memory_space<vmem>>
    %dma_wait3A_92 = arith.constant 0 : i32
    %dma_wait3A_93 = tpu.memref_slice %arg6[%mul3A_2, %dma_wait3A_92] : memref<16384x2048xf32, #tpu.memory_space<hbm>> -> memref<8x2048xf32, #tpu.memory_space<hbm>>
    %dma_wait3A_94 = arith.constant 0 : i32
    %dma_wait3A_95 = arith.constant 0 : i32
    %dma_wait3A_96 = tpu.memref_slice %arg12[%dma_wait3A_87, %dma_wait3A_94, %dma_wait3A_95] : memref<2x8x2048xf32, #tpu.memory_space<vmem>> -> memref<1x8x2048xf32, #tpu.memory_space<vmem>>
    %dma_wait3A_97 = tpu.memref_squeeze %dma_wait3A_96 : memref<1x8x2048xf32, #tpu.memory_space<vmem>> -> memref<8x2048xf32, #tpu.memory_space<vmem>>
    %dma_wait3A_98 = arith.constant 0 : i32
    %dma_wait3A_99 = tpu.memref_slice %arg6[%mul3A_2, %dma_wait3A_98] : memref<16384x2048xf32, #tpu.memory_space<hbm>> -> memref<8x2048xf32, #tpu.memory_space<hbm>>
    tpu.wait_dma2 semaphore(%arg14 : memref<!tpu.dma_semaphore, #tpu.memory_space<semaphore_mem>>) src(%dma_wait3A_99 : memref<8x2048xf32, #tpu.memory_space<hbm>>) dst(%dma_wait3A_97 : memref<8x2048xf32, #tpu.memory_space<vmem>>)
    %dma_wait3A_100 = arith.constant 1 : i32
    %dma_wait3A_101 = arith.constant 0 : i32
    %dma_wait3A_102 = arith.constant 0 : i32
    %dma_wait3A_103 = tpu.memref_slice %arg11[%dma_wait3A_100, %dma_wait3A_101, %dma_wait3A_102] : memref<2x8x2048xf32, #tpu.memory_space<vmem>> -> memref<1x8x2048xf32, #tpu.memory_space<vmem>>
    %dma_wait3A_104 = tpu.memref_squeeze %dma_wait3A_103 : memref<1x8x2048xf32, #tpu.memory_space<vmem>> -> memref<8x2048xf32, #tpu.memory_space<vmem>>
    %dma_wait3A_105 = arith.constant 0 : i32
    %dma_wait3A_106 = tpu.memref_slice %arg5[%mul3A_2, %dma_wait3A_105] : memref<16384x2048xf32, #tpu.memory_space<hbm>> -> memref<8x2048xf32, #tpu.memory_space<hbm>>
    %dma_wait3A_107 = arith.constant 0 : i32
    %dma_wait3A_108 = arith.constant 0 : i32
    %dma_wait3A_109 = tpu.memref_slice %arg11[%dma_wait3A_100, %dma_wait3A_107, %dma_wait3A_108] : memref<2x8x2048xf32, #tpu.memory_space<vmem>> -> memref<1x8x2048xf32, #tpu.memory_space<vmem>>
    %dma_wait3A_110 = tpu.memref_squeeze %dma_wait3A_109 : memref<1x8x2048xf32, #tpu.memory_space<vmem>> -> memref<8x2048xf32, #tpu.memory_space<vmem>>
    %dma_wait3A_111 = arith.constant 0 : i32
    %dma_wait3A_112 = tpu.memref_slice %arg5[%mul3A_2, %dma_wait3A_111] : memref<16384x2048xf32, #tpu.memory_space<hbm>> -> memref<8x2048xf32, #tpu.memory_space<hbm>>
    tpu.wait_dma2 semaphore(%arg15 : memref<!tpu.dma_semaphore, #tpu.memory_space<semaphore_mem>>) src(%dma_wait3A_112 : memref<8x2048xf32, #tpu.memory_space<hbm>>) dst(%dma_wait3A_110 : memref<8x2048xf32, #tpu.memory_space<vmem>>)
    %dma_wait3A_113 = arith.constant 1 : i32
    %dma_wait3A_114 = arith.constant 0 : i32
    %dma_wait3A_115 = arith.constant 0 : i32
    %dma_wait3A_116 = tpu.memref_slice %arg12[%dma_wait3A_113, %dma_wait3A_114, %dma_wait3A_115] : memref<2x8x2048xf32, #tpu.memory_space<vmem>> -> memref<1x8x2048xf32, #tpu.memory_space<vmem>>
    %dma_wait3A_117 = tpu.memref_squeeze %dma_wait3A_116 : memref<1x8x2048xf32, #tpu.memory_space<vmem>> -> memref<8x2048xf32, #tpu.memory_space<vmem>>
    %dma_wait3A_118 = arith.constant 0 : i32
    %dma_wait3A_119 = tpu.memref_slice %arg6[%mul3A_2, %dma_wait3A_118] : memref<16384x2048xf32, #tpu.memory_space<hbm>> -> memref<8x2048xf32, #tpu.memory_space<hbm>>
    %dma_wait3A_120 = arith.constant 0 : i32
    %dma_wait3A_121 = arith.constant 0 : i32
    %dma_wait3A_122 = tpu.memref_slice %arg12[%dma_wait3A_113, %dma_wait3A_120, %dma_wait3A_121] : memref<2x8x2048xf32, #tpu.memory_space<vmem>> -> memref<1x8x2048xf32, #tpu.memory_space<vmem>>
    %dma_wait3A_123 = tpu.memref_squeeze %dma_wait3A_122 : memref<1x8x2048xf32, #tpu.memory_space<vmem>> -> memref<8x2048xf32, #tpu.memory_space<vmem>>
    %dma_wait3A_124 = arith.constant 0 : i32
    %dma_wait3A_125 = tpu.memref_slice %arg6[%mul3A_2, %dma_wait3A_124] : memref<16384x2048xf32, #tpu.memory_space<hbm>> -> memref<8x2048xf32, #tpu.memory_space<hbm>>
    tpu.wait_dma2 semaphore(%arg15 : memref<!tpu.dma_semaphore, #tpu.memory_space<semaphore_mem>>) src(%dma_wait3A_125 : memref<8x2048xf32, #tpu.memory_space<hbm>>) dst(%dma_wait3A_123 : memref<8x2048xf32, #tpu.memory_space<vmem>>)
    "tpu.region"() ({
      %run_scoped3A = tpu.sem_alloc : memref<!tpu.dma_semaphore, #tpu.memory_space<semaphore_mem>>
      %dma_start3A_126 = tpu.memref_slice %arg7[%mul3A_2] : memref<16384xf32, #tpu.memory_space<hbm>> -> memref<512xf32, #tpu.memory_space<hbm>>
      %dma_start3A_127 = tpu.memref_slice %arg7[%mul3A_2] : memref<16384xf32, #tpu.memory_space<hbm>> -> memref<512xf32, #tpu.memory_space<hbm>>
      tpu.enqueue_dma source(%arg13 : memref<512xf32, #tpu.memory_space<vmem>>) target(%dma_start3A_127 : memref<512xf32, #tpu.memory_space<hbm>>) target_semaphore(%run_scoped3A : memref<!tpu.dma_semaphore, #tpu.memory_space<semaphore_mem>>)
      %dma_wait3A_128 = tpu.memref_slice %arg7[%mul3A_2] : memref<16384xf32, #tpu.memory_space<hbm>> -> memref<512xf32, #tpu.memory_space<hbm>>
      %dma_wait3A_129 = tpu.memref_slice %arg7[%mul3A_2] : memref<16384xf32, #tpu.memory_space<hbm>> -> memref<512xf32, #tpu.memory_space<hbm>>
      tpu.wait_dma2 semaphore(%run_scoped3A : memref<!tpu.dma_semaphore, #tpu.memory_space<semaphore_mem>>) src(%arg13 : memref<512xf32, #tpu.memory_space<vmem>>) dst(%dma_wait3A_129 : memref<512xf32, #tpu.memory_space<hbm>>)
      tpu.yield
    }) : () -> ()
    return
  }
}

</mosaic_0001>

<sc_bundles>
// kernel: kernel.3.cloned.1.call-start
scs
__scs_entry_jumppad:
0x0: {  	(pc) =	sbr.rel $0x88, $3  }
0x1: {  	(tag) =	ssettag $0x0;
	lr =	simm.s32 $0x1  }
0x2: {  	[smem:$0x3F9D] =	sst lr;
	_ =	strace $0xD0000000  }
0x3: {  	_ = 	snop  }
0x4: {  	_ = 	snop  }
0x5: {  	_ = 	snop  }
0x6: {  	_ = 	snop  }
0x7: {  	_ = 	snop  }
__scs_overlays_trampoline_lowered:
0x8: {  	[smem:$0x3FAC] =	sst s0  }
0x9: {  	[smem:$0x3FAD] =	sst s1  }
0xa: {  	[smem:$0x3FAE] =	sst s2  }
0xb: {  	[smem:$0x3FAF] =	sst s3  }
0xc: {  	[smem:$0x3FB0] =	sst s4  }
0xd: {  	[smem:$0x3FB1] =	sst s5  }
0xe: {  	[smem:$0x3FB2] =	sst s6  }
0xf: {  	[smem:$0x3FB3] =	sst s7  }
0x10: {  	[smem:$0x3FB4] =	sst s8  }
0x11: {  	[smem:$0x3FB5] =	sst s9;
	s0 =	simm.s32 @!p0 $0x0  }
0x12: {  	s1 =	sld [smem:$0x3F9B];
	s0 =	simm.s32 @p0 $0x1  }
0x13: {  	[smem:$0x3FB6] =	sst s0;
	s0 =	simm.s32 @!p1 $0x0  }
0x14: {  	s2 =	sld [smem:$0x3F9A];
	s0 =	simm.s32 @p1 $0x1  }
0x15: {  	[smem:$0x3FB7] =	sst s0;
	s0 =	simm.s32 @!p2 $0x0  }
0x16: {  	s3 =	sld [smem:$0x3FDB];
	s0 =	simm.s32 @p2 $0x1  }
0x17: {  	s4 =	simm.s32 $0x1BF5;
	[smem:$0x3FB9] =	sst s0  }
0x18: {  	s0 =	sld [smem:$0x3F9C];
	_ =	swait.ge [sflag:s4], $0x0  }
0x19: {  	s7 =	sld [smem:$0x3F9D]  }
0x1a: {  	s8 =	sadd.s32 $0xFFFFE003, lr  }
0x1b: {  	s9 =	sadd.s32 $0xFFFFFEF7, lr;
	s5 =	simm.s32 $0xFFFFFFFF;
	p2 =	slt.u32 s8, $0xFFFFF086  }
0x1c: {  	p1 =	slt.u32 s9, $0xF7A;
	s5 =	simm.s32 @!p2 $0x0  }
0x1d: {  	s5 =	simm.s32 @p1 $0x1;
	p0 =	seq.s32 s7, s2  }
0x1e: {  	s7 =	smul.u32 @!p0 $0xF7A, s2;
	p2 =	seq.s32 @!p0 s5, $0x0  }
0x1f: {  	s9 =	smul.u32 $0xF7A, s1;
	s8 =	simm.s32 @!p0 $0x1BF5;
	p2 =	por !p2, p0  }
0x20: {  	[sflag:s8] =	ssyncset.s32 @!p0 $0xFFFFF086;
	s6 =	sadd.s32 @!p0 s3, s7;
	s7 =	simm.s32 @!p0 $0x108  }
0x21: {  	s3 =	sadd.s32 s3, s9;
	s6 =	sadd.s32 @!p0 $0x88, s6;
	s7 =	simm.s32 @p2 $0x1082  }
0x22: {  	[simem:s7], [sflag:s8] =	dma.local @!p0 [hbm:s6], $0xF7A  }
0x23: {  	s9 =	sor.u32 $0xD0000000, s2;
	s6 =	simm.s32 $0x108;
	_ =	swait.ge @!p0 [sflag:s8], $0x0  }
0x24: {  	s3 =	sadd.s32 $0x88, s3;
	s6 =	simm.s32 @!p1 $0x1082;
	[sflag:s4] =	ssyncset.s32 $0xFFFFF086  }
0x25: {  	[simem:s6], [sflag:s4] =	dma.local [hbm:s3], $0xF7A  }
0x26: {  	[smem:$0x3F9D] =	sst s1;
	(tag) =	ssettag s2;
	_ =	strace s9  }
0x27: {  	s1 =	sld [smem:$0x3FAD]  }
0x28: {  	s2 =	sld [smem:$0x3FAE]  }
0x29: {  	s4 =	sld [smem:$0x3FB0]  }
0x2a: {  	p0 =	seq.s32 s5, $0x0;
	s5 =	sld [smem:$0x3FB1]  }
0x2b: {  	s6 =	sld [smem:$0x3FB2]  }
0x2c: {  	s7 =	sld [smem:$0x3FB3]  }
0x2d: {  	s3 =	simm.s32 $0x108;
	s8 =	sld [smem:$0x3FB4]  }
0x2e: {  	s3 =	simm.s32 @!p0 $0x1082;
	s9 =	sld [smem:$0x3FB5]  }
0x2f: {  	lr =	sadd.s32 s0, s3;
	s0 =	sld [smem:$0x3FAC]  }
0x30: {  	s3 =	sld [smem:$0x3FAF]  }
0x31: {  	[smem:$0x3FB8] =	sst s10  }
0x32: {  	s10 =	sld [smem:$0x3FB6];
	_ =	sdelay $0x3  }
0x33: {  	p0 =	seq.s32 s10, $0x1;
	s10 =	sld [smem:$0x3FB8];
	_ =	sdelay $0x3  }
0x34: {  	[smem:$0x3FB8] =	sst s10  }
0x35: {  	s10 =	sld [smem:$0x3FB7];
	_ =	sdelay $0x3  }
0x36: {  	p1 =	seq.s32 s10, $0x1;
	s10 =	sld [smem:$0x3FB8];
	_ =	sdelay $0x3  }
0x37: {  	[smem:$0x3FB8] =	sst s10  }
0x38: {  	s10 =	sld [smem:$0x3FB9]  }
0x39: {  	_ = 	snop;
	(pc) =	sbr.ind lr, $3  }
0x3a: {  	_ = 	snop  }
0x3b: {  	_ = 	snop  }
0x3c: {  	p2 =	seq.s32 s10, $0x1;
	s10 =	sld [smem:$0x3FB8]  }
0x3d: {  	_ =	shalt  }
0x3e: {  	_ =	shalt  }
0x3f: {  	_ =	shalt  }
0x40: {  	_ =	shalt  }
0x41: {  	_ =	shalt  }
0x42: {  	_ =	shalt  }
0x43: {  	_ =	shalt  }
0x44: {  	_ =	shalt  }
0x45: {  	_ =	shalt  }
0x46: {  	_ =	shalt  }
0x47: {  	_ =	shalt  }
0x48: {  	_ =	shalt  }
0x49: {  	_ =	shalt  }
0x4a: {  	_ =	shalt  }
0x4b: {  	_ =	shalt  }
0x4c: {  	_ =	shalt  }
0x4d: {  	_ =	shalt  }
0x4e: {  	_ =	shalt  }
0x4f: {  	_ =	shalt  }
0x50: {  	_ =	shalt  }
0x51: {  	_ =	shalt  }
0x52: {  	_ =	shalt  }
0x53: {  	_ =	shalt  }
0x54: {  	_ =	shalt  }
0x55: {  	_ =	shalt  }
0x56: {  	_ =	shalt  }
0x57: {  	_ =	shalt  }
0x58: {  	_ =	shalt  }
0x59: {  	_ =	shalt  }
0x5a: {  	_ =	shalt  }
0x5b: {  	_ =	shalt  }
0x5c: {  	_ =	shalt  }
0x5d: {  	_ =	shalt  }
0x5e: {  	_ =	shalt  }
0x5f: {  	_ =	shalt  }
0x60: {  	_ =	shalt  }
0x61: {  	_ =	shalt  }
0x62: {  	_ =	shalt  }
0x63: {  	_ =	shalt  }
0x64: {  	_ =	shalt  }
0x65: {  	_ =	shalt  }
0x66: {  	_ =	shalt  }
0x67: {  	_ =	shalt  }
0x68: {  	_ =	shalt  }
0x69: {  	_ =	shalt  }
0x6a: {  	_ =	shalt  }
0x6b: {  	_ =	shalt  }
0x6c: {  	_ =	shalt  }
0x6d: {  	_ =	shalt  }
0x6e: {  	_ =	shalt  }
0x6f: {  	_ =	shalt  }
0x70: {  	_ =	shalt  }
0x71: {  	_ =	shalt  }
0x72: {  	_ =	shalt  }
0x73: {  	_ =	shalt  }
0x74: {  	_ =	shalt  }
0x75: {  	_ =	shalt  }
0x76: {  	_ =	shalt  }
0x77: {  	_ =	shalt  }
0x78: {  	_ =	shalt  }
0x79: {  	_ =	shalt  }
0x7a: {  	_ =	shalt  }
0x7b: {  	_ =	shalt  }
0x7c: {  	_ =	shalt  }
0x7d: {  	_ =	shalt  }
0x7e: {  	_ =	shalt  }
0x7f: {  	_ =	shalt  }
0x80: {  	_ =	shalt  }
0x81: {  	_ =	shalt  }
0x82: {  	_ =	shalt  }
0x83: {  	_ =	shalt  }
0x84: {  	_ =	shalt  }
0x85: {  	_ =	shalt  }
0x86: {  	_ =	shalt  }
0x87: {  	_ =	shalt  }
.Lfunc_end0:
.L_simem_size_0:
called_computation_lowered:
.L_overlay_start_0:
0x88: {  	s2 =	sld [smem:$0x3FD9]  }
0x89: {  	s3 =	sld [smem:$0x3FFE];
	_ =	sdelay $0x1  }
0x8a: {  	s1 =	srdreg.scid  }
0x8b: {  	s0 =	sand.u32 $0x1, s1  }
0x8c: {  	s17 =	sshll.u32 s0, $0xA;
	s2 =	sadd.s32 s3, s2  }
0x8d: {  	s2 =	sadd.s32 s2, s17  }
0x8e: {  	[smem:$0x3FC4] =	sst s2  }
0x8f: {  	_ = 	snop  }
0x90: {  	s2 =	sld [smem:$0x3FC9]  }
0x91: {  	s18 =	sld [smem:$0x3FC7]  }
0x92: {  	s4 =	sld [smem:$0x3FC6]  }
0x93: {  	s5 =	sld [smem:$0x3FD0];
	(tm) =	ssettm $0x1  }
0x94: {  	s6 =	sld [smem:$0x3FFB];
	_ =	sdelay $0x3  }
0x95: {  	_ =	strace s6  }
0x96: {  	s6 =	sld [smem:$0x3FFC];
	_ =	sdelay $0x3  }
0x97: {  	_ =	strace s6  }
0x98: {  	s6 =	sld [smem:$0x3FFD];
	_ =	sdelay $0x3  }
0x99: {  	_ =	strace s6  }
0x9a: {  	_ =	strace $0x8FFFFFFF  }
0x9b: {  	s19 =	sld [smem:$0x3FDB];
	_ =	sdelay $0x1  }
0x9c: {  	s7 =	simm.s32 $_scs_section_size  }
0x9d: {  	s8 =	simm.s32 $_size__tile_overlayer_lowered;
	s9 =	simm.s32 $_tile_overlayer_lowered  }
0x9e: {  	s22 =	simm.s32 $0x1BFF;
	s21 =	sshll.u32 s9, $0x1;
	s6 =	sadd.s32 s7, s19  }
0x9f: {  	s10 =	simm.s32 $0x0;
	s20 =	sshll.u32 s8, $0x1;
	s8 =	sadd.s32 s21, s6  }
0xa0: {  	[timem:s10], [sflag:s22] =	dma.local [hbm:s8], s20  }
0xa1: {  	_ =	swait.ge [sflag:s22], s20  }
0xa2: {  	s7 =	ssub.s32 $0x0, s20;
	[sflag:s22] =	ssyncset.done $0x0  }
0xa3: {  	[sflag:s22] =	ssyncadd.s32 s7;
	_ =	sdelay $0x1  }
0xa4: {  	s23 =	simm.s32 $0x1B8B  }
0xa5: {  	_ =	swait.ge [sflag:s23], $0x1  }
0xa6: {  	[sflag:s23] =	ssyncset.done $0x0  }
0xa7: {  	s25 =	simm.s32 $0x1B8E;
	s24 =	sld [smem:$0x3FFE];
	[sflag:s23] =	ssyncadd.s32 $0xFFFFFFFF  }
0xa8: {  	s26 =	simm.s32 $execute0_lowered;
	[smem:$0x3FD2] =	sst s25  }
0xa9: {  	s8 =	sshll.u32 s26, $0x1;
	_ =	strace $0x80000046;
	[dreg:$0x1] =	wrdreg $0xFFFFFFFF  }
0xaa: {  	s28 =	simm.s32 $_size_execute0_lowered;
	s6 =	sadd.s32 s6, s8;
	[dreg:$0x0] =	wrdreg $0x0  }
0xab: {  	s8 =	sshll.u32 s28, $0x1;
	[dreg:$0x2] =	wrdreg s6  }
0xac: {  	[dreg:$0x3] =	wrdreg s8  }
0xad: {  	[dreg:$0x4] =	wrdreg $0xC0  }
0xae: {  	_ =	task [dreg:s10], $0x5FFFF  }
0xaf: {  	[dreg:$0x1] =	wrdreg $0xFFFFFFFF  }
0xb0: {  	[dreg:$0x0] =	wrdreg $0x60  }
0xb1: {  	[dreg:$0x2] =	wrdreg s2  }
0xb2: {  	[dreg:$0x3] =	wrdreg s24  }
0xb3: {  	[dreg:$0x4] =	wrdreg s18  }
0xb4: {  	[dreg:$0x5] =	wrdreg s4  }
0xb5: {  	[dreg:$0x6] =	wrdreg s5  }
0xb6: {  	[dreg:$0x7] =	wrdreg $0x9  }
0xb7: {  	_ =	task.clear_ibuf [dreg:s10], $0x8FFFF;
	_ =	strace $0x90000046  }
0xb8: {  	s29 =	simm.s32 $0x9;
	_ =	strace $0x80000048  }
0xb9: {  	_ =	swait.ge [sflag:s29], $0x1  }
0xba: {  	[sflag:s29] =	ssyncadd.s32 $0xFFFFFFFF  }
0xbb: {  	_ =	strace $0x90000048  }
0xbc: {  	_ =	sfence  }
0xbd: {  	s30 =	sld [smem:$0x0];
	_ =	sdelay $0x2  }
0xbe: {  	s31 =	sshll.u32 s1, $0xD;
	s1 =	sshrl.u32 s1, $0x2  }
0xbf: {  	s3 =	sand.u32 $0x4000, s31;
	s1 =	sadd.s32 s1, s30  }
0xc0: {  	s0 =	sor.u32 s3, s0;
	s1 =	sshll.u32 s1, $0x11  }
0xc1: {  	s0 =	sor.u32 s1, s0  }
0xc2: {  	s0 =	sadd.s32 $0x8F2B, s0  }
0xc3: {  	[sflag:s0] =	ssyncadd.remote.s32 $0x1  }
0xc4: {  	_ =	sfence.sel $0xFFFF  }
0xc5: {  	[dreg:$0x0] =	wrdreg $0xFFFFFFFF;
	(pc) =	sbr.abs _section_cstart, $3  }
0xc6: {  	[dreg:$0x1] =	wrdreg $0xFFFFFFFF  }
0xc7: {  	_ =	task.clear_ibuf [dreg:s10], $0x2FFFF;
	_ =	strace $0x9FFFFFFF  }
0xc8: {  	(tm) =	ssettm $0x7FFFFFFF  }
0xc9: {  	_ =	shalt  }
tec
execute0_lowered:
.L_overlay_start_1:
0x0: {  	(tag) =	ssettag $0x1  }
0x1: {  	s7 =	rddreg [dreg:$0x0]  }
0x2: {  	s6 =	rddreg [dreg:$0x1]  }
0x3: {  	s1 =	rddreg [dreg:$0x2]  }
0x4: {  	s2 =	rddreg [dreg:$0x3]  }
0x5: {  	s14 =	rddreg [dreg:$0x4];
	s3 =	simm.s32 $0x0  }
0x6: {  	v0 =	vimm.s32 $0xFEDCBA98;
	s8 =	srdreg.scid;
	v1 =	vimm.s32 $0x76543210;
	s4 =	stileid.u32;
	s17 =	simm.s32 $0x200  }
0x7: {  	v2 =	vimm.s32 $0xBA98FEDC;
	s18 =	simm.s32 $0x280;
	s19 =	simm.s32 $0x300;
	s20 =	simm.s32 $0x8300  }
0x8: {  	v3 =	vimm.s32 $0x32107654;
	v4 =	vimm.s32 $0xDCFE98BA;
	s21 =	simm.s32 $0x4300;
	s22 =	simm.s32 $0xC300;
	s23 =	simm.s32 $0x1  }
0x9: {  	v5 =	vimm.s32 $0x54761032;
	v6 =	vimm.s32 $0xEFCDAB89;
	s24 =	simm.s32 $0x2;
	s25 =	simm.s32 $0x10300;
	s26 =	simm.s32 $0x0  }
0xa: {  	v7 =	vimm.s32 $0x67452301;
	[smem:$0x7FF] =	sst s3;
	v0 =	vunpack.c.l.s4.s8 v0;
	s5 =	sadd.s32 $0x400, s6;
	s8 =	sand.u32 $0x1, s8;
	v1 =	vunpack.c.l.s4.s8 v1  }
0xb: {  	s10 =	sshll.u32 s4, $0xA;
	v2 =	vunpack.c.l.s4.s8 v2;
	v3 =	vunpack.c.l.s4.s8 v3;
	v4 =	vunpack.c.l.s4.s8 v4;
	s9 =	ssub.s32 $0x2, s8;
	s8 =	sshll.u32 s8, $0x9  }
0xc: {  	s6 =	sadd.s32 $0x600, s6;
	v5 =	vunpack.c.l.s4.s8 v5;
	v6 =	vunpack.c.l.s4.s8 v6;
	v7 =	vunpack.c.l.s4.s8 v7;
	_ =	strace $0x80000047;
	s8 =	sor.u32 s8, s10  }
0xd: {  	v0 =	vunpack.c.0.s8.s32 v0;
	s11 =	sshrl.u32 s9, $0x1;
	v1 =	vunpack.c.0.s8.s32 v1;
	v2 =	vunpack.c.0.s8.s32 v2;
	s16 =	sshrl.u32 s8, $0x3;
	s30 =	sshll.u32 s8, $0x8  }
0xe: {  	v3 =	vunpack.c.0.s8.s32 v3;
	v4 =	vunpack.c.0.s8.s32 v4;
	v5 =	vunpack.c.0.s8.s32 v5;
	s15 =	ssub.s32 s9, s11;
	s7 =	sadd.s32 s7, s16;
	s8 =	sadd.s32 s1, s30  }
0xf: {  	v6 =	vunpack.c.0.s8.s32 v6;
	v7 =	vunpack.c.0.s8.s32 v7;
	v0 =	vand.u32 $0xF, v0;
	s31 =	sor.u32 $0x800, s30;
	s9 =	sadd.s32 s2, s30;
	s12 =	sor.u32 $0x2, s16  }
0x10: {  	s13 =	sor.u32 $0x3, s16;
	s14 =	sadd.s32 s14, s16;
	s15 =	smax.u32 s15, $0x1;
	v0 =	vcombine.low v0, v1;
	v1 =	vcombine.low v3, v2  }
0x11: {  	s16 =	simm.s32 $0x3;
	s10 =	sadd.s32 s1, s31;
	s11 =	sadd.s32 s2, s31;
	v2 =	vcombine.low v5, v4;
	v3 =	vcombine.low v7, v6  }
.LBB2_1:
0x12: {  	[tilespmem:s3], [sflag:$0x3] =	stream.linear.gather [hbm4b:s7+s3], $0x200, $0x38;
	[tilespmem:$0x10500] =	vst v63  }
0x13: {  	_ =	swait.ge [sflag:s16], $0x200  }
0x14: {  	[sflag:s16] =	ssyncset.done $0x0  }
0x15: {  	[sflag:s16] =	ssyncadd.s32 $0xFFFFFE00  }
0x16: {  	[tilespmem:s17], [sflag:$0x3] =	stream.linear.gather [hbm4b:s5+s3], $0x80, $0x38;
	[tilespmem:$0x10500] =	vst v63  }
0x17: {  	_ =	swait.ge [sflag:s16], $0x80  }
0x18: {  	[sflag:s16] =	ssyncset.done $0x0  }
0x19: {  	[sflag:s16] =	ssyncadd.s32 $0xFFFFFF80  }
0x1a: {  	[tilespmem:s18], [sflag:$0x3] =	stream.linear.gather [hbm4b:s6+s3], $0x80, $0x38;
	[tilespmem:$0x10500] =	vst v63  }
0x1b: {  	_ =	swait.ge [sflag:s16], $0x80  }
0x1c: {  	[sflag:s16] =	ssyncset.done $0x0  }
0x1d: {  	[sflag:s16] =	ssyncadd.s32 $0xFFFFFF80  }
0x1e: {  	v4 =	vld [tilespmem:$0x200]  }
0x1f: {  	v5 =	vld [tilespmem:$0x280];
	[tilespmem:s19], [sflag:$0x1] =	stream.linear.gather [hbm4b:s8+s3], $0x4000, $0x38  }
0x20: {  	_ = 	snop  }
0x21: {  	[tilespmem:s20], [sflag:$0x1] =	stream.linear.gather [hbm4b:s9+s3], $0x4000, $0x38;
	[tilespmem:$0x10500] =	vst v63  }
0x22: {  	_ = 	snop  }
0x23: {  	[tilespmem:s21], [sflag:$0x2] =	stream.linear.gather [hbm4b:s10+s3], $0x4000, $0x38;
	[tilespmem:$0x10500] =	vst v63  }
0x24: {  	s28 =	simm.s32 $0x0  }
0x25: {  	[tilespmem:s22], [sflag:$0x2] =	stream.linear.gather [hbm4b:s11+s3], $0x4000, $0x38;
	[tilespmem:$0x10500] =	vst v63  }
.LBB2_2:
0x26: {  	_ =	swait.ge [sflag:s23], $0x4000  }
0x27: {  	[sflag:s23] =	ssyncset.done $0x0  }
0x28: {  	[sflag:s23] =	ssyncadd.s32 $0xFFFFC000  }
0x29: {  	_ =	swait.ge [sflag:s23], $0x4000  }
0x2a: {  	[sflag:s23] =	ssyncset.done $0x0  }
0x2b: {  	s30 =	simm.s32 $0x0;
	[sflag:s23] =	ssyncadd.s32 $0xFFFFC000  }
0x2c: {  	v6 =	vld [tilespmem:s30+$0x300]  }
0x2d: {  	v7 =	vld [tilespmem:s30+$0x8300]  }
0x2e: {  	v8 =	vld [tilespmem:s30+$0x310]  }
0x2f: {  	v9 =	vld [tilespmem:s30+$0x8310]  }
0x30: {  	v10 =	vld [tilespmem:s30+$0x320]  }
0x31: {  	v11 =	vld [tilespmem:s30+$0x8320]  }
0x32: {  	v12 =	vld [tilespmem:s30+$0x8330];
	v6 =	vsub.f32 v6, v7  }
0x33: {  	v7 =	vld [tilespmem:s30+$0x330]  }
0x34: {  	v13 =	vld [tilespmem:s30+$0x340];
	v8 =	vsub.f32 v8, v9;
	v6 =	vmul.f32 v6, v6  }
0x35: {  	v14 =	vld [tilespmem:s30+$0x8340];
	v9 =	vimm.f32 $0.0e+00  }
0x36: {  	v15 =	vld [tilespmem:s30+$0x350];
	v8 =	vmul.f32 v8, v8;
	v6 =	vadd.f32 v6, v9;
	v9 =	vsub.f32 v10, v11  }
0x37: {  	v16 =	vld [tilespmem:s30+$0x8350]  }
0x38: {  	v7 =	vsub.f32 v7, v12;
	v8 =	vadd.f32 v8, v6;
	v10 =	vmul.f32 v9, v9;
	v6 =	vld [tilespmem:s30+$0x360]  }
0x39: {  	v9 =	vld [tilespmem:s30+$0x8360]  }
0x3a: {  	v13 =	vsub.f32 v13, v14;
	v12 =	vmul.f32 v7, v7;
	v7 =	vld [tilespmem:s30+$0x370];
	v11 =	vadd.f32 v10, v8  }
0x3b: {  	s29 =	simm.s32 $0x400;
	v10 =	vld [tilespmem:s30+$0x8370]  }
0x3c: {  	v8 =	vld [tilespmem:s29+$0x300];
	s30 =	simm.s32 $0x2000;
	v11 =	vadd.f32 v12, v11;
	v12 =	vmul.f32 v13, v13;
	v13 =	vsub.f32 v15, v16  }
.LBB2_3:
0x3d: {  	p0 =	sne.s32 s30, $0xF000;
	v14 =	vld [tilespmem:s29+$0x8300]  }
0x3e: {  	v15 =	vld [tilespmem:s29+$0x310];
	v11 =	vadd.f32 v12, v11;
	v12 =	vmul.f32 v13, v13;
	v6 =	vsub.f32 v6, v9  }
0x3f: {  	v9 =	vld [tilespmem:s29+$0x8310]  }
0x40: {  	v13 =	vld [tilespmem:s29+$0x320];
	v11 =	vadd.f32 v12, v11;
	v6 =	vmul.f32 v6, v6;
	v7 =	vsub.f32 v7, v10  }
0x41: {  	v10 =	vld [tilespmem:s29+$0x8320]  }
0x42: {  	v8 =	vsub.f32 v8, v14;
	v12 =	vld [tilespmem:s29+$0x330];
	v6 =	vadd.f32 v6, v11;
	v7 =	vmul.f32 v7, v7  }
0x43: {  	v11 =	vld [tilespmem:s29+$0x8330]  }
0x44: {  	v8 =	vmul.f32 v8, v8;
	v9 =	vsub.f32 v15, v9;
	v14 =	vld [tilespmem:s29+$0x340];
	v6 =	vadd.f32 v7, v6  }
0x45: {  	v7 =	vld [tilespmem:s29+$0x8340]  }
0x46: {  	v6 =	vadd.f32 v8, v6;
	v8 =	vmul.f32 v9, v9;
	v9 =	vsub.f32 v13, v10;
	v13 =	vld [tilespmem:s29+$0x350]  }
0x47: {  	v15 =	vld [tilespmem:s29+$0x8350]  }
.Ltmp0:
0x48: {  	v8 =	vadd.f32 v8, v6;
	v10 =	vmul.f32 v9, v9;
	v11 =	vsub.f32 v12, v11;
	v6 =	vld [tilespmem:s29+$0x360];
	(pc) =	sbr.rel @p0 .LBB2_3-.Ltmp0, $4  }
0x49: {  	v9 =	vld [tilespmem:s29+$0x8360]  }
0x4a: {  	v12 =	vadd.f32 v10, v8;
	v11 =	vmul.f32 v11, v11;
	v14 =	vsub.f32 v14, v7;
	v7 =	vld [tilespmem:s29+$0x370]  }
0x4b: {  	v10 =	vld [tilespmem:s29+$0x8370];
	s29 =	sshra.s32 s30, $0x2  }
0x4c: {  	s30 =	sadd.s32 $0x1000, s30;
	v8 =	vld [tilespmem:s29+$0x300];
	v11 =	vadd.f32 v11, v12;
	v12 =	vmul.f32 v14, v14;
	v13 =	vsub.f32 v13, v15  }
0x4d: {  	v14 =	vld [tilespmem:s29+$0x8300]  }
0x4e: {  	v15 =	vld [tilespmem:s29+$0x310];
	v11 =	vadd.f32 v12, v11;
	v12 =	vmul.f32 v13, v13;
	v6 =	vsub.f32 v6, v9  }
0x4f: {  	v9 =	vld [tilespmem:s29+$0x8310]  }
0x50: {  	v13 =	vld [tilespmem:s29+$0x320];
	v11 =	vadd.f32 v12, v11;
	v6 =	vmul.f32 v6, v6;
	v7 =	vsub.f32 v7, v10  }
0x51: {  	v10 =	vld [tilespmem:s29+$0x8320]  }
0x52: {  	v12 =	vld [tilespmem:s29+$0x330];
	v8 =	vsub.f32 v8, v14;
	v6 =	vadd.f32 v6, v11;
	v7 =	vmul.f32 v7, v7  }
0x53: {  	v11 =	vld [tilespmem:s29+$0x8330]  }
0x54: {  	v14 =	vld [tilespmem:s29+$0x340];
	v9 =	vsub.f32 v15, v9;
	v8 =	vmul.f32 v8, v8;
	v6 =	vadd.f32 v7, v6  }
0x55: {  	v7 =	vld [tilespmem:s29+$0x8340]  }
0x56: {  	v6 =	vadd.f32 v8, v6;
	v8 =	vmul.f32 v9, v9;
	v9 =	vsub.f32 v13, v10;
	v10 =	vld [tilespmem:s29+$0x350]  }
0x57: {  	v13 =	vld [tilespmem:s29+$0x8350]  }
0x58: {  	v6 =	vadd.f32 v8, v6;
	v8 =	vmul.f32 v9, v9;
	v9 =	vsub.f32 v12, v11;
	v11 =	vld [tilespmem:s29+$0x360]  }
0x59: {  	v12 =	vld [tilespmem:s29+$0x8360]  }
0x5a: {  	v7 =	vsub.f32 v14, v7;
	v14 =	vld [tilespmem:s29+$0x8370];
	v6 =	vadd.f32 v8, v6;
	v8 =	vmul.f32 v9, v9  }
0x5b: {  	v9 =	vld [tilespmem:s29+$0x370]  }
0x5c: {  	v7 =	vmul.f32 v7, v7;
	v6 =	vadd.f32 v8, v6;
	v8 =	vsub.f32 v10, v13;
	_ =	sdelay $0x1  }
0x5d: {  	v6 =	vadd.f32 v7, v6;
	v7 =	vmul.f32 v8, v8;
	v8 =	vsub.f32 v11, v12;
	_ =	sdelay $0x1  }
0x5e: {  	v6 =	vadd.f32 v7, v6;
	v7 =	vmul.f32 v8, v8;
	v8 =	vsub.f32 v9, v14;
	_ =	sdelay $0x1  }
0x5f: {  	s30 =	simm.s32 $0x0;
	v6 =	vadd.f32 v7, v6;
	v7 =	vmul.f32 v8, v8  }
0x60: {  	v8 =	vld [tilespmem:s30+$0x380]  }
0x61: {  	v6 =	vadd.f32 v7, v6;
	v7 =	vld [tilespmem:s30+$0x8380]  }
0x62: {  	v11 =	vld [tilespmem:s30+$0x8390]  }
0x63: {  	v9 =	vld [tilespmem:s30+$0x390];
	v10 =	vperm.xlane v6, v0  }
0x64: {  	v12 =	vld [tilespmem:s30+$0x3A0]  }
0x65: {  	v6 =	vadd.f32 v10, v6;
	v10 =	vld [tilespmem:s30+$0x83A0]  }
0x66: {  	v14 =	vld [tilespmem:s30+$0x83B0];
	v7 =	vsub.f32 v8, v7  }
0x67: {  	v8 =	vld [tilespmem:s30+$0x3B0];
	v13 =	vperm.xlane v6, v1  }
0x68: {  	v15 =	vld [tilespmem:s30+$0x83C0];
	v9 =	vsub.f32 v9, v11;
	v7 =	vmul.f32 v7, v7  }
0x69: {  	v11 =	vld [tilespmem:s30+$0x3C0];
	v6 =	vadd.f32 v13, v6;
	v13 =	vimm.f32 $0.0e+00  }
0x6a: {  	v16 =	vld [tilespmem:s30+$0x3D0];
	v9 =	vmul.f32 v9, v9;
	v7 =	vadd.f32 v7, v13;
	v10 =	vsub.f32 v12, v10  }
0x6b: {  	v17 =	vld [tilespmem:s30+$0x83D0];
	v12 =	vperm.xlane v6, v2  }
0x6c: {  	v13 =	vsub.f32 v8, v14;
	v8 =	vld [tilespmem:s30+$0x3E0];
	v7 =	vadd.f32 v9, v7;
	v9 =	vmul.f32 v10, v10  }
0x6d: {  	v10 =	vld [tilespmem:s30+$0x83E0];
	v6 =	vadd.f32 v12, v6  }
0x6e: {  	v15 =	vsub.f32 v11, v15;
	v13 =	vmul.f32 v13, v13;
	v12 =	vld [tilespmem:s30+$0x83F0];
	v14 =	vadd.f32 v9, v7  }
0x6f: {  	s29 =	simm.s32 $0x400;
	v9 =	vld [tilespmem:s30+$0x3F0];
	v7 =	vperm.xlane v6, v3  }
0x70: {  	v11 =	vld [tilespmem:s29+$0x380];
	s30 =	simm.s32 $0x2000;
	v13 =	vadd.f32 v13, v14;
	v14 =	vmul.f32 v15, v15;
	v15 =	vsub.f32 v16, v17  }
.LBB2_5:
0x71: {  	p0 =	sne.s32 s30, $0xF000;
	v16 =	vld [tilespmem:s29+$0x8380]  }
0x72: {  	v17 =	vld [tilespmem:s29+$0x390];
	v13 =	vadd.f32 v14, v13;
	v14 =	vmul.f32 v15, v15;
	v8 =	vsub.f32 v8, v10  }
0x73: {  	v10 =	vld [tilespmem:s29+$0x8390]  }
0x74: {  	v15 =	vld [tilespmem:s29+$0x3A0];
	v13 =	vadd.f32 v14, v13;
	v8 =	vmul.f32 v8, v8;
	v9 =	vsub.f32 v9, v12  }
0x75: {  	v12 =	vld [tilespmem:s29+$0x83A0]  }
0x76: {  	v11 =	vsub.f32 v11, v16;
	v14 =	vld [tilespmem:s29+$0x3B0];
	v8 =	vadd.f32 v8, v13;
	v9 =	vmul.f32 v9, v9  }
0x77: {  	v13 =	vld [tilespmem:s29+$0x83B0]  }
0x78: {  	v11 =	vmul.f32 v11, v11;
	v10 =	vsub.f32 v17, v10;
	v16 =	vld [tilespmem:s29+$0x3C0];
	v8 =	vadd.f32 v9, v8  }
0x79: {  	v9 =	vld [tilespmem:s29+$0x83C0]  }
0x7a: {  	v8 =	vadd.f32 v11, v8;
	v10 =	vmul.f32 v10, v10;
	v11 =	vsub.f32 v15, v12;
	v15 =	vld [tilespmem:s29+$0x3D0]  }
0x7b: {  	v17 =	vld [tilespmem:s29+$0x83D0]  }
.Ltmp1:
0x7c: {  	v12 =	vadd.f32 v10, v8;
	v11 =	vmul.f32 v11, v11;
	v13 =	vsub.f32 v14, v13;
	v8 =	vld [tilespmem:s29+$0x3E0];
	(pc) =	sbr.rel @p0 .LBB2_5-.Ltmp1, $4  }
0x7d: {  	v10 =	vld [tilespmem:s29+$0x83E0]  }
0x7e: {  	v14 =	vadd.f32 v11, v12;
	v13 =	vmul.f32 v13, v13;
	v16 =	vsub.f32 v16, v9;
	v9 =	vld [tilespmem:s29+$0x3F0]  }
0x7f: {  	v12 =	vld [tilespmem:s29+$0x83F0];
	s29 =	sshra.s32 s30, $0x2  }
0x80: {  	s30 =	sadd.s32 $0x1000, s30;
	v11 =	vld [tilespmem:s29+$0x380];
	v13 =	vadd.f32 v13, v14;
	v14 =	vmul.f32 v16, v16;
	v15 =	vsub.f32 v15, v17  }
0x81: {  	v16 =	vld [tilespmem:s29+$0x8380]  }
0x82: {  	v17 =	vld [tilespmem:s29+$0x390];
	v13 =	vadd.f32 v14, v13;
	v14 =	vmul.f32 v15, v15;
	v8 =	vsub.f32 v8, v10  }
0x83: {  	v10 =	vld [tilespmem:s29+$0x8390]  }
0x84: {  	v15 =	vld [tilespmem:s29+$0x3A0];
	v13 =	vadd.f32 v14, v13;
	v8 =	vmul.f32 v8, v8;
	v9 =	vsub.f32 v9, v12  }
0x85: {  	v12 =	vld [tilespmem:s29+$0x83A0]  }
0x86: {  	v14 =	vld [tilespmem:s29+$0x3B0];
	v11 =	vsub.f32 v11, v16;
	v8 =	vadd.f32 v8, v13;
	v9 =	vmul.f32 v9, v9  }
0x87: {  	v13 =	vld [tilespmem:s29+$0x83B0]  }
0x88: {  	v16 =	vld [tilespmem:s29+$0x3C0];
	v10 =	vsub.f32 v17, v10;
	v11 =	vmul.f32 v11, v11;
	v8 =	vadd.f32 v9, v8  }
0x89: {  	v9 =	vld [tilespmem:s29+$0x83C0]  }
0x8a: {  	v10 =	vmul.f32 v10, v10;
	v8 =	vadd.f32 v11, v8;
	v11 =	vsub.f32 v15, v12;
	v12 =	vld [tilespmem:s29+$0x3D0]  }
0x8b: {  	v15 =	vld [tilespmem:s29+$0x83D0]  }
0x8c: {  	v8 =	vadd.f32 v10, v8;
	v10 =	vmul.f32 v11, v11;
	v11 =	vsub.f32 v14, v13;
	v13 =	vld [tilespmem:s29+$0x3E0]  }
0x8d: {  	v14 =	vld [tilespmem:s29+$0x83E0]  }
0x8e: {  	v9 =	vsub.f32 v16, v9;
	v16 =	vld [tilespmem:s29+$0x83F0];
	v8 =	vadd.f32 v10, v8;
	v10 =	vmul.f32 v11, v11  }
0x8f: {  	v11 =	vld [tilespmem:s29+$0x3F0]  }
0x90: {  	v9 =	vmul.f32 v9, v9;
	v8 =	vadd.f32 v10, v8;
	v10 =	vsub.f32 v12, v15;
	_ =	sdelay $0x1  }
0x91: {  	v8 =	vadd.f32 v9, v8;
	v9 =	vmul.f32 v10, v10;
	v10 =	vsub.f32 v13, v14;
	_ =	sdelay $0x1  }
0x92: {  	v8 =	vadd.f32 v9, v8;
	v9 =	vmul.f32 v10, v10;
	v10 =	vsub.f32 v11, v16;
	_ =	sdelay $0x1  }
0x93: {  	s30 =	simm.s32 $0x0;
	v8 =	vadd.f32 v9, v8;
	v9 =	vmul.f32 v10, v10  }
0x94: {  	v10 =	vld [tilespmem:s30+$0x400]  }
0x95: {  	v8 =	vadd.f32 v9, v8;
	v9 =	vld [tilespmem:s30+$0x8400]  }
0x96: {  	v13 =	vld [tilespmem:s30+$0x8410]  }
0x97: {  	v11 =	vld [tilespmem:s30+$0x410];
	v12 =	vperm.xlane v8, v0  }
0x98: {  	v14 =	vld [tilespmem:s30+$0x420]  }
0x99: {  	v8 =	vadd.f32 v12, v8;
	v12 =	vld [tilespmem:s30+$0x8420]  }
0x9a: {  	v16 =	vld [tilespmem:s30+$0x8430];
	v9 =	vsub.f32 v10, v9  }
0x9b: {  	v10 =	vld [tilespmem:s30+$0x430];
	v15 =	vperm.xlane v8, v1  }
0x9c: {  	v17 =	vld [tilespmem:s30+$0x8440];
	v11 =	vsub.f32 v11, v13;
	v9 =	vmul.f32 v9, v9  }
0x9d: {  	v13 =	vld [tilespmem:s30+$0x440];
	v8 =	vadd.f32 v15, v8;
	v15 =	vimm.f32 $0.0e+00  }
0x9e: {  	v18 =	vld [tilespmem:s30+$0x450];
	v11 =	vmul.f32 v11, v11;
	v9 =	vadd.f32 v9, v15;
	v12 =	vsub.f32 v14, v12  }
0x9f: {  	v19 =	vld [tilespmem:s30+$0x8450];
	v14 =	vperm.xlane v8, v2  }
0xa0: {  	v15 =	vsub.f32 v10, v16;
	v10 =	vld [tilespmem:s30+$0x460];
	v9 =	vadd.f32 v11, v9;
	v11 =	vmul.f32 v12, v12  }
0xa1: {  	v12 =	vld [tilespmem:s30+$0x8460];
	v8 =	vadd.f32 v14, v8  }
0xa2: {  	v17 =	vsub.f32 v13, v17;
	v15 =	vmul.f32 v15, v15;
	v14 =	vld [tilespmem:s30+$0x8470];
	v16 =	vadd.f32 v11, v9  }
0xa3: {  	s29 =	simm.s32 $0x400;
	v11 =	vld [tilespmem:s30+$0x470];
	v9 =	vperm.xlane v8, v3  }
0xa4: {  	v13 =	vld [tilespmem:s29+$0x400];
	s30 =	simm.s32 $0x2000;
	v15 =	vadd.f32 v15, v16;
	v16 =	vmul.f32 v17, v17;
	v17 =	vsub.f32 v18, v19  }
.LBB2_7:
0xa5: {  	p0 =	sne.s32 s30, $0xF000;
	v18 =	vld [tilespmem:s29+$0x8400]  }
0xa6: {  	v19 =	vld [tilespmem:s29+$0x410];
	v15 =	vadd.f32 v16, v15;
	v16 =	vmul.f32 v17, v17;
	v10 =	vsub.f32 v10, v12  }
0xa7: {  	v12 =	vld [tilespmem:s29+$0x8410]  }
0xa8: {  	v17 =	vld [tilespmem:s29+$0x420];
	v15 =	vadd.f32 v16, v15;
	v10 =	vmul.f32 v10, v10;
	v11 =	vsub.f32 v11, v14  }
0xa9: {  	v14 =	vld [tilespmem:s29+$0x8420]  }
0xaa: {  	v13 =	vsub.f32 v13, v18;
	v16 =	vld [tilespmem:s29+$0x430];
	v10 =	vadd.f32 v10, v15;
	v11 =	vmul.f32 v11, v11  }
0xab: {  	v15 =	vld [tilespmem:s29+$0x8430]  }
0xac: {  	v13 =	vmul.f32 v13, v13;
	v12 =	vsub.f32 v19, v12;
	v18 =	vld [tilespmem:s29+$0x440];
	v10 =	vadd.f32 v11, v10  }
0xad: {  	v11 =	vld [tilespmem:s29+$0x8440]  }
0xae: {  	v10 =	vadd.f32 v13, v10;
	v12 =	vmul.f32 v12, v12;
	v13 =	vsub.f32 v17, v14;
	v17 =	vld [tilespmem:s29+$0x450]  }
0xaf: {  	v19 =	vld [tilespmem:s29+$0x8450]  }
.Ltmp2:
0xb0: {  	v14 =	vadd.f32 v12, v10;
	v13 =	vmul.f32 v13, v13;
	v15 =	vsub.f32 v16, v15;
	v10 =	vld [tilespmem:s29+$0x460];
	(pc) =	sbr.rel @p0 .LBB2_7-.Ltmp2, $4  }
0xb1: {  	v12 =	vld [tilespmem:s29+$0x8460]  }
0xb2: {  	v16 =	vadd.f32 v13, v14;
	v15 =	vmul.f32 v15, v15;
	v18 =	vsub.f32 v18, v11;
	v11 =	vld [tilespmem:s29+$0x470]  }
0xb3: {  	v14 =	vld [tilespmem:s29+$0x8470];
	s29 =	sshra.s32 s30, $0x2  }
0xb4: {  	s30 =	sadd.s32 $0x1000, s30;
	v13 =	vld [tilespmem:s29+$0x400];
	v15 =	vadd.f32 v15, v16;
	v16 =	vmul.f32 v18, v18;
	v17 =	vsub.f32 v17, v19  }
0xb5: {  	v18 =	vld [tilespmem:s29+$0x8400]  }
0xb6: {  	v19 =	vld [tilespmem:s29+$0x410];
	v15 =	vadd.f32 v16, v15;
	v16 =	vmul.f32 v17, v17;
	v10 =	vsub.f32 v10, v12  }
0xb7: {  	v12 =	vld [tilespmem:s29+$0x8410]  }
0xb8: {  	v17 =	vld [tilespmem:s29+$0x420];
	v15 =	vadd.f32 v16, v15;
	v10 =	vmul.f32 v10, v10;
	v11 =	vsub.f32 v11, v14  }
0xb9: {  	v14 =	vld [tilespmem:s29+$0x8420]  }
0xba: {  	v16 =	vld [tilespmem:s29+$0x430];
	v13 =	vsub.f32 v13, v18;
	v10 =	vadd.f32 v10, v15;
	v11 =	vmul.f32 v11, v11  }
0xbb: {  	v15 =	vld [tilespmem:s29+$0x8430]  }
0xbc: {  	v18 =	vld [tilespmem:s29+$0x440];
	v12 =	vsub.f32 v19, v12;
	v13 =	vmul.f32 v13, v13;
	v10 =	vadd.f32 v11, v10  }
0xbd: {  	v11 =	vld [tilespmem:s29+$0x8440]  }
0xbe: {  	v12 =	vmul.f32 v12, v12;
	v10 =	vadd.f32 v13, v10;
	v13 =	vsub.f32 v17, v14;
	v14 =	vld [tilespmem:s29+$0x450]  }
0xbf: {  	v17 =	vld [tilespmem:s29+$0x8450]  }
0xc0: {  	v10 =	vadd.f32 v12, v10;
	v12 =	vmul.f32 v13, v13;
	v13 =	vsub.f32 v16, v15;
	v15 =	vld [tilespmem:s29+$0x460]  }
0xc1: {  	v16 =	vld [tilespmem:s29+$0x8460]  }
0xc2: {  	v11 =	vsub.f32 v18, v11;
	v18 =	vld [tilespmem:s29+$0x8470];
	v10 =	vadd.f32 v12, v10;
	v12 =	vmul.f32 v13, v13  }
0xc3: {  	v13 =	vld [tilespmem:s29+$0x470]  }
0xc4: {  	v11 =	vmul.f32 v11, v11;
	v10 =	vadd.f32 v12, v10;
	v12 =	vsub.f32 v14, v17;
	_ =	sdelay $0x1  }
0xc5: {  	v10 =	vadd.f32 v11, v10;
	v11 =	vmul.f32 v12, v12;
	v12 =	vsub.f32 v15, v16;
	_ =	sdelay $0x1  }
0xc6: {  	v10 =	vadd.f32 v11, v10;
	v11 =	vmul.f32 v12, v12;
	v12 =	vsub.f32 v13, v18;
	_ =	sdelay $0x1  }
0xc7: {  	s30 =	simm.s32 $0x0;
	v10 =	vadd.f32 v11, v10;
	v11 =	vmul.f32 v12, v12  }
0xc8: {  	v12 =	vld [tilespmem:s30+$0x480]  }
0xc9: {  	v10 =	vadd.f32 v11, v10;
	v11 =	vld [tilespmem:s30+$0x8480]  }
0xca: {  	v15 =	vld [tilespmem:s30+$0x8490]  }
0xcb: {  	v13 =	vld [tilespmem:s30+$0x490];
	v14 =	vperm.xlane v10, v0  }
0xcc: {  	v16 =	vld [tilespmem:s30+$0x4A0]  }
0xcd: {  	v10 =	vadd.f32 v14, v10;
	v14 =	vld [tilespmem:s30+$0x84A0]  }
0xce: {  	v18 =	vld [tilespmem:s30+$0x84B0];
	v11 =	vsub.f32 v12, v11  }
0xcf: {  	v12 =	vld [tilespmem:s30+$0x4B0];
	v17 =	vperm.xlane v10, v1  }
0xd0: {  	v19 =	vld [tilespmem:s30+$0x84C0];
	v13 =	vsub.f32 v13, v15;
	v11 =	vmul.f32 v11, v11  }
0xd1: {  	v15 =	vld [tilespmem:s30+$0x4C0];
	v10 =	vadd.f32 v17, v10;
	v17 =	vimm.f32 $0.0e+00  }
0xd2: {  	v20 =	vld [tilespmem:s30+$0x4D0];
	v13 =	vmul.f32 v13, v13;
	v11 =	vadd.f32 v11, v17;
	v14 =	vsub.f32 v16, v14  }
0xd3: {  	v21 =	vld [tilespmem:s30+$0x84D0];
	v16 =	vperm.xlane v10, v2  }
0xd4: {  	v17 =	vsub.f32 v12, v18;
	v12 =	vld [tilespmem:s30+$0x4E0];
	v11 =	vadd.f32 v13, v11;
	v13 =	vmul.f32 v14, v14  }
0xd5: {  	v14 =	vld [tilespmem:s30+$0x84E0];
	v10 =	vadd.f32 v16, v10  }
0xd6: {  	v19 =	vsub.f32 v15, v19;
	v17 =	vmul.f32 v17, v17;
	v16 =	vld [tilespmem:s30+$0x84F0];
	v18 =	vadd.f32 v13, v11  }
0xd7: {  	s29 =	simm.s32 $0x400;
	v13 =	vld [tilespmem:s30+$0x4F0];
	v11 =	vperm.xlane v10, v3  }
0xd8: {  	v15 =	vld [tilespmem:s29+$0x480];
	s30 =	simm.s32 $0x2000;
	v17 =	vadd.f32 v17, v18;
	v18 =	vmul.f32 v19, v19;
	v19 =	vsub.f32 v20, v21  }
.LBB2_9:
0xd9: {  	p0 =	sne.s32 s30, $0xF000;
	v20 =	vld [tilespmem:s29+$0x8480]  }
0xda: {  	v21 =	vld [tilespmem:s29+$0x490];
	v17 =	vadd.f32 v18, v17;
	v18 =	vmul.f32 v19, v19;
	v12 =	vsub.f32 v12, v14  }
0xdb: {  	v14 =	vld [tilespmem:s29+$0x8490]  }
0xdc: {  	v19 =	vld [tilespmem:s29+$0x4A0];
	v17 =	vadd.f32 v18, v17;
	v12 =	vmul.f32 v12, v12;
	v13 =	vsub.f32 v13, v16  }
0xdd: {  	v16 =	vld [tilespmem:s29+$0x84A0]  }
0xde: {  	v15 =	vsub.f32 v15, v20;
	v18 =	vld [tilespmem:s29+$0x4B0];
	v12 =	vadd.f32 v12, v17;
	v13 =	vmul.f32 v13, v13  }
0xdf: {  	v17 =	vld [tilespmem:s29+$0x84B0]  }
0xe0: {  	v15 =	vmul.f32 v15, v15;
	v14 =	vsub.f32 v21, v14;
	v20 =	vld [tilespmem:s29+$0x4C0];
	v12 =	vadd.f32 v13, v12  }
0xe1: {  	v13 =	vld [tilespmem:s29+$0x84C0]  }
0xe2: {  	v12 =	vadd.f32 v15, v12;
	v14 =	vmul.f32 v14, v14;
	v15 =	vsub.f32 v19, v16;
	v19 =	vld [tilespmem:s29+$0x4D0]  }
0xe3: {  	v21 =	vld [tilespmem:s29+$0x84D0]  }
.Ltmp3:
0xe4: {  	v16 =	vadd.f32 v14, v12;
	v15 =	vmul.f32 v15, v15;
	v17 =	vsub.f32 v18, v17;
	v12 =	vld [tilespmem:s29+$0x4E0];
	(pc) =	sbr.rel @p0 .LBB2_9-.Ltmp3, $4  }
0xe5: {  	v14 =	vld [tilespmem:s29+$0x84E0]  }
0xe6: {  	v18 =	vadd.f32 v15, v16;
	v17 =	vmul.f32 v17, v17;
	v20 =	vsub.f32 v20, v13;
	v13 =	vld [tilespmem:s29+$0x4F0]  }
0xe7: {  	v16 =	vld [tilespmem:s29+$0x84F0];
	s29 =	sshra.s32 s30, $0x2  }
0xe8: {  	s30 =	sadd.s32 $0x1000, s30;
	v15 =	vld [tilespmem:s29+$0x480];
	v17 =	vadd.f32 v17, v18;
	v18 =	vmul.f32 v20, v20;
	v19 =	vsub.f32 v19, v21  }
0xe9: {  	v20 =	vld [tilespmem:s29+$0x8480]  }
0xea: {  	v21 =	vld [tilespmem:s29+$0x490];
	v17 =	vadd.f32 v18, v17;
	v18 =	vmul.f32 v19, v19;
	v12 =	vsub.f32 v12, v14  }
0xeb: {  	v14 =	vld [tilespmem:s29+$0x8490]  }
0xec: {  	v19 =	vld [tilespmem:s29+$0x4A0];
	v17 =	vadd.f32 v18, v17;
	v12 =	vmul.f32 v12, v12;
	v13 =	vsub.f32 v13, v16  }
0xed: {  	v16 =	vld [tilespmem:s29+$0x84A0]  }
0xee: {  	v18 =	vld [tilespmem:s29+$0x4B0];
	v15 =	vsub.f32 v15, v20;
	v12 =	vadd.f32 v12, v17;
	v13 =	vmul.f32 v13, v13  }
0xef: {  	v17 =	vld [tilespmem:s29+$0x84B0]  }
0xf0: {  	v20 =	vld [tilespmem:s29+$0x4C0];
	v14 =	vsub.f32 v21, v14;
	v15 =	vmul.f32 v15, v15;
	v12 =	vadd.f32 v13, v12  }
0xf1: {  	v13 =	vld [tilespmem:s29+$0x84C0]  }
0xf2: {  	v14 =	vmul.f32 v14, v14;
	v12 =	vadd.f32 v15, v12;
	v15 =	vsub.f32 v19, v16;
	v16 =	vld [tilespmem:s29+$0x4D0]  }
0xf3: {  	v19 =	vld [tilespmem:s29+$0x84D0]  }
0xf4: {  	v12 =	vadd.f32 v14, v12;
	v14 =	vmul.f32 v15, v15;
	v15 =	vsub.f32 v18, v17;
	v17 =	vld [tilespmem:s29+$0x4E0]  }
0xf5: {  	v18 =	vld [tilespmem:s29+$0x84E0]  }
0xf6: {  	v13 =	vsub.f32 v20, v13;
	v20 =	vld [tilespmem:s29+$0x84F0];
	v12 =	vadd.f32 v14, v12;
	v14 =	vmul.f32 v15, v15  }
0xf7: {  	v15 =	vld [tilespmem:s29+$0x4F0]  }
0xf8: {  	v13 =	vmul.f32 v13, v13;
	v12 =	vadd.f32 v14, v12;
	v14 =	vsub.f32 v16, v19;
	_ =	sdelay $0x1  }
0xf9: {  	v12 =	vadd.f32 v13, v12;
	v13 =	vmul.f32 v14, v14;
	v14 =	vsub.f32 v17, v18;
	_ =	sdelay $0x1  }
0xfa: {  	v12 =	vadd.f32 v13, v12;
	v13 =	vmul.f32 v14, v14;
	v14 =	vsub.f32 v15, v20;
	_ =	sdelay $0x1  }
0xfb: {  	s30 =	simm.s32 $0x0;
	v12 =	vadd.f32 v13, v12;
	v13 =	vmul.f32 v14, v14  }
0xfc: {  	v14 =	vld [tilespmem:s30+$0x500]  }
0xfd: {  	v12 =	vadd.f32 v13, v12;
	v13 =	vld [tilespmem:s30+$0x8500]  }
0xfe: {  	v17 =	vld [tilespmem:s30+$0x8510]  }
0xff: {  	v15 =	vld [tilespmem:s30+$0x510];
	v16 =	vperm.xlane v12, v0  }
0x100: {  	v18 =	vld [tilespmem:s30+$0x520]  }
0x101: {  	v12 =	vadd.f32 v16, v12;
	v16 =	vld [tilespmem:s30+$0x8520]  }
0x102: {  	v20 =	vld [tilespmem:s30+$0x8530];
	v13 =	vsub.f32 v14, v13  }
0x103: {  	v14 =	vld [tilespmem:s30+$0x530];
	v19 =	vperm.xlane v12, v1  }
0x104: {  	v21 =	vld [tilespmem:s30+$0x8540];
	v15 =	vsub.f32 v15, v17;
	v13 =	vmul.f32 v13, v13  }
0x105: {  	v17 =	vld [tilespmem:s30+$0x540];
	v12 =	vadd.f32 v19, v12;
	v19 =	vimm.f32 $0.0e+00  }
0x106: {  	v22 =	vld [tilespmem:s30+$0x550];
	v15 =	vmul.f32 v15, v15;
	v13 =	vadd.f32 v13, v19;
	v16 =	vsub.f32 v18, v16  }
0x107: {  	v23 =	vld [tilespmem:s30+$0x8550];
	v18 =	vperm.xlane v12, v2  }
0x108: {  	v19 =	vsub.f32 v14, v20;
	v14 =	vld [tilespmem:s30+$0x560];
	v13 =	vadd.f32 v15, v13;
	v15 =	vmul.f32 v16, v16  }
0x109: {  	v16 =	vld [tilespmem:s30+$0x8560];
	v12 =	vadd.f32 v18, v12  }
0x10a: {  	v21 =	vsub.f32 v17, v21;
	v19 =	vmul.f32 v19, v19;
	v18 =	vld [tilespmem:s30+$0x8570];
	v20 =	vadd.f32 v15, v13  }
0x10b: {  	s29 =	simm.s32 $0x400;
	v15 =	vld [tilespmem:s30+$0x570];
	v13 =	vperm.xlane v12, v3  }
0x10c: {  	v17 =	vld [tilespmem:s29+$0x500];
	s30 =	simm.s32 $0x2000;
	v19 =	vadd.f32 v19, v20;
	v20 =	vmul.f32 v21, v21;
	v21 =	vsub.f32 v22, v23  }
.LBB2_11:
0x10d: {  	p0 =	sne.s32 s30, $0xF000;
	v22 =	vld [tilespmem:s29+$0x8500]  }
0x10e: {  	v23 =	vld [tilespmem:s29+$0x510];
	v19 =	vadd.f32 v20, v19;
	v20 =	vmul.f32 v21, v21;
	v14 =	vsub.f32 v14, v16  }
0x10f: {  	v16 =	vld [tilespmem:s29+$0x8510]  }
0x110: {  	v21 =	vld [tilespmem:s29+$0x520];
	v19 =	vadd.f32 v20, v19;
	v14 =	vmul.f32 v14, v14;
	v15 =	vsub.f32 v15, v18  }
0x111: {  	v18 =	vld [tilespmem:s29+$0x8520]  }
0x112: {  	v17 =	vsub.f32 v17, v22;
	v20 =	vld [tilespmem:s29+$0x530];
	v14 =	vadd.f32 v14, v19;
	v15 =	vmul.f32 v15, v15  }
0x113: {  	v19 =	vld [tilespmem:s29+$0x8530]  }
0x114: {  	v17 =	vmul.f32 v17, v17;
	v16 =	vsub.f32 v23, v16;
	v22 =	vld [tilespmem:s29+$0x540];
	v14 =	vadd.f32 v15, v14  }
0x115: {  	v15 =	vld [tilespmem:s29+$0x8540]  }
0x116: {  	v14 =	vadd.f32 v17, v14;
	v16 =	vmul.f32 v16, v16;
	v17 =	vsub.f32 v21, v18;
	v21 =	vld [tilespmem:s29+$0x550]  }
0x117: {  	v23 =	vld [tilespmem:s29+$0x8550]  }
.Ltmp4:
0x118: {  	v18 =	vadd.f32 v16, v14;
	v17 =	vmul.f32 v17, v17;
	v19 =	vsub.f32 v20, v19;
	v14 =	vld [tilespmem:s29+$0x560];
	(pc) =	sbr.rel @p0 .LBB2_11-.Ltmp4, $4  }
0x119: {  	v16 =	vld [tilespmem:s29+$0x8560]  }
0x11a: {  	v20 =	vadd.f32 v17, v18;
	v19 =	vmul.f32 v19, v19;
	v22 =	vsub.f32 v22, v15;
	v15 =	vld [tilespmem:s29+$0x570]  }
0x11b: {  	v18 =	vld [tilespmem:s29+$0x8570];
	s29 =	sshra.s32 s30, $0x2  }
0x11c: {  	s30 =	sadd.s32 $0x1000, s30;
	v17 =	vld [tilespmem:s29+$0x500];
	v19 =	vadd.f32 v19, v20;
	v20 =	vmul.f32 v22, v22;
	v21 =	vsub.f32 v21, v23  }
0x11d: {  	v22 =	vld [tilespmem:s29+$0x8500]  }
0x11e: {  	v23 =	vld [tilespmem:s29+$0x510];
	v19 =	vadd.f32 v20, v19;
	v20 =	vmul.f32 v21, v21;
	v14 =	vsub.f32 v14, v16  }
0x11f: {  	v16 =	vld [tilespmem:s29+$0x8510]  }
0x120: {  	v21 =	vld [tilespmem:s29+$0x520];
	v19 =	vadd.f32 v20, v19;
	v14 =	vmul.f32 v14, v14;
	v15 =	vsub.f32 v15, v18  }
0x121: {  	v18 =	vld [tilespmem:s29+$0x8520]  }
0x122: {  	v20 =	vld [tilespmem:s29+$0x530];
	v17 =	vsub.f32 v17, v22;
	v14 =	vadd.f32 v14, v19;
	v15 =	vmul.f32 v15, v15  }
0x123: {  	v19 =	vld [tilespmem:s29+$0x8530]  }
0x124: {  	v22 =	vld [tilespmem:s29+$0x540];
	v16 =	vsub.f32 v23, v16;
	v17 =	vmul.f32 v17, v17;
	v14 =	vadd.f32 v15, v14  }
0x125: {  	v15 =	vld [tilespmem:s29+$0x8540]  }
0x126: {  	v16 =	vmul.f32 v16, v16;
	v14 =	vadd.f32 v17, v14;
	v17 =	vsub.f32 v21, v18;
	v18 =	vld [tilespmem:s29+$0x550]  }
0x127: {  	v21 =	vld [tilespmem:s29+$0x8550]  }
0x128: {  	v14 =	vadd.f32 v16, v14;
	v16 =	vmul.f32 v17, v17;
	v17 =	vsub.f32 v20, v19;
	v19 =	vld [tilespmem:s29+$0x560]  }
0x129: {  	v20 =	vld [tilespmem:s29+$0x8560]  }
0x12a: {  	v15 =	vsub.f32 v22, v15;
	v22 =	vld [tilespmem:s29+$0x8570];
	v14 =	vadd.f32 v16, v14;
	v16 =	vmul.f32 v17, v17  }
0x12b: {  	v17 =	vld [tilespmem:s29+$0x570]  }
0x12c: {  	v15 =	vmul.f32 v15, v15;
	v14 =	vadd.f32 v16, v14;
	v16 =	vsub.f32 v18, v21;
	_ =	sdelay $0x1  }
0x12d: {  	v14 =	vadd.f32 v15, v14;
	v15 =	vmul.f32 v16, v16;
	v16 =	vsub.f32 v19, v20;
	_ =	sdelay $0x1  }
0x12e: {  	v14 =	vadd.f32 v15, v14;
	v15 =	vmul.f32 v16, v16;
	v16 =	vsub.f32 v17, v22;
	_ =	sdelay $0x1  }
0x12f: {  	s30 =	simm.s32 $0x0;
	v14 =	vadd.f32 v15, v14;
	v15 =	vmul.f32 v16, v16  }
0x130: {  	v16 =	vld [tilespmem:s30+$0x580]  }
0x131: {  	v14 =	vadd.f32 v15, v14;
	v15 =	vld [tilespmem:s30+$0x8580]  }
0x132: {  	v19 =	vld [tilespmem:s30+$0x8590]  }
0x133: {  	v17 =	vld [tilespmem:s30+$0x590];
	v18 =	vperm.xlane v14, v0  }
0x134: {  	v20 =	vld [tilespmem:s30+$0x5A0]  }
0x135: {  	v14 =	vadd.f32 v18, v14;
	v18 =	vld [tilespmem:s30+$0x85A0]  }
0x136: {  	v22 =	vld [tilespmem:s30+$0x85B0];
	v15 =	vsub.f32 v16, v15  }
0x137: {  	v16 =	vld [tilespmem:s30+$0x5B0];
	v21 =	vperm.xlane v14, v1  }
0x138: {  	v23 =	vld [tilespmem:s30+$0x85C0];
	v17 =	vsub.f32 v17, v19;
	v15 =	vmul.f32 v15, v15  }
0x139: {  	v19 =	vld [tilespmem:s30+$0x5C0];
	v14 =	vadd.f32 v21, v14;
	v21 =	vimm.f32 $0.0e+00  }
0x13a: {  	v24 =	vld [tilespmem:s30+$0x5D0];
	v17 =	vmul.f32 v17, v17;
	v15 =	vadd.f32 v15, v21;
	v18 =	vsub.f32 v20, v18  }
0x13b: {  	v25 =	vld [tilespmem:s30+$0x85D0];
	v20 =	vperm.xlane v14, v2  }
0x13c: {  	v21 =	vsub.f32 v16, v22;
	v16 =	vld [tilespmem:s30+$0x5E0];
	v15 =	vadd.f32 v17, v15;
	v17 =	vmul.f32 v18, v18  }
0x13d: {  	v18 =	vld [tilespmem:s30+$0x85E0];
	v14 =	vadd.f32 v20, v14  }
0x13e: {  	v23 =	vsub.f32 v19, v23;
	v21 =	vmul.f32 v21, v21;
	v20 =	vld [tilespmem:s30+$0x85F0];
	v22 =	vadd.f32 v17, v15  }
0x13f: {  	s29 =	simm.s32 $0x400;
	v17 =	vld [tilespmem:s30+$0x5F0];
	v15 =	vperm.xlane v14, v3  }
0x140: {  	v19 =	vld [tilespmem:s29+$0x580];
	s30 =	simm.s32 $0x2000;
	v21 =	vadd.f32 v21, v22;
	v22 =	vmul.f32 v23, v23;
	v23 =	vsub.f32 v24, v25  }
.LBB2_13:
0x141: {  	p0 =	sne.s32 s30, $0xF000;
	v24 =	vld [tilespmem:s29+$0x8580]  }
0x142: {  	v25 =	vld [tilespmem:s29+$0x590];
	v21 =	vadd.f32 v22, v21;
	v22 =	vmul.f32 v23, v23;
	v16 =	vsub.f32 v16, v18  }
0x143: {  	v18 =	vld [tilespmem:s29+$0x8590]  }
0x144: {  	v23 =	vld [tilespmem:s29+$0x5A0];
	v21 =	vadd.f32 v22, v21;
	v16 =	vmul.f32 v16, v16;
	v17 =	vsub.f32 v17, v20  }
0x145: {  	v20 =	vld [tilespmem:s29+$0x85A0]  }
0x146: {  	v19 =	vsub.f32 v19, v24;
	v22 =	vld [tilespmem:s29+$0x5B0];
	v16 =	vadd.f32 v16, v21;
	v17 =	vmul.f32 v17, v17  }
0x147: {  	v21 =	vld [tilespmem:s29+$0x85B0]  }
0x148: {  	v19 =	vmul.f32 v19, v19;
	v18 =	vsub.f32 v25, v18;
	v24 =	vld [tilespmem:s29+$0x5C0];
	v16 =	vadd.f32 v17, v16  }
0x149: {  	v17 =	vld [tilespmem:s29+$0x85C0]  }
0x14a: {  	v16 =	vadd.f32 v19, v16;
	v18 =	vmul.f32 v18, v18;
	v19 =	vsub.f32 v23, v20;
	v23 =	vld [tilespmem:s29+$0x5D0]  }
0x14b: {  	v25 =	vld [tilespmem:s29+$0x85D0]  }
.Ltmp5:
0x14c: {  	v20 =	vadd.f32 v18, v16;
	v19 =	vmul.f32 v19, v19;
	v21 =	vsub.f32 v22, v21;
	v16 =	vld [tilespmem:s29+$0x5E0];
	(pc) =	sbr.rel @p0 .LBB2_13-.Ltmp5, $4  }
0x14d: {  	v18 =	vld [tilespmem:s29+$0x85E0]  }
0x14e: {  	v22 =	vadd.f32 v19, v20;
	v21 =	vmul.f32 v21, v21;
	v24 =	vsub.f32 v24, v17;
	v17 =	vld [tilespmem:s29+$0x5F0]  }
0x14f: {  	v20 =	vld [tilespmem:s29+$0x85F0];
	s29 =	sshra.s32 s30, $0x2  }
0x150: {  	s30 =	sadd.s32 $0x1000, s30;
	v19 =	vld [tilespmem:s29+$0x580];
	v21 =	vadd.f32 v21, v22;
	v22 =	vmul.f32 v24, v24;
	v23 =	vsub.f32 v23, v25  }
0x151: {  	v24 =	vld [tilespmem:s29+$0x8580]  }
0x152: {  	v25 =	vld [tilespmem:s29+$0x590];
	v21 =	vadd.f32 v22, v21;
	v22 =	vmul.f32 v23, v23;
	v16 =	vsub.f32 v16, v18  }
0x153: {  	v18 =	vld [tilespmem:s29+$0x8590]  }
0x154: {  	v23 =	vld [tilespmem:s29+$0x5A0];
	v21 =	vadd.f32 v22, v21;
	v16 =	vmul.f32 v16, v16;
	v17 =	vsub.f32 v17, v20  }
0x155: {  	v20 =	vld [tilespmem:s29+$0x85A0]  }
0x156: {  	v22 =	vld [tilespmem:s29+$0x5B0];
	v19 =	vsub.f32 v19, v24;
	v16 =	vadd.f32 v16, v21;
	v17 =	vmul.f32 v17, v17  }
0x157: {  	v21 =	vld [tilespmem:s29+$0x85B0]  }
0x158: {  	v24 =	vld [tilespmem:s29+$0x5C0];
	v18 =	vsub.f32 v25, v18;
	v19 =	vmul.f32 v19, v19;
	v16 =	vadd.f32 v17, v16  }
0x159: {  	v17 =	vld [tilespmem:s29+$0x85C0]  }
0x15a: {  	v18 =	vmul.f32 v18, v18;
	v16 =	vadd.f32 v19, v16;
	v19 =	vsub.f32 v23, v20;
	v20 =	vld [tilespmem:s29+$0x5D0]  }
0x15b: {  	v23 =	vld [tilespmem:s29+$0x85D0]  }
0x15c: {  	v16 =	vadd.f32 v18, v16;
	v18 =	vmul.f32 v19, v19;
	v19 =	vsub.f32 v22, v21;
	v21 =	vld [tilespmem:s29+$0x5E0]  }
0x15d: {  	v22 =	vld [tilespmem:s29+$0x85E0]  }
0x15e: {  	v17 =	vsub.f32 v24, v17;
	v24 =	vld [tilespmem:s29+$0x85F0];
	v16 =	vadd.f32 v18, v16;
	v18 =	vmul.f32 v19, v19  }
0x15f: {  	v19 =	vld [tilespmem:s29+$0x5F0]  }
0x160: {  	v17 =	vmul.f32 v17, v17;
	v16 =	vadd.f32 v18, v16;
	v18 =	vsub.f32 v20, v23;
	_ =	sdelay $0x1  }
0x161: {  	v16 =	vadd.f32 v17, v16;
	v17 =	vmul.f32 v18, v18;
	v18 =	vsub.f32 v21, v22;
	_ =	sdelay $0x1  }
0x162: {  	v16 =	vadd.f32 v17, v16;
	v17 =	vmul.f32 v18, v18;
	v18 =	vsub.f32 v19, v24;
	_ =	sdelay $0x1  }
0x163: {  	s30 =	simm.s32 $0x0;
	v16 =	vadd.f32 v17, v16;
	v17 =	vmul.f32 v18, v18  }
0x164: {  	v18 =	vld [tilespmem:s30+$0x600]  }
0x165: {  	v16 =	vadd.f32 v17, v16;
	v17 =	vld [tilespmem:s30+$0x8600]  }
0x166: {  	v21 =	vld [tilespmem:s30+$0x8610]  }
0x167: {  	v19 =	vld [tilespmem:s30+$0x610];
	v20 =	vperm.xlane v16, v0  }
0x168: {  	v22 =	vld [tilespmem:s30+$0x620]  }
0x169: {  	v16 =	vadd.f32 v20, v16;
	v20 =	vld [tilespmem:s30+$0x8620]  }
0x16a: {  	v24 =	vld [tilespmem:s30+$0x8630];
	v17 =	vsub.f32 v18, v17  }
0x16b: {  	v18 =	vld [tilespmem:s30+$0x630];
	v23 =	vperm.xlane v16, v1  }
0x16c: {  	v25 =	vld [tilespmem:s30+$0x8640];
	v19 =	vsub.f32 v19, v21;
	v17 =	vmul.f32 v17, v17  }
0x16d: {  	v21 =	vld [tilespmem:s30+$0x640];
	v16 =	vadd.f32 v23, v16;
	v23 =	vimm.f32 $0.0e+00  }
0x16e: {  	v26 =	vld [tilespmem:s30+$0x650];
	v19 =	vmul.f32 v19, v19;
	v17 =	vadd.f32 v17, v23;
	v20 =	vsub.f32 v22, v20  }
0x16f: {  	v27 =	vld [tilespmem:s30+$0x8650];
	v22 =	vperm.xlane v16, v2  }
0x170: {  	v23 =	vsub.f32 v18, v24;
	v18 =	vld [tilespmem:s30+$0x660];
	v17 =	vadd.f32 v19, v17;
	v19 =	vmul.f32 v20, v20  }
0x171: {  	v20 =	vld [tilespmem:s30+$0x8660];
	v16 =	vadd.f32 v22, v16  }
0x172: {  	v25 =	vsub.f32 v21, v25;
	v23 =	vmul.f32 v23, v23;
	v22 =	vld [tilespmem:s30+$0x8670];
	v24 =	vadd.f32 v19, v17  }
0x173: {  	s29 =	simm.s32 $0x400;
	v19 =	vld [tilespmem:s30+$0x670];
	v17 =	vperm.xlane v16, v3  }
0x174: {  	v21 =	vld [tilespmem:s29+$0x600];
	s30 =	simm.s32 $0x2000;
	v23 =	vadd.f32 v23, v24;
	v24 =	vmul.f32 v25, v25;
	v25 =	vsub.f32 v26, v27  }
.LBB2_15:
0x175: {  	p0 =	sne.s32 s30, $0xF000;
	v26 =	vld [tilespmem:s29+$0x8600]  }
0x176: {  	v27 =	vld [tilespmem:s29+$0x610];
	v23 =	vadd.f32 v24, v23;
	v24 =	vmul.f32 v25, v25;
	v18 =	vsub.f32 v18, v20  }
0x177: {  	v20 =	vld [tilespmem:s29+$0x8610]  }
0x178: {  	v25 =	vld [tilespmem:s29+$0x620];
	v23 =	vadd.f32 v24, v23;
	v18 =	vmul.f32 v18, v18;
	v19 =	vsub.f32 v19, v22  }
0x179: {  	v22 =	vld [tilespmem:s29+$0x8620]  }
0x17a: {  	v21 =	vsub.f32 v21, v26;
	v24 =	vld [tilespmem:s29+$0x630];
	v18 =	vadd.f32 v18, v23;
	v19 =	vmul.f32 v19, v19  }
0x17b: {  	v23 =	vld [tilespmem:s29+$0x8630]  }
0x17c: {  	v21 =	vmul.f32 v21, v21;
	v20 =	vsub.f32 v27, v20;
	v26 =	vld [tilespmem:s29+$0x640];
	v18 =	vadd.f32 v19, v18  }
0x17d: {  	v19 =	vld [tilespmem:s29+$0x8640]  }
0x17e: {  	v18 =	vadd.f32 v21, v18;
	v20 =	vmul.f32 v20, v20;
	v21 =	vsub.f32 v25, v22;
	v25 =	vld [tilespmem:s29+$0x650]  }
0x17f: {  	v27 =	vld [tilespmem:s29+$0x8650]  }
.Ltmp6:
0x180: {  	v22 =	vadd.f32 v20, v18;
	v21 =	vmul.f32 v21, v21;
	v23 =	vsub.f32 v24, v23;
	v18 =	vld [tilespmem:s29+$0x660];
	(pc) =	sbr.rel @p0 .LBB2_15-.Ltmp6, $4  }
0x181: {  	v20 =	vld [tilespmem:s29+$0x8660]  }
0x182: {  	v24 =	vadd.f32 v21, v22;
	v23 =	vmul.f32 v23, v23;
	v26 =	vsub.f32 v26, v19;
	v19 =	vld [tilespmem:s29+$0x670]  }
0x183: {  	v22 =	vld [tilespmem:s29+$0x8670];
	s29 =	sshra.s32 s30, $0x2  }
0x184: {  	s30 =	sadd.s32 $0x1000, s30;
	v21 =	vld [tilespmem:s29+$0x600];
	v23 =	vadd.f32 v23, v24;
	v24 =	vmul.f32 v26, v26;
	v25 =	vsub.f32 v25, v27  }
0x185: {  	v26 =	vld [tilespmem:s29+$0x8600]  }
0x186: {  	v27 =	vld [tilespmem:s29+$0x610];
	v23 =	vadd.f32 v24, v23;
	v24 =	vmul.f32 v25, v25;
	v18 =	vsub.f32 v18, v20  }
0x187: {  	v20 =	vld [tilespmem:s29+$0x8610]  }
0x188: {  	v25 =	vld [tilespmem:s29+$0x620];
	v23 =	vadd.f32 v24, v23;
	v18 =	vmul.f32 v18, v18;
	v19 =	vsub.f32 v19, v22  }
0x189: {  	v22 =	vld [tilespmem:s29+$0x8620]  }
0x18a: {  	v24 =	vld [tilespmem:s29+$0x630];
	v21 =	vsub.f32 v21, v26;
	v18 =	vadd.f32 v18, v23;
	v19 =	vmul.f32 v19, v19  }
0x18b: {  	v23 =	vld [tilespmem:s29+$0x8630]  }
0x18c: {  	v26 =	vld [tilespmem:s29+$0x640];
	v20 =	vsub.f32 v27, v20;
	v21 =	vmul.f32 v21, v21;
	v18 =	vadd.f32 v19, v18  }
0x18d: {  	v19 =	vld [tilespmem:s29+$0x8640]  }
0x18e: {  	v20 =	vmul.f32 v20, v20;
	v18 =	vadd.f32 v21, v18;
	v21 =	vsub.f32 v25, v22;
	v22 =	vld [tilespmem:s29+$0x650]  }
0x18f: {  	v25 =	vld [tilespmem:s29+$0x8650]  }
0x190: {  	v18 =	vadd.f32 v20, v18;
	v20 =	vmul.f32 v21, v21;
	v21 =	vsub.f32 v24, v23;
	v23 =	vld [tilespmem:s29+$0x660]  }
0x191: {  	v24 =	vld [tilespmem:s29+$0x8660]  }
0x192: {  	v19 =	vsub.f32 v26, v19;
	v26 =	vld [tilespmem:s29+$0x8670];
	v18 =	vadd.f32 v20, v18;
	v20 =	vmul.f32 v21, v21  }
0x193: {  	v21 =	vld [tilespmem:s29+$0x670]  }
0x194: {  	v19 =	vmul.f32 v19, v19;
	v18 =	vadd.f32 v20, v18;
	v20 =	vsub.f32 v22, v25;
	_ =	sdelay $0x1  }
0x195: {  	v18 =	vadd.f32 v19, v18;
	v19 =	vmul.f32 v20, v20;
	v20 =	vsub.f32 v23, v24;
	_ =	sdelay $0x1  }
0x196: {  	v18 =	vadd.f32 v19, v18;
	v19 =	vmul.f32 v20, v20;
	v20 =	vsub.f32 v21, v26;
	_ =	sdelay $0x1  }
0x197: {  	s29 =	simm.s32 $0x0;
	v18 =	vadd.f32 v19, v18;
	v19 =	vmul.f32 v20, v20  }
0x198: {  	v20 =	vld [tilespmem:s29+$0x680]  }
0x199: {  	v18 =	vadd.f32 v19, v18;
	v19 =	vld [tilespmem:s29+$0x8680]  }
0x19a: {  	v23 =	vld [tilespmem:s29+$0x8690]  }
0x19b: {  	v21 =	vld [tilespmem:s29+$0x690];
	v22 =	vperm.xlane v18, v0  }
0x19c: {  	v24 =	vld [tilespmem:s29+$0x6A0]  }
0x19d: {  	v18 =	vadd.f32 v22, v18;
	v22 =	vld [tilespmem:s29+$0x86A0]  }
0x19e: {  	v26 =	vld [tilespmem:s29+$0x86B0];
	v19 =	vsub.f32 v20, v19  }
0x19f: {  	v20 =	vld [tilespmem:s29+$0x6B0];
	v25 =	vperm.xlane v18, v1  }
0x1a0: {  	v27 =	vld [tilespmem:s29+$0x6C0];
	v21 =	vsub.f32 v21, v23;
	v19 =	vmul.f32 v19, v19  }
0x1a1: {  	v23 =	vimm.f32 $0.0e+00;
	v18 =	vadd.f32 v25, v18;
	v25 =	vld [tilespmem:s29+$0x86C0]  }
0x1a2: {  	v28 =	vld [tilespmem:s29+$0x6D0];
	v21 =	vmul.f32 v21, v21;
	v19 =	vadd.f32 v19, v23;
	v22 =	vsub.f32 v24, v22  }
0x1a3: {  	v29 =	vld [tilespmem:s29+$0x86D0];
	v23 =	vperm.xlane v18, v2  }
0x1a4: {  	v19 =	vadd.f32 v21, v19;
	v21 =	vmul.f32 v22, v22;
	v22 =	vsub.f32 v20, v26;
	v20 =	vld [tilespmem:s29+$0x6E0]  }
0x1a5: {  	v18 =	vadd.f32 v23, v18;
	v23 =	vld [tilespmem:s29+$0x86E0]  }
0x1a6: {  	v24 =	vld [tilespmem:s29+$0x86F0];
	v26 =	vadd.f32 v21, v19;
	v30 =	vmul.f32 v22, v22;
	v27 =	vsub.f32 v27, v25  }
0x1a7: {  	s30 =	simm.s32 $0x400;
	v21 =	vld [tilespmem:s29+$0x6F0];
	v19 =	vperm.xlane v18, v3  }
0x1a8: {  	v22 =	vld [tilespmem:s30+$0x680];
	s29 =	simm.s32 $0x2000;
	v25 =	vadd.f32 v30, v26;
	v26 =	vmul.f32 v27, v27;
	v27 =	vsub.f32 v28, v29  }
.LBB2_17:
0x1a9: {  	p0 =	sne.s32 s29, $0xF000;
	v28 =	vld [tilespmem:s30+$0x8680]  }
0x1aa: {  	v29 =	vld [tilespmem:s30+$0x690];
	v25 =	vadd.f32 v26, v25;
	v26 =	vmul.f32 v27, v27;
	v20 =	vsub.f32 v20, v23  }
0x1ab: {  	v23 =	vld [tilespmem:s30+$0x8690]  }
0x1ac: {  	v27 =	vld [tilespmem:s30+$0x6A0];
	v25 =	vadd.f32 v26, v25;
	v20 =	vmul.f32 v20, v20;
	v21 =	vsub.f32 v21, v24  }
0x1ad: {  	v24 =	vld [tilespmem:s30+$0x86A0]  }
0x1ae: {  	v22 =	vsub.f32 v22, v28;
	v26 =	vld [tilespmem:s30+$0x6B0];
	v20 =	vadd.f32 v20, v25;
	v21 =	vmul.f32 v21, v21  }
0x1af: {  	v25 =	vld [tilespmem:s30+$0x86B0]  }
0x1b0: {  	v22 =	vmul.f32 v22, v22;
	v23 =	vsub.f32 v29, v23;
	v28 =	vld [tilespmem:s30+$0x6C0];
	v20 =	vadd.f32 v21, v20  }
0x1b1: {  	v21 =	vld [tilespmem:s30+$0x86C0]  }
0x1b2: {  	v20 =	vadd.f32 v22, v20;
	v22 =	vmul.f32 v23, v23;
	v23 =	vsub.f32 v27, v24;
	v27 =	vld [tilespmem:s30+$0x6D0]  }
0x1b3: {  	v29 =	vld [tilespmem:s30+$0x86D0]  }
.Ltmp7:
0x1b4: {  	v22 =	vadd.f32 v22, v20;
	v24 =	vmul.f32 v23, v23;
	v25 =	vsub.f32 v26, v25;
	v20 =	vld [tilespmem:s30+$0x6E0];
	(pc) =	sbr.rel @p0 .LBB2_17-.Ltmp7, $4  }
0x1b5: {  	v23 =	vld [tilespmem:s30+$0x86E0]  }
0x1b6: {  	v26 =	vadd.f32 v24, v22;
	v25 =	vmul.f32 v25, v25;
	v28 =	vsub.f32 v28, v21;
	v21 =	vld [tilespmem:s30+$0x6F0]  }
0x1b7: {  	v24 =	vld [tilespmem:s30+$0x86F0];
	s30 =	sshra.s32 s29, $0x2  }
0x1b8: {  	s29 =	sadd.s32 $0x1000, s29;
	v22 =	vld [tilespmem:s30+$0x680];
	v25 =	vadd.f32 v25, v26;
	v26 =	vmul.f32 v28, v28;
	v27 =	vsub.f32 v27, v29  }
0x1b9: {  	v28 =	vld [tilespmem:s30+$0x8680]  }
0x1ba: {  	v29 =	vld [tilespmem:s30+$0x690]  }
0x1bb: {  	v30 =	vld [tilespmem:s30+$0x8690]  }
0x1bc: {  	v25 =	vadd.f32 v26, v25;
	v26 =	vmul.f32 v27, v27;
	v20 =	vsub.f32 v20, v23;
	v23 =	vld [tilespmem:s30+$0x6A0]  }
0x1bd: {  	v27 =	vld [tilespmem:s30+$0x86A0]  }
0x1be: {  	v25 =	vadd.f32 v26, v25;
	v20 =	vmul.f32 v20, v20;
	v21 =	vsub.f32 v21, v24;
	v24 =	vld [tilespmem:s30+$0x6B0]  }
0x1bf: {  	v26 =	vld [tilespmem:s30+$0x86B0]  }
0x1c0: {  	v22 =	vsub.f32 v22, v28;
	v20 =	vadd.f32 v20, v25;
	v21 =	vmul.f32 v21, v21;
	v25 =	vld [tilespmem:s30+$0x6C0]  }
0x1c1: {  	v28 =	vld [tilespmem:s30+$0x86C0]  }
0x1c2: {  	v29 =	vsub.f32 v29, v30;
	v30 =	vld [tilespmem:s30+$0x86D0];
	v22 =	vmul.f32 v22, v22;
	v20 =	vadd.f32 v21, v20  }
0x1c3: {  	s29 =	sshll.u32 s28, $0x1;
	v23 =	vsub.f32 v23, v27;
	v27 =	vld [tilespmem:s30+$0x6E0]  }
0x1c4: {  	s31 =	smin.u32 s29, $0x3D;
	v21 =	vld [tilespmem:s30+$0x6D0];
	v20 =	vadd.f32 v22, v20;
	v22 =	vmul.f32 v29, v29  }
0x1c5: {  	s31 =	sadd.s32 s31, s12;
	v29 =	vld [tilespmem:s30+$0x86E0]  }
0x1c6: {  	s31 =	sshll.u32 s31, $0xB;
	v20 =	vadd.f32 v22, v20;
	v22 =	vmul.f32 v23, v23;
	v23 =	vsub.f32 v24, v26;
	v24 =	vld [tilespmem:s30+$0x6F0]  }
0x1c7: {  	s0 =	simm.s32 $0x0;
	v26 =	vld [tilespmem:s30+$0x86F0];
	s30 =	sadd.s32 s1, s31  }
0x1c8: {  	[tilespmem:s19], [sflag:$0x1] =	stream.linear.gather [hbm4b:s30+s0], $0x4000, $0x38;
	v20 =	vadd.f32 v22, v20;
	v22 =	vmul.f32 v23, v23;
	v23 =	vsub.f32 v25, v28;
	[tilespmem:$0x10500] =	vst v63  }
0x1c9: {  	s30 =	sadd.s32 s2, s31  }
0x1ca: {  	v21 =	vsub.f32 v21, v30;
	[tilespmem:s20], [sflag:$0x1] =	stream.linear.gather [hbm4b:s30+s0], $0x4000, $0x38;
	v20 =	vadd.f32 v22, v20;
	v22 =	vmul.f32 v23, v23;
	[tilespmem:$0x10500] =	vst v63  }
0x1cb: {  	_ =	swait.ge [sflag:s24], $0x4000  }
0x1cc: {  	v21 =	vmul.f32 v21, v21;
	[sflag:s24] =	ssyncset.done $0x0;
	v20 =	vadd.f32 v22, v20;
	v22 =	vsub.f32 v27, v29  }
0x1cd: {  	[sflag:s24] =	ssyncadd.s32 $0xFFFFC000  }
0x1ce: {  	_ =	swait.ge [sflag:s24], $0x4000;
	v20 =	vadd.f32 v21, v20;
	v21 =	vmul.f32 v22, v22;
	v22 =	vsub.f32 v24, v26  }
0x1cf: {  	[sflag:s24] =	ssyncset.done $0x0  }
0x1d0: {  	s0 =	simm.s32 $0x0;
	[sflag:s24] =	ssyncadd.s32 $0xFFFFC000;
	v20 =	vadd.f32 v21, v20;
	v21 =	vmul.f32 v22, v22  }
0x1d1: {  	v22 =	vld [tilespmem:s0+$0x4300]  }
0x1d2: {  	v20 =	vadd.f32 v21, v20;
	v21 =	vld [tilespmem:s0+$0xC300]  }
0x1d3: {  	v23 =	vld [tilespmem:s0+$0x4310]  }
0x1d4: {  	v25 =	vld [tilespmem:s0+$0xC310];
	v24 =	vperm.xlane v20, v0  }
0x1d5: {  	v26 =	vld [tilespmem:s0+$0x4320]  }
0x1d6: {  	v20 =	vadd.f32 v24, v20;
	v24 =	vld [tilespmem:s0+$0xC320]  }
0x1d7: {  	v28 =	vld [tilespmem:s0+$0xC330];
	v21 =	vsub.f32 v22, v21  }
0x1d8: {  	v22 =	vld [tilespmem:s0+$0x4330];
	v27 =	vperm.xlane v20, v1  }
0x1d9: {  	v29 =	vld [tilespmem:s0+$0xC340];
	v23 =	vsub.f32 v23, v25;
	v21 =	vmul.f32 v21, v21  }
0x1da: {  	v25 =	vld [tilespmem:s0+$0x4340];
	v20 =	vadd.f32 v27, v20;
	v27 =	vimm.f32 $0.0e+00  }
0x1db: {  	v30 =	vld [tilespmem:s0+$0x4350];
	v23 =	vmul.f32 v23, v23;
	v21 =	vadd.f32 v21, v27;
	v24 =	vsub.f32 v26, v24  }
0x1dc: {  	v31 =	vld [tilespmem:s0+$0xC350];
	v26 =	vperm.xlane v20, v2  }
0x1dd: {  	v27 =	vsub.f32 v22, v28;
	v22 =	vld [tilespmem:s0+$0x4360];
	v21 =	vadd.f32 v23, v21;
	v23 =	vmul.f32 v24, v24  }
0x1de: {  	v24 =	vld [tilespmem:s0+$0xC360];
	v20 =	vadd.f32 v26, v20  }
0x1df: {  	v29 =	vsub.f32 v25, v29;
	v27 =	vmul.f32 v27, v27;
	v26 =	vld [tilespmem:s0+$0xC370];
	v28 =	vadd.f32 v23, v21  }
0x1e0: {  	s30 =	simm.s32 $0x400;
	v23 =	vld [tilespmem:s0+$0x4370];
	v21 =	vperm.xlane v20, v3  }
0x1e1: {  	s31 =	simm.s32 $0x2000;
	v25 =	vld [tilespmem:s30+$0x4300];
	v27 =	vadd.f32 v27, v28;
	v28 =	vmul.f32 v29, v29;
	v29 =	vsub.f32 v30, v31  }
.LBB2_19:
0x1e2: {  	p0 =	sne.s32 s31, $0xF000;
	v30 =	vld [tilespmem:s30+$0xC300]  }
0x1e3: {  	v31 =	vld [tilespmem:s30+$0x4310];
	v27 =	vadd.f32 v28, v27;
	v28 =	vmul.f32 v29, v29;
	v22 =	vsub.f32 v22, v24  }
0x1e4: {  	v24 =	vld [tilespmem:s30+$0xC310]  }
0x1e5: {  	v29 =	vld [tilespmem:s30+$0x4320];
	v27 =	vadd.f32 v28, v27;
	v22 =	vmul.f32 v22, v22;
	v23 =	vsub.f32 v23, v26  }
0x1e6: {  	v26 =	vld [tilespmem:s30+$0xC320]  }
0x1e7: {  	v25 =	vsub.f32 v25, v30;
	v28 =	vld [tilespmem:s30+$0x4330];
	v22 =	vadd.f32 v22, v27;
	v23 =	vmul.f32 v23, v23  }
0x1e8: {  	v27 =	vld [tilespmem:s30+$0xC330]  }
0x1e9: {  	v25 =	vmul.f32 v25, v25;
	v24 =	vsub.f32 v31, v24;
	v30 =	vld [tilespmem:s30+$0x4340];
	v22 =	vadd.f32 v23, v22  }
0x1ea: {  	v23 =	vld [tilespmem:s30+$0xC340]  }
0x1eb: {  	v22 =	vadd.f32 v25, v22;
	v24 =	vmul.f32 v24, v24;
	v25 =	vsub.f32 v29, v26;
	v29 =	vld [tilespmem:s30+$0x4350]  }
0x1ec: {  	v31 =	vld [tilespmem:s30+$0xC350]  }
.Ltmp8:
0x1ed: {  	v26 =	vadd.f32 v24, v22;
	v25 =	vmul.f32 v25, v25;
	v27 =	vsub.f32 v28, v27;
	v22 =	vld [tilespmem:s30+$0x4360];
	(pc) =	sbr.rel @p0 .LBB2_19-.Ltmp8, $4  }
0x1ee: {  	v24 =	vld [tilespmem:s30+$0xC360]  }
0x1ef: {  	v28 =	vadd.f32 v25, v26;
	v27 =	vmul.f32 v27, v27;
	v30 =	vsub.f32 v30, v23;
	v23 =	vld [tilespmem:s30+$0x4370]  }
0x1f0: {  	v26 =	vld [tilespmem:s30+$0xC370];
	s30 =	sshra.s32 s31, $0x2  }
0x1f1: {  	s31 =	sadd.s32 $0x1000, s31;
	v25 =	vld [tilespmem:s30+$0x4300];
	v27 =	vadd.f32 v27, v28;
	v28 =	vmul.f32 v30, v30;
	v29 =	vsub.f32 v29, v31  }
0x1f2: {  	v30 =	vld [tilespmem:s30+$0xC300]  }
0x1f3: {  	v31 =	vld [tilespmem:s30+$0x4310];
	v27 =	vadd.f32 v28, v27;
	v28 =	vmul.f32 v29, v29;
	v22 =	vsub.f32 v22, v24  }
0x1f4: {  	v24 =	vld [tilespmem:s30+$0xC310]  }
0x1f5: {  	v29 =	vld [tilespmem:s30+$0x4320];
	v27 =	vadd.f32 v28, v27;
	v22 =	vmul.f32 v22, v22;
	v23 =	vsub.f32 v23, v26  }
0x1f6: {  	v26 =	vld [tilespmem:s30+$0xC320]  }
0x1f7: {  	v28 =	vld [tilespmem:s30+$0x4330];
	v25 =	vsub.f32 v25, v30;
	v22 =	vadd.f32 v22, v27;
	v23 =	vmul.f32 v23, v23  }
0x1f8: {  	v27 =	vld [tilespmem:s30+$0xC330]  }
0x1f9: {  	v30 =	vld [tilespmem:s30+$0x4340];
	v24 =	vsub.f32 v31, v24;
	v25 =	vmul.f32 v25, v25;
	v22 =	vadd.f32 v23, v22  }
0x1fa: {  	v23 =	vld [tilespmem:s30+$0xC340]  }
0x1fb: {  	v24 =	vmul.f32 v24, v24;
	v22 =	vadd.f32 v25, v22;
	v25 =	vsub.f32 v29, v26;
	v26 =	vld [tilespmem:s30+$0x4350]  }
0x1fc: {  	v29 =	vld [tilespmem:s30+$0xC350]  }
0x1fd: {  	v22 =	vadd.f32 v24, v22;
	v24 =	vmul.f32 v25, v25;
	v25 =	vsub.f32 v28, v27;
	v27 =	vld [tilespmem:s30+$0x4360]  }
0x1fe: {  	v28 =	vld [tilespmem:s30+$0xC360]  }
0x1ff: {  	v23 =	vsub.f32 v30, v23;
	v30 =	vld [tilespmem:s30+$0xC370];
	v22 =	vadd.f32 v24, v22;
	v24 =	vmul.f32 v25, v25  }
0x200: {  	v25 =	vld [tilespmem:s30+$0x4370]  }
0x201: {  	v23 =	vmul.f32 v23, v23;
	v22 =	vadd.f32 v24, v22;
	v24 =	vsub.f32 v26, v29;
	_ =	sdelay $0x1  }
0x202: {  	v22 =	vadd.f32 v23, v22;
	v23 =	vmul.f32 v24, v24;
	v24 =	vsub.f32 v27, v28;
	_ =	sdelay $0x1  }
0x203: {  	v22 =	vadd.f32 v23, v22;
	v23 =	vmul.f32 v24, v24;
	v24 =	vsub.f32 v25, v30;
	_ =	sdelay $0x1  }
0x204: {  	s0 =	simm.s32 $0x0;
	v22 =	vadd.f32 v23, v22;
	v23 =	vmul.f32 v24, v24  }
0x205: {  	v24 =	vld [tilespmem:s0+$0x4380]  }
0x206: {  	v22 =	vadd.f32 v23, v22;
	v23 =	vld [tilespmem:s0+$0xC380]  }
0x207: {  	v27 =	vld [tilespmem:s0+$0xC390]  }
0x208: {  	v25 =	vld [tilespmem:s0+$0x4390];
	v26 =	vperm.xlane v22, v0  }
0x209: {  	v28 =	vld [tilespmem:s0+$0x43A0]  }
0x20a: {  	v22 =	vadd.f32 v26, v22;
	v26 =	vld [tilespmem:s0+$0xC3A0]  }
0x20b: {  	v30 =	vld [tilespmem:s0+$0xC3B0];
	v23 =	vsub.f32 v24, v23  }
0x20c: {  	v24 =	vld [tilespmem:s0+$0x43B0];
	v29 =	vperm.xlane v22, v1  }
0x20d: {  	v31 =	vld [tilespmem:s0+$0xC3C0];
	v25 =	vsub.f32 v25, v27;
	v23 =	vmul.f32 v23, v23  }
0x20e: {  	v27 =	vld [tilespmem:s0+$0x43C0];
	v22 =	vadd.f32 v29, v22;
	v29 =	vimm.f32 $0.0e+00  }
0x20f: {  	v32 =	vld [tilespmem:s0+$0x43D0];
	v25 =	vmul.f32 v25, v25;
	v23 =	vadd.f32 v23, v29;
	v26 =	vsub.f32 v28, v26  }
0x210: {  	v33 =	vld [tilespmem:s0+$0xC3D0];
	v28 =	vperm.xlane v22, v2  }
0x211: {  	v29 =	vsub.f32 v24, v30;
	v24 =	vld [tilespmem:s0+$0x43E0];
	v23 =	vadd.f32 v25, v23;
	v25 =	vmul.f32 v26, v26  }
0x212: {  	v26 =	vld [tilespmem:s0+$0xC3E0];
	v22 =	vadd.f32 v28, v22  }
0x213: {  	v31 =	vsub.f32 v27, v31;
	v29 =	vmul.f32 v29, v29;
	v28 =	vld [tilespmem:s0+$0xC3F0];
	v30 =	vadd.f32 v25, v23  }
0x214: {  	s30 =	simm.s32 $0x400;
	v25 =	vld [tilespmem:s0+$0x43F0];
	v23 =	vperm.xlane v22, v3  }
0x215: {  	s31 =	simm.s32 $0x2000;
	v27 =	vld [tilespmem:s30+$0x4380];
	v29 =	vadd.f32 v29, v30;
	v30 =	vmul.f32 v31, v31;
	v31 =	vsub.f32 v32, v33  }
.LBB2_21:
0x216: {  	p0 =	sne.s32 s31, $0xF000;
	v32 =	vld [tilespmem:s30+$0xC380]  }
0x217: {  	v33 =	vld [tilespmem:s30+$0x4390];
	v29 =	vadd.f32 v30, v29;
	v30 =	vmul.f32 v31, v31;
	v24 =	vsub.f32 v24, v26  }
0x218: {  	v26 =	vld [tilespmem:s30+$0xC390]  }
0x219: {  	v31 =	vld [tilespmem:s30+$0x43A0];
	v29 =	vadd.f32 v30, v29;
	v24 =	vmul.f32 v24, v24;
	v25 =	vsub.f32 v25, v28  }
0x21a: {  	v28 =	vld [tilespmem:s30+$0xC3A0]  }
0x21b: {  	v27 =	vsub.f32 v27, v32;
	v30 =	vld [tilespmem:s30+$0x43B0];
	v24 =	vadd.f32 v24, v29;
	v25 =	vmul.f32 v25, v25  }
0x21c: {  	v29 =	vld [tilespmem:s30+$0xC3B0]  }
0x21d: {  	v27 =	vmul.f32 v27, v27;
	v26 =	vsub.f32 v33, v26;
	v32 =	vld [tilespmem:s30+$0x43C0];
	v24 =	vadd.f32 v25, v24  }
0x21e: {  	v25 =	vld [tilespmem:s30+$0xC3C0]  }
0x21f: {  	v24 =	vadd.f32 v27, v24;
	v26 =	vmul.f32 v26, v26;
	v27 =	vsub.f32 v31, v28;
	v31 =	vld [tilespmem:s30+$0x43D0]  }
0x220: {  	v33 =	vld [tilespmem:s30+$0xC3D0]  }
.Ltmp9:
0x221: {  	v28 =	vadd.f32 v26, v24;
	v27 =	vmul.f32 v27, v27;
	v29 =	vsub.f32 v30, v29;
	v24 =	vld [tilespmem:s30+$0x43E0];
	(pc) =	sbr.rel @p0 .LBB2_21-.Ltmp9, $4  }
0x222: {  	v26 =	vld [tilespmem:s30+$0xC3E0]  }
0x223: {  	v30 =	vadd.f32 v27, v28;
	v29 =	vmul.f32 v29, v29;
	v32 =	vsub.f32 v32, v25;
	v25 =	vld [tilespmem:s30+$0x43F0]  }
0x224: {  	v28 =	vld [tilespmem:s30+$0xC3F0];
	s30 =	sshra.s32 s31, $0x2  }
0x225: {  	s31 =	sadd.s32 $0x1000, s31;
	v27 =	vld [tilespmem:s30+$0x4380];
	v29 =	vadd.f32 v29, v30;
	v30 =	vmul.f32 v32, v32;
	v31 =	vsub.f32 v31, v33  }
0x226: {  	v32 =	vld [tilespmem:s30+$0xC380]  }
0x227: {  	v33 =	vld [tilespmem:s30+$0x4390];
	v29 =	vadd.f32 v30, v29;
	v30 =	vmul.f32 v31, v31;
	v24 =	vsub.f32 v24, v26  }
0x228: {  	v26 =	vld [tilespmem:s30+$0xC390]  }
0x229: {  	v31 =	vld [tilespmem:s30+$0x43A0];
	v29 =	vadd.f32 v30, v29;
	v24 =	vmul.f32 v24, v24;
	v25 =	vsub.f32 v25, v28  }
0x22a: {  	v28 =	vld [tilespmem:s30+$0xC3A0]  }
0x22b: {  	v30 =	vld [tilespmem:s30+$0x43B0];
	v27 =	vsub.f32 v27, v32;
	v24 =	vadd.f32 v24, v29;
	v25 =	vmul.f32 v25, v25  }
0x22c: {  	v29 =	vld [tilespmem:s30+$0xC3B0]  }
0x22d: {  	v59 =	vld [tilespmem:s30+$0x43C0];
	v26 =	vsub.f32 v33, v26;
	v27 =	vmul.f32 v27, v27;
	v24 =	vadd.f32 v25, v24  }
0x22e: {  	v25 =	vld [tilespmem:s30+$0xC3C0]  }
0x22f: {  	v26 =	vmul.f32 v26, v26;
	v24 =	vadd.f32 v27, v24;
	v27 =	vsub.f32 v31, v28;
	v28 =	vld [tilespmem:s30+$0x43D0]  }
0x230: {  	v31 =	vld [tilespmem:s30+$0xC3D0]  }
0x231: {  	v24 =	vadd.f32 v26, v24;
	v26 =	vmul.f32 v27, v27;
	v27 =	vsub.f32 v30, v29;
	v29 =	vld [tilespmem:s30+$0x43E0]  }
0x232: {  	v30 =	vld [tilespmem:s30+$0xC3E0]  }
0x233: {  	v60 =	vld [tilespmem:s30+$0xC3F0];
	v25 =	vsub.f32 v59, v25;
	v24 =	vadd.f32 v26, v24;
	v26 =	vmul.f32 v27, v27  }
0x234: {  	v27 =	vld [tilespmem:s30+$0x43F0]  }
0x235: {  	v25 =	vmul.f32 v25, v25;
	v24 =	vadd.f32 v26, v24;
	v26 =	vsub.f32 v28, v31;
	_ =	sdelay $0x1  }
0x236: {  	v24 =	vadd.f32 v25, v24;
	v25 =	vmul.f32 v26, v26;
	v26 =	vsub.f32 v29, v30;
	_ =	sdelay $0x1  }
0x237: {  	v24 =	vadd.f32 v25, v24;
	v25 =	vmul.f32 v26, v26;
	v26 =	vsub.f32 v27, v60  }
0x238: {  	s0 =	simm.s32 $0x0  }
0x239: {  	v61 =	vld [tilespmem:s0+$0xC430];
	v24 =	vadd.f32 v25, v24;
	v25 =	vmul.f32 v26, v26  }
0x23a: {  	v26 =	vld [tilespmem:s0+$0x4400]  }
0x23b: {  	v24 =	vadd.f32 v25, v24;
	v25 =	vld [tilespmem:s0+$0xC400]  }
0x23c: {  	v29 =	vld [tilespmem:s0+$0xC410]  }
0x23d: {  	v27 =	vld [tilespmem:s0+$0x4410];
	v28 =	vperm.xlane v24, v0  }
0x23e: {  	v30 =	vld [tilespmem:s0+$0x4420]  }
0x23f: {  	v24 =	vadd.f32 v28, v24;
	v28 =	vld [tilespmem:s0+$0xC420]  }
0x240: {  	v62 =	vld [tilespmem:s0+$0xC440];
	v25 =	vsub.f32 v26, v25  }
0x241: {  	v26 =	vld [tilespmem:s0+$0x4430];
	v31 =	vperm.xlane v24, v1  }
0x242: {  	v27 =	vsub.f32 v27, v29;
	v29 =	vld [tilespmem:s0+$0x4440];
	v25 =	vmul.f32 v25, v25  }
0x243: {  	v24 =	vadd.f32 v31, v24;
	v31 =	vimm.f32 $0.0e+00  }
0x244: {  	v34 =	vld [tilespmem:s0+$0x4450];
	v27 =	vmul.f32 v27, v27;
	v25 =	vadd.f32 v25, v31;
	v28 =	vsub.f32 v30, v28  }
0x245: {  	v35 =	vld [tilespmem:s0+$0xC450];
	v30 =	vperm.xlane v24, v2  }
0x246: {  	v31 =	vsub.f32 v26, v61;
	v26 =	vld [tilespmem:s0+$0x4460];
	v25 =	vadd.f32 v27, v25;
	v27 =	vmul.f32 v28, v28  }
0x247: {  	v33 =	vsub.f32 v29, v62;
	v28 =	vld [tilespmem:s0+$0xC460]  }
0x248: {  	v24 =	vadd.f32 v30, v24;
	v31 =	vmul.f32 v31, v31;
	v30 =	vld [tilespmem:s0+$0xC470];
	v63 =	vadd.f32 v27, v25  }
0x249: {  	s30 =	simm.s32 $0x400;
	v32 =	vmul.f32 v33, v33;
	v27 =	vld [tilespmem:s0+$0x4470]  }
0x24a: {  	s31 =	simm.s32 $0x2000;
	v29 =	vld [tilespmem:s30+$0x4400];
	v33 =	vsub.f32 v34, v35;
	v25 =	vperm.xlane v24, v3;
	v31 =	vadd.f32 v31, v63  }
.LBB2_23:
0x24b: {  	p0 =	sne.s32 s31, $0xF000;
	v34 =	vld [tilespmem:s30+$0xC400]  }
0x24c: {  	v35 =	vld [tilespmem:s30+$0x4410];
	v31 =	vadd.f32 v32, v31;
	v32 =	vmul.f32 v33, v33;
	v26 =	vsub.f32 v26, v28  }
0x24d: {  	v28 =	vld [tilespmem:s30+$0xC410]  }
0x24e: {  	v33 =	vld [tilespmem:s30+$0x4420];
	v31 =	vadd.f32 v32, v31;
	v26 =	vmul.f32 v26, v26;
	v27 =	vsub.f32 v27, v30  }
0x24f: {  	v30 =	vld [tilespmem:s30+$0xC420]  }
0x250: {  	v29 =	vsub.f32 v29, v34;
	v32 =	vld [tilespmem:s30+$0x4430];
	v26 =	vadd.f32 v26, v31;
	v27 =	vmul.f32 v27, v27  }
0x251: {  	v31 =	vld [tilespmem:s30+$0xC430]  }
0x252: {  	v29 =	vmul.f32 v29, v29;
	v28 =	vsub.f32 v35, v28;
	v34 =	vld [tilespmem:s30+$0x4440];
	v26 =	vadd.f32 v27, v26  }
0x253: {  	v27 =	vld [tilespmem:s30+$0xC440]  }
0x254: {  	v26 =	vadd.f32 v29, v26;
	v28 =	vmul.f32 v28, v28;
	v29 =	vsub.f32 v33, v30;
	v33 =	vld [tilespmem:s30+$0x4450]  }
0x255: {  	v35 =	vld [tilespmem:s30+$0xC450]  }
.Ltmp10:
0x256: {  	v30 =	vadd.f32 v28, v26;
	v29 =	vmul.f32 v29, v29;
	v31 =	vsub.f32 v32, v31;
	v26 =	vld [tilespmem:s30+$0x4460];
	(pc) =	sbr.rel @p0 .LBB2_23-.Ltmp10, $4  }
0x257: {  	v28 =	vld [tilespmem:s30+$0xC460]  }
0x258: {  	v32 =	vadd.f32 v29, v30;
	v31 =	vmul.f32 v31, v31;
	v34 =	vsub.f32 v34, v27;
	v27 =	vld [tilespmem:s30+$0x4470]  }
0x259: {  	v30 =	vld [tilespmem:s30+$0xC470];
	s30 =	sshra.s32 s31, $0x2  }
0x25a: {  	s31 =	sadd.s32 $0x1000, s31;
	v29 =	vld [tilespmem:s30+$0x4400];
	v31 =	vadd.f32 v31, v32;
	v32 =	vmul.f32 v34, v34;
	v33 =	vsub.f32 v33, v35  }
0x25b: {  	v34 =	vld [tilespmem:s30+$0xC400]  }
0x25c: {  	v35 =	vld [tilespmem:s30+$0x4410];
	v31 =	vadd.f32 v32, v31;
	v49 =	vmul.f32 v33, v33;
	v26 =	vsub.f32 v26, v28  }
0x25d: {  	v28 =	vld [tilespmem:s30+$0xC410]  }
0x25e: {  	v50 =	vld [tilespmem:s30+$0x4420];
	v31 =	vadd.f32 v49, v31;
	v26 =	vmul.f32 v26, v26;
	v27 =	vsub.f32 v27, v30  }
0x25f: {  	v30 =	vld [tilespmem:s30+$0xC420]  }
0x260: {  	v51 =	vld [tilespmem:s30+$0x4430];
	v29 =	vsub.f32 v29, v34;
	v26 =	vadd.f32 v26, v31;
	v27 =	vmul.f32 v27, v27  }
0x261: {  	v31 =	vld [tilespmem:s30+$0xC430]  }
0x262: {  	v52 =	vld [tilespmem:s30+$0x4440];
	v28 =	vsub.f32 v35, v28;
	v29 =	vmul.f32 v29, v29;
	v26 =	vadd.f32 v27, v26  }
0x263: {  	v27 =	vld [tilespmem:s30+$0xC440]  }
0x264: {  	v53 =	vld [tilespmem:s30+$0xC450];
	v28 =	vmul.f32 v28, v28;
	v26 =	vadd.f32 v29, v26;
	v29 =	vsub.f32 v50, v30  }
0x265: {  	v30 =	vld [tilespmem:s30+$0x4450]  }
0x266: {  	v54 =	vld [tilespmem:s30+$0xC460];
	v26 =	vadd.f32 v28, v26;
	v28 =	vmul.f32 v29, v29;
	v29 =	vsub.f32 v51, v31  }
0x267: {  	v31 =	vld [tilespmem:s30+$0x4460]  }
0x268: {  	v55 =	vld [tilespmem:s30+$0xC470];
	v27 =	vsub.f32 v52, v27;
	v26 =	vadd.f32 v28, v26;
	v28 =	vmul.f32 v29, v29  }
0x269: {  	v29 =	vld [tilespmem:s30+$0x4470]  }
0x26a: {  	v27 =	vmul.f32 v27, v27;
	v26 =	vadd.f32 v28, v26;
	v28 =	vsub.f32 v30, v53;
	_ =	sdelay $0x1  }
0x26b: {  	v26 =	vadd.f32 v27, v26;
	v27 =	vmul.f32 v28, v28;
	v28 =	vsub.f32 v31, v54;
	_ =	sdelay $0x1  }
0x26c: {  	v26 =	vadd.f32 v27, v26;
	v27 =	vmul.f32 v28, v28;
	v28 =	vsub.f32 v29, v55  }
0x26d: {  	s0 =	simm.s32 $0x0  }
0x26e: {  	v56 =	vld [tilespmem:s0+$0x44A0];
	v26 =	vadd.f32 v27, v26;
	v27 =	vmul.f32 v28, v28  }
0x26f: {  	v28 =	vld [tilespmem:s0+$0x4480]  }
0x270: {  	v26 =	vadd.f32 v27, v26;
	v27 =	vld [tilespmem:s0+$0xC480]  }
0x271: {  	v31 =	vld [tilespmem:s0+$0xC490]  }
0x272: {  	v29 =	vld [tilespmem:s0+$0x4490];
	v30 =	vperm.xlane v26, v0  }
0x273: {  	v58 =	vld [tilespmem:s0+$0xC4B0]  }
0x274: {  	v26 =	vadd.f32 v30, v26;
	v30 =	vld [tilespmem:s0+$0xC4A0]  }
0x275: {  	v60 =	vld [tilespmem:s0+$0xC4C0];
	v27 =	vsub.f32 v28, v27  }
0x276: {  	v28 =	vld [tilespmem:s0+$0x44B0];
	v57 =	vperm.xlane v26, v1  }
0x277: {  	v29 =	vsub.f32 v29, v31;
	v31 =	vld [tilespmem:s0+$0x44C0];
	v27 =	vmul.f32 v27, v27  }
0x278: {  	v59 =	vimm.f32 $0.0e+00;
	v26 =	vadd.f32 v57, v26  }
0x279: {  	v36 =	vld [tilespmem:s0+$0x44D0];
	v29 =	vmul.f32 v29, v29;
	v27 =	vadd.f32 v27, v59;
	v30 =	vsub.f32 v56, v30  }
0x27a: {  	v37 =	vld [tilespmem:s0+$0xC4D0];
	v61 =	vperm.xlane v26, v2  }
0x27b: {  	v62 =	vsub.f32 v28, v58;
	v28 =	vld [tilespmem:s0+$0x44E0];
	v27 =	vadd.f32 v29, v27;
	v29 =	vmul.f32 v30, v30  }
0x27c: {  	v35 =	vsub.f32 v31, v60;
	v30 =	vld [tilespmem:s0+$0xC4E0]  }
0x27d: {  	v32 =	vld [tilespmem:s0+$0xC4F0];
	v26 =	vadd.f32 v61, v26;
	v33 =	vmul.f32 v62, v62;
	v63 =	vadd.f32 v29, v27  }
0x27e: {  	s30 =	simm.s32 $0x400;
	v34 =	vmul.f32 v35, v35;
	v29 =	vld [tilespmem:s0+$0x44F0]  }
0x27f: {  	s31 =	simm.s32 $0x2000;
	v31 =	vld [tilespmem:s30+$0x4480];
	v35 =	vsub.f32 v36, v37;
	v27 =	vperm.xlane v26, v3;
	v33 =	vadd.f32 v33, v63  }
.LBB2_25:
0x280: {  	p0 =	sne.s32 s31, $0xF000;
	v36 =	vld [tilespmem:s30+$0xC480]  }
0x281: {  	v37 =	vld [tilespmem:s30+$0x4490];
	v33 =	vadd.f32 v34, v33;
	v34 =	vmul.f32 v35, v35;
	v28 =	vsub.f32 v28, v30  }
0x282: {  	v30 =	vld [tilespmem:s30+$0xC490]  }
0x283: {  	v35 =	vld [tilespmem:s30+$0x44A0];
	v33 =	vadd.f32 v34, v33;
	v28 =	vmul.f32 v28, v28;
	v29 =	vsub.f32 v29, v32  }
0x284: {  	v32 =	vld [tilespmem:s30+$0xC4A0]  }
0x285: {  	v31 =	vsub.f32 v31, v36;
	v34 =	vld [tilespmem:s30+$0x44B0];
	v28 =	vadd.f32 v28, v33;
	v29 =	vmul.f32 v29, v29  }
0x286: {  	v33 =	vld [tilespmem:s30+$0xC4B0]  }
0x287: {  	v31 =	vmul.f32 v31, v31;
	v30 =	vsub.f32 v37, v30;
	v36 =	vld [tilespmem:s30+$0x44C0];
	v28 =	vadd.f32 v29, v28  }
0x288: {  	v29 =	vld [tilespmem:s30+$0xC4C0]  }
0x289: {  	v28 =	vadd.f32 v31, v28;
	v30 =	vmul.f32 v30, v30;
	v31 =	vsub.f32 v35, v32;
	v35 =	vld [tilespmem:s30+$0x44D0]  }
0x28a: {  	v37 =	vld [tilespmem:s30+$0xC4D0]  }
.Ltmp11:
0x28b: {  	v32 =	vadd.f32 v30, v28;
	v31 =	vmul.f32 v31, v31;
	v33 =	vsub.f32 v34, v33;
	v28 =	vld [tilespmem:s30+$0x44E0];
	(pc) =	sbr.rel @p0 .LBB2_25-.Ltmp11, $4  }
0x28c: {  	v30 =	vld [tilespmem:s30+$0xC4E0]  }
0x28d: {  	v34 =	vadd.f32 v31, v32;
	v33 =	vmul.f32 v33, v33;
	v36 =	vsub.f32 v36, v29;
	v29 =	vld [tilespmem:s30+$0x44F0]  }
0x28e: {  	v32 =	vld [tilespmem:s30+$0xC4F0];
	s30 =	sshra.s32 s31, $0x2  }
0x28f: {  	s31 =	sadd.s32 $0x1000, s31;
	v31 =	vld [tilespmem:s30+$0x4480];
	v33 =	vadd.f32 v33, v34;
	v34 =	vmul.f32 v36, v36;
	v35 =	vsub.f32 v35, v37  }
0x290: {  	v36 =	vld [tilespmem:s30+$0xC480]  }
0x291: {  	v37 =	vld [tilespmem:s30+$0x4490];
	v33 =	vadd.f32 v34, v33;
	v41 =	vmul.f32 v35, v35;
	v28 =	vsub.f32 v28, v30  }
0x292: {  	v30 =	vld [tilespmem:s30+$0xC490]  }
0x293: {  	v42 =	vld [tilespmem:s30+$0x44A0];
	v33 =	vadd.f32 v41, v33;
	v28 =	vmul.f32 v28, v28;
	v29 =	vsub.f32 v29, v32  }
0x294: {  	v43 =	vld [tilespmem:s30+$0xC4A0]  }
0x295: {  	v44 =	vld [tilespmem:s30+$0x44B0];
	v31 =	vsub.f32 v31, v36;
	v28 =	vadd.f32 v28, v33;
	v29 =	vmul.f32 v29, v29  }
0x296: {  	v45 =	vld [tilespmem:s30+$0xC4B0]  }
0x297: {  	v46 =	vld [tilespmem:s30+$0x44C0];
	v30 =	vsub.f32 v37, v30;
	v31 =	vmul.f32 v31, v31;
	v28 =	vadd.f32 v29, v28  }
0x298: {  	v29 =	vld [tilespmem:s30+$0xC4C0]  }
0x299: {  	v47 =	vld [tilespmem:s30+$0x44D0];
	v30 =	vmul.f32 v30, v30;
	v28 =	vadd.f32 v31, v28;
	v31 =	vsub.f32 v42, v43  }
0x29a: {  	v48 =	vld [tilespmem:s30+$0xC4D0]  }
0x29b: {  	v49 =	vld [tilespmem:s30+$0x44E0];
	v28 =	vadd.f32 v30, v28;
	v30 =	vmul.f32 v31, v31;
	v31 =	vsub.f32 v44, v45  }
0x29c: {  	v50 =	vld [tilespmem:s30+$0xC4E0]  }
0x29d: {  	v51 =	vld [tilespmem:s30+$0xC4F0];
	v29 =	vsub.f32 v46, v29;
	v28 =	vadd.f32 v30, v28;
	v30 =	vmul.f32 v31, v31  }
0x29e: {  	v31 =	vld [tilespmem:s30+$0x44F0]  }
0x29f: {  	v29 =	vmul.f32 v29, v29;
	v28 =	vadd.f32 v30, v28;
	v30 =	vsub.f32 v47, v48;
	_ =	sdelay $0x1  }
0x2a0: {  	v28 =	vadd.f32 v29, v28;
	v29 =	vmul.f32 v30, v30;
	v30 =	vsub.f32 v49, v50;
	_ =	sdelay $0x1  }
0x2a1: {  	v28 =	vadd.f32 v29, v28;
	v29 =	vmul.f32 v30, v30;
	v30 =	vsub.f32 v31, v51  }
0x2a2: {  	s0 =	simm.s32 $0x0  }
0x2a3: {  	v53 =	vld [tilespmem:s0+$0xC510];
	v28 =	vadd.f32 v29, v28;
	v29 =	vmul.f32 v30, v30  }
0x2a4: {  	v30 =	vld [tilespmem:s0+$0x4500]  }
0x2a5: {  	v28 =	vadd.f32 v29, v28;
	v29 =	vld [tilespmem:s0+$0xC500]  }
0x2a6: {  	v54 =	vld [tilespmem:s0+$0x4520]  }
0x2a7: {  	v31 =	vld [tilespmem:s0+$0x4510];
	v52 =	vperm.xlane v28, v0  }
0x2a8: {  	v55 =	vld [tilespmem:s0+$0xC520]  }
0x2a9: {  	v57 =	vld [tilespmem:s0+$0xC530];
	v28 =	vadd.f32 v52, v28  }
0x2aa: {  	v58 =	vld [tilespmem:s0+$0x4540];
	v29 =	vsub.f32 v30, v29  }
0x2ab: {  	v30 =	vld [tilespmem:s0+$0x4530];
	v56 =	vperm.xlane v28, v1  }
0x2ac: {  	v60 =	vld [tilespmem:s0+$0xC540];
	v31 =	vsub.f32 v31, v53;
	v29 =	vmul.f32 v29, v29  }
0x2ad: {  	v59 =	vimm.f32 $0.0e+00;
	v28 =	vadd.f32 v56, v28  }
0x2ae: {  	v38 =	vld [tilespmem:s0+$0x4550];
	v32 =	vsub.f32 v54, v55;
	v31 =	vmul.f32 v31, v31;
	v29 =	vadd.f32 v29, v59  }
0x2af: {  	v39 =	vld [tilespmem:s0+$0xC550];
	v61 =	vperm.xlane v28, v2  }
0x2b0: {  	v62 =	vsub.f32 v30, v57;
	v30 =	vld [tilespmem:s0+$0x4560];
	v29 =	vadd.f32 v31, v29;
	v31 =	vmul.f32 v32, v32  }
0x2b1: {  	v37 =	vsub.f32 v58, v60;
	v32 =	vld [tilespmem:s0+$0xC560]  }
0x2b2: {  	v34 =	vld [tilespmem:s0+$0xC570];
	v28 =	vadd.f32 v61, v28;
	v35 =	vmul.f32 v62, v62;
	v63 =	vadd.f32 v31, v29  }
0x2b3: {  	v36 =	vmul.f32 v37, v37;
	s30 =	simm.s32 $0x400;
	v31 =	vld [tilespmem:s0+$0x4570]  }
0x2b4: {  	s31 =	simm.s32 $0x2000;
	v37 =	vsub.f32 v38, v39;
	v33 =	vld [tilespmem:s30+$0x4500];
	v29 =	vperm.xlane v28, v3;
	v35 =	vadd.f32 v35, v63  }
.LBB2_27:
0x2b5: {  	p0 =	sne.s32 s31, $0xF000;
	v38 =	vld [tilespmem:s30+$0xC500]  }
0x2b6: {  	v39 =	vld [tilespmem:s30+$0x4510];
	v35 =	vadd.f32 v36, v35;
	v36 =	vmul.f32 v37, v37;
	v30 =	vsub.f32 v30, v32  }
0x2b7: {  	v32 =	vld [tilespmem:s30+$0xC510]  }
0x2b8: {  	v37 =	vld [tilespmem:s30+$0x4520];
	v35 =	vadd.f32 v36, v35;
	v30 =	vmul.f32 v30, v30;
	v31 =	vsub.f32 v31, v34  }
0x2b9: {  	v34 =	vld [tilespmem:s30+$0xC520]  }
0x2ba: {  	v33 =	vsub.f32 v33, v38;
	v36 =	vld [tilespmem:s30+$0x4530];
	v30 =	vadd.f32 v30, v35;
	v31 =	vmul.f32 v31, v31  }
0x2bb: {  	v35 =	vld [tilespmem:s30+$0xC530]  }
0x2bc: {  	v33 =	vmul.f32 v33, v33;
	v32 =	vsub.f32 v39, v32;
	v38 =	vld [tilespmem:s30+$0x4540];
	v30 =	vadd.f32 v31, v30  }
0x2bd: {  	v31 =	vld [tilespmem:s30+$0xC540]  }
0x2be: {  	v30 =	vadd.f32 v33, v30;
	v32 =	vmul.f32 v32, v32;
	v33 =	vsub.f32 v37, v34;
	v37 =	vld [tilespmem:s30+$0x4550]  }
0x2bf: {  	v39 =	vld [tilespmem:s30+$0xC550]  }
.Ltmp12:
0x2c0: {  	v34 =	vadd.f32 v32, v30;
	v33 =	vmul.f32 v33, v33;
	v35 =	vsub.f32 v36, v35;
	v30 =	vld [tilespmem:s30+$0x4560];
	(pc) =	sbr.rel @p0 .LBB2_27-.Ltmp12, $4  }
0x2c1: {  	v32 =	vld [tilespmem:s30+$0xC560]  }
0x2c2: {  	v36 =	vadd.f32 v33, v34;
	v35 =	vmul.f32 v35, v35;
	v38 =	vsub.f32 v38, v31;
	v31 =	vld [tilespmem:s30+$0x4570]  }
0x2c3: {  	v34 =	vld [tilespmem:s30+$0xC570];
	s30 =	sshra.s32 s31, $0x2  }
0x2c4: {  	s31 =	sadd.s32 $0x1000, s31;
	v33 =	vld [tilespmem:s30+$0x4500];
	v35 =	vadd.f32 v35, v36;
	v36 =	vmul.f32 v38, v38;
	v37 =	vsub.f32 v37, v39  }
0x2c5: {  	v38 =	vld [tilespmem:s30+$0xC500]  }
0x2c6: {  	v39 =	vld [tilespmem:s30+$0x4510];
	v35 =	vadd.f32 v36, v35;
	v52 =	vmul.f32 v37, v37;
	v30 =	vsub.f32 v30, v32  }
0x2c7: {  	v53 =	vld [tilespmem:s30+$0xC510]  }
0x2c8: {  	v54 =	vld [tilespmem:s30+$0x4520];
	v35 =	vadd.f32 v52, v35;
	v30 =	vmul.f32 v30, v30;
	v31 =	vsub.f32 v31, v34  }
0x2c9: {  	v55 =	vld [tilespmem:s30+$0xC520]  }
0x2ca: {  	v56 =	vld [tilespmem:s30+$0x4530];
	v33 =	vsub.f32 v33, v38;
	v30 =	vadd.f32 v30, v35;
	v31 =	vmul.f32 v31, v31  }
0x2cb: {  	v57 =	vld [tilespmem:s30+$0xC530]  }
0x2cc: {  	v58 =	vld [tilespmem:s30+$0x4540];
	v32 =	vsub.f32 v39, v53;
	v33 =	vmul.f32 v33, v33;
	v30 =	vadd.f32 v31, v30  }
0x2cd: {  	v31 =	vld [tilespmem:s30+$0xC540]  }
0x2ce: {  	v60 =	vld [tilespmem:s30+$0x4550];
	v59 =	vsub.f32 v54, v55;
	v32 =	vmul.f32 v32, v32;
	v30 =	vadd.f32 v33, v30  }
0x2cf: {  	v61 =	vld [tilespmem:s30+$0xC550]  }
0x2d0: {  	v40 =	vld [tilespmem:s30+$0x4560];
	v63 =	vsub.f32 v56, v57;
	v62 =	vmul.f32 v59, v59;
	v30 =	vadd.f32 v32, v30  }
0x2d1: {  	v41 =	vld [tilespmem:s30+$0xC560]  }
0x2d2: {  	v43 =	vld [tilespmem:s30+$0x4570];
	v42 =	vmul.f32 v63, v63;
	v31 =	vsub.f32 v58, v31;
	v30 =	vadd.f32 v62, v30  }
0x2d3: {  	v44 =	vld [tilespmem:s30+$0xC570]  }
0x2d4: {  	v45 =	vsub.f32 v60, v61;
	v31 =	vmul.f32 v31, v31;
	v30 =	vadd.f32 v42, v30;
	_ =	sdelay $0x1  }
0x2d5: {  	v46 =	vsub.f32 v40, v41;
	v30 =	vadd.f32 v31, v30;
	v31 =	vmul.f32 v45, v45;
	_ =	sdelay $0x1  }
0x2d6: {  	v47 =	vsub.f32 v43, v44;
	v30 =	vadd.f32 v31, v30;
	v31 =	vmul.f32 v46, v46  }
0x2d7: {  	s0 =	simm.s32 $0x0  }
0x2d8: {  	v48 =	vld [tilespmem:s0+$0x4580];
	v30 =	vadd.f32 v31, v30;
	v31 =	vmul.f32 v47, v47  }
0x2d9: {  	v49 =	vld [tilespmem:s0+$0x4590]  }
0x2da: {  	v30 =	vadd.f32 v31, v30;
	v31 =	vld [tilespmem:s0+$0xC580]  }
0x2db: {  	v51 =	vld [tilespmem:s0+$0xC590]  }
0x2dc: {  	v52 =	vld [tilespmem:s0+$0x45A0]  }
0x2dd: {  	v53 =	vld [tilespmem:s0+$0xC5A0];
	v50 =	vperm.xlane v30, v0  }
0x2de: {  	v54 =	vld [tilespmem:s0+$0x45B0]  }
0x2df: {  	v56 =	vld [tilespmem:s0+$0xC5B0];
	v30 =	vadd.f32 v50, v30;
	v31 =	vsub.f32 v48, v31  }
0x2e0: {  	v57 =	vld [tilespmem:s0+$0x45C0]  }
0x2e1: {  	v59 =	vld [tilespmem:s0+$0xC5C0];
	v33 =	vsub.f32 v49, v51;
	v55 =	vperm.xlane v30, v1;
	v31 =	vmul.f32 v31, v31  }
0x2e2: {  	v34 =	vsub.f32 v52, v53;
	v58 =	vimm.f32 $0.0e+00  }
0x2e3: {  	v40 =	vld [tilespmem:s0+$0x45D0];
	v33 =	vmul.f32 v33, v33;
	v30 =	vadd.f32 v55, v30;
	v31 =	vadd.f32 v31, v58  }
0x2e4: {  	v41 =	vld [tilespmem:s0+$0xC5D0];
	v61 =	vmul.f32 v34, v34  }
0x2e5: {  	v32 =	vld [tilespmem:s0+$0x45E0];
	v62 =	vsub.f32 v54, v56;
	v60 =	vperm.xlane v30, v2;
	v31 =	vadd.f32 v33, v31  }
0x2e6: {  	v34 =	vld [tilespmem:s0+$0xC5E0];
	v39 =	vsub.f32 v57, v59  }
0x2e7: {  	v36 =	vld [tilespmem:s0+$0xC5F0];
	v37 =	vmul.f32 v62, v62;
	v30 =	vadd.f32 v60, v30;
	v63 =	vadd.f32 v61, v31  }
0x2e8: {  	s30 =	simm.s32 $0x400;
	v38 =	vmul.f32 v39, v39;
	v33 =	vld [tilespmem:s0+$0x45F0]  }
0x2e9: {  	s31 =	simm.s32 $0x2000;
	v35 =	vld [tilespmem:s30+$0x4580];
	v39 =	vsub.f32 v40, v41;
	v31 =	vperm.xlane v30, v3;
	v37 =	vadd.f32 v37, v63  }
.LBB2_29:
0x2ea: {  	p0 =	sne.s32 s31, $0xF000;
	v40 =	vld [tilespmem:s30+$0xC580]  }
0x2eb: {  	v41 =	vld [tilespmem:s30+$0x4590];
	v37 =	vadd.f32 v38, v37;
	v38 =	vmul.f32 v39, v39;
	v32 =	vsub.f32 v32, v34  }
0x2ec: {  	v34 =	vld [tilespmem:s30+$0xC590]  }
0x2ed: {  	v39 =	vld [tilespmem:s30+$0x45A0];
	v37 =	vadd.f32 v38, v37;
	v32 =	vmul.f32 v32, v32;
	v33 =	vsub.f32 v33, v36  }
0x2ee: {  	v36 =	vld [tilespmem:s30+$0xC5A0]  }
0x2ef: {  	v35 =	vsub.f32 v35, v40;
	v38 =	vld [tilespmem:s30+$0x45B0];
	v32 =	vadd.f32 v32, v37;
	v33 =	vmul.f32 v33, v33  }
0x2f0: {  	v37 =	vld [tilespmem:s30+$0xC5B0]  }
0x2f1: {  	v35 =	vmul.f32 v35, v35;
	v34 =	vsub.f32 v41, v34;
	v40 =	vld [tilespmem:s30+$0x45C0];
	v32 =	vadd.f32 v33, v32  }
0x2f2: {  	v33 =	vld [tilespmem:s30+$0xC5C0]  }
0x2f3: {  	v32 =	vadd.f32 v35, v32;
	v34 =	vmul.f32 v34, v34;
	v35 =	vsub.f32 v39, v36;
	v39 =	vld [tilespmem:s30+$0x45D0]  }
0x2f4: {  	v41 =	vld [tilespmem:s30+$0xC5D0]  }
.Ltmp13:
0x2f5: {  	v36 =	vadd.f32 v34, v32;
	v35 =	vmul.f32 v35, v35;
	v37 =	vsub.f32 v38, v37;
	v32 =	vld [tilespmem:s30+$0x45E0];
	(pc) =	sbr.rel @p0 .LBB2_29-.Ltmp13, $4  }
0x2f6: {  	v34 =	vld [tilespmem:s30+$0xC5E0]  }
0x2f7: {  	v38 =	vadd.f32 v35, v36;
	v37 =	vmul.f32 v37, v37;
	v40 =	vsub.f32 v40, v33;
	v33 =	vld [tilespmem:s30+$0x45F0]  }
0x2f8: {  	v36 =	vld [tilespmem:s30+$0xC5F0];
	s30 =	sshra.s32 s31, $0x2  }
0x2f9: {  	s31 =	sadd.s32 $0x1000, s31;
	v35 =	vld [tilespmem:s30+$0x4580];
	v37 =	vadd.f32 v37, v38;
	v38 =	vmul.f32 v40, v40;
	v39 =	vsub.f32 v39, v41  }
0x2fa: {  	v40 =	vld [tilespmem:s30+$0xC580]  }
0x2fb: {  	v41 =	vld [tilespmem:s30+$0x4590];
	v37 =	vadd.f32 v38, v37;
	v46 =	vmul.f32 v39, v39;
	v32 =	vsub.f32 v32, v34  }
0x2fc: {  	v47 =	vld [tilespmem:s30+$0xC590]  }
0x2fd: {  	v48 =	vld [tilespmem:s30+$0x45A0];
	v37 =	vadd.f32 v46, v37;
	v32 =	vmul.f32 v32, v32;
	v33 =	vsub.f32 v33, v36  }
0x2fe: {  	v49 =	vld [tilespmem:s30+$0xC5A0]  }
0x2ff: {  	v50 =	vld [tilespmem:s30+$0x45B0];
	v35 =	vsub.f32 v35, v40;
	v32 =	vadd.f32 v32, v37;
	v33 =	vmul.f32 v33, v33  }
0x300: {  	v51 =	vld [tilespmem:s30+$0xC5B0]  }
0x301: {  	v52 =	vld [tilespmem:s30+$0x45C0];
	v34 =	vsub.f32 v41, v47;
	v35 =	vmul.f32 v35, v35;
	v32 =	vadd.f32 v33, v32  }
0x302: {  	v53 =	vld [tilespmem:s30+$0xC5C0]  }
0x303: {  	v55 =	vld [tilespmem:s30+$0x45D0];
	v54 =	vsub.f32 v48, v49;
	v34 =	vmul.f32 v34, v34;
	v32 =	vadd.f32 v35, v32  }
0x304: {  	v56 =	vld [tilespmem:s30+$0xC5D0]  }
0x305: {  	v59 =	vld [tilespmem:s30+$0x45E0];
	v58 =	vsub.f32 v50, v51;
	v57 =	vmul.f32 v54, v54;
	v32 =	vadd.f32 v34, v32  }
0x306: {  	v60 =	vld [tilespmem:s30+$0xC5E0]  }
0x307: {  	v62 =	vld [tilespmem:s30+$0x45F0];
	v61 =	vmul.f32 v58, v58;
	v33 =	vsub.f32 v52, v53;
	v32 =	vadd.f32 v57, v32  }
0x308: {  	v63 =	vld [tilespmem:s30+$0xC5F0]  }
0x309: {  	v41 =	vsub.f32 v55, v56;
	v33 =	vmul.f32 v33, v33;
	v32 =	vadd.f32 v61, v32;
	_ =	sdelay $0x1  }
0x30a: {  	v43 =	vsub.f32 v59, v60;
	v42 =	vmul.f32 v41, v41;
	v32 =	vadd.f32 v33, v32;
	_ =	sdelay $0x1  }
0x30b: {  	s0 =	simm.s32 $0x0;
	v45 =	vsub.f32 v62, v63;
	v44 =	vmul.f32 v43, v43;
	v32 =	vadd.f32 v42, v32  }
0x30c: {  	v47 =	vld [tilespmem:s0+$0x4600]  }
0x30d: {  	v48 =	vld [tilespmem:s0+$0xC600];
	v46 =	vmul.f32 v45, v45;
	v32 =	vadd.f32 v44, v32  }
0x30e: {  	v49 =	vld [tilespmem:s0+$0x4610]  }
0x30f: {  	v51 =	vld [tilespmem:s0+$0xC610];
	v32 =	vadd.f32 v46, v32  }
0x310: {  	v52 =	vld [tilespmem:s0+$0x4620]  }
0x311: {  	v53 =	vld [tilespmem:s0+$0xC620];
	v50 =	vperm.xlane v32, v0  }
0x312: {  	v56 =	vld [tilespmem:s0+$0xC630]  }
0x313: {  	v54 =	vld [tilespmem:s0+$0x4630];
	v33 =	vsub.f32 v47, v48;
	v32 =	vadd.f32 v50, v32  }
0x314: {  	v59 =	vld [tilespmem:s0+$0xC640]  }
0x315: {  	v35 =	vsub.f32 v49, v51;
	v57 =	vld [tilespmem:s0+$0x4640];
	v33 =	vmul.f32 v33, v33;
	v55 =	vperm.xlane v32, v1  }
0x316: {  	v58 =	vimm.f32 $0.0e+00;
	v36 =	vsub.f32 v52, v53  }
0x317: {  	v43 =	vld [tilespmem:s0+$0xC650];
	v35 =	vmul.f32 v35, v35;
	v33 =	vadd.f32 v33, v58;
	v32 =	vadd.f32 v55, v32  }
0x318: {  	v62 =	vsub.f32 v54, v56;
	v42 =	vld [tilespmem:s0+$0x4650]  }
0x319: {  	v34 =	vld [tilespmem:s0+$0x4660];
	v61 =	vmul.f32 v36, v36;
	v33 =	vadd.f32 v35, v33;
	v60 =	vperm.xlane v32, v2  }
0x31a: {  	v36 =	vld [tilespmem:s0+$0xC660];
	v41 =	vsub.f32 v57, v59  }
0x31b: {  	v38 =	vld [tilespmem:s0+$0xC670];
	v39 =	vmul.f32 v62, v62;
	v63 =	vadd.f32 v61, v33;
	v32 =	vadd.f32 v60, v32  }
0x31c: {  	s30 =	simm.s32 $0x400;
	v40 =	vmul.f32 v41, v41;
	v35 =	vld [tilespmem:s0+$0x4670]  }
0x31d: {  	s31 =	simm.s32 $0x2000;
	v37 =	vld [tilespmem:s30+$0x4600];
	v41 =	vsub.f32 v42, v43;
	v39 =	vadd.f32 v39, v63;
	v33 =	vperm.xlane v32, v3  }
.LBB2_31:
0x31e: {  	p0 =	sne.s32 s31, $0xF000;
	v42 =	vld [tilespmem:s30+$0xC600]  }
0x31f: {  	v43 =	vld [tilespmem:s30+$0x4610];
	v39 =	vadd.f32 v40, v39;
	v40 =	vmul.f32 v41, v41;
	v34 =	vsub.f32 v34, v36  }
0x320: {  	v36 =	vld [tilespmem:s30+$0xC610]  }
0x321: {  	v41 =	vld [tilespmem:s30+$0x4620];
	v39 =	vadd.f32 v40, v39;
	v34 =	vmul.f32 v34, v34;
	v35 =	vsub.f32 v35, v38  }
0x322: {  	v38 =	vld [tilespmem:s30+$0xC620]  }
0x323: {  	v37 =	vsub.f32 v37, v42;
	v40 =	vld [tilespmem:s30+$0x4630];
	v34 =	vadd.f32 v34, v39;
	v35 =	vmul.f32 v35, v35  }
0x324: {  	v39 =	vld [tilespmem:s30+$0xC630]  }
0x325: {  	v37 =	vmul.f32 v37, v37;
	v36 =	vsub.f32 v43, v36;
	v42 =	vld [tilespmem:s30+$0x4640];
	v34 =	vadd.f32 v35, v34  }
0x326: {  	v35 =	vld [tilespmem:s30+$0xC640]  }
0x327: {  	v34 =	vadd.f32 v37, v34;
	v36 =	vmul.f32 v36, v36;
	v37 =	vsub.f32 v41, v38;
	v41 =	vld [tilespmem:s30+$0x4650]  }
0x328: {  	v43 =	vld [tilespmem:s30+$0xC650]  }
.Ltmp14:
0x329: {  	v38 =	vadd.f32 v36, v34;
	v37 =	vmul.f32 v37, v37;
	v39 =	vsub.f32 v40, v39;
	v34 =	vld [tilespmem:s30+$0x4660];
	(pc) =	sbr.rel @p0 .LBB2_31-.Ltmp14, $4  }
0x32a: {  	v36 =	vld [tilespmem:s30+$0xC660]  }
0x32b: {  	v40 =	vadd.f32 v37, v38;
	v39 =	vmul.f32 v39, v39;
	v42 =	vsub.f32 v42, v35;
	v35 =	vld [tilespmem:s30+$0x4670]  }
0x32c: {  	v38 =	vld [tilespmem:s30+$0xC670];
	s30 =	sshra.s32 s31, $0x2  }
0x32d: {  	s31 =	sadd.s32 $0x1000, s31;
	v37 =	vld [tilespmem:s30+$0x4600];
	v39 =	vadd.f32 v39, v40;
	v40 =	vmul.f32 v42, v42;
	v41 =	vsub.f32 v41, v43  }
0x32e: {  	v42 =	vld [tilespmem:s30+$0xC600]  }
0x32f: {  	v43 =	vld [tilespmem:s30+$0x4610];
	v39 =	vadd.f32 v40, v39;
	v45 =	vmul.f32 v41, v41;
	v34 =	vsub.f32 v34, v36  }
0x330: {  	v46 =	vld [tilespmem:s30+$0xC610]  }
0x331: {  	v47 =	vld [tilespmem:s30+$0x4620];
	v39 =	vadd.f32 v45, v39;
	v34 =	vmul.f32 v34, v34;
	v35 =	vsub.f32 v35, v38  }
0x332: {  	v48 =	vld [tilespmem:s30+$0xC620]  }
0x333: {  	v49 =	vld [tilespmem:s30+$0x4630];
	v37 =	vsub.f32 v37, v42;
	v34 =	vadd.f32 v34, v39;
	v35 =	vmul.f32 v35, v35  }
0x334: {  	v50 =	vld [tilespmem:s30+$0xC630]  }
0x335: {  	v51 =	vld [tilespmem:s30+$0x4640];
	v36 =	vsub.f32 v43, v46;
	v37 =	vmul.f32 v37, v37;
	v34 =	vadd.f32 v35, v34  }
0x336: {  	v52 =	vld [tilespmem:s30+$0xC640]  }
0x337: {  	v54 =	vld [tilespmem:s30+$0x4650];
	v53 =	vsub.f32 v47, v48;
	v36 =	vmul.f32 v36, v36;
	v34 =	vadd.f32 v37, v34  }
0x338: {  	v55 =	vld [tilespmem:s30+$0xC650]  }
0x339: {  	v58 =	vld [tilespmem:s30+$0x4660];
	v57 =	vsub.f32 v49, v50;
	v56 =	vmul.f32 v53, v53;
	v34 =	vadd.f32 v36, v34  }
0x33a: {  	v59 =	vld [tilespmem:s30+$0xC660]  }
0x33b: {  	v61 =	vld [tilespmem:s30+$0x4670];
	v60 =	vmul.f32 v57, v57;
	v35 =	vsub.f32 v51, v52;
	v34 =	vadd.f32 v56, v34  }
0x33c: {  	v62 =	vld [tilespmem:s30+$0xC670]  }
0x33d: {  	v63 =	vsub.f32 v54, v55;
	v35 =	vmul.f32 v35, v35;
	v34 =	vadd.f32 v60, v34;
	_ =	sdelay $0x1  }
0x33e: {  	v43 =	vsub.f32 v58, v59;
	v41 =	vmul.f32 v63, v63;
	v34 =	vadd.f32 v35, v34;
	_ =	sdelay $0x1  }
0x33f: {  	s0 =	simm.s32 $0x0;
	v45 =	vsub.f32 v61, v62;
	v44 =	vmul.f32 v43, v43;
	v34 =	vadd.f32 v41, v34  }
0x340: {  	v47 =	vld [tilespmem:s0+$0x4680]  }
0x341: {  	v48 =	vld [tilespmem:s0+$0xC680];
	v46 =	vmul.f32 v45, v45;
	v34 =	vadd.f32 v44, v34  }
0x342: {  	v49 =	vld [tilespmem:s0+$0x4690]  }
0x343: {  	v51 =	vld [tilespmem:s0+$0xC690];
	v34 =	vadd.f32 v46, v34  }
0x344: {  	v52 =	vld [tilespmem:s0+$0x46A0]  }
0x345: {  	v53 =	vld [tilespmem:s0+$0xC6A0];
	v50 =	vperm.xlane v34, v0  }
0x346: {  	v54 =	vld [tilespmem:s0+$0x46B0]  }
0x347: {  	v59 =	vld [tilespmem:s0+$0xC6C0];
	v35 =	vsub.f32 v47, v48;
	v34 =	vadd.f32 v50, v34  }
0x348: {  	v56 =	vld [tilespmem:s0+$0xC6B0]  }
0x349: {  	v57 =	vld [tilespmem:s0+$0x46C0];
	v37 =	vsub.f32 v49, v51;
	v35 =	vmul.f32 v35, v35;
	v55 =	vperm.xlane v34, v1  }
0x34a: {  	v58 =	vimm.f32 $0.0e+00;
	v38 =	vsub.f32 v52, v53  }
0x34b: {  	v45 =	vld [tilespmem:s0+$0xC6D0];
	v37 =	vmul.f32 v37, v37;
	v35 =	vadd.f32 v35, v58;
	v34 =	vadd.f32 v55, v34  }
0x34c: {  	v61 =	vmul.f32 v38, v38;
	v44 =	vld [tilespmem:s0+$0x46D0]  }
0x34d: {  	v36 =	vld [tilespmem:s0+$0x46E0];
	v62 =	vsub.f32 v54, v56;
	v35 =	vadd.f32 v37, v35;
	v60 =	vperm.xlane v34, v2  }
0x34e: {  	v43 =	vsub.f32 v57, v59;
	v38 =	vld [tilespmem:s0+$0xC6E0]  }
0x34f: {  	v40 =	vld [tilespmem:s0+$0xC6F0];
	v41 =	vmul.f32 v62, v62;
	v63 =	vadd.f32 v61, v35;
	v34 =	vadd.f32 v60, v34  }
0x350: {  	s30 =	simm.s32 $0x400;
	v42 =	vmul.f32 v43, v43;
	v37 =	vld [tilespmem:s0+$0x46F0]  }
0x351: {  	s31 =	simm.s32 $0x2000;
	v39 =	vld [tilespmem:s30+$0x4680];
	v43 =	vsub.f32 v44, v45;
	v41 =	vadd.f32 v41, v63;
	v35 =	vperm.xlane v34, v3  }
.LBB2_33:
0x352: {  	p0 =	sne.s32 s31, $0xF000;
	v44 =	vld [tilespmem:s30+$0xC680]  }
0x353: {  	v45 =	vld [tilespmem:s30+$0x4690];
	v41 =	vadd.f32 v42, v41;
	v42 =	vmul.f32 v43, v43;
	v36 =	vsub.f32 v36, v38  }
0x354: {  	v38 =	vld [tilespmem:s30+$0xC690]  }
0x355: {  	v43 =	vld [tilespmem:s30+$0x46A0];
	v41 =	vadd.f32 v42, v41;
	v36 =	vmul.f32 v36, v36;
	v37 =	vsub.f32 v37, v40  }
0x356: {  	v40 =	vld [tilespmem:s30+$0xC6A0]  }
0x357: {  	v39 =	vsub.f32 v39, v44;
	v42 =	vld [tilespmem:s30+$0x46B0];
	v36 =	vadd.f32 v36, v41;
	v37 =	vmul.f32 v37, v37  }
0x358: {  	v41 =	vld [tilespmem:s30+$0xC6B0]  }
0x359: {  	v39 =	vmul.f32 v39, v39;
	v38 =	vsub.f32 v45, v38;
	v44 =	vld [tilespmem:s30+$0x46C0];
	v36 =	vadd.f32 v37, v36  }
0x35a: {  	v37 =	vld [tilespmem:s30+$0xC6C0]  }
0x35b: {  	v36 =	vadd.f32 v39, v36;
	v38 =	vmul.f32 v38, v38;
	v39 =	vsub.f32 v43, v40;
	v43 =	vld [tilespmem:s30+$0x46D0]  }
0x35c: {  	v45 =	vld [tilespmem:s30+$0xC6D0]  }
.Ltmp15:
0x35d: {  	v40 =	vadd.f32 v38, v36;
	v39 =	vmul.f32 v39, v39;
	v41 =	vsub.f32 v42, v41;
	v36 =	vld [tilespmem:s30+$0x46E0];
	(pc) =	sbr.rel @p0 .LBB2_33-.Ltmp15, $4  }
0x35e: {  	v38 =	vld [tilespmem:s30+$0xC6E0]  }
0x35f: {  	v42 =	vadd.f32 v39, v40;
	v41 =	vmul.f32 v41, v41;
	v44 =	vsub.f32 v44, v37;
	v37 =	vld [tilespmem:s30+$0x46F0]  }
0x360: {  	v40 =	vld [tilespmem:s30+$0xC6F0];
	s30 =	sshra.s32 s31, $0x2  }
0x361: {  	s31 =	sadd.s32 $0x1000, s31;
	v39 =	vld [tilespmem:s30+$0x4680];
	v41 =	vadd.f32 v41, v42;
	v42 =	vmul.f32 v44, v44;
	v43 =	vsub.f32 v43, v45  }
0x362: {  	v44 =	vld [tilespmem:s30+$0xC680]  }
0x363: {  	v45 =	vld [tilespmem:s30+$0x4690];
	v41 =	vadd.f32 v42, v41;
	v61 =	vmul.f32 v43, v43;
	v36 =	vsub.f32 v36, v38  }
0x364: {  	v62 =	vld [tilespmem:s30+$0xC690]  }
0x365: {  	v63 =	vld [tilespmem:s30+$0x46A0];
	v41 =	vadd.f32 v61, v41;
	v36 =	vmul.f32 v36, v36;
	v37 =	vsub.f32 v37, v40  }
0x366: {  	v48 =	vld [tilespmem:s30+$0xC6A0]  }
0x367: {  	v49 =	vld [tilespmem:s30+$0x46B0];
	v39 =	vsub.f32 v39, v44;
	v36 =	vadd.f32 v36, v41;
	v37 =	vmul.f32 v37, v37  }
0x368: {  	v50 =	vld [tilespmem:s30+$0xC6B0]  }
0x369: {  	v51 =	vld [tilespmem:s30+$0x46C0];
	v38 =	vsub.f32 v45, v62;
	v39 =	vmul.f32 v39, v39;
	v36 =	vadd.f32 v37, v36  }
0x36a: {  	v52 =	vld [tilespmem:s30+$0xC6C0]  }
0x36b: {  	v54 =	vld [tilespmem:s30+$0x46D0];
	v53 =	vsub.f32 v63, v48;
	v38 =	vmul.f32 v38, v38;
	v36 =	vadd.f32 v39, v36  }
0x36c: {  	v55 =	vld [tilespmem:s30+$0xC6D0]  }
0x36d: {  	v58 =	vld [tilespmem:s30+$0x46E0];
	v57 =	vsub.f32 v49, v50;
	v56 =	vmul.f32 v53, v53;
	v36 =	vadd.f32 v38, v36  }
0x36e: {  	v59 =	vld [tilespmem:s30+$0xC6E0]  }
0x36f: {  	v61 =	vld [tilespmem:s30+$0x46F0];
	v60 =	vmul.f32 v57, v57;
	v37 =	vsub.f32 v51, v52;
	v36 =	vadd.f32 v56, v36  }
0x370: {  	s0 =	smin.u32 s29, $0x3C;
	v62 =	vld [tilespmem:s30+$0xC6F0]  }
0x371: {  	s0 =	sadd.s32 s0, s13;
	v63 =	vsub.f32 v54, v55;
	v37 =	vmul.f32 v37, v37;
	v36 =	vadd.f32 v60, v36  }
0x372: {  	s0 =	sshll.u32 s0, $0xB  }
0x373: {  	v43 =	vsub.f32 v58, v59;
	s30 =	sadd.s32 s1, s0;
	v40 =	vmul.f32 v63, v63;
	v36 =	vadd.f32 v37, v36  }
0x374: {  	[tilespmem:s21], [sflag:$0x2] =	stream.linear.gather [hbm4b:s30+s3], $0x4000, $0x38;
	[tilespmem:$0x10500] =	vst v63  }
0x375: {  	s31 =	sshll.u32 s28, $0x4;
	s0 =	sadd.s32 s2, s0;
	v45 =	vmul.f32 v43, v43;
	v46 =	vsub.f32 v61, v62;
	v36 =	vadd.f32 v40, v36  }
0x376: {  	v6 =	vadd.f32 v7, v6;
	[tilespmem:s22], [sflag:$0x2] =	stream.linear.gather [hbm4b:s0+s3], $0x4000, $0x38;
	[tilespmem:$0x10500] =	vst v63  }
0x377: {  	v7 =	vadd.f32 v9, v8;
	v48 =	vld [tilespmem:s31+$0x0];
	v47 =	vmul.f32 v46, v46;
	v36 =	vadd.f32 v45, v36  }
0x378: {  	vm0 =	vmmov $0x1;
	v10 =	vadd.f32 v11, v10;
	vm14 =	vmmov $0x3  }
0x379: {  	v6 =	vsel vm0, v6, v7;
	v7 =	vadd.f32 v13, v12;
	v49 =	vadd.f32 v47, v36  }
0x37a: {  	vm15 =	vmmov $0x7;
	v6 =	vsel vm14, v6, v10  }
0x37b: {  	v6 =	vsel vm15, v6, v7;
	v7 =	vperm.xlane v49, v0  }
0x37c: {  	vm4 =	vmmov $0xf;
	vm5 =	vmmov $0x1f;
	v8 =	vmul.f32 v48, v5  }
0x37d: {  	vm6 =	vmmov $0x3f;
	vm7 =	vmmov $0x7f;
	v7 =	vadd.f32 v7, v49  }
0x37e: {  	vm8 =	vmmov $0xff;
	v50 =	vadd.f32 v15, v14;
	v8 =	vmul.f32 $1.442695020e+00, v8  }
0x37f: {  	vm9 =	vmmov $0x1ff;
	v51 =	vadd.f32 v17, v16;
	v54 =	vperm.xlane v7, v1  }
0x380: {  	v6 =	vsel vm4, v6, v50;
	v52 =	vadd.f32 v19, v18;
	(erf) = vpow2.f32 v8  }
0x381: {  	v53 =	vadd.f32 v21, v20;
	v6 =	vsel vm5, v6, v51;
	v7 =	vadd.f32 v54, v7  }
0x382: {  	vm10 =	vmmov $0x3ff;
	v55 =	vadd.f32 v23, v22;
	v6 =	vsel vm6, v6, v52  }
0x383: {  	v6 =	vsel vm7, v6, v53;
	v56 =	vadd.f32 v25, v24;
	v10 =	vperm.xlane v7, v2  }
0x384: {  	vm11 =	vmmov $0x7ff;
	v57 =	vadd.f32 v27, v26;
	v6 =	vsel vm8, v6, v55  }
0x385: {  	v58 =	vadd.f32 v29, v28;
	v6 =	vsel vm9, v6, v56;
	v7 =	vadd.f32 v10, v7  }
0x386: {  	vm12 =	vmmov $0xfff;
	v59 =	vadd.f32 v31, v30;
	v6 =	vsel vm10, v6, v57  }
0x387: {  	v60 =	vadd.f32 v33, v32;
	v6 =	vsel vm11, v6, v58;
	v10 =	vperm.xlane v7, v3  }
0x388: {  	vm13 =	vmmov $0x1fff;
	s28 =	sadd.s32 $0x1, s28;
	v61 =	vadd.f32 v35, v34;
	v6 =	vsel vm12, v6, v59  }
0x389: {  	p0 =	sne.s32 s28, $0x20;
	vm14 =	vmmov $0x3fff;
	v6 =	vsel vm13, v6, v60;
	v62 =	vpop (erf);
	v7 =	vadd.f32 v10, v7  }
.Ltmp16:
0x38a: {  	vm15 =	vmmov $0x7fff;
	v6 =	vsel vm14, v6, v61;
	v63 =	vmul.f32 v62, v4;
	(pc) =	sbr.rel @p0 .LBB2_2-.Ltmp16, $3  }
0x38b: {  	v6 =	vsel vm15, v6, v7  }
0x38c: {  	v6 =	vmul.f32 v63, v6;
	_ =	sdelay $0x1  }
0x38d: {  	[tilespmem:s31+$0x10300] =	vst v6  }
0x38e: {  	_ =	swait.ge [sflag:s23], $0x4000  }
0x38f: {  	[sflag:s23] =	ssyncset.done $0x0  }
0x390: {  	[sflag:s23] =	ssyncadd.s32 $0xFFFFC000  }
0x391: {  	_ =	swait.ge [sflag:s23], $0x4000  }
0x392: {  	[sflag:s23] =	ssyncset.done $0x0  }
0x393: {  	[sflag:s23] =	ssyncadd.s32 $0xFFFFC000  }
0x394: {  	_ =	swait.ge [sflag:s24], $0x4000  }
0x395: {  	[sflag:s24] =	ssyncset.done $0x0  }
0x396: {  	[sflag:s24] =	ssyncadd.s32 $0xFFFFC000  }
0x397: {  	s26 =	sadd.s32 $0x1, s26;
	_ =	swait.ge [sflag:s24], $0x4000  }
0x398: {  	p0 =	sne.s32 s26, s15;
	[sflag:s24] =	ssyncset.done $0x0  }
.Ltmp17:
0x399: {  	[sflag:s24] =	ssyncadd.s32 $0xFFFFC000;
	(pc) =	sbr.rel @p0 .LBB2_1-.Ltmp17, $4  }
0x39a: {  	[hbm4b:s14+s3] =	stream.linear.scatter [tilespmem:s25], [sflag:$0x3], $0x200, $0x38;
	[tilespmem:$0x10500] =	vst v63  }
0x39b: {  	_ =	swait.ge [sflag:s16], $0x200  }
0x39c: {  	[sflag:s16] =	ssyncset.done $0x0  }
0x39d: {  	[sflag:s16] =	ssyncadd.s32 $0xFFFFFE00  }
0x39e: {  	_ =	sfence.sel $0x180000  }
0x39f: {  	[bflag:$0x0] =	sbarrier.arrive $0xFFFF  }
0x3a0: {  	_ =	strace $0x90000047  }
0x3a1: {  	[bflag:$0x2] =	sbarrier.arrive $0xFFFF  }
0x3a2: {  	p0 =	sne.s32 s4, $0x0;
	s0 =	rddreg [dreg:$0x5]  }
0x3a3: {  	s0 =	sadd.s32 @!p0 $0x100000, s0  }
0x3a4: {  	[sflag:s0] =	ssyncadd.tile.s32 @!p0 $0x1;
	_ =	shalt  }
.Lfunc_end2:
_tile_overlayer_lowered:
.L_overlay_start_2:
0x3a5: {  	(tag) =	ssettag $0x2  }
0x3a6: {  	s0 =	rddreg [dreg:$0x0];
	s2 =	stileid.u32  }
0x3a7: {  	s1 =	rddreg [dreg:$0x1];
	p0 =	sne.s32 s2, $0x0  }
0x3a8: {  	s3 =	rddreg [dreg:$0x2];
	[bflag:$0x3] =	sbarrier.arrive $0xFFFF;
	s2 =	simm.s32 @!p0 $0x1C03  }
0x3a9: {  	[timem:s3], [sflag:s2] =	dma.local @!p0 [hbm:s0], s1  }
0x3aa: {  	s0 =	simm.s32 @!p0 $0x3  }
0x3ab: {  	_ =	swait.ge @!p0 [sflag:s0], s1  }
0x3ac: {  	s1 =	ssub.s32 @!p0 $0x0, s1;
	[sflag:s0] =	ssyncset.done @!p0 $0x0  }
0x3ad: {  	[sflag:s0] =	ssyncadd.s32 @!p0 s1  }
0x3ae: {  	[bflag:$0x3] =	sbarrier.arrive $0xFFFF  }
0x3af: {  	_ =	shalt  }

</sc_bundles>
